<compile_context>
chip_gen: v7x
topology: tpu7x:2x2x1
jax: 0.10.2.dev20260603
libtpu: 0.0.44.dev20260713+nightly
codegen_flags: <defaults>
</compile_context>

<pallas_src>
import functools

import jax
import jax.numpy as jnp
from jax import lax
from jax.experimental import layout as jax_layout
from jax.experimental import pallas as pl
from jax.experimental.pallas import tpu as pltpu
from jax.experimental.pallas import tpu_sc as plsc

_NC = 2
_NS = 16
_NW = _NC * _NS
_L = 16


def _body(b_per_w, idx_hbm, table_hbm, out_hbm, idx_v, t8_v, r_v, rows_v,
          ring_v, sem0, sem1):
    n_groups = b_per_w // _L
    wid = lax.axis_index("s") * _NC + lax.axis_index("c")
    base = wid * b_per_w
    pltpu.sync_copy(idx_hbm.at[pl.ds(base, b_per_w)], idx_v)
    for g in range(n_groups):
        v = idx_v[pl.ds(g * _L, _L)]
        t8_v[pl.ds(g * _L, _L)] = lax.bitwise_and(v, ~7)
        r_v[pl.ds(g * _L, _L)] = lax.bitwise_and(v, 7)

    iota = lax.iota(jnp.int32, _L)

    def fire(g, half, sem):
        v8 = t8_v[pl.ds(g * _L, _L)]
        for k in range(_L):
            pltpu.async_copy(
                table_hbm.at[pl.ds(pl.multiple_of(v8[k], 8), 8)],
                ring_v.at[half, k], sem)

    def drain(sem):
        for k in range(_L):
            pltpu.make_async_copy(
                table_hbm.at[pl.ds(0, 8)],
                ring_v.at[0, k], sem).wait()

    def select(g, half):
        rvec = r_v[pl.ds(g * _L, _L)]
        for k in range(_L):
            r = rvec[k]
            j = g * _L + k
            for q in range(64 // _L):
                rows_v[j, pl.ds(q * _L, _L)] = (
                    ring_v[half, k, r, pl.ds(q * _L, _L)])

    fire(0, 0, sem0)
    fire(1, 1, sem1)

    def loop_body(m, carry):
        g0 = m * 2
        drain(sem0)
        select(g0, 0)

        @pl.when(m < (n_groups // 2 - 1))
        def _():
            fire(g0 + 2, 0, sem0)

        drain(sem1)
        select(g0 + 1, 1)

        @pl.when(m < (n_groups // 2 - 1))
        def _():
            fire(g0 + 3, 1, sem1)

        return carry

    lax.fori_loop(0, n_groups // 2, loop_body, 0)
    pltpu.sync_copy(rows_v, out_hbm.at[pl.ds(base, b_per_w)])


def kernel(idx, table):
    B = idx.shape[0]
    V, D = table.shape
    b_per_w = B // _NW

    table_c = jax_layout.with_layout_constraint(
        table, jax_layout.Layout((1, 0)))
    table_c = lax.optimization_barrier(table_c)

    mesh = plsc.VectorSubcoreMesh(
        core_axis_name="c", subcore_axis_name="s",
        num_cores=_NC, num_subcores=_NS)
    grid_kernel = pl.kernel(
        functools.partial(_body, b_per_w),
        out_type=jax.ShapeDtypeStruct((B, D), jnp.float32),
        mesh=mesh,
        scratch_types=[
            pltpu.VMEM((b_per_w,), jnp.int32),
            pltpu.VMEM((b_per_w,), jnp.int32),
            pltpu.VMEM((b_per_w,), jnp.int32),
            pltpu.VMEM((b_per_w, D), jnp.float32),
            pltpu.VMEM((2, _L, 8, D), jnp.float32),
            pltpu.SemaphoreType.DMA,
            pltpu.SemaphoreType.DMA,
        ],
    )
    return grid_kernel(idx.astype(jnp.int32), table_c)

# --- scband reference (transcript-rebuilt; emitter-appended) ---
"""Pipeline reference for scband-fallback-embedding-30958124269674 (READ-ONLY COPY).

The authoritative reference and input builder live on the scoring server;
editing this copy changes nothing except your own understanding.
"""

import jax, jax.numpy as jnp
import numpy as np

NUM_CLASSES = 1000000
OUTPUT_DIM = 64
BATCH = 16384

def setup_inputs(seed: int = 0) -> dict:
    key = jax.random.key(seed)
    k_idx, k_tab = jax.random.split(key)
    idx = jax.random.randint(k_idx, (BATCH,), 0, NUM_CLASSES, dtype=jnp.int64 if jax.config.jax_enable_x64 else jnp.int32)
    table = jax.random.normal(k_tab, (NUM_CLASSES, OUTPUT_DIM), dtype=jnp.float32)
    return {"idx": idx, "table": table}

def reference(idx, table):
    # FallbackEmbedding.forward: self.embedding(idx)
    return jnp.take(table, idx, axis=0)

if __name__ == "__main__":
    import jax
    _d = setup_inputs()
    print(jax.jit(kernel)(*tuple(_d.values())))

</pallas_src>

<mosaic_0001>
#map = affine_map<(d0, d1) -> (0)>
#map1 = affine_map<(d0, d1) -> (0, 0)>
module attributes {stable_mosaic.version = 14 : i64} {
  func.func @_body(%arg0: i32, %arg1: i32, %arg2: memref<16384xi32, #tpu.memory_space<hbm>>, %arg3: memref<1000000x64xf32, #tpu.memory_space<hbm>>, %arg4: memref<16384x64xf32, #tpu.memory_space<hbm>>, %arg5: memref<512xi32, #tpu.memory_space<vmem>>, %arg6: memref<512xi32, #tpu.memory_space<vmem>>, %arg7: memref<512xi32, #tpu.memory_space<vmem>>, %arg8: memref<512x64xf32, #tpu.memory_space<vmem>>, %arg9: memref<2x16x8x64xf32, #tpu.memory_space<vmem>>, %arg10: memref<!tpu.dma_semaphore, #tpu.memory_space<semaphore_mem>>, %arg11: memref<!tpu.dma_semaphore, #tpu.memory_space<semaphore_mem>>) attributes {dimension_semantics = [#tpu.dimension_semantics<core_parallel>, #tpu.dimension_semantics<subcore_parallel>], iteration_bounds = array<i64: 2, 16>, scalar_prefetch = 0 : i64, scratch_operands = 7 : i64, tpu.core_type = #tpu.core_type<sc_vector_subcore>, window_params = [{transform_indices = #map}, {transform_indices = #map1}, {transform_indices = #map1}]} {
    %mul3A = arith.constant 2 : i32
    %mul3A_0 = arith.muli %arg1, %mul3A : i32
    %add3A = arith.addi %mul3A_0, %arg0 : i32
    %mul3A_1 = arith.constant 512 : i32
    %mul3A_2 = arith.muli %add3A, %mul3A_1 : i32
    "tpu.region"() ({
      %run_scoped3A = tpu.sem_alloc : memref<!tpu.dma_semaphore, #tpu.memory_space<semaphore_mem>>
      %dma_start3A_1095 = tpu.memref_slice %arg2[%mul3A_2] : memref<16384xi32, #tpu.memory_space<hbm>> -> memref<512xi32, #tpu.memory_space<hbm>>
      %dma_start3A_1096 = tpu.memref_slice %arg2[%mul3A_2] : memref<16384xi32, #tpu.memory_space<hbm>> -> memref<512xi32, #tpu.memory_space<hbm>>
      tpu.enqueue_dma source(%dma_start3A_1096 : memref<512xi32, #tpu.memory_space<hbm>>) target(%arg5 : memref<512xi32, #tpu.memory_space<vmem>>) target_semaphore(%run_scoped3A : memref<!tpu.dma_semaphore, #tpu.memory_space<semaphore_mem>>)
      %dma_wait3A = tpu.memref_slice %arg2[%mul3A_2] : memref<16384xi32, #tpu.memory_space<hbm>> -> memref<512xi32, #tpu.memory_space<hbm>>
      %dma_wait3A_1097 = tpu.memref_slice %arg2[%mul3A_2] : memref<16384xi32, #tpu.memory_space<hbm>> -> memref<512xi32, #tpu.memory_space<hbm>>
      tpu.wait_dma2 semaphore(%run_scoped3A : memref<!tpu.dma_semaphore, #tpu.memory_space<semaphore_mem>>) src(%dma_wait3A_1097 : memref<512xi32, #tpu.memory_space<hbm>>) dst(%arg5 : memref<512xi32, #tpu.memory_space<vmem>>)
      tpu.yield
    }) : () -> ()
    %get3A = arith.constant 0 : index
    %get3A_3 = tpu.vector_load %arg5[%get3A] {strides = array<i32>} : memref<512xi32, #tpu.memory_space<vmem>>, vector<16xi32>,
    %get3A_4 = vector.shape_cast %get3A_3 : vector<16xi32> to vector<16xi32>
    %and3A = arith.constant -8 : i32
    %and3A_5 = vector.broadcast %and3A : i32 to vector<16xi32>
    %and3A_6 = arith.andi %get3A_4, %and3A_5 : vector<16xi32>
    %swap3A = arith.constant 0 : index
    %swap3A_7 = tpu.vector_load %arg6[%swap3A] {strides = array<i32>} : memref<512xi32, #tpu.memory_space<vmem>>, vector<16xi32>,
    %swap3A_8 = vector.shape_cast %swap3A_7 : vector<16xi32> to vector<16xi32>
    %swap3A_9 = vector.shape_cast %and3A_6 : vector<16xi32> to vector<16xi32>
    tpu.vector_store %arg6[%swap3A], %swap3A_9 {strides = array<i32>} : memref<512xi32, #tpu.memory_space<vmem>>, vector<16xi32>,
    %and3A_10 = arith.constant 7 : i32
    %and3A_11 = vector.broadcast %and3A_10 : i32 to vector<16xi32>
    %and3A_12 = arith.andi %get3A_4, %and3A_11 : vector<16xi32>
    %swap3A_13 = arith.constant 0 : index
    %swap3A_14 = tpu.vector_load %arg7[%swap3A_13] {strides = array<i32>} : memref<512xi32, #tpu.memory_space<vmem>>, vector<16xi32>,
    %swap3A_15 = vector.shape_cast %swap3A_14 : vector<16xi32> to vector<16xi32>
    %swap3A_16 = vector.shape_cast %and3A_12 : vector<16xi32> to vector<16xi32>
    tpu.vector_store %arg7[%swap3A_13], %swap3A_16 {strides = array<i32>} : memref<512xi32, #tpu.memory_space<vmem>>, vector<16xi32>,
    %get3A_17 = arith.constant 16 : index
    %get3A_18 = tpu.vector_load %arg5[%get3A_17] {strides = array<i32>} : memref<512xi32, #tpu.memory_space<vmem>>, vector<16xi32>,
    %get3A_19 = vector.shape_cast %get3A_18 : vector<16xi32> to vector<16xi32>
    %and3A_20 = arith.constant -8 : i32
    %and3A_21 = vector.broadcast %and3A_20 : i32 to vector<16xi32>
    %and3A_22 = arith.andi %get3A_19, %and3A_21 : vector<16xi32>
    %swap3A_23 = arith.constant 16 : index
    %swap3A_24 = tpu.vector_load %arg6[%swap3A_23] {strides = array<i32>} : memref<512xi32, #tpu.memory_space<vmem>>, vector<16xi32>,
    %swap3A_25 = vector.shape_cast %swap3A_24 : vector<16xi32> to vector<16xi32>
    %swap3A_26 = vector.shape_cast %and3A_22 : vector<16xi32> to vector<16xi32>
    tpu.vector_store %arg6[%swap3A_23], %swap3A_26 {strides = array<i32>} : memref<512xi32, #tpu.memory_space<vmem>>, vector<16xi32>,
    %and3A_27 = arith.constant 7 : i32
    %and3A_28 = vector.broadcast %and3A_27 : i32 to vector<16xi32>
    %and3A_29 = arith.andi %get3A_19, %and3A_28 : vector<16xi32>
    %swap3A_30 = arith.constant 16 : index
    %swap3A_31 = tpu.vector_load %arg7[%swap3A_30] {strides = array<i32>} : memref<512xi32, #tpu.memory_space<vmem>>, vector<16xi32>,
    %swap3A_32 = vector.shape_cast %swap3A_31 : vector<16xi32> to vector<16xi32>
    %swap3A_33 = vector.shape_cast %and3A_29 : vector<16xi32> to vector<16xi32>
    tpu.vector_store %arg7[%swap3A_30], %swap3A_33 {strides = array<i32>} : memref<512xi32, #tpu.memory_space<vmem>>, vector<16xi32>,
    %get3A_34 = arith.constant 32 : index
    %get3A_35 = tpu.vector_load %arg5[%get3A_34] {strides = array<i32>} : memref<512xi32, #tpu.memory_space<vmem>>, vector<16xi32>,
    %get3A_36 = vector.shape_cast %get3A_35 : vector<16xi32> to vector<16xi32>
    %and3A_37 = arith.constant -8 : i32
    %and3A_38 = vector.broadcast %and3A_37 : i32 to vector<16xi32>
    %and3A_39 = arith.andi %get3A_36, %and3A_38 : vector<16xi32>
    %swap3A_40 = arith.constant 32 : index
    %swap3A_41 = tpu.vector_load %arg6[%swap3A_40] {strides = array<i32>} : memref<512xi32, #tpu.memory_space<vmem>>, vector<16xi32>,
    %swap3A_42 = vector.shape_cast %swap3A_41 : vector<16xi32> to vector<16xi32>
    %swap3A_43 = vector.shape_cast %and3A_39 : vector<16xi32> to vector<16xi32>
    tpu.vector_store %arg6[%swap3A_40], %swap3A_43 {strides = array<i32>} : memref<512xi32, #tpu.memory_space<vmem>>, vector<16xi32>,
    %and3A_44 = arith.constant 7 : i32
    %and3A_45 = vector.broadcast %and3A_44 : i32 to vector<16xi32>
    %and3A_46 = arith.andi %get3A_36, %and3A_45 : vector<16xi32>
    %swap3A_47 = arith.constant 32 : index
    %swap3A_48 = tpu.vector_load %arg7[%swap3A_47] {strides = array<i32>} : memref<512xi32, #tpu.memory_space<vmem>>, vector<16xi32>,
    %swap3A_49 = vector.shape_cast %swap3A_48 : vector<16xi32> to vector<16xi32>
    %swap3A_50 = vector.shape_cast %and3A_46 : vector<16xi32> to vector<16xi32>
    tpu.vector_store %arg7[%swap3A_47], %swap3A_50 {strides = array<i32>} : memref<512xi32, #tpu.memory_space<vmem>>, vector<16xi32>,
    %get3A_51 = arith.constant 48 : index
    %get3A_52 = tpu.vector_load %arg5[%get3A_51] {strides = array<i32>} : memref<512xi32, #tpu.memory_space<vmem>>, vector<16xi32>,
    %get3A_53 = vector.shape_cast %get3A_52 : vector<16xi32> to vector<16xi32>
    %and3A_54 = arith.constant -8 : i32
    %and3A_55 = vector.broadcast %and3A_54 : i32 to vector<16xi32>
    %and3A_56 = arith.andi %get3A_53, %and3A_55 : vector<16xi32>
    %swap3A_57 = arith.constant 48 : index
    %swap3A_58 = tpu.vector_load %arg6[%swap3A_57] {strides = array<i32>} : memref<512xi32, #tpu.memory_space<vmem>>, vector<16xi32>,
    %swap3A_59 = vector.shape_cast %swap3A_58 : vector<16xi32> to vector<16xi32>
    %swap3A_60 = vector.shape_cast %and3A_56 : vector<16xi32> to vector<16xi32>
    tpu.vector_store %arg6[%swap3A_57], %swap3A_60 {strides = array<i32>} : memref<512xi32, #tpu.memory_space<vmem>>, vector<16xi32>,
    %and3A_61 = arith.constant 7 : i32
    %and3A_62 = vector.broadcast %and3A_61 : i32 to vector<16xi32>
    %and3A_63 = arith.andi %get3A_53, %and3A_62 : vector<16xi32>
    %swap3A_64 = arith.constant 48 : index
    %swap3A_65 = tpu.vector_load %arg7[%swap3A_64] {strides = array<i32>} : memref<512xi32, #tpu.memory_space<vmem>>, vector<16xi32>,
    %swap3A_66 = vector.shape_cast %swap3A_65 : vector<16xi32> to vector<16xi32>
    %swap3A_67 = vector.shape_cast %and3A_63 : vector<16xi32> to vector<16xi32>
    tpu.vector_store %arg7[%swap3A_64], %swap3A_67 {strides = array<i32>} : memref<512xi32, #tpu.memory_space<vmem>>, vector<16xi32>,
    %get3A_68 = arith.constant 64 : index
    %get3A_69 = tpu.vector_load %arg5[%get3A_68] {strides = array<i32>} : memref<512xi32, #tpu.memory_space<vmem>>, vector<16xi32>,
    %get3A_70 = vector.shape_cast %get3A_69 : vector<16xi32> to vector<16xi32>
    %and3A_71 = arith.constant -8 : i32
    %and3A_72 = vector.broadcast %and3A_71 : i32 to vector<16xi32>
    %and3A_73 = arith.andi %get3A_70, %and3A_72 : vector<16xi32>
    %swap3A_74 = arith.constant 64 : index
    %swap3A_75 = tpu.vector_load %arg6[%swap3A_74] {strides = array<i32>} : memref<512xi32, #tpu.memory_space<vmem>>, vector<16xi32>,
    %swap3A_76 = vector.shape_cast %swap3A_75 : vector<16xi32> to vector<16xi32>
    %swap3A_77 = vector.shape_cast %and3A_73 : vector<16xi32> to vector<16xi32>
    tpu.vector_store %arg6[%swap3A_74], %swap3A_77 {strides = array<i32>} : memref<512xi32, #tpu.memory_space<vmem>>, vector<16xi32>,
    %and3A_78 = arith.constant 7 : i32
    %and3A_79 = vector.broadcast %and3A_78 : i32 to vector<16xi32>
    %and3A_80 = arith.andi %get3A_70, %and3A_79 : vector<16xi32>
    %swap3A_81 = arith.constant 64 : index
    %swap3A_82 = tpu.vector_load %arg7[%swap3A_81] {strides = array<i32>} : memref<512xi32, #tpu.memory_space<vmem>>, vector<16xi32>,
    %swap3A_83 = vector.shape_cast %swap3A_82 : vector<16xi32> to vector<16xi32>
    %swap3A_84 = vector.shape_cast %and3A_80 : vector<16xi32> to vector<16xi32>
    tpu.vector_store %arg7[%swap3A_81], %swap3A_84 {strides = array<i32>} : memref<512xi32, #tpu.memory_space<vmem>>, vector<16xi32>,
    %get3A_85 = arith.constant 80 : index
    %get3A_86 = tpu.vector_load %arg5[%get3A_85] {strides = array<i32>} : memref<512xi32, #tpu.memory_space<vmem>>, vector<16xi32>,
    %get3A_87 = vector.shape_cast %get3A_86 : vector<16xi32> to vector<16xi32>
    %and3A_88 = arith.constant -8 : i32
    %and3A_89 = vector.broadcast %and3A_88 : i32 to vector<16xi32>
    %and3A_90 = arith.andi %get3A_87, %and3A_89 : vector<16xi32>
    %swap3A_91 = arith.constant 80 : index
    %swap3A_92 = tpu.vector_load %arg6[%swap3A_91] {strides = array<i32>} : memref<512xi32, #tpu.memory_space<vmem>>, vector<16xi32>,
    %swap3A_93 = vector.shape_cast %swap3A_92 : vector<16xi32> to vector<16xi32>
    %swap3A_94 = vector.shape_cast %and3A_90 : vector<16xi32> to vector<16xi32>
    tpu.vector_store %arg6[%swap3A_91], %swap3A_94 {strides = array<i32>} : memref<512xi32, #tpu.memory_space<vmem>>, vector<16xi32>,
    %and3A_95 = arith.constant 7 : i32
    %and3A_96 = vector.broadcast %and3A_95 : i32 to vector<16xi32>
    %and3A_97 = arith.andi %get3A_87, %and3A_96 : vector<16xi32>
    %swap3A_98 = arith.constant 80 : index
    %swap3A_99 = tpu.vector_load %arg7[%swap3A_98] {strides = array<i32>} : memref<512xi32, #tpu.memory_space<vmem>>, vector<16xi32>,
    %swap3A_100 = vector.shape_cast %swap3A_99 : vector<16xi32> to vector<16xi32>
    %swap3A_101 = vector.shape_cast %and3A_97 : vector<16xi32> to vector<16xi32>
    tpu.vector_store %arg7[%swap3A_98], %swap3A_101 {strides = array<i32>} : memref<512xi32, #tpu.memory_space<vmem>>, vector<16xi32>,
    %get3A_102 = arith.constant 96 : index
    %get3A_103 = tpu.vector_load %arg5[%get3A_102] {strides = array<i32>} : memref<512xi32, #tpu.memory_space<vmem>>, vector<16xi32>,
    %get3A_104 = vector.shape_cast %get3A_103 : vector<16xi32> to vector<16xi32>
    %and3A_105 = arith.constant -8 : i32
    %and3A_106 = vector.broadcast %and3A_105 : i32 to vector<16xi32>
    %and3A_107 = arith.andi %get3A_104, %and3A_106 : vector<16xi32>
    %swap3A_108 = arith.constant 96 : index
    %swap3A_109 = tpu.vector_load %arg6[%swap3A_108] {strides = array<i32>} : memref<512xi32, #tpu.memory_space<vmem>>, vector<16xi32>,
    %swap3A_110 = vector.shape_cast %swap3A_109 : vector<16xi32> to vector<16xi32>
    %swap3A_111 = vector.shape_cast %and3A_107 : vector<16xi32> to vector<16xi32>
    tpu.vector_store %arg6[%swap3A_108], %swap3A_111 {strides = array<i32>} : memref<512xi32, #tpu.memory_space<vmem>>, vector<16xi32>,
    %and3A_112 = arith.constant 7 : i32
    %and3A_113 = vector.broadcast %and3A_112 : i32 to vector<16xi32>
    %and3A_114 = arith.andi %get3A_104, %and3A_113 : vector<16xi32>
    %swap3A_115 = arith.constant 96 : index
    %swap3A_116 = tpu.vector_load %arg7[%swap3A_115] {strides = array<i32>} : memref<512xi32, #tpu.memory_space<vmem>>, vector<16xi32>,
    %swap3A_117 = vector.shape_cast %swap3A_116 : vector<16xi32> to vector<16xi32>
    %swap3A_118 = vector.shape_cast %and3A_114 : vector<16xi32> to vector<16xi32>
    tpu.vector_store %arg7[%swap3A_115], %swap3A_118 {strides = array<i32>} : memref<512xi32, #tpu.memory_space<vmem>>, vector<16xi32>,
    %get3A_119 = arith.constant 112 : index
    %get3A_120 = tpu.vector_load %arg5[%get3A_119] {strides = array<i32>} : memref<512xi32, #tpu.memory_space<vmem>>, vector<16xi32>,
    %get3A_121 = vector.shape_cast %get3A_120 : vector<16xi32> to vector<16xi32>
    %and3A_122 = arith.constant -8 : i32
    %and3A_123 = vector.broadcast %and3A_122 : i32 to vector<16xi32>
    %and3A_124 = arith.andi %get3A_121, %and3A_123 : vector<16xi32>
    %swap3A_125 = arith.constant 112 : index
    %swap3A_126 = tpu.vector_load %arg6[%swap3A_125] {strides = array<i32>} : memref<512xi32, #tpu.memory_space<vmem>>, vector<16xi32>,
    %swap3A_127 = vector.shape_cast %swap3A_126 : vector<16xi32> to vector<16xi32>
    %swap3A_128 = vector.shape_cast %and3A_124 : vector<16xi32> to vector<16xi32>
    tpu.vector_store %arg6[%swap3A_125], %swap3A_128 {strides = array<i32>} : memref<512xi32, #tpu.memory_space<vmem>>, vector<16xi32>,
    %and3A_129 = arith.constant 7 : i32
    %and3A_130 = vector.broadcast %and3A_129 : i32 to vector<16xi32>
    %and3A_131 = arith.andi %get3A_121, %and3A_130 : vector<16xi32>
    %swap3A_132 = arith.constant 112 : index
    %swap3A_133 = tpu.vector_load %arg7[%swap3A_132] {strides = array<i32>} : memref<512xi32, #tpu.memory_space<vmem>>, vector<16xi32>,
    %swap3A_134 = vector.shape_cast %swap3A_133 : vector<16xi32> to vector<16xi32>
    %swap3A_135 = vector.shape_cast %and3A_131 : vector<16xi32> to vector<16xi32>
    tpu.vector_store %arg7[%swap3A_132], %swap3A_135 {strides = array<i32>} : memref<512xi32, #tpu.memory_space<vmem>>, vector<16xi32>,
    %get3A_136 = arith.constant 128 : index
    %get3A_137 = tpu.vector_load %arg5[%get3A_136] {strides = array<i32>} : memref<512xi32, #tpu.memory_space<vmem>>, vector<16xi32>,
    %get3A_138 = vector.shape_cast %get3A_137 : vector<16xi32> to vector<16xi32>
    %and3A_139 = arith.constant -8 : i32
    %and3A_140 = vector.broadcast %and3A_139 : i32 to vector<16xi32>
    %and3A_141 = arith.andi %get3A_138, %and3A_140 : vector<16xi32>
    %swap3A_142 = arith.constant 128 : index
    %swap3A_143 = tpu.vector_load %arg6[%swap3A_142] {strides = array<i32>} : memref<512xi32, #tpu.memory_space<vmem>>, vector<16xi32>,
    %swap3A_144 = vector.shape_cast %swap3A_143 : vector<16xi32> to vector<16xi32>
    %swap3A_145 = vector.shape_cast %and3A_141 : vector<16xi32> to vector<16xi32>
    tpu.vector_store %arg6[%swap3A_142], %swap3A_145 {strides = array<i32>} : memref<512xi32, #tpu.memory_space<vmem>>, vector<16xi32>,
    %and3A_146 = arith.constant 7 : i32
    %and3A_147 = vector.broadcast %and3A_146 : i32 to vector<16xi32>
    %and3A_148 = arith.andi %get3A_138, %and3A_147 : vector<16xi32>
    %swap3A_149 = arith.constant 128 : index
    %swap3A_150 = tpu.vector_load %arg7[%swap3A_149] {strides = array<i32>} : memref<512xi32, #tpu.memory_space<vmem>>, vector<16xi32>,
    %swap3A_151 = vector.shape_cast %swap3A_150 : vector<16xi32> to vector<16xi32>
    %swap3A_152 = vector.shape_cast %and3A_148 : vector<16xi32> to vector<16xi32>
    tpu.vector_store %arg7[%swap3A_149], %swap3A_152 {strides = array<i32>} : memref<512xi32, #tpu.memory_space<vmem>>, vector<16xi32>,
    %get3A_153 = arith.constant 144 : index
    %get3A_154 = tpu.vector_load %arg5[%get3A_153] {strides = array<i32>} : memref<512xi32, #tpu.memory_space<vmem>>, vector<16xi32>,
    %get3A_155 = vector.shape_cast %get3A_154 : vector<16xi32> to vector<16xi32>
    %and3A_156 = arith.constant -8 : i32
    %and3A_157 = vector.broadcast %and3A_156 : i32 to vector<16xi32>
    %and3A_158 = arith.andi %get3A_155, %and3A_157 : vector<16xi32>
    %swap3A_159 = arith.constant 144 : index
    %swap3A_160 = tpu.vector_load %arg6[%swap3A_159] {strides = array<i32>} : memref<512xi32, #tpu.memory_space<vmem>>, vector<16xi32>,
    %swap3A_161 = vector.shape_cast %swap3A_160 : vector<16xi32> to vector<16xi32>
    %swap3A_162 = vector.shape_cast %and3A_158 : vector<16xi32> to vector<16xi32>
    tpu.vector_store %arg6[%swap3A_159], %swap3A_162 {strides = array<i32>} : memref<512xi32, #tpu.memory_space<vmem>>, vector<16xi32>,
    %and3A_163 = arith.constant 7 : i32
    %and3A_164 = vector.broadcast %and3A_163 : i32 to vector<16xi32>
    %and3A_165 = arith.andi %get3A_155, %and3A_164 : vector<16xi32>
    %swap3A_166 = arith.constant 144 : index
    %swap3A_167 = tpu.vector_load %arg7[%swap3A_166] {strides = array<i32>} : memref<512xi32, #tpu.memory_space<vmem>>, vector<16xi32>,
    %swap3A_168 = vector.shape_cast %swap3A_167 : vector<16xi32> to vector<16xi32>
    %swap3A_169 = vector.shape_cast %and3A_165 : vector<16xi32> to vector<16xi32>
    tpu.vector_store %arg7[%swap3A_166], %swap3A_169 {strides = array<i32>} : memref<512xi32, #tpu.memory_space<vmem>>, vector<16xi32>,
    %get3A_170 = arith.constant 160 : index
    %get3A_171 = tpu.vector_load %arg5[%get3A_170] {strides = array<i32>} : memref<512xi32, #tpu.memory_space<vmem>>, vector<16xi32>,
    %get3A_172 = vector.shape_cast %get3A_171 : vector<16xi32> to vector<16xi32>
    %and3A_173 = arith.constant -8 : i32
    %and3A_174 = vector.broadcast %and3A_173 : i32 to vector<16xi32>
    %and3A_175 = arith.andi %get3A_172, %and3A_174 : vector<16xi32>
    %swap3A_176 = arith.constant 160 : index
    %swap3A_177 = tpu.vector_load %arg6[%swap3A_176] {strides = array<i32>} : memref<512xi32, #tpu.memory_space<vmem>>, vector<16xi32>,
    %swap3A_178 = vector.shape_cast %swap3A_177 : vector<16xi32> to vector<16xi32>
    %swap3A_179 = vector.shape_cast %and3A_175 : vector<16xi32> to vector<16xi32>
    tpu.vector_store %arg6[%swap3A_176], %swap3A_179 {strides = array<i32>} : memref<512xi32, #tpu.memory_space<vmem>>, vector<16xi32>,
    %and3A_180 = arith.constant 7 : i32
    %and3A_181 = vector.broadcast %and3A_180 : i32 to vector<16xi32>
    %and3A_182 = arith.andi %get3A_172, %and3A_181 : vector<16xi32>
    %swap3A_183 = arith.constant 160 : index
    %swap3A_184 = tpu.vector_load %arg7[%swap3A_183] {strides = array<i32>} : memref<512xi32, #tpu.memory_space<vmem>>, vector<16xi32>,
    %swap3A_185 = vector.shape_cast %swap3A_184 : vector<16xi32> to vector<16xi32>
    %swap3A_186 = vector.shape_cast %and3A_182 : vector<16xi32> to vector<16xi32>
    tpu.vector_store %arg7[%swap3A_183], %swap3A_186 {strides = array<i32>} : memref<512xi32, #tpu.memory_space<vmem>>, vector<16xi32>,
    %get3A_187 = arith.constant 176 : index
    %get3A_188 = tpu.vector_load %arg5[%get3A_187] {strides = array<i32>} : memref<512xi32, #tpu.memory_space<vmem>>, vector<16xi32>,
    %get3A_189 = vector.shape_cast %get3A_188 : vector<16xi32> to vector<16xi32>
    %and3A_190 = arith.constant -8 : i32
    %and3A_191 = vector.broadcast %and3A_190 : i32 to vector<16xi32>
    %and3A_192 = arith.andi %get3A_189, %and3A_191 : vector<16xi32>
    %swap3A_193 = arith.constant 176 : index
    %swap3A_194 = tpu.vector_load %arg6[%swap3A_193] {strides = array<i32>} : memref<512xi32, #tpu.memory_space<vmem>>, vector<16xi32>,
    %swap3A_195 = vector.shape_cast %swap3A_194 : vector<16xi32> to vector<16xi32>
    %swap3A_196 = vector.shape_cast %and3A_192 : vector<16xi32> to vector<16xi32>
    tpu.vector_store %arg6[%swap3A_193], %swap3A_196 {strides = array<i32>} : memref<512xi32, #tpu.memory_space<vmem>>, vector<16xi32>,
    %and3A_197 = arith.constant 7 : i32
    %and3A_198 = vector.broadcast %and3A_197 : i32 to vector<16xi32>
    %and3A_199 = arith.andi %get3A_189, %and3A_198 : vector<16xi32>
    %swap3A_200 = arith.constant 176 : index
    %swap3A_201 = tpu.vector_load %arg7[%swap3A_200] {strides = array<i32>} : memref<512xi32, #tpu.memory_space<vmem>>, vector<16xi32>,
    %swap3A_202 = vector.shape_cast %swap3A_201 : vector<16xi32> to vector<16xi32>
    %swap3A_203 = vector.shape_cast %and3A_199 : vector<16xi32> to vector<16xi32>
    tpu.vector_store %arg7[%swap3A_200], %swap3A_203 {strides = array<i32>} : memref<512xi32, #tpu.memory_space<vmem>>, vector<16xi32>,
    %get3A_204 = arith.constant 192 : index
    %get3A_205 = tpu.vector_load %arg5[%get3A_204] {strides = array<i32>} : memref<512xi32, #tpu.memory_space<vmem>>, vector<16xi32>,
    %get3A_206 = vector.shape_cast %get3A_205 : vector<16xi32> to vector<16xi32>
    %and3A_207 = arith.constant -8 : i32
    %and3A_208 = vector.broadcast %and3A_207 : i32 to vector<16xi32>
    %and3A_209 = arith.andi %get3A_206, %and3A_208 : vector<16xi32>
    %swap3A_210 = arith.constant 192 : index
    %swap3A_211 = tpu.vector_load %arg6[%swap3A_210] {strides = array<i32>} : memref<512xi32, #tpu.memory_space<vmem>>, vector<16xi32>,
    %swap3A_212 = vector.shape_cast %swap3A_211 : vector<16xi32> to vector<16xi32>
    %swap3A_213 = vector.shape_cast %and3A_209 : vector<16xi32> to vector<16xi32>
    tpu.vector_store %arg6[%swap3A_210], %swap3A_213 {strides = array<i32>} : memref<512xi32, #tpu.memory_space<vmem>>, vector<16xi32>,
    %and3A_214 = arith.constant 7 : i32
    %and3A_215 = vector.broadcast %and3A_214 : i32 to vector<16xi32>
    %and3A_216 = arith.andi %get3A_206, %and3A_215 : vector<16xi32>
    %swap3A_217 = arith.constant 192 : index
    %swap3A_218 = tpu.vector_load %arg7[%swap3A_217] {strides = array<i32>} : memref<512xi32, #tpu.memory_space<vmem>>, vector<16xi32>,
    %swap3A_219 = vector.shape_cast %swap3A_218 : vector<16xi32> to vector<16xi32>
    %swap3A_220 = vector.shape_cast %and3A_216 : vector<16xi32> to vector<16xi32>
    tpu.vector_store %arg7[%swap3A_217], %swap3A_220 {strides = array<i32>} : memref<512xi32, #tpu.memory_space<vmem>>, vector<16xi32>,
    %get3A_221 = arith.constant 208 : index
    %get3A_222 = tpu.vector_load %arg5[%get3A_221] {strides = array<i32>} : memref<512xi32, #tpu.memory_space<vmem>>, vector<16xi32>,
    %get3A_223 = vector.shape_cast %get3A_222 : vector<16xi32> to vector<16xi32>
    %and3A_224 = arith.constant -8 : i32
    %and3A_225 = vector.broadcast %and3A_224 : i32 to vector<16xi32>
    %and3A_226 = arith.andi %get3A_223, %and3A_225 : vector<16xi32>
    %swap3A_227 = arith.constant 208 : index
    %swap3A_228 = tpu.vector_load %arg6[%swap3A_227] {strides = array<i32>} : memref<512xi32, #tpu.memory_space<vmem>>, vector<16xi32>,
    %swap3A_229 = vector.shape_cast %swap3A_228 : vector<16xi32> to vector<16xi32>
    %swap3A_230 = vector.shape_cast %and3A_226 : vector<16xi32> to vector<16xi32>
    tpu.vector_store %arg6[%swap3A_227], %swap3A_230 {strides = array<i32>} : memref<512xi32, #tpu.memory_space<vmem>>, vector<16xi32>,
    %and3A_231 = arith.constant 7 : i32
    %and3A_232 = vector.broadcast %and3A_231 : i32 to vector<16xi32>
    %and3A_233 = arith.andi %get3A_223, %and3A_232 : vector<16xi32>
    %swap3A_234 = arith.constant 208 : index
    %swap3A_235 = tpu.vector_load %arg7[%swap3A_234] {strides = array<i32>} : memref<512xi32, #tpu.memory_space<vmem>>, vector<16xi32>,
    %swap3A_236 = vector.shape_cast %swap3A_235 : vector<16xi32> to vector<16xi32>
    %swap3A_237 = vector.shape_cast %and3A_233 : vector<16xi32> to vector<16xi32>
    tpu.vector_store %arg7[%swap3A_234], %swap3A_237 {strides = array<i32>} : memref<512xi32, #tpu.memory_space<vmem>>, vector<16xi32>,
    %get3A_238 = arith.constant 224 : index
    %get3A_239 = tpu.vector_load %arg5[%get3A_238] {strides = array<i32>} : memref<512xi32, #tpu.memory_space<vmem>>, vector<16xi32>,
    %get3A_240 = vector.shape_cast %get3A_239 : vector<16xi32> to vector<16xi32>
    %and3A_241 = arith.constant -8 : i32
    %and3A_242 = vector.broadcast %and3A_241 : i32 to vector<16xi32>
    %and3A_243 = arith.andi %get3A_240, %and3A_242 : vector<16xi32>
    %swap3A_244 = arith.constant 224 : index
    %swap3A_245 = tpu.vector_load %arg6[%swap3A_244] {strides = array<i32>} : memref<512xi32, #tpu.memory_space<vmem>>, vector<16xi32>,
    %swap3A_246 = vector.shape_cast %swap3A_245 : vector<16xi32> to vector<16xi32>
    %swap3A_247 = vector.shape_cast %and3A_243 : vector<16xi32> to vector<16xi32>
    tpu.vector_store %arg6[%swap3A_244], %swap3A_247 {strides = array<i32>} : memref<512xi32, #tpu.memory_space<vmem>>, vector<16xi32>,
    %and3A_248 = arith.constant 7 : i32
    %and3A_249 = vector.broadcast %and3A_248 : i32 to vector<16xi32>
    %and3A_250 = arith.andi %get3A_240, %and3A_249 : vector<16xi32>
    %swap3A_251 = arith.constant 224 : index
    %swap3A_252 = tpu.vector_load %arg7[%swap3A_251] {strides = array<i32>} : memref<512xi32, #tpu.memory_space<vmem>>, vector<16xi32>,
    %swap3A_253 = vector.shape_cast %swap3A_252 : vector<16xi32> to vector<16xi32>
    %swap3A_254 = vector.shape_cast %and3A_250 : vector<16xi32> to vector<16xi32>
    tpu.vector_store %arg7[%swap3A_251], %swap3A_254 {strides = array<i32>} : memref<512xi32, #tpu.memory_space<vmem>>, vector<16xi32>,
    %get3A_255 = arith.constant 240 : index
    %get3A_256 = tpu.vector_load %arg5[%get3A_255] {strides = array<i32>} : memref<512xi32, #tpu.memory_space<vmem>>, vector<16xi32>,
    %get3A_257 = vector.shape_cast %get3A_256 : vector<16xi32> to vector<16xi32>
    %and3A_258 = arith.constant -8 : i32
    %and3A_259 = vector.broadcast %and3A_258 : i32 to vector<16xi32>
    %and3A_260 = arith.andi %get3A_257, %and3A_259 : vector<16xi32>
    %swap3A_261 = arith.constant 240 : index
    %swap3A_262 = tpu.vector_load %arg6[%swap3A_261] {strides = array<i32>} : memref<512xi32, #tpu.memory_space<vmem>>, vector<16xi32>,
    %swap3A_263 = vector.shape_cast %swap3A_262 : vector<16xi32> to vector<16xi32>
    %swap3A_264 = vector.shape_cast %and3A_260 : vector<16xi32> to vector<16xi32>
    tpu.vector_store %arg6[%swap3A_261], %swap3A_264 {strides = array<i32>} : memref<512xi32, #tpu.memory_space<vmem>>, vector<16xi32>,
    %and3A_265 = arith.constant 7 : i32
    %and3A_266 = vector.broadcast %and3A_265 : i32 to vector<16xi32>
    %and3A_267 = arith.andi %get3A_257, %and3A_266 : vector<16xi32>
    %swap3A_268 = arith.constant 240 : index
    %swap3A_269 = tpu.vector_load %arg7[%swap3A_268] {strides = array<i32>} : memref<512xi32, #tpu.memory_space<vmem>>, vector<16xi32>,
    %swap3A_270 = vector.shape_cast %swap3A_269 : vector<16xi32> to vector<16xi32>
    %swap3A_271 = vector.shape_cast %and3A_267 : vector<16xi32> to vector<16xi32>
    tpu.vector_store %arg7[%swap3A_268], %swap3A_271 {strides = array<i32>} : memref<512xi32, #tpu.memory_space<vmem>>, vector<16xi32>,
    %get3A_272 = arith.constant 256 : index
    %get3A_273 = tpu.vector_load %arg5[%get3A_272] {strides = array<i32>} : memref<512xi32, #tpu.memory_space<vmem>>, vector<16xi32>,
    %get3A_274 = vector.shape_cast %get3A_273 : vector<16xi32> to vector<16xi32>
    %and3A_275 = arith.constant -8 : i32
    %and3A_276 = vector.broadcast %and3A_275 : i32 to vector<16xi32>
    %and3A_277 = arith.andi %get3A_274, %and3A_276 : vector<16xi32>
    %swap3A_278 = arith.constant 256 : index
    %swap3A_279 = tpu.vector_load %arg6[%swap3A_278] {strides = array<i32>} : memref<512xi32, #tpu.memory_space<vmem>>, vector<16xi32>,
    %swap3A_280 = vector.shape_cast %swap3A_279 : vector<16xi32> to vector<16xi32>
    %swap3A_281 = vector.shape_cast %and3A_277 : vector<16xi32> to vector<16xi32>
    tpu.vector_store %arg6[%swap3A_278], %swap3A_281 {strides = array<i32>} : memref<512xi32, #tpu.memory_space<vmem>>, vector<16xi32>,
    %and3A_282 = arith.constant 7 : i32
    %and3A_283 = vector.broadcast %and3A_282 : i32 to vector<16xi32>
    %and3A_284 = arith.andi %get3A_274, %and3A_283 : vector<16xi32>
    %swap3A_285 = arith.constant 256 : index
    %swap3A_286 = tpu.vector_load %arg7[%swap3A_285] {strides = array<i32>} : memref<512xi32, #tpu.memory_space<vmem>>, vector<16xi32>,
    %swap3A_287 = vector.shape_cast %swap3A_286 : vector<16xi32> to vector<16xi32>
    %swap3A_288 = vector.shape_cast %and3A_284 : vector<16xi32> to vector<16xi32>
    tpu.vector_store %arg7[%swap3A_285], %swap3A_288 {strides = array<i32>} : memref<512xi32, #tpu.memory_space<vmem>>, vector<16xi32>,
    %get3A_289 = arith.constant 272 : index
    %get3A_290 = tpu.vector_load %arg5[%get3A_289] {strides = array<i32>} : memref<512xi32, #tpu.memory_space<vmem>>, vector<16xi32>,
    %get3A_291 = vector.shape_cast %get3A_290 : vector<16xi32> to vector<16xi32>
    %and3A_292 = arith.constant -8 : i32
    %and3A_293 = vector.broadcast %and3A_292 : i32 to vector<16xi32>
    %and3A_294 = arith.andi %get3A_291, %and3A_293 : vector<16xi32>
    %swap3A_295 = arith.constant 272 : index
    %swap3A_296 = tpu.vector_load %arg6[%swap3A_295] {strides = array<i32>} : memref<512xi32, #tpu.memory_space<vmem>>, vector<16xi32>,
    %swap3A_297 = vector.shape_cast %swap3A_296 : vector<16xi32> to vector<16xi32>
    %swap3A_298 = vector.shape_cast %and3A_294 : vector<16xi32> to vector<16xi32>
    tpu.vector_store %arg6[%swap3A_295], %swap3A_298 {strides = array<i32>} : memref<512xi32, #tpu.memory_space<vmem>>, vector<16xi32>,
    %and3A_299 = arith.constant 7 : i32
    %and3A_300 = vector.broadcast %and3A_299 : i32 to vector<16xi32>
    %and3A_301 = arith.andi %get3A_291, %and3A_300 : vector<16xi32>
    %swap3A_302 = arith.constant 272 : index
    %swap3A_303 = tpu.vector_load %arg7[%swap3A_302] {strides = array<i32>} : memref<512xi32, #tpu.memory_space<vmem>>, vector<16xi32>,
    %swap3A_304 = vector.shape_cast %swap3A_303 : vector<16xi32> to vector<16xi32>
    %swap3A_305 = vector.shape_cast %and3A_301 : vector<16xi32> to vector<16xi32>
    tpu.vector_store %arg7[%swap3A_302], %swap3A_305 {strides = array<i32>} : memref<512xi32, #tpu.memory_space<vmem>>, vector<16xi32>,
    %get3A_306 = arith.constant 288 : index
    %get3A_307 = tpu.vector_load %arg5[%get3A_306] {strides = array<i32>} : memref<512xi32, #tpu.memory_space<vmem>>, vector<16xi32>,
    %get3A_308 = vector.shape_cast %get3A_307 : vector<16xi32> to vector<16xi32>
    %and3A_309 = arith.constant -8 : i32
    %and3A_310 = vector.broadcast %and3A_309 : i32 to vector<16xi32>
    %and3A_311 = arith.andi %get3A_308, %and3A_310 : vector<16xi32>
    %swap3A_312 = arith.constant 288 : index
    %swap3A_313 = tpu.vector_load %arg6[%swap3A_312] {strides = array<i32>} : memref<512xi32, #tpu.memory_space<vmem>>, vector<16xi32>,
    %swap3A_314 = vector.shape_cast %swap3A_313 : vector<16xi32> to vector<16xi32>
    %swap3A_315 = vector.shape_cast %and3A_311 : vector<16xi32> to vector<16xi32>
    tpu.vector_store %arg6[%swap3A_312], %swap3A_315 {strides = array<i32>} : memref<512xi32, #tpu.memory_space<vmem>>, vector<16xi32>,
    %and3A_316 = arith.constant 7 : i32
    %and3A_317 = vector.broadcast %and3A_316 : i32 to vector<16xi32>
    %and3A_318 = arith.andi %get3A_308, %and3A_317 : vector<16xi32>
    %swap3A_319 = arith.constant 288 : index
    %swap3A_320 = tpu.vector_load %arg7[%swap3A_319] {strides = array<i32>} : memref<512xi32, #tpu.memory_space<vmem>>, vector<16xi32>,
    %swap3A_321 = vector.shape_cast %swap3A_320 : vector<16xi32> to vector<16xi32>
    %swap3A_322 = vector.shape_cast %and3A_318 : vector<16xi32> to vector<16xi32>
    tpu.vector_store %arg7[%swap3A_319], %swap3A_322 {strides = array<i32>} : memref<512xi32, #tpu.memory_space<vmem>>, vector<16xi32>,
    %get3A_323 = arith.constant 304 : index
    %get3A_324 = tpu.vector_load %arg5[%get3A_323] {strides = array<i32>} : memref<512xi32, #tpu.memory_space<vmem>>, vector<16xi32>,
    %get3A_325 = vector.shape_cast %get3A_324 : vector<16xi32> to vector<16xi32>
    %and3A_326 = arith.constant -8 : i32
    %and3A_327 = vector.broadcast %and3A_326 : i32 to vector<16xi32>
    %and3A_328 = arith.andi %get3A_325, %and3A_327 : vector<16xi32>
    %swap3A_329 = arith.constant 304 : index
    %swap3A_330 = tpu.vector_load %arg6[%swap3A_329] {strides = array<i32>} : memref<512xi32, #tpu.memory_space<vmem>>, vector<16xi32>,
    %swap3A_331 = vector.shape_cast %swap3A_330 : vector<16xi32> to vector<16xi32>
    %swap3A_332 = vector.shape_cast %and3A_328 : vector<16xi32> to vector<16xi32>
    tpu.vector_store %arg6[%swap3A_329], %swap3A_332 {strides = array<i32>} : memref<512xi32, #tpu.memory_space<vmem>>, vector<16xi32>,
    %and3A_333 = arith.constant 7 : i32
    %and3A_334 = vector.broadcast %and3A_333 : i32 to vector<16xi32>
    %and3A_335 = arith.andi %get3A_325, %and3A_334 : vector<16xi32>
    %swap3A_336 = arith.constant 304 : index
    %swap3A_337 = tpu.vector_load %arg7[%swap3A_336] {strides = array<i32>} : memref<512xi32, #tpu.memory_space<vmem>>, vector<16xi32>,
    %swap3A_338 = vector.shape_cast %swap3A_337 : vector<16xi32> to vector<16xi32>
    %swap3A_339 = vector.shape_cast %and3A_335 : vector<16xi32> to vector<16xi32>
    tpu.vector_store %arg7[%swap3A_336], %swap3A_339 {strides = array<i32>} : memref<512xi32, #tpu.memory_space<vmem>>, vector<16xi32>,
    %get3A_340 = arith.constant 320 : index
    %get3A_341 = tpu.vector_load %arg5[%get3A_340] {strides = array<i32>} : memref<512xi32, #tpu.memory_space<vmem>>, vector<16xi32>,
    %get3A_342 = vector.shape_cast %get3A_341 : vector<16xi32> to vector<16xi32>
    %and3A_343 = arith.constant -8 : i32
    %and3A_344 = vector.broadcast %and3A_343 : i32 to vector<16xi32>
    %and3A_345 = arith.andi %get3A_342, %and3A_344 : vector<16xi32>
    %swap3A_346 = arith.constant 320 : index
    %swap3A_347 = tpu.vector_load %arg6[%swap3A_346] {strides = array<i32>} : memref<512xi32, #tpu.memory_space<vmem>>, vector<16xi32>,
    %swap3A_348 = vector.shape_cast %swap3A_347 : vector<16xi32> to vector<16xi32>
    %swap3A_349 = vector.shape_cast %and3A_345 : vector<16xi32> to vector<16xi32>
    tpu.vector_store %arg6[%swap3A_346], %swap3A_349 {strides = array<i32>} : memref<512xi32, #tpu.memory_space<vmem>>, vector<16xi32>,
    %and3A_350 = arith.constant 7 : i32
    %and3A_351 = vector.broadcast %and3A_350 : i32 to vector<16xi32>
    %and3A_352 = arith.andi %get3A_342, %and3A_351 : vector<16xi32>
    %swap3A_353 = arith.constant 320 : index
    %swap3A_354 = tpu.vector_load %arg7[%swap3A_353] {strides = array<i32>} : memref<512xi32, #tpu.memory_space<vmem>>, vector<16xi32>,
    %swap3A_355 = vector.shape_cast %swap3A_354 : vector<16xi32> to vector<16xi32>
    %swap3A_356 = vector.shape_cast %and3A_352 : vector<16xi32> to vector<16xi32>
    tpu.vector_store %arg7[%swap3A_353], %swap3A_356 {strides = array<i32>} : memref<512xi32, #tpu.memory_space<vmem>>, vector<16xi32>,
    %get3A_357 = arith.constant 336 : index
    %get3A_358 = tpu.vector_load %arg5[%get3A_357] {strides = array<i32>} : memref<512xi32, #tpu.memory_space<vmem>>, vector<16xi32>,
    %get3A_359 = vector.shape_cast %get3A_358 : vector<16xi32> to vector<16xi32>
    %and3A_360 = arith.constant -8 : i32
    %and3A_361 = vector.broadcast %and3A_360 : i32 to vector<16xi32>
    %and3A_362 = arith.andi %get3A_359, %and3A_361 : vector<16xi32>
    %swap3A_363 = arith.constant 336 : index
    %swap3A_364 = tpu.vector_load %arg6[%swap3A_363] {strides = array<i32>} : memref<512xi32, #tpu.memory_space<vmem>>, vector<16xi32>,
    %swap3A_365 = vector.shape_cast %swap3A_364 : vector<16xi32> to vector<16xi32>
    %swap3A_366 = vector.shape_cast %and3A_362 : vector<16xi32> to vector<16xi32>
    tpu.vector_store %arg6[%swap3A_363], %swap3A_366 {strides = array<i32>} : memref<512xi32, #tpu.memory_space<vmem>>, vector<16xi32>,
    %and3A_367 = arith.constant 7 : i32
    %and3A_368 = vector.broadcast %and3A_367 : i32 to vector<16xi32>
    %and3A_369 = arith.andi %get3A_359, %and3A_368 : vector<16xi32>
    %swap3A_370 = arith.constant 336 : index
    %swap3A_371 = tpu.vector_load %arg7[%swap3A_370] {strides = array<i32>} : memref<512xi32, #tpu.memory_space<vmem>>, vector<16xi32>,
    %swap3A_372 = vector.shape_cast %swap3A_371 : vector<16xi32> to vector<16xi32>
    %swap3A_373 = vector.shape_cast %and3A_369 : vector<16xi32> to vector<16xi32>
    tpu.vector_store %arg7[%swap3A_370], %swap3A_373 {strides = array<i32>} : memref<512xi32, #tpu.memory_space<vmem>>, vector<16xi32>,
    %get3A_374 = arith.constant 352 : index
    %get3A_375 = tpu.vector_load %arg5[%get3A_374] {strides = array<i32>} : memref<512xi32, #tpu.memory_space<vmem>>, vector<16xi32>,
    %get3A_376 = vector.shape_cast %get3A_375 : vector<16xi32> to vector<16xi32>
    %and3A_377 = arith.constant -8 : i32
    %and3A_378 = vector.broadcast %and3A_377 : i32 to vector<16xi32>
    %and3A_379 = arith.andi %get3A_376, %and3A_378 : vector<16xi32>
    %swap3A_380 = arith.constant 352 : index
    %swap3A_381 = tpu.vector_load %arg6[%swap3A_380] {strides = array<i32>} : memref<512xi32, #tpu.memory_space<vmem>>, vector<16xi32>,
    %swap3A_382 = vector.shape_cast %swap3A_381 : vector<16xi32> to vector<16xi32>
    %swap3A_383 = vector.shape_cast %and3A_379 : vector<16xi32> to vector<16xi32>
    tpu.vector_store %arg6[%swap3A_380], %swap3A_383 {strides = array<i32>} : memref<512xi32, #tpu.memory_space<vmem>>, vector<16xi32>,
    %and3A_384 = arith.constant 7 : i32
    %and3A_385 = vector.broadcast %and3A_384 : i32 to vector<16xi32>
    %and3A_386 = arith.andi %get3A_376, %and3A_385 : vector<16xi32>
    %swap3A_387 = arith.constant 352 : index
    %swap3A_388 = tpu.vector_load %arg7[%swap3A_387] {strides = array<i32>} : memref<512xi32, #tpu.memory_space<vmem>>, vector<16xi32>,
    %swap3A_389 = vector.shape_cast %swap3A_388 : vector<16xi32> to vector<16xi32>
    %swap3A_390 = vector.shape_cast %and3A_386 : vector<16xi32> to vector<16xi32>
    tpu.vector_store %arg7[%swap3A_387], %swap3A_390 {strides = array<i32>} : memref<512xi32, #tpu.memory_space<vmem>>, vector<16xi32>,
    %get3A_391 = arith.constant 368 : index
    %get3A_392 = tpu.vector_load %arg5[%get3A_391] {strides = array<i32>} : memref<512xi32, #tpu.memory_space<vmem>>, vector<16xi32>,
    %get3A_393 = vector.shape_cast %get3A_392 : vector<16xi32> to vector<16xi32>
    %and3A_394 = arith.constant -8 : i32
    %and3A_395 = vector.broadcast %and3A_394 : i32 to vector<16xi32>
    %and3A_396 = arith.andi %get3A_393, %and3A_395 : vector<16xi32>
    %swap3A_397 = arith.constant 368 : index
    %swap3A_398 = tpu.vector_load %arg6[%swap3A_397] {strides = array<i32>} : memref<512xi32, #tpu.memory_space<vmem>>, vector<16xi32>,
    %swap3A_399 = vector.shape_cast %swap3A_398 : vector<16xi32> to vector<16xi32>
    %swap3A_400 = vector.shape_cast %and3A_396 : vector<16xi32> to vector<16xi32>
    tpu.vector_store %arg6[%swap3A_397], %swap3A_400 {strides = array<i32>} : memref<512xi32, #tpu.memory_space<vmem>>, vector<16xi32>,
    %and3A_401 = arith.constant 7 : i32
    %and3A_402 = vector.broadcast %and3A_401 : i32 to vector<16xi32>
    %and3A_403 = arith.andi %get3A_393, %and3A_402 : vector<16xi32>
    %swap3A_404 = arith.constant 368 : index
    %swap3A_405 = tpu.vector_load %arg7[%swap3A_404] {strides = array<i32>} : memref<512xi32, #tpu.memory_space<vmem>>, vector<16xi32>,
    %swap3A_406 = vector.shape_cast %swap3A_405 : vector<16xi32> to vector<16xi32>
    %swap3A_407 = vector.shape_cast %and3A_403 : vector<16xi32> to vector<16xi32>
    tpu.vector_store %arg7[%swap3A_404], %swap3A_407 {strides = array<i32>} : memref<512xi32, #tpu.memory_space<vmem>>, vector<16xi32>,
    %get3A_408 = arith.constant 384 : index
    %get3A_409 = tpu.vector_load %arg5[%get3A_408] {strides = array<i32>} : memref<512xi32, #tpu.memory_space<vmem>>, vector<16xi32>,
    %get3A_410 = vector.shape_cast %get3A_409 : vector<16xi32> to vector<16xi32>
    %and3A_411 = arith.constant -8 : i32
    %and3A_412 = vector.broadcast %and3A_411 : i32 to vector<16xi32>
    %and3A_413 = arith.andi %get3A_410, %and3A_412 : vector<16xi32>
    %swap3A_414 = arith.constant 384 : index
    %swap3A_415 = tpu.vector_load %arg6[%swap3A_414] {strides = array<i32>} : memref<512xi32, #tpu.memory_space<vmem>>, vector<16xi32>,
    %swap3A_416 = vector.shape_cast %swap3A_415 : vector<16xi32> to vector<16xi32>
    %swap3A_417 = vector.shape_cast %and3A_413 : vector<16xi32> to vector<16xi32>
    tpu.vector_store %arg6[%swap3A_414], %swap3A_417 {strides = array<i32>} : memref<512xi32, #tpu.memory_space<vmem>>, vector<16xi32>,
    %and3A_418 = arith.constant 7 : i32
    %and3A_419 = vector.broadcast %and3A_418 : i32 to vector<16xi32>
    %and3A_420 = arith.andi %get3A_410, %and3A_419 : vector<16xi32>
    %swap3A_421 = arith.constant 384 : index
    %swap3A_422 = tpu.vector_load %arg7[%swap3A_421] {strides = array<i32>} : memref<512xi32, #tpu.memory_space<vmem>>, vector<16xi32>,
    %swap3A_423 = vector.shape_cast %swap3A_422 : vector<16xi32> to vector<16xi32>
    %swap3A_424 = vector.shape_cast %and3A_420 : vector<16xi32> to vector<16xi32>
    tpu.vector_store %arg7[%swap3A_421], %swap3A_424 {strides = array<i32>} : memref<512xi32, #tpu.memory_space<vmem>>, vector<16xi32>,
    %get3A_425 = arith.constant 400 : index
    %get3A_426 = tpu.vector_load %arg5[%get3A_425] {strides = array<i32>} : memref<512xi32, #tpu.memory_space<vmem>>, vector<16xi32>,
    %get3A_427 = vector.shape_cast %get3A_426 : vector<16xi32> to vector<16xi32>
    %and3A_428 = arith.constant -8 : i32
    %and3A_429 = vector.broadcast %and3A_428 : i32 to vector<16xi32>
    %and3A_430 = arith.andi %get3A_427, %and3A_429 : vector<16xi32>
    %swap3A_431 = arith.constant 400 : index
    %swap3A_432 = tpu.vector_load %arg6[%swap3A_431] {strides = array<i32>} : memref<512xi32, #tpu.memory_space<vmem>>, vector<16xi32>,
    %swap3A_433 = vector.shape_cast %swap3A_432 : vector<16xi32> to vector<16xi32>
    %swap3A_434 = vector.shape_cast %and3A_430 : vector<16xi32> to vector<16xi32>
    tpu.vector_store %arg6[%swap3A_431], %swap3A_434 {strides = array<i32>} : memref<512xi32, #tpu.memory_space<vmem>>, vector<16xi32>,
    %and3A_435 = arith.constant 7 : i32
    %and3A_436 = vector.broadcast %and3A_435 : i32 to vector<16xi32>
    %and3A_437 = arith.andi %get3A_427, %and3A_436 : vector<16xi32>
    %swap3A_438 = arith.constant 400 : index
    %swap3A_439 = tpu.vector_load %arg7[%swap3A_438] {strides = array<i32>} : memref<512xi32, #tpu.memory_space<vmem>>, vector<16xi32>,
    %swap3A_440 = vector.shape_cast %swap3A_439 : vector<16xi32> to vector<16xi32>
    %swap3A_441 = vector.shape_cast %and3A_437 : vector<16xi32> to vector<16xi32>
    tpu.vector_store %arg7[%swap3A_438], %swap3A_441 {strides = array<i32>} : memref<512xi32, #tpu.memory_space<vmem>>, vector<16xi32>,
    %get3A_442 = arith.constant 416 : index
    %get3A_443 = tpu.vector_load %arg5[%get3A_442] {strides = array<i32>} : memref<512xi32, #tpu.memory_space<vmem>>, vector<16xi32>,
    %get3A_444 = vector.shape_cast %get3A_443 : vector<16xi32> to vector<16xi32>
    %and3A_445 = arith.constant -8 : i32
    %and3A_446 = vector.broadcast %and3A_445 : i32 to vector<16xi32>
    %and3A_447 = arith.andi %get3A_444, %and3A_446 : vector<16xi32>
    %swap3A_448 = arith.constant 416 : index
    %swap3A_449 = tpu.vector_load %arg6[%swap3A_448] {strides = array<i32>} : memref<512xi32, #tpu.memory_space<vmem>>, vector<16xi32>,
    %swap3A_450 = vector.shape_cast %swap3A_449 : vector<16xi32> to vector<16xi32>
    %swap3A_451 = vector.shape_cast %and3A_447 : vector<16xi32> to vector<16xi32>
    tpu.vector_store %arg6[%swap3A_448], %swap3A_451 {strides = array<i32>} : memref<512xi32, #tpu.memory_space<vmem>>, vector<16xi32>,
    %and3A_452 = arith.constant 7 : i32
    %and3A_453 = vector.broadcast %and3A_452 : i32 to vector<16xi32>
    %and3A_454 = arith.andi %get3A_444, %and3A_453 : vector<16xi32>
    %swap3A_455 = arith.constant 416 : index
    %swap3A_456 = tpu.vector_load %arg7[%swap3A_455] {strides = array<i32>} : memref<512xi32, #tpu.memory_space<vmem>>, vector<16xi32>,
    %swap3A_457 = vector.shape_cast %swap3A_456 : vector<16xi32> to vector<16xi32>
    %swap3A_458 = vector.shape_cast %and3A_454 : vector<16xi32> to vector<16xi32>
    tpu.vector_store %arg7[%swap3A_455], %swap3A_458 {strides = array<i32>} : memref<512xi32, #tpu.memory_space<vmem>>, vector<16xi32>,
    %get3A_459 = arith.constant 432 : index
    %get3A_460 = tpu.vector_load %arg5[%get3A_459] {strides = array<i32>} : memref<512xi32, #tpu.memory_space<vmem>>, vector<16xi32>,
    %get3A_461 = vector.shape_cast %get3A_460 : vector<16xi32> to vector<16xi32>
    %and3A_462 = arith.constant -8 : i32
    %and3A_463 = vector.broadcast %and3A_462 : i32 to vector<16xi32>
    %and3A_464 = arith.andi %get3A_461, %and3A_463 : vector<16xi32>
    %swap3A_465 = arith.constant 432 : index
    %swap3A_466 = tpu.vector_load %arg6[%swap3A_465] {strides = array<i32>} : memref<512xi32, #tpu.memory_space<vmem>>, vector<16xi32>,
    %swap3A_467 = vector.shape_cast %swap3A_466 : vector<16xi32> to vector<16xi32>
    %swap3A_468 = vector.shape_cast %and3A_464 : vector<16xi32> to vector<16xi32>
    tpu.vector_store %arg6[%swap3A_465], %swap3A_468 {strides = array<i32>} : memref<512xi32, #tpu.memory_space<vmem>>, vector<16xi32>,
    %and3A_469 = arith.constant 7 : i32
    %and3A_470 = vector.broadcast %and3A_469 : i32 to vector<16xi32>
    %and3A_471 = arith.andi %get3A_461, %and3A_470 : vector<16xi32>
    %swap3A_472 = arith.constant 432 : index
    %swap3A_473 = tpu.vector_load %arg7[%swap3A_472] {strides = array<i32>} : memref<512xi32, #tpu.memory_space<vmem>>, vector<16xi32>,
    %swap3A_474 = vector.shape_cast %swap3A_473 : vector<16xi32> to vector<16xi32>
    %swap3A_475 = vector.shape_cast %and3A_471 : vector<16xi32> to vector<16xi32>
    tpu.vector_store %arg7[%swap3A_472], %swap3A_475 {strides = array<i32>} : memref<512xi32, #tpu.memory_space<vmem>>, vector<16xi32>,
    %get3A_476 = arith.constant 448 : index
    %get3A_477 = tpu.vector_load %arg5[%get3A_476] {strides = array<i32>} : memref<512xi32, #tpu.memory_space<vmem>>, vector<16xi32>,
    %get3A_478 = vector.shape_cast %get3A_477 : vector<16xi32> to vector<16xi32>
    %and3A_479 = arith.constant -8 : i32
    %and3A_480 = vector.broadcast %and3A_479 : i32 to vector<16xi32>
    %and3A_481 = arith.andi %get3A_478, %and3A_480 : vector<16xi32>
    %swap3A_482 = arith.constant 448 : index
    %swap3A_483 = tpu.vector_load %arg6[%swap3A_482] {strides = array<i32>} : memref<512xi32, #tpu.memory_space<vmem>>, vector<16xi32>,
    %swap3A_484 = vector.shape_cast %swap3A_483 : vector<16xi32> to vector<16xi32>
    %swap3A_485 = vector.shape_cast %and3A_481 : vector<16xi32> to vector<16xi32>
    tpu.vector_store %arg6[%swap3A_482], %swap3A_485 {strides = array<i32>} : memref<512xi32, #tpu.memory_space<vmem>>, vector<16xi32>,
    %and3A_486 = arith.constant 7 : i32
    %and3A_487 = vector.broadcast %and3A_486 : i32 to vector<16xi32>
    %and3A_488 = arith.andi %get3A_478, %and3A_487 : vector<16xi32>
    %swap3A_489 = arith.constant 448 : index
    %swap3A_490 = tpu.vector_load %arg7[%swap3A_489] {strides = array<i32>} : memref<512xi32, #tpu.memory_space<vmem>>, vector<16xi32>,
    %swap3A_491 = vector.shape_cast %swap3A_490 : vector<16xi32> to vector<16xi32>
    %swap3A_492 = vector.shape_cast %and3A_488 : vector<16xi32> to vector<16xi32>
    tpu.vector_store %arg7[%swap3A_489], %swap3A_492 {strides = array<i32>} : memref<512xi32, #tpu.memory_space<vmem>>, vector<16xi32>,
    %get3A_493 = arith.constant 464 : index
    %get3A_494 = tpu.vector_load %arg5[%get3A_493] {strides = array<i32>} : memref<512xi32, #tpu.memory_space<vmem>>, vector<16xi32>,
    %get3A_495 = vector.shape_cast %get3A_494 : vector<16xi32> to vector<16xi32>
    %and3A_496 = arith.constant -8 : i32
    %and3A_497 = vector.broadcast %and3A_496 : i32 to vector<16xi32>
    %and3A_498 = arith.andi %get3A_495, %and3A_497 : vector<16xi32>
    %swap3A_499 = arith.constant 464 : index
    %swap3A_500 = tpu.vector_load %arg6[%swap3A_499] {strides = array<i32>} : memref<512xi32, #tpu.memory_space<vmem>>, vector<16xi32>,
    %swap3A_501 = vector.shape_cast %swap3A_500 : vector<16xi32> to vector<16xi32>
    %swap3A_502 = vector.shape_cast %and3A_498 : vector<16xi32> to vector<16xi32>
    tpu.vector_store %arg6[%swap3A_499], %swap3A_502 {strides = array<i32>} : memref<512xi32, #tpu.memory_space<vmem>>, vector<16xi32>,
    %and3A_503 = arith.constant 7 : i32
    %and3A_504 = vector.broadcast %and3A_503 : i32 to vector<16xi32>
    %and3A_505 = arith.andi %get3A_495, %and3A_504 : vector<16xi32>
    %swap3A_506 = arith.constant 464 : index
    %swap3A_507 = tpu.vector_load %arg7[%swap3A_506] {strides = array<i32>} : memref<512xi32, #tpu.memory_space<vmem>>, vector<16xi32>,
    %swap3A_508 = vector.shape_cast %swap3A_507 : vector<16xi32> to vector<16xi32>
    %swap3A_509 = vector.shape_cast %and3A_505 : vector<16xi32> to vector<16xi32>
    tpu.vector_store %arg7[%swap3A_506], %swap3A_509 {strides = array<i32>} : memref<512xi32, #tpu.memory_space<vmem>>, vector<16xi32>,
    %get3A_510 = arith.constant 480 : index
    %get3A_511 = tpu.vector_load %arg5[%get3A_510] {strides = array<i32>} : memref<512xi32, #tpu.memory_space<vmem>>, vector<16xi32>,
    %get3A_512 = vector.shape_cast %get3A_511 : vector<16xi32> to vector<16xi32>
    %and3A_513 = arith.constant -8 : i32
    %and3A_514 = vector.broadcast %and3A_513 : i32 to vector<16xi32>
    %and3A_515 = arith.andi %get3A_512, %and3A_514 : vector<16xi32>
    %swap3A_516 = arith.constant 480 : index
    %swap3A_517 = tpu.vector_load %arg6[%swap3A_516] {strides = array<i32>} : memref<512xi32, #tpu.memory_space<vmem>>, vector<16xi32>,
    %swap3A_518 = vector.shape_cast %swap3A_517 : vector<16xi32> to vector<16xi32>
    %swap3A_519 = vector.shape_cast %and3A_515 : vector<16xi32> to vector<16xi32>
    tpu.vector_store %arg6[%swap3A_516], %swap3A_519 {strides = array<i32>} : memref<512xi32, #tpu.memory_space<vmem>>, vector<16xi32>,
    %and3A_520 = arith.constant 7 : i32
    %and3A_521 = vector.broadcast %and3A_520 : i32 to vector<16xi32>
    %and3A_522 = arith.andi %get3A_512, %and3A_521 : vector<16xi32>
    %swap3A_523 = arith.constant 480 : index
    %swap3A_524 = tpu.vector_load %arg7[%swap3A_523] {strides = array<i32>} : memref<512xi32, #tpu.memory_space<vmem>>, vector<16xi32>,
    %swap3A_525 = vector.shape_cast %swap3A_524 : vector<16xi32> to vector<16xi32>
    %swap3A_526 = vector.shape_cast %and3A_522 : vector<16xi32> to vector<16xi32>
    tpu.vector_store %arg7[%swap3A_523], %swap3A_526 {strides = array<i32>} : memref<512xi32, #tpu.memory_space<vmem>>, vector<16xi32>,
    %get3A_527 = arith.constant 496 : index
    %get3A_528 = tpu.vector_load %arg5[%get3A_527] {strides = array<i32>} : memref<512xi32, #tpu.memory_space<vmem>>, vector<16xi32>,
    %get3A_529 = vector.shape_cast %get3A_528 : vector<16xi32> to vector<16xi32>
    %and3A_530 = arith.constant -8 : i32
    %and3A_531 = vector.broadcast %and3A_530 : i32 to vector<16xi32>
    %and3A_532 = arith.andi %get3A_529, %and3A_531 : vector<16xi32>
    %swap3A_533 = arith.constant 496 : index
    %swap3A_534 = tpu.vector_load %arg6[%swap3A_533] {strides = array<i32>} : memref<512xi32, #tpu.memory_space<vmem>>, vector<16xi32>,
    %swap3A_535 = vector.shape_cast %swap3A_534 : vector<16xi32> to vector<16xi32>
    %swap3A_536 = vector.shape_cast %and3A_532 : vector<16xi32> to vector<16xi32>
    tpu.vector_store %arg6[%swap3A_533], %swap3A_536 {strides = array<i32>} : memref<512xi32, #tpu.memory_space<vmem>>, vector<16xi32>,
    %and3A_537 = arith.constant 7 : i32
    %and3A_538 = vector.broadcast %and3A_537 : i32 to vector<16xi32>
    %and3A_539 = arith.andi %get3A_529, %and3A_538 : vector<16xi32>
    %swap3A_540 = arith.constant 496 : index
    %swap3A_541 = tpu.vector_load %arg7[%swap3A_540] {strides = array<i32>} : memref<512xi32, #tpu.memory_space<vmem>>, vector<16xi32>,
    %swap3A_542 = vector.shape_cast %swap3A_541 : vector<16xi32> to vector<16xi32>
    %swap3A_543 = vector.shape_cast %and3A_539 : vector<16xi32> to vector<16xi32>
    tpu.vector_store %arg7[%swap3A_540], %swap3A_543 {strides = array<i32>} : memref<512xi32, #tpu.memory_space<vmem>>, vector<16xi32>,
    %iota3A = tpu.iota {dimensions = array<i32: 0>} : vector<16xi32>
    %get3A_544 = arith.constant 0 : index
    %get3A_545 = tpu.vector_load %arg6[%get3A_544] {strides = array<i32>} : memref<512xi32, #tpu.memory_space<vmem>>, vector<16xi32>,
    %get3A_546 = vector.shape_cast %get3A_545 : vector<16xi32> to vector<16xi32>
    %slice3A = vector.extract_strided_slice %get3A_546 {offsets = [0], sizes = [1], strides = [1]} : vector<16xi32> to vector<1xi32>
    %squeeze3A = vector.extract %slice3A[0] : i32 from vector<1xi32>
    %multiple_of3A = tpu.assume_multiple %squeeze3A, 8 : i32
    %dma_start3A = arith.constant 0 : i32
    %dma_start3A_547 = arith.constant 0 : i32
    %dma_start3A_548 = arith.constant 0 : i32
    %dma_start3A_549 = arith.constant 0 : i32
    %dma_start3A_550 = tpu.memref_slice %arg9[%dma_start3A, %dma_start3A_547, %dma_start3A_548, %dma_start3A_549] : memref<2x16x8x64xf32, #tpu.memory_space<vmem>> -> memref<1x1x8x64xf32, #tpu.memory_space<vmem>>
    %dma_start3A_551 = tpu.memref_squeeze %dma_start3A_550 : memref<1x1x8x64xf32, #tpu.memory_space<vmem>> -> memref<8x64xf32, #tpu.memory_space<vmem>>
    %dma_start3A_552 = arith.constant 0 : i32
    %dma_start3A_553 = tpu.memref_slice %arg3[%multiple_of3A, %dma_start3A_552] : memref<1000000x64xf32, #tpu.memory_space<hbm>> -> memref<8x64xf32, #tpu.memory_space<hbm>>
    %dma_start3A_554 = arith.constant 0 : i32
    %dma_start3A_555 = arith.constant 0 : i32
    %dma_start3A_556 = tpu.memref_slice %arg9[%dma_start3A, %dma_start3A_547, %dma_start3A_554, %dma_start3A_555] : memref<2x16x8x64xf32, #tpu.memory_space<vmem>> -> memref<1x1x8x64xf32, #tpu.memory_space<vmem>>
    %dma_start3A_557 = tpu.memref_squeeze %dma_start3A_556 : memref<1x1x8x64xf32, #tpu.memory_space<vmem>> -> memref<8x64xf32, #tpu.memory_space<vmem>>
    %dma_start3A_558 = arith.constant 0 : i32
    %dma_start3A_559 = tpu.memref_slice %arg3[%multiple_of3A, %dma_start3A_558] : memref<1000000x64xf32, #tpu.memory_space<hbm>> -> memref<8x64xf32, #tpu.memory_space<hbm>>
    tpu.enqueue_dma source(%dma_start3A_559 : memref<8x64xf32, #tpu.memory_space<hbm>>) target(%dma_start3A_557 : memref<8x64xf32, #tpu.memory_space<vmem>>) target_semaphore(%arg10 : memref<!tpu.dma_semaphore, #tpu.memory_space<semaphore_mem>>)
    %slice3A_560 = vector.extract_strided_slice %get3A_546 {offsets = [1], sizes = [1], strides = [1]} : vector<16xi32> to vector<1xi32>
    %squeeze3A_561 = vector.extract %slice3A_560[0] : i32 from vector<1xi32>
    %multiple_of3A_562 = tpu.assume_multiple %squeeze3A_561, 8 : i32
    %dma_start3A_563 = arith.constant 0 : i32
    %dma_start3A_564 = arith.constant 1 : i32
    %dma_start3A_565 = arith.constant 0 : i32
    %dma_start3A_566 = arith.constant 0 : i32
    %dma_start3A_567 = tpu.memref_slice %arg9[%dma_start3A_563, %dma_start3A_564, %dma_start3A_565, %dma_start3A_566] : memref<2x16x8x64xf32, #tpu.memory_space<vmem>> -> memref<1x1x8x64xf32, #tpu.memory_space<vmem>>
    %dma_start3A_568 = tpu.memref_squeeze %dma_start3A_567 : memref<1x1x8x64xf32, #tpu.memory_space<vmem>> -> memref<8x64xf32, #tpu.memory_space<vmem>>
    %dma_start3A_569 = arith.constant 0 : i32
    %dma_start3A_570 = tpu.memref_slice %arg3[%multiple_of3A_562, %dma_start3A_569] : memref<1000000x64xf32, #tpu.memory_space<hbm>> -> memref<8x64xf32, #tpu.memory_space<hbm>>
    %dma_start3A_571 = arith.constant 0 : i32
    %dma_start3A_572 = arith.constant 0 : i32
    %dma_start3A_573 = tpu.memref_slice %arg9[%dma_start3A_563, %dma_start3A_564, %dma_start3A_571, %dma_start3A_572] : memref<2x16x8x64xf32, #tpu.memory_space<vmem>> -> memref<1x1x8x64xf32, #tpu.memory_space<vmem>>
    %dma_start3A_574 = tpu.memref_squeeze %dma_start3A_573 : memref<1x1x8x64xf32, #tpu.memory_space<vmem>> -> memref<8x64xf32, #tpu.memory_space<vmem>>
    %dma_start3A_575 = arith.constant 0 : i32
    %dma_start3A_576 = tpu.memref_slice %arg3[%multiple_of3A_562, %dma_start3A_575] : memref<1000000x64xf32, #tpu.memory_space<hbm>> -> memref<8x64xf32, #tpu.memory_space<hbm>>
    tpu.enqueue_dma source(%dma_start3A_576 : memref<8x64xf32, #tpu.memory_space<hbm>>) target(%dma_start3A_574 : memref<8x64xf32, #tpu.memory_space<vmem>>) target_semaphore(%arg10 : memref<!tpu.dma_semaphore, #tpu.memory_space<semaphore_mem>>)
    %slice3A_577 = vector.extract_strided_slice %get3A_546 {offsets = [2], sizes = [1], strides = [1]} : vector<16xi32> to vector<1xi32>
    %squeeze3A_578 = vector.extract %slice3A_577[0] : i32 from vector<1xi32>
    %multiple_of3A_579 = tpu.assume_multiple %squeeze3A_578, 8 : i32
    %dma_start3A_580 = arith.constant 0 : i32
    %dma_start3A_581 = arith.constant 2 : i32
    %dma_start3A_582 = arith.constant 0 : i32
    %dma_start3A_583 = arith.constant 0 : i32
    %dma_start3A_584 = tpu.memref_slice %arg9[%dma_start3A_580, %dma_start3A_581, %dma_start3A_582, %dma_start3A_583] : memref<2x16x8x64xf32, #tpu.memory_space<vmem>> -> memref<1x1x8x64xf32, #tpu.memory_space<vmem>>
    %dma_start3A_585 = tpu.memref_squeeze %dma_start3A_584 : memref<1x1x8x64xf32, #tpu.memory_space<vmem>> -> memref<8x64xf32, #tpu.memory_space<vmem>>
    %dma_start3A_586 = arith.constant 0 : i32
    %dma_start3A_587 = tpu.memref_slice %arg3[%multiple_of3A_579, %dma_start3A_586] : memref<1000000x64xf32, #tpu.memory_space<hbm>> -> memref<8x64xf32, #tpu.memory_space<hbm>>
    %dma_start3A_588 = arith.constant 0 : i32
    %dma_start3A_589 = arith.constant 0 : i32
    %dma_start3A_590 = tpu.memref_slice %arg9[%dma_start3A_580, %dma_start3A_581, %dma_start3A_588, %dma_start3A_589] : memref<2x16x8x64xf32, #tpu.memory_space<vmem>> -> memref<1x1x8x64xf32, #tpu.memory_space<vmem>>
    %dma_start3A_591 = tpu.memref_squeeze %dma_start3A_590 : memref<1x1x8x64xf32, #tpu.memory_space<vmem>> -> memref<8x64xf32, #tpu.memory_space<vmem>>
    %dma_start3A_592 = arith.constant 0 : i32
    %dma_start3A_593 = tpu.memref_slice %arg3[%multiple_of3A_579, %dma_start3A_592] : memref<1000000x64xf32, #tpu.memory_space<hbm>> -> memref<8x64xf32, #tpu.memory_space<hbm>>
    tpu.enqueue_dma source(%dma_start3A_593 : memref<8x64xf32, #tpu.memory_space<hbm>>) target(%dma_start3A_591 : memref<8x64xf32, #tpu.memory_space<vmem>>) target_semaphore(%arg10 : memref<!tpu.dma_semaphore, #tpu.memory_space<semaphore_mem>>)
    %slice3A_594 = vector.extract_strided_slice %get3A_546 {offsets = [3], sizes = [1], strides = [1]} : vector<16xi32> to vector<1xi32>
    %squeeze3A_595 = vector.extract %slice3A_594[0] : i32 from vector<1xi32>
    %multiple_of3A_596 = tpu.assume_multiple %squeeze3A_595, 8 : i32
    %dma_start3A_597 = arith.constant 0 : i32
    %dma_start3A_598 = arith.constant 3 : i32
    %dma_start3A_599 = arith.constant 0 : i32
    %dma_start3A_600 = arith.constant 0 : i32
    %dma_start3A_601 = tpu.memref_slice %arg9[%dma_start3A_597, %dma_start3A_598, %dma_start3A_599, %dma_start3A_600] : memref<2x16x8x64xf32, #tpu.memory_space<vmem>> -> memref<1x1x8x64xf32, #tpu.memory_space<vmem>>
    %dma_start3A_602 = tpu.memref_squeeze %dma_start3A_601 : memref<1x1x8x64xf32, #tpu.memory_space<vmem>> -> memref<8x64xf32, #tpu.memory_space<vmem>>
    %dma_start3A_603 = arith.constant 0 : i32
    %dma_start3A_604 = tpu.memref_slice %arg3[%multiple_of3A_596, %dma_start3A_603] : memref<1000000x64xf32, #tpu.memory_space<hbm>> -> memref<8x64xf32, #tpu.memory_space<hbm>>
    %dma_start3A_605 = arith.constant 0 : i32
    %dma_start3A_606 = arith.constant 0 : i32
    %dma_start3A_607 = tpu.memref_slice %arg9[%dma_start3A_597, %dma_start3A_598, %dma_start3A_605, %dma_start3A_606] : memref<2x16x8x64xf32, #tpu.memory_space<vmem>> -> memref<1x1x8x64xf32, #tpu.memory_space<vmem>>
    %dma_start3A_608 = tpu.memref_squeeze %dma_start3A_607 : memref<1x1x8x64xf32, #tpu.memory_space<vmem>> -> memref<8x64xf32, #tpu.memory_space<vmem>>
    %dma_start3A_609 = arith.constant 0 : i32
    %dma_start3A_610 = tpu.memref_slice %arg3[%multiple_of3A_596, %dma_start3A_609] : memref<1000000x64xf32, #tpu.memory_space<hbm>> -> memref<8x64xf32, #tpu.memory_space<hbm>>
    tpu.enqueue_dma source(%dma_start3A_610 : memref<8x64xf32, #tpu.memory_space<hbm>>) target(%dma_start3A_608 : memref<8x64xf32, #tpu.memory_space<vmem>>) target_semaphore(%arg10 : memref<!tpu.dma_semaphore, #tpu.memory_space<semaphore_mem>>)
    %slice3A_611 = vector.extract_strided_slice %get3A_546 {offsets = [4], sizes = [1], strides = [1]} : vector<16xi32> to vector<1xi32>
    %squeeze3A_612 = vector.extract %slice3A_611[0] : i32 from vector<1xi32>
    %multiple_of3A_613 = tpu.assume_multiple %squeeze3A_612, 8 : i32
    %dma_start3A_614 = arith.constant 0 : i32
    %dma_start3A_615 = arith.constant 4 : i32
    %dma_start3A_616 = arith.constant 0 : i32
    %dma_start3A_617 = arith.constant 0 : i32
    %dma_start3A_618 = tpu.memref_slice %arg9[%dma_start3A_614, %dma_start3A_615, %dma_start3A_616, %dma_start3A_617] : memref<2x16x8x64xf32, #tpu.memory_space<vmem>> -> memref<1x1x8x64xf32, #tpu.memory_space<vmem>>
    %dma_start3A_619 = tpu.memref_squeeze %dma_start3A_618 : memref<1x1x8x64xf32, #tpu.memory_space<vmem>> -> memref<8x64xf32, #tpu.memory_space<vmem>>
    %dma_start3A_620 = arith.constant 0 : i32
    %dma_start3A_621 = tpu.memref_slice %arg3[%multiple_of3A_613, %dma_start3A_620] : memref<1000000x64xf32, #tpu.memory_space<hbm>> -> memref<8x64xf32, #tpu.memory_space<hbm>>
    %dma_start3A_622 = arith.constant 0 : i32
    %dma_start3A_623 = arith.constant 0 : i32
    %dma_start3A_624 = tpu.memref_slice %arg9[%dma_start3A_614, %dma_start3A_615, %dma_start3A_622, %dma_start3A_623] : memref<2x16x8x64xf32, #tpu.memory_space<vmem>> -> memref<1x1x8x64xf32, #tpu.memory_space<vmem>>
    %dma_start3A_625 = tpu.memref_squeeze %dma_start3A_624 : memref<1x1x8x64xf32, #tpu.memory_space<vmem>> -> memref<8x64xf32, #tpu.memory_space<vmem>>
    %dma_start3A_626 = arith.constant 0 : i32
    %dma_start3A_627 = tpu.memref_slice %arg3[%multiple_of3A_613, %dma_start3A_626] : memref<1000000x64xf32, #tpu.memory_space<hbm>> -> memref<8x64xf32, #tpu.memory_space<hbm>>
    tpu.enqueue_dma source(%dma_start3A_627 : memref<8x64xf32, #tpu.memory_space<hbm>>) target(%dma_start3A_625 : memref<8x64xf32, #tpu.memory_space<vmem>>) target_semaphore(%arg10 : memref<!tpu.dma_semaphore, #tpu.memory_space<semaphore_mem>>)
    %slice3A_628 = vector.extract_strided_slice %get3A_546 {offsets = [5], sizes = [1], strides = [1]} : vector<16xi32> to vector<1xi32>
    %squeeze3A_629 = vector.extract %slice3A_628[0] : i32 from vector<1xi32>
    %multiple_of3A_630 = tpu.assume_multiple %squeeze3A_629, 8 : i32
    %dma_start3A_631 = arith.constant 0 : i32
    %dma_start3A_632 = arith.constant 5 : i32
    %dma_start3A_633 = arith.constant 0 : i32
    %dma_start3A_634 = arith.constant 0 : i32
    %dma_start3A_635 = tpu.memref_slice %arg9[%dma_start3A_631, %dma_start3A_632, %dma_start3A_633, %dma_start3A_634] : memref<2x16x8x64xf32, #tpu.memory_space<vmem>> -> memref<1x1x8x64xf32, #tpu.memory_space<vmem>>
    %dma_start3A_636 = tpu.memref_squeeze %dma_start3A_635 : memref<1x1x8x64xf32, #tpu.memory_space<vmem>> -> memref<8x64xf32, #tpu.memory_space<vmem>>
    %dma_start3A_637 = arith.constant 0 : i32
    %dma_start3A_638 = tpu.memref_slice %arg3[%multiple_of3A_630, %dma_start3A_637] : memref<1000000x64xf32, #tpu.memory_space<hbm>> -> memref<8x64xf32, #tpu.memory_space<hbm>>
    %dma_start3A_639 = arith.constant 0 : i32
    %dma_start3A_640 = arith.constant 0 : i32
    %dma_start3A_641 = tpu.memref_slice %arg9[%dma_start3A_631, %dma_start3A_632, %dma_start3A_639, %dma_start3A_640] : memref<2x16x8x64xf32, #tpu.memory_space<vmem>> -> memref<1x1x8x64xf32, #tpu.memory_space<vmem>>
    %dma_start3A_642 = tpu.memref_squeeze %dma_start3A_641 : memref<1x1x8x64xf32, #tpu.memory_space<vmem>> -> memref<8x64xf32, #tpu.memory_space<vmem>>
    %dma_start3A_643 = arith.constant 0 : i32
    %dma_start3A_644 = tpu.memref_slice %arg3[%multiple_of3A_630, %dma_start3A_643] : memref<1000000x64xf32, #tpu.memory_space<hbm>> -> memref<8x64xf32, #tpu.memory_space<hbm>>
    tpu.enqueue_dma source(%dma_start3A_644 : memref<8x64xf32, #tpu.memory_space<hbm>>) target(%dma_start3A_642 : memref<8x64xf32, #tpu.memory_space<vmem>>) target_semaphore(%arg10 : memref<!tpu.dma_semaphore, #tpu.memory_space<semaphore_mem>>)
    %slice3A_645 = vector.extract_strided_slice %get3A_546 {offsets = [6], sizes = [1], strides = [1]} : vector<16xi32> to vector<1xi32>
    %squeeze3A_646 = vector.extract %slice3A_645[0] : i32 from vector<1xi32>
    %multiple_of3A_647 = tpu.assume_multiple %squeeze3A_646, 8 : i32
    %dma_start3A_648 = arith.constant 0 : i32
    %dma_start3A_649 = arith.constant 6 : i32
    %dma_start3A_650 = arith.constant 0 : i32
    %dma_start3A_651 = arith.constant 0 : i32
    %dma_start3A_652 = tpu.memref_slice %arg9[%dma_start3A_648, %dma_start3A_649, %dma_start3A_650, %dma_start3A_651] : memref<2x16x8x64xf32, #tpu.memory_space<vmem>> -> memref<1x1x8x64xf32, #tpu.memory_space<vmem>>
    %dma_start3A_653 = tpu.memref_squeeze %dma_start3A_652 : memref<1x1x8x64xf32, #tpu.memory_space<vmem>> -> memref<8x64xf32, #tpu.memory_space<vmem>>
    %dma_start3A_654 = arith.constant 0 : i32
    %dma_start3A_655 = tpu.memref_slice %arg3[%multiple_of3A_647, %dma_start3A_654] : memref<1000000x64xf32, #tpu.memory_space<hbm>> -> memref<8x64xf32, #tpu.memory_space<hbm>>
    %dma_start3A_656 = arith.constant 0 : i32
    %dma_start3A_657 = arith.constant 0 : i32
    %dma_start3A_658 = tpu.memref_slice %arg9[%dma_start3A_648, %dma_start3A_649, %dma_start3A_656, %dma_start3A_657] : memref<2x16x8x64xf32, #tpu.memory_space<vmem>> -> memref<1x1x8x64xf32, #tpu.memory_space<vmem>>
    %dma_start3A_659 = tpu.memref_squeeze %dma_start3A_658 : memref<1x1x8x64xf32, #tpu.memory_space<vmem>> -> memref<8x64xf32, #tpu.memory_space<vmem>>
    %dma_start3A_660 = arith.constant 0 : i32
    %dma_start3A_661 = tpu.memref_slice %arg3[%multiple_of3A_647, %dma_start3A_660] : memref<1000000x64xf32, #tpu.memory_space<hbm>> -> memref<8x64xf32, #tpu.memory_space<hbm>>
    tpu.enqueue_dma source(%dma_start3A_661 : memref<8x64xf32, #tpu.memory_space<hbm>>) target(%dma_start3A_659 : memref<8x64xf32, #tpu.memory_space<vmem>>) target_semaphore(%arg10 : memref<!tpu.dma_semaphore, #tpu.memory_space<semaphore_mem>>)
    %slice3A_662 = vector.extract_strided_slice %get3A_546 {offsets = [7], sizes = [1], strides = [1]} : vector<16xi32> to vector<1xi32>
    %squeeze3A_663 = vector.extract %slice3A_662[0] : i32 from vector<1xi32>
    %multiple_of3A_664 = tpu.assume_multiple %squeeze3A_663, 8 : i32
    %dma_start3A_665 = arith.constant 0 : i32
    %dma_start3A_666 = arith.constant 7 : i32
    %dma_start3A_667 = arith.constant 0 : i32
    %dma_start3A_668 = arith.constant 0 : i32
    %dma_start3A_669 = tpu.memref_slice %arg9[%dma_start3A_665, %dma_start3A_666, %dma_start3A_667, %dma_start3A_668] : memref<2x16x8x64xf32, #tpu.memory_space<vmem>> -> memref<1x1x8x64xf32, #tpu.memory_space<vmem>>
    %dma_start3A_670 = tpu.memref_squeeze %dma_start3A_669 : memref<1x1x8x64xf32, #tpu.memory_space<vmem>> -> memref<8x64xf32, #tpu.memory_space<vmem>>
    %dma_start3A_671 = arith.constant 0 : i32
    %dma_start3A_672 = tpu.memref_slice %arg3[%multiple_of3A_664, %dma_start3A_671] : memref<1000000x64xf32, #tpu.memory_space<hbm>> -> memref<8x64xf32, #tpu.memory_space<hbm>>
    %dma_start3A_673 = arith.constant 0 : i32
    %dma_start3A_674 = arith.constant 0 : i32
    %dma_start3A_675 = tpu.memref_slice %arg9[%dma_start3A_665, %dma_start3A_666, %dma_start3A_673, %dma_start3A_674] : memref<2x16x8x64xf32, #tpu.memory_space<vmem>> -> memref<1x1x8x64xf32, #tpu.memory_space<vmem>>
    %dma_start3A_676 = tpu.memref_squeeze %dma_start3A_675 : memref<1x1x8x64xf32, #tpu.memory_space<vmem>> -> memref<8x64xf32, #tpu.memory_space<vmem>>
    %dma_start3A_677 = arith.constant 0 : i32
    %dma_start3A_678 = tpu.memref_slice %arg3[%multiple_of3A_664, %dma_start3A_677] : memref<1000000x64xf32, #tpu.memory_space<hbm>> -> memref<8x64xf32, #tpu.memory_space<hbm>>
    tpu.enqueue_dma source(%dma_start3A_678 : memref<8x64xf32, #tpu.memory_space<hbm>>) target(%dma_start3A_676 : memref<8x64xf32, #tpu.memory_space<vmem>>) target_semaphore(%arg10 : memref<!tpu.dma_semaphore, #tpu.memory_space<semaphore_mem>>)
    %slice3A_679 = vector.extract_strided_slice %get3A_546 {offsets = [8], sizes = [1], strides = [1]} : vector<16xi32> to vector<1xi32>
    %squeeze3A_680 = vector.extract %slice3A_679[0] : i32 from vector<1xi32>
    %multiple_of3A_681 = tpu.assume_multiple %squeeze3A_680, 8 : i32
    %dma_start3A_682 = arith.constant 0 : i32
    %dma_start3A_683 = arith.constant 8 : i32
    %dma_start3A_684 = arith.constant 0 : i32
    %dma_start3A_685 = arith.constant 0 : i32
    %dma_start3A_686 = tpu.memref_slice %arg9[%dma_start3A_682, %dma_start3A_683, %dma_start3A_684, %dma_start3A_685] : memref<2x16x8x64xf32, #tpu.memory_space<vmem>> -> memref<1x1x8x64xf32, #tpu.memory_space<vmem>>
    %dma_start3A_687 = tpu.memref_squeeze %dma_start3A_686 : memref<1x1x8x64xf32, #tpu.memory_space<vmem>> -> memref<8x64xf32, #tpu.memory_space<vmem>>
    %dma_start3A_688 = arith.constant 0 : i32
    %dma_start3A_689 = tpu.memref_slice %arg3[%multiple_of3A_681, %dma_start3A_688] : memref<1000000x64xf32, #tpu.memory_space<hbm>> -> memref<8x64xf32, #tpu.memory_space<hbm>>
    %dma_start3A_690 = arith.constant 0 : i32
    %dma_start3A_691 = arith.constant 0 : i32
    %dma_start3A_692 = tpu.memref_slice %arg9[%dma_start3A_682, %dma_start3A_683, %dma_start3A_690, %dma_start3A_691] : memref<2x16x8x64xf32, #tpu.memory_space<vmem>> -> memref<1x1x8x64xf32, #tpu.memory_space<vmem>>
    %dma_start3A_693 = tpu.memref_squeeze %dma_start3A_692 : memref<1x1x8x64xf32, #tpu.memory_space<vmem>> -> memref<8x64xf32, #tpu.memory_space<vmem>>
    %dma_start3A_694 = arith.constant 0 : i32
    %dma_start3A_695 = tpu.memref_slice %arg3[%multiple_of3A_681, %dma_start3A_694] : memref<1000000x64xf32, #tpu.memory_space<hbm>> -> memref<8x64xf32, #tpu.memory_space<hbm>>
    tpu.enqueue_dma source(%dma_start3A_695 : memref<8x64xf32, #tpu.memory_space<hbm>>) target(%dma_start3A_693 : memref<8x64xf32, #tpu.memory_space<vmem>>) target_semaphore(%arg10 : memref<!tpu.dma_semaphore, #tpu.memory_space<semaphore_mem>>)
    %slice3A_696 = vector.extract_strided_slice %get3A_546 {offsets = [9], sizes = [1], strides = [1]} : vector<16xi32> to vector<1xi32>
    %squeeze3A_697 = vector.extract %slice3A_696[0] : i32 from vector<1xi32>
    %multiple_of3A_698 = tpu.assume_multiple %squeeze3A_697, 8 : i32
    %dma_start3A_699 = arith.constant 0 : i32
    %dma_start3A_700 = arith.constant 9 : i32
    %dma_start3A_701 = arith.constant 0 : i32
    %dma_start3A_702 = arith.constant 0 : i32
    %dma_start3A_703 = tpu.memref_slice %arg9[%dma_start3A_699, %dma_start3A_700, %dma_start3A_701, %dma_start3A_702] : memref<2x16x8x64xf32, #tpu.memory_space<vmem>> -> memref<1x1x8x64xf32, #tpu.memory_space<vmem>>
    %dma_start3A_704 = tpu.memref_squeeze %dma_start3A_703 : memref<1x1x8x64xf32, #tpu.memory_space<vmem>> -> memref<8x64xf32, #tpu.memory_space<vmem>>
    %dma_start3A_705 = arith.constant 0 : i32
    %dma_start3A_706 = tpu.memref_slice %arg3[%multiple_of3A_698, %dma_start3A_705] : memref<1000000x64xf32, #tpu.memory_space<hbm>> -> memref<8x64xf32, #tpu.memory_space<hbm>>
    %dma_start3A_707 = arith.constant 0 : i32
    %dma_start3A_708 = arith.constant 0 : i32
    %dma_start3A_709 = tpu.memref_slice %arg9[%dma_start3A_699, %dma_start3A_700, %dma_start3A_707, %dma_start3A_708] : memref<2x16x8x64xf32, #tpu.memory_space<vmem>> -> memref<1x1x8x64xf32, #tpu.memory_space<vmem>>
    %dma_start3A_710 = tpu.memref_squeeze %dma_start3A_709 : memref<1x1x8x64xf32, #tpu.memory_space<vmem>> -> memref<8x64xf32, #tpu.memory_space<vmem>>
    %dma_start3A_711 = arith.constant 0 : i32
    %dma_start3A_712 = tpu.memref_slice %arg3[%multiple_of3A_698, %dma_start3A_711] : memref<1000000x64xf32, #tpu.memory_space<hbm>> -> memref<8x64xf32, #tpu.memory_space<hbm>>
    tpu.enqueue_dma source(%dma_start3A_712 : memref<8x64xf32, #tpu.memory_space<hbm>>) target(%dma_start3A_710 : memref<8x64xf32, #tpu.memory_space<vmem>>) target_semaphore(%arg10 : memref<!tpu.dma_semaphore, #tpu.memory_space<semaphore_mem>>)
    %slice3A_713 = vector.extract_strided_slice %get3A_546 {offsets = [10], sizes = [1], strides = [1]} : vector<16xi32> to vector<1xi32>
    %squeeze3A_714 = vector.extract %slice3A_713[0] : i32 from vector<1xi32>
    %multiple_of3A_715 = tpu.assume_multiple %squeeze3A_714, 8 : i32
    %dma_start3A_716 = arith.constant 0 : i32
    %dma_start3A_717 = arith.constant 10 : i32
    %dma_start3A_718 = arith.constant 0 : i32
    %dma_start3A_719 = arith.constant 0 : i32
    %dma_start3A_720 = tpu.memref_slice %arg9[%dma_start3A_716, %dma_start3A_717, %dma_start3A_718, %dma_start3A_719] : memref<2x16x8x64xf32, #tpu.memory_space<vmem>> -> memref<1x1x8x64xf32, #tpu.memory_space<vmem>>
    %dma_start3A_721 = tpu.memref_squeeze %dma_start3A_720 : memref<1x1x8x64xf32, #tpu.memory_space<vmem>> -> memref<8x64xf32, #tpu.memory_space<vmem>>
    %dma_start3A_722 = arith.constant 0 : i32
    %dma_start3A_723 = tpu.memref_slice %arg3[%multiple_of3A_715, %dma_start3A_722] : memref<1000000x64xf32, #tpu.memory_space<hbm>> -> memref<8x64xf32, #tpu.memory_space<hbm>>
    %dma_start3A_724 = arith.constant 0 : i32
    %dma_start3A_725 = arith.constant 0 : i32
    %dma_start3A_726 = tpu.memref_slice %arg9[%dma_start3A_716, %dma_start3A_717, %dma_start3A_724, %dma_start3A_725] : memref<2x16x8x64xf32, #tpu.memory_space<vmem>> -> memref<1x1x8x64xf32, #tpu.memory_space<vmem>>
    %dma_start3A_727 = tpu.memref_squeeze %dma_start3A_726 : memref<1x1x8x64xf32, #tpu.memory_space<vmem>> -> memref<8x64xf32, #tpu.memory_space<vmem>>
    %dma_start3A_728 = arith.constant 0 : i32
    %dma_start3A_729 = tpu.memref_slice %arg3[%multiple_of3A_715, %dma_start3A_728] : memref<1000000x64xf32, #tpu.memory_space<hbm>> -> memref<8x64xf32, #tpu.memory_space<hbm>>
    tpu.enqueue_dma source(%dma_start3A_729 : memref<8x64xf32, #tpu.memory_space<hbm>>) target(%dma_start3A_727 : memref<8x64xf32, #tpu.memory_space<vmem>>) target_semaphore(%arg10 : memref<!tpu.dma_semaphore, #tpu.memory_space<semaphore_mem>>)
    %slice3A_730 = vector.extract_strided_slice %get3A_546 {offsets = [11], sizes = [1], strides = [1]} : vector<16xi32> to vector<1xi32>
    %squeeze3A_731 = vector.extract %slice3A_730[0] : i32 from vector<1xi32>
    %multiple_of3A_732 = tpu.assume_multiple %squeeze3A_731, 8 : i32
    %dma_start3A_733 = arith.constant 0 : i32
    %dma_start3A_734 = arith.constant 11 : i32
    %dma_start3A_735 = arith.constant 0 : i32
    %dma_start3A_736 = arith.constant 0 : i32
    %dma_start3A_737 = tpu.memref_slice %arg9[%dma_start3A_733, %dma_start3A_734, %dma_start3A_735, %dma_start3A_736] : memref<2x16x8x64xf32, #tpu.memory_space<vmem>> -> memref<1x1x8x64xf32, #tpu.memory_space<vmem>>
    %dma_start3A_738 = tpu.memref_squeeze %dma_start3A_737 : memref<1x1x8x64xf32, #tpu.memory_space<vmem>> -> memref<8x64xf32, #tpu.memory_space<vmem>>
    %dma_start3A_739 = arith.constant 0 : i32
    %dma_start3A_740 = tpu.memref_slice %arg3[%multiple_of3A_732, %dma_start3A_739] : memref<1000000x64xf32, #tpu.memory_space<hbm>> -> memref<8x64xf32, #tpu.memory_space<hbm>>
    %dma_start3A_741 = arith.constant 0 : i32
    %dma_start3A_742 = arith.constant 0 : i32
    %dma_start3A_743 = tpu.memref_slice %arg9[%dma_start3A_733, %dma_start3A_734, %dma_start3A_741, %dma_start3A_742] : memref<2x16x8x64xf32, #tpu.memory_space<vmem>> -> memref<1x1x8x64xf32, #tpu.memory_space<vmem>>
    %dma_start3A_744 = tpu.memref_squeeze %dma_start3A_743 : memref<1x1x8x64xf32, #tpu.memory_space<vmem>> -> memref<8x64xf32, #tpu.memory_space<vmem>>
    %dma_start3A_745 = arith.constant 0 : i32
    %dma_start3A_746 = tpu.memref_slice %arg3[%multiple_of3A_732, %dma_start3A_745] : memref<1000000x64xf32, #tpu.memory_space<hbm>> -> memref<8x64xf32, #tpu.memory_space<hbm>>
    tpu.enqueue_dma source(%dma_start3A_746 : memref<8x64xf32, #tpu.memory_space<hbm>>) target(%dma_start3A_744 : memref<8x64xf32, #tpu.memory_space<vmem>>) target_semaphore(%arg10 : memref<!tpu.dma_semaphore, #tpu.memory_space<semaphore_mem>>)
    %slice3A_747 = vector.extract_strided_slice %get3A_546 {offsets = [12], sizes = [1], strides = [1]} : vector<16xi32> to vector<1xi32>
    %squeeze3A_748 = vector.extract %slice3A_747[0] : i32 from vector<1xi32>
    %multiple_of3A_749 = tpu.assume_multiple %squeeze3A_748, 8 : i32
    %dma_start3A_750 = arith.constant 0 : i32
    %dma_start3A_751 = arith.constant 12 : i32
    %dma_start3A_752 = arith.constant 0 : i32
    %dma_start3A_753 = arith.constant 0 : i32
    %dma_start3A_754 = tpu.memref_slice %arg9[%dma_start3A_750, %dma_start3A_751, %dma_start3A_752, %dma_start3A_753] : memref<2x16x8x64xf32, #tpu.memory_space<vmem>> -> memref<1x1x8x64xf32, #tpu.memory_space<vmem>>
    %dma_start3A_755 = tpu.memref_squeeze %dma_start3A_754 : memref<1x1x8x64xf32, #tpu.memory_space<vmem>> -> memref<8x64xf32, #tpu.memory_space<vmem>>
    %dma_start3A_756 = arith.constant 0 : i32
    %dma_start3A_757 = tpu.memref_slice %arg3[%multiple_of3A_749, %dma_start3A_756] : memref<1000000x64xf32, #tpu.memory_space<hbm>> -> memref<8x64xf32, #tpu.memory_space<hbm>>
    %dma_start3A_758 = arith.constant 0 : i32
    %dma_start3A_759 = arith.constant 0 : i32
    %dma_start3A_760 = tpu.memref_slice %arg9[%dma_start3A_750, %dma_start3A_751, %dma_start3A_758, %dma_start3A_759] : memref<2x16x8x64xf32, #tpu.memory_space<vmem>> -> memref<1x1x8x64xf32, #tpu.memory_space<vmem>>
    %dma_start3A_761 = tpu.memref_squeeze %dma_start3A_760 : memref<1x1x8x64xf32, #tpu.memory_space<vmem>> -> memref<8x64xf32, #tpu.memory_space<vmem>>
    %dma_start3A_762 = arith.constant 0 : i32
    %dma_start3A_763 = tpu.memref_slice %arg3[%multiple_of3A_749, %dma_start3A_762] : memref<1000000x64xf32, #tpu.memory_space<hbm>> -> memref<8x64xf32, #tpu.memory_space<hbm>>
    tpu.enqueue_dma source(%dma_start3A_763 : memref<8x64xf32, #tpu.memory_space<hbm>>) target(%dma_start3A_761 : memref<8x64xf32, #tpu.memory_space<vmem>>) target_semaphore(%arg10 : memref<!tpu.dma_semaphore, #tpu.memory_space<semaphore_mem>>)
    %slice3A_764 = vector.extract_strided_slice %get3A_546 {offsets = [13], sizes = [1], strides = [1]} : vector<16xi32> to vector<1xi32>
    %squeeze3A_765 = vector.extract %slice3A_764[0] : i32 from vector<1xi32>
    %multiple_of3A_766 = tpu.assume_multiple %squeeze3A_765, 8 : i32
    %dma_start3A_767 = arith.constant 0 : i32
    %dma_start3A_768 = arith.constant 13 : i32
    %dma_start3A_769 = arith.constant 0 : i32
    %dma_start3A_770 = arith.constant 0 : i32
    %dma_start3A_771 = tpu.memref_slice %arg9[%dma_start3A_767, %dma_start3A_768, %dma_start3A_769, %dma_start3A_770] : memref<2x16x8x64xf32, #tpu.memory_space<vmem>> -> memref<1x1x8x64xf32, #tpu.memory_space<vmem>>
    %dma_start3A_772 = tpu.memref_squeeze %dma_start3A_771 : memref<1x1x8x64xf32, #tpu.memory_space<vmem>> -> memref<8x64xf32, #tpu.memory_space<vmem>>
    %dma_start3A_773 = arith.constant 0 : i32
    %dma_start3A_774 = tpu.memref_slice %arg3[%multiple_of3A_766, %dma_start3A_773] : memref<1000000x64xf32, #tpu.memory_space<hbm>> -> memref<8x64xf32, #tpu.memory_space<hbm>>
    %dma_start3A_775 = arith.constant 0 : i32
    %dma_start3A_776 = arith.constant 0 : i32
    %dma_start3A_777 = tpu.memref_slice %arg9[%dma_start3A_767, %dma_start3A_768, %dma_start3A_775, %dma_start3A_776] : memref<2x16x8x64xf32, #tpu.memory_space<vmem>> -> memref<1x1x8x64xf32, #tpu.memory_space<vmem>>
    %dma_start3A_778 = tpu.memref_squeeze %dma_start3A_777 : memref<1x1x8x64xf32, #tpu.memory_space<vmem>> -> memref<8x64xf32, #tpu.memory_space<vmem>>
    %dma_start3A_779 = arith.constant 0 : i32
    %dma_start3A_780 = tpu.memref_slice %arg3[%multiple_of3A_766, %dma_start3A_779] : memref<1000000x64xf32, #tpu.memory_space<hbm>> -> memref<8x64xf32, #tpu.memory_space<hbm>>
    tpu.enqueue_dma source(%dma_start3A_780 : memref<8x64xf32, #tpu.memory_space<hbm>>) target(%dma_start3A_778 : memref<8x64xf32, #tpu.memory_space<vmem>>) target_semaphore(%arg10 : memref<!tpu.dma_semaphore, #tpu.memory_space<semaphore_mem>>)
    %slice3A_781 = vector.extract_strided_slice %get3A_546 {offsets = [14], sizes = [1], strides = [1]} : vector<16xi32> to vector<1xi32>
    %squeeze3A_782 = vector.extract %slice3A_781[0] : i32 from vector<1xi32>
    %multiple_of3A_783 = tpu.assume_multiple %squeeze3A_782, 8 : i32
    %dma_start3A_784 = arith.constant 0 : i32
    %dma_start3A_785 = arith.constant 14 : i32
    %dma_start3A_786 = arith.constant 0 : i32
    %dma_start3A_787 = arith.constant 0 : i32
    %dma_start3A_788 = tpu.memref_slice %arg9[%dma_start3A_784, %dma_start3A_785, %dma_start3A_786, %dma_start3A_787] : memref<2x16x8x64xf32, #tpu.memory_space<vmem>> -> memref<1x1x8x64xf32, #tpu.memory_space<vmem>>
    %dma_start3A_789 = tpu.memref_squeeze %dma_start3A_788 : memref<1x1x8x64xf32, #tpu.memory_space<vmem>> -> memref<8x64xf32, #tpu.memory_space<vmem>>
    %dma_start3A_790 = arith.constant 0 : i32
    %dma_start3A_791 = tpu.memref_slice %arg3[%multiple_of3A_783, %dma_start3A_790] : memref<1000000x64xf32, #tpu.memory_space<hbm>> -> memref<8x64xf32, #tpu.memory_space<hbm>>
    %dma_start3A_792 = arith.constant 0 : i32
    %dma_start3A_793 = arith.constant 0 : i32
    %dma_start3A_794 = tpu.memref_slice %arg9[%dma_start3A_784, %dma_start3A_785, %dma_start3A_792, %dma_start3A_793] : memref<2x16x8x64xf32, #tpu.memory_space<vmem>> -> memref<1x1x8x64xf32, #tpu.memory_space<vmem>>
    %dma_start3A_795 = tpu.memref_squeeze %dma_start3A_794 : memref<1x1x8x64xf32, #tpu.memory_space<vmem>> -> memref<8x64xf32, #tpu.memory_space<vmem>>
    %dma_start3A_796 = arith.constant 0 : i32
    %dma_start3A_797 = tpu.memref_slice %arg3[%multiple_of3A_783, %dma_start3A_796] : memref<1000000x64xf32, #tpu.memory_space<hbm>> -> memref<8x64xf32, #tpu.memory_space<hbm>>
    tpu.enqueue_dma source(%dma_start3A_797 : memref<8x64xf32, #tpu.memory_space<hbm>>) target(%dma_start3A_795 : memref<8x64xf32, #tpu.memory_space<vmem>>) target_semaphore(%arg10 : memref<!tpu.dma_semaphore, #tpu.memory_space<semaphore_mem>>)
    %slice3A_798 = vector.extract_strided_slice %get3A_546 {offsets = [15], sizes = [1], strides = [1]} : vector<16xi32> to vector<1xi32>
    %squeeze3A_799 = vector.extract %slice3A_798[0] : i32 from vector<1xi32>
    %multiple_of3A_800 = tpu.assume_multiple %squeeze3A_799, 8 : i32
    %dma_start3A_801 = arith.constant 0 : i32
    %dma_start3A_802 = arith.constant 15 : i32
    %dma_start3A_803 = arith.constant 0 : i32
    %dma_start3A_804 = arith.constant 0 : i32
    %dma_start3A_805 = tpu.memref_slice %arg9[%dma_start3A_801, %dma_start3A_802, %dma_start3A_803, %dma_start3A_804] : memref<2x16x8x64xf32, #tpu.memory_space<vmem>> -> memref<1x1x8x64xf32, #tpu.memory_space<vmem>>
    %dma_start3A_806 = tpu.memref_squeeze %dma_start3A_805 : memref<1x1x8x64xf32, #tpu.memory_space<vmem>> -> memref<8x64xf32, #tpu.memory_space<vmem>>
    %dma_start3A_807 = arith.constant 0 : i32
    %dma_start3A_808 = tpu.memref_slice %arg3[%multiple_of3A_800, %dma_start3A_807] : memref<1000000x64xf32, #tpu.memory_space<hbm>> -> memref<8x64xf32, #tpu.memory_space<hbm>>
    %dma_start3A_809 = arith.constant 0 : i32
    %dma_start3A_810 = arith.constant 0 : i32
    %dma_start3A_811 = tpu.memref_slice %arg9[%dma_start3A_801, %dma_start3A_802, %dma_start3A_809, %dma_start3A_810] : memref<2x16x8x64xf32, #tpu.memory_space<vmem>> -> memref<1x1x8x64xf32, #tpu.memory_space<vmem>>
    %dma_start3A_812 = tpu.memref_squeeze %dma_start3A_811 : memref<1x1x8x64xf32, #tpu.memory_space<vmem>> -> memref<8x64xf32, #tpu.memory_space<vmem>>
    %dma_start3A_813 = arith.constant 0 : i32
    %dma_start3A_814 = tpu.memref_slice %arg3[%multiple_of3A_800, %dma_start3A_813] : memref<1000000x64xf32, #tpu.memory_space<hbm>> -> memref<8x64xf32, #tpu.memory_space<hbm>>
    tpu.enqueue_dma source(%dma_start3A_814 : memref<8x64xf32, #tpu.memory_space<hbm>>) target(%dma_start3A_812 : memref<8x64xf32, #tpu.memory_space<vmem>>) target_semaphore(%arg10 : memref<!tpu.dma_semaphore, #tpu.memory_space<semaphore_mem>>)
    %get3A_815 = arith.constant 16 : index
    %get3A_816 = tpu.vector_load %arg6[%get3A_815] {strides = array<i32>} : memref<512xi32, #tpu.memory_space<vmem>>, vector<16xi32>,
    %get3A_817 = vector.shape_cast %get3A_816 : vector<16xi32> to vector<16xi32>
    %slice3A_818 = vector.extract_strided_slice %get3A_817 {offsets = [0], sizes = [1], strides = [1]} : vector<16xi32> to vector<1xi32>
    %squeeze3A_819 = vector.extract %slice3A_818[0] : i32 from vector<1xi32>
    %multiple_of3A_820 = tpu.assume_multiple %squeeze3A_819, 8 : i32
    %dma_start3A_821 = arith.constant 1 : i32
    %dma_start3A_822 = arith.constant 0 : i32
    %dma_start3A_823 = arith.constant 0 : i32
    %dma_start3A_824 = arith.constant 0 : i32
    %dma_start3A_825 = tpu.memref_slice %arg9[%dma_start3A_821, %dma_start3A_822, %dma_start3A_823, %dma_start3A_824] : memref<2x16x8x64xf32, #tpu.memory_space<vmem>> -> memref<1x1x8x64xf32, #tpu.memory_space<vmem>>
    %dma_start3A_826 = tpu.memref_squeeze %dma_start3A_825 : memref<1x1x8x64xf32, #tpu.memory_space<vmem>> -> memref<8x64xf32, #tpu.memory_space<vmem>>
    %dma_start3A_827 = arith.constant 0 : i32
    %dma_start3A_828 = tpu.memref_slice %arg3[%multiple_of3A_820, %dma_start3A_827] : memref<1000000x64xf32, #tpu.memory_space<hbm>> -> memref<8x64xf32, #tpu.memory_space<hbm>>
    %dma_start3A_829 = arith.constant 0 : i32
    %dma_start3A_830 = arith.constant 0 : i32
    %dma_start3A_831 = tpu.memref_slice %arg9[%dma_start3A_821, %dma_start3A_822, %dma_start3A_829, %dma_start3A_830] : memref<2x16x8x64xf32, #tpu.memory_space<vmem>> -> memref<1x1x8x64xf32, #tpu.memory_space<vmem>>
    %dma_start3A_832 = tpu.memref_squeeze %dma_start3A_831 : memref<1x1x8x64xf32, #tpu.memory_space<vmem>> -> memref<8x64xf32, #tpu.memory_space<vmem>>
    %dma_start3A_833 = arith.constant 0 : i32
    %dma_start3A_834 = tpu.memref_slice %arg3[%multiple_of3A_820, %dma_start3A_833] : memref<1000000x64xf32, #tpu.memory_space<hbm>> -> memref<8x64xf32, #tpu.memory_space<hbm>>
    tpu.enqueue_dma source(%dma_start3A_834 : memref<8x64xf32, #tpu.memory_space<hbm>>) target(%dma_start3A_832 : memref<8x64xf32, #tpu.memory_space<vmem>>) target_semaphore(%arg11 : memref<!tpu.dma_semaphore, #tpu.memory_space<semaphore_mem>>)
    %slice3A_835 = vector.extract_strided_slice %get3A_817 {offsets = [1], sizes = [1], strides = [1]} : vector<16xi32> to vector<1xi32>
    %squeeze3A_836 = vector.extract %slice3A_835[0] : i32 from vector<1xi32>
    %multiple_of3A_837 = tpu.assume_multiple %squeeze3A_836, 8 : i32
    %dma_start3A_838 = arith.constant 1 : i32
    %dma_start3A_839 = arith.constant 1 : i32
    %dma_start3A_840 = arith.constant 0 : i32
    %dma_start3A_841 = arith.constant 0 : i32
    %dma_start3A_842 = tpu.memref_slice %arg9[%dma_start3A_838, %dma_start3A_839, %dma_start3A_840, %dma_start3A_841] : memref<2x16x8x64xf32, #tpu.memory_space<vmem>> -> memref<1x1x8x64xf32, #tpu.memory_space<vmem>>
    %dma_start3A_843 = tpu.memref_squeeze %dma_start3A_842 : memref<1x1x8x64xf32, #tpu.memory_space<vmem>> -> memref<8x64xf32, #tpu.memory_space<vmem>>
    %dma_start3A_844 = arith.constant 0 : i32
    %dma_start3A_845 = tpu.memref_slice %arg3[%multiple_of3A_837, %dma_start3A_844] : memref<1000000x64xf32, #tpu.memory_space<hbm>> -> memref<8x64xf32, #tpu.memory_space<hbm>>
    %dma_start3A_846 = arith.constant 0 : i32
    %dma_start3A_847 = arith.constant 0 : i32
    %dma_start3A_848 = tpu.memref_slice %arg9[%dma_start3A_838, %dma_start3A_839, %dma_start3A_846, %dma_start3A_847] : memref<2x16x8x64xf32, #tpu.memory_space<vmem>> -> memref<1x1x8x64xf32, #tpu.memory_space<vmem>>
    %dma_start3A_849 = tpu.memref_squeeze %dma_start3A_848 : memref<1x1x8x64xf32, #tpu.memory_space<vmem>> -> memref<8x64xf32, #tpu.memory_space<vmem>>
    %dma_start3A_850 = arith.constant 0 : i32
    %dma_start3A_851 = tpu.memref_slice %arg3[%multiple_of3A_837, %dma_start3A_850] : memref<1000000x64xf32, #tpu.memory_space<hbm>> -> memref<8x64xf32, #tpu.memory_space<hbm>>
    tpu.enqueue_dma source(%dma_start3A_851 : memref<8x64xf32, #tpu.memory_space<hbm>>) target(%dma_start3A_849 : memref<8x64xf32, #tpu.memory_space<vmem>>) target_semaphore(%arg11 : memref<!tpu.dma_semaphore, #tpu.memory_space<semaphore_mem>>)
    %slice3A_852 = vector.extract_strided_slice %get3A_817 {offsets = [2], sizes = [1], strides = [1]} : vector<16xi32> to vector<1xi32>
    %squeeze3A_853 = vector.extract %slice3A_852[0] : i32 from vector<1xi32>
    %multiple_of3A_854 = tpu.assume_multiple %squeeze3A_853, 8 : i32
    %dma_start3A_855 = arith.constant 1 : i32
    %dma_start3A_856 = arith.constant 2 : i32
    %dma_start3A_857 = arith.constant 0 : i32
    %dma_start3A_858 = arith.constant 0 : i32
    %dma_start3A_859 = tpu.memref_slice %arg9[%dma_start3A_855, %dma_start3A_856, %dma_start3A_857, %dma_start3A_858] : memref<2x16x8x64xf32, #tpu.memory_space<vmem>> -> memref<1x1x8x64xf32, #tpu.memory_space<vmem>>
    %dma_start3A_860 = tpu.memref_squeeze %dma_start3A_859 : memref<1x1x8x64xf32, #tpu.memory_space<vmem>> -> memref<8x64xf32, #tpu.memory_space<vmem>>
    %dma_start3A_861 = arith.constant 0 : i32
    %dma_start3A_862 = tpu.memref_slice %arg3[%multiple_of3A_854, %dma_start3A_861] : memref<1000000x64xf32, #tpu.memory_space<hbm>> -> memref<8x64xf32, #tpu.memory_space<hbm>>
    %dma_start3A_863 = arith.constant 0 : i32
    %dma_start3A_864 = arith.constant 0 : i32
    %dma_start3A_865 = tpu.memref_slice %arg9[%dma_start3A_855, %dma_start3A_856, %dma_start3A_863, %dma_start3A_864] : memref<2x16x8x64xf32, #tpu.memory_space<vmem>> -> memref<1x1x8x64xf32, #tpu.memory_space<vmem>>
    %dma_start3A_866 = tpu.memref_squeeze %dma_start3A_865 : memref<1x1x8x64xf32, #tpu.memory_space<vmem>> -> memref<8x64xf32, #tpu.memory_space<vmem>>
    %dma_start3A_867 = arith.constant 0 : i32
    %dma_start3A_868 = tpu.memref_slice %arg3[%multiple_of3A_854, %dma_start3A_867] : memref<1000000x64xf32, #tpu.memory_space<hbm>> -> memref<8x64xf32, #tpu.memory_space<hbm>>
    tpu.enqueue_dma source(%dma_start3A_868 : memref<8x64xf32, #tpu.memory_space<hbm>>) target(%dma_start3A_866 : memref<8x64xf32, #tpu.memory_space<vmem>>) target_semaphore(%arg11 : memref<!tpu.dma_semaphore, #tpu.memory_space<semaphore_mem>>)
    %slice3A_869 = vector.extract_strided_slice %get3A_817 {offsets = [3], sizes = [1], strides = [1]} : vector<16xi32> to vector<1xi32>
    %squeeze3A_870 = vector.extract %slice3A_869[0] : i32 from vector<1xi32>
    %multiple_of3A_871 = tpu.assume_multiple %squeeze3A_870, 8 : i32
    %dma_start3A_872 = arith.constant 1 : i32
    %dma_start3A_873 = arith.constant 3 : i32
    %dma_start3A_874 = arith.constant 0 : i32
    %dma_start3A_875 = arith.constant 0 : i32
    %dma_start3A_876 = tpu.memref_slice %arg9[%dma_start3A_872, %dma_start3A_873, %dma_start3A_874, %dma_start3A_875] : memref<2x16x8x64xf32, #tpu.memory_space<vmem>> -> memref<1x1x8x64xf32, #tpu.memory_space<vmem>>
    %dma_start3A_877 = tpu.memref_squeeze %dma_start3A_876 : memref<1x1x8x64xf32, #tpu.memory_space<vmem>> -> memref<8x64xf32, #tpu.memory_space<vmem>>
    %dma_start3A_878 = arith.constant 0 : i32
    %dma_start3A_879 = tpu.memref_slice %arg3[%multiple_of3A_871, %dma_start3A_878] : memref<1000000x64xf32, #tpu.memory_space<hbm>> -> memref<8x64xf32, #tpu.memory_space<hbm>>
    %dma_start3A_880 = arith.constant 0 : i32
    %dma_start3A_881 = arith.constant 0 : i32
    %dma_start3A_882 = tpu.memref_slice %arg9[%dma_start3A_872, %dma_start3A_873, %dma_start3A_880, %dma_start3A_881] : memref<2x16x8x64xf32, #tpu.memory_space<vmem>> -> memref<1x1x8x64xf32, #tpu.memory_space<vmem>>
    %dma_start3A_883 = tpu.memref_squeeze %dma_start3A_882 : memref<1x1x8x64xf32, #tpu.memory_space<vmem>> -> memref<8x64xf32, #tpu.memory_space<vmem>>
    %dma_start3A_884 = arith.constant 0 : i32
    %dma_start3A_885 = tpu.memref_slice %arg3[%multiple_of3A_871, %dma_start3A_884] : memref<1000000x64xf32, #tpu.memory_space<hbm>> -> memref<8x64xf32, #tpu.memory_space<hbm>>
    tpu.enqueue_dma source(%dma_start3A_885 : memref<8x64xf32, #tpu.memory_space<hbm>>) target(%dma_start3A_883 : memref<8x64xf32, #tpu.memory_space<vmem>>) target_semaphore(%arg11 : memref<!tpu.dma_semaphore, #tpu.memory_space<semaphore_mem>>)
    %slice3A_886 = vector.extract_strided_slice %get3A_817 {offsets = [4], sizes = [1], strides = [1]} : vector<16xi32> to vector<1xi32>
    %squeeze3A_887 = vector.extract %slice3A_886[0] : i32 from vector<1xi32>
    %multiple_of3A_888 = tpu.assume_multiple %squeeze3A_887, 8 : i32
    %dma_start3A_889 = arith.constant 1 : i32
    %dma_start3A_890 = arith.constant 4 : i32
    %dma_start3A_891 = arith.constant 0 : i32
    %dma_start3A_892 = arith.constant 0 : i32
    %dma_start3A_893 = tpu.memref_slice %arg9[%dma_start3A_889, %dma_start3A_890, %dma_start3A_891, %dma_start3A_892] : memref<2x16x8x64xf32, #tpu.memory_space<vmem>> -> memref<1x1x8x64xf32, #tpu.memory_space<vmem>>
    %dma_start3A_894 = tpu.memref_squeeze %dma_start3A_893 : memref<1x1x8x64xf32, #tpu.memory_space<vmem>> -> memref<8x64xf32, #tpu.memory_space<vmem>>
    %dma_start3A_895 = arith.constant 0 : i32
    %dma_start3A_896 = tpu.memref_slice %arg3[%multiple_of3A_888, %dma_start3A_895] : memref<1000000x64xf32, #tpu.memory_space<hbm>> -> memref<8x64xf32, #tpu.memory_space<hbm>>
    %dma_start3A_897 = arith.constant 0 : i32
    %dma_start3A_898 = arith.constant 0 : i32
    %dma_start3A_899 = tpu.memref_slice %arg9[%dma_start3A_889, %dma_start3A_890, %dma_start3A_897, %dma_start3A_898] : memref<2x16x8x64xf32, #tpu.memory_space<vmem>> -> memref<1x1x8x64xf32, #tpu.memory_space<vmem>>
    %dma_start3A_900 = tpu.memref_squeeze %dma_start3A_899 : memref<1x1x8x64xf32, #tpu.memory_space<vmem>> -> memref<8x64xf32, #tpu.memory_space<vmem>>
    %dma_start3A_901 = arith.constant 0 : i32
    %dma_start3A_902 = tpu.memref_slice %arg3[%multiple_of3A_888, %dma_start3A_901] : memref<1000000x64xf32, #tpu.memory_space<hbm>> -> memref<8x64xf32, #tpu.memory_space<hbm>>
    tpu.enqueue_dma source(%dma_start3A_902 : memref<8x64xf32, #tpu.memory_space<hbm>>) target(%dma_start3A_900 : memref<8x64xf32, #tpu.memory_space<vmem>>) target_semaphore(%arg11 : memref<!tpu.dma_semaphore, #tpu.memory_space<semaphore_mem>>)
    %slice3A_903 = vector.extract_strided_slice %get3A_817 {offsets = [5], sizes = [1], strides = [1]} : vector<16xi32> to vector<1xi32>
    %squeeze3A_904 = vector.extract %slice3A_903[0] : i32 from vector<1xi32>
    %multiple_of3A_905 = tpu.assume_multiple %squeeze3A_904, 8 : i32
    %dma_start3A_906 = arith.constant 1 : i32
    %dma_start3A_907 = arith.constant 5 : i32
    %dma_start3A_908 = arith.constant 0 : i32
    %dma_start3A_909 = arith.constant 0 : i32
    %dma_start3A_910 = tpu.memref_slice %arg9[%dma_start3A_906, %dma_start3A_907, %dma_start3A_908, %dma_start3A_909] : memref<2x16x8x64xf32, #tpu.memory_space<vmem>> -> memref<1x1x8x64xf32, #tpu.memory_space<vmem>>
    %dma_start3A_911 = tpu.memref_squeeze %dma_start3A_910 : memref<1x1x8x64xf32, #tpu.memory_space<vmem>> -> memref<8x64xf32, #tpu.memory_space<vmem>>
    %dma_start3A_912 = arith.constant 0 : i32
    %dma_start3A_913 = tpu.memref_slice %arg3[%multiple_of3A_905, %dma_start3A_912] : memref<1000000x64xf32, #tpu.memory_space<hbm>> -> memref<8x64xf32, #tpu.memory_space<hbm>>
    %dma_start3A_914 = arith.constant 0 : i32
    %dma_start3A_915 = arith.constant 0 : i32
    %dma_start3A_916 = tpu.memref_slice %arg9[%dma_start3A_906, %dma_start3A_907, %dma_start3A_914, %dma_start3A_915] : memref<2x16x8x64xf32, #tpu.memory_space<vmem>> -> memref<1x1x8x64xf32, #tpu.memory_space<vmem>>
    %dma_start3A_917 = tpu.memref_squeeze %dma_start3A_916 : memref<1x1x8x64xf32, #tpu.memory_space<vmem>> -> memref<8x64xf32, #tpu.memory_space<vmem>>
    %dma_start3A_918 = arith.constant 0 : i32
    %dma_start3A_919 = tpu.memref_slice %arg3[%multiple_of3A_905, %dma_start3A_918] : memref<1000000x64xf32, #tpu.memory_space<hbm>> -> memref<8x64xf32, #tpu.memory_space<hbm>>
    tpu.enqueue_dma source(%dma_start3A_919 : memref<8x64xf32, #tpu.memory_space<hbm>>) target(%dma_start3A_917 : memref<8x64xf32, #tpu.memory_space<vmem>>) target_semaphore(%arg11 : memref<!tpu.dma_semaphore, #tpu.memory_space<semaphore_mem>>)
    %slice3A_920 = vector.extract_strided_slice %get3A_817 {offsets = [6], sizes = [1], strides = [1]} : vector<16xi32> to vector<1xi32>
    %squeeze3A_921 = vector.extract %slice3A_920[0] : i32 from vector<1xi32>
    %multiple_of3A_922 = tpu.assume_multiple %squeeze3A_921, 8 : i32
    %dma_start3A_923 = arith.constant 1 : i32
    %dma_start3A_924 = arith.constant 6 : i32
    %dma_start3A_925 = arith.constant 0 : i32
    %dma_start3A_926 = arith.constant 0 : i32
    %dma_start3A_927 = tpu.memref_slice %arg9[%dma_start3A_923, %dma_start3A_924, %dma_start3A_925, %dma_start3A_926] : memref<2x16x8x64xf32, #tpu.memory_space<vmem>> -> memref<1x1x8x64xf32, #tpu.memory_space<vmem>>
    %dma_start3A_928 = tpu.memref_squeeze %dma_start3A_927 : memref<1x1x8x64xf32, #tpu.memory_space<vmem>> -> memref<8x64xf32, #tpu.memory_space<vmem>>
    %dma_start3A_929 = arith.constant 0 : i32
    %dma_start3A_930 = tpu.memref_slice %arg3[%multiple_of3A_922, %dma_start3A_929] : memref<1000000x64xf32, #tpu.memory_space<hbm>> -> memref<8x64xf32, #tpu.memory_space<hbm>>
    %dma_start3A_931 = arith.constant 0 : i32
    %dma_start3A_932 = arith.constant 0 : i32
    %dma_start3A_933 = tpu.memref_slice %arg9[%dma_start3A_923, %dma_start3A_924, %dma_start3A_931, %dma_start3A_932] : memref<2x16x8x64xf32, #tpu.memory_space<vmem>> -> memref<1x1x8x64xf32, #tpu.memory_space<vmem>>
    %dma_start3A_934 = tpu.memref_squeeze %dma_start3A_933 : memref<1x1x8x64xf32, #tpu.memory_space<vmem>> -> memref<8x64xf32, #tpu.memory_space<vmem>>
    %dma_start3A_935 = arith.constant 0 : i32
    %dma_start3A_936 = tpu.memref_slice %arg3[%multiple_of3A_922, %dma_start3A_935] : memref<1000000x64xf32, #tpu.memory_space<hbm>> -> memref<8x64xf32, #tpu.memory_space<hbm>>
    tpu.enqueue_dma source(%dma_start3A_936 : memref<8x64xf32, #tpu.memory_space<hbm>>) target(%dma_start3A_934 : memref<8x64xf32, #tpu.memory_space<vmem>>) target_semaphore(%arg11 : memref<!tpu.dma_semaphore, #tpu.memory_space<semaphore_mem>>)
    %slice3A_937 = vector.extract_strided_slice %get3A_817 {offsets = [7], sizes = [1], strides = [1]} : vector<16xi32> to vector<1xi32>
    %squeeze3A_938 = vector.extract %slice3A_937[0] : i32 from vector<1xi32>
    %multiple_of3A_939 = tpu.assume_multiple %squeeze3A_938, 8 : i32
    %dma_start3A_940 = arith.constant 1 : i32
    %dma_start3A_941 = arith.constant 7 : i32
    %dma_start3A_942 = arith.constant 0 : i32
    %dma_start3A_943 = arith.constant 0 : i32
    %dma_start3A_944 = tpu.memref_slice %arg9[%dma_start3A_940, %dma_start3A_941, %dma_start3A_942, %dma_start3A_943] : memref<2x16x8x64xf32, #tpu.memory_space<vmem>> -> memref<1x1x8x64xf32, #tpu.memory_space<vmem>>
    %dma_start3A_945 = tpu.memref_squeeze %dma_start3A_944 : memref<1x1x8x64xf32, #tpu.memory_space<vmem>> -> memref<8x64xf32, #tpu.memory_space<vmem>>
    %dma_start3A_946 = arith.constant 0 : i32
    %dma_start3A_947 = tpu.memref_slice %arg3[%multiple_of3A_939, %dma_start3A_946] : memref<1000000x64xf32, #tpu.memory_space<hbm>> -> memref<8x64xf32, #tpu.memory_space<hbm>>
    %dma_start3A_948 = arith.constant 0 : i32
    %dma_start3A_949 = arith.constant 0 : i32
    %dma_start3A_950 = tpu.memref_slice %arg9[%dma_start3A_940, %dma_start3A_941, %dma_start3A_948, %dma_start3A_949] : memref<2x16x8x64xf32, #tpu.memory_space<vmem>> -> memref<1x1x8x64xf32, #tpu.memory_space<vmem>>
    %dma_start3A_951 = tpu.memref_squeeze %dma_start3A_950 : memref<1x1x8x64xf32, #tpu.memory_space<vmem>> -> memref<8x64xf32, #tpu.memory_space<vmem>>
    %dma_start3A_952 = arith.constant 0 : i32
    %dma_start3A_953 = tpu.memref_slice %arg3[%multiple_of3A_939, %dma_start3A_952] : memref<1000000x64xf32, #tpu.memory_space<hbm>> -> memref<8x64xf32, #tpu.memory_space<hbm>>
    tpu.enqueue_dma source(%dma_start3A_953 : memref<8x64xf32, #tpu.memory_space<hbm>>) target(%dma_start3A_951 : memref<8x64xf32, #tpu.memory_space<vmem>>) target_semaphore(%arg11 : memref<!tpu.dma_semaphore, #tpu.memory_space<semaphore_mem>>)
    %slice3A_954 = vector.extract_strided_slice %get3A_817 {offsets = [8], sizes = [1], strides = [1]} : vector<16xi32> to vector<1xi32>
    %squeeze3A_955 = vector.extract %slice3A_954[0] : i32 from vector<1xi32>
    %multiple_of3A_956 = tpu.assume_multiple %squeeze3A_955, 8 : i32
    %dma_start3A_957 = arith.constant 1 : i32
    %dma_start3A_958 = arith.constant 8 : i32
    %dma_start3A_959 = arith.constant 0 : i32
    %dma_start3A_960 = arith.constant 0 : i32
    %dma_start3A_961 = tpu.memref_slice %arg9[%dma_start3A_957, %dma_start3A_958, %dma_start3A_959, %dma_start3A_960] : memref<2x16x8x64xf32, #tpu.memory_space<vmem>> -> memref<1x1x8x64xf32, #tpu.memory_space<vmem>>
    %dma_start3A_962 = tpu.memref_squeeze %dma_start3A_961 : memref<1x1x8x64xf32, #tpu.memory_space<vmem>> -> memref<8x64xf32, #tpu.memory_space<vmem>>
    %dma_start3A_963 = arith.constant 0 : i32
    %dma_start3A_964 = tpu.memref_slice %arg3[%multiple_of3A_956, %dma_start3A_963] : memref<1000000x64xf32, #tpu.memory_space<hbm>> -> memref<8x64xf32, #tpu.memory_space<hbm>>
    %dma_start3A_965 = arith.constant 0 : i32
    %dma_start3A_966 = arith.constant 0 : i32
    %dma_start3A_967 = tpu.memref_slice %arg9[%dma_start3A_957, %dma_start3A_958, %dma_start3A_965, %dma_start3A_966] : memref<2x16x8x64xf32, #tpu.memory_space<vmem>> -> memref<1x1x8x64xf32, #tpu.memory_space<vmem>>
    %dma_start3A_968 = tpu.memref_squeeze %dma_start3A_967 : memref<1x1x8x64xf32, #tpu.memory_space<vmem>> -> memref<8x64xf32, #tpu.memory_space<vmem>>
    %dma_start3A_969 = arith.constant 0 : i32
    %dma_start3A_970 = tpu.memref_slice %arg3[%multiple_of3A_956, %dma_start3A_969] : memref<1000000x64xf32, #tpu.memory_space<hbm>> -> memref<8x64xf32, #tpu.memory_space<hbm>>
    tpu.enqueue_dma source(%dma_start3A_970 : memref<8x64xf32, #tpu.memory_space<hbm>>) target(%dma_start3A_968 : memref<8x64xf32, #tpu.memory_space<vmem>>) target_semaphore(%arg11 : memref<!tpu.dma_semaphore, #tpu.memory_space<semaphore_mem>>)
    %slice3A_971 = vector.extract_strided_slice %get3A_817 {offsets = [9], sizes = [1], strides = [1]} : vector<16xi32> to vector<1xi32>
    %squeeze3A_972 = vector.extract %slice3A_971[0] : i32 from vector<1xi32>
    %multiple_of3A_973 = tpu.assume_multiple %squeeze3A_972, 8 : i32
    %dma_start3A_974 = arith.constant 1 : i32
    %dma_start3A_975 = arith.constant 9 : i32
    %dma_start3A_976 = arith.constant 0 : i32
    %dma_start3A_977 = arith.constant 0 : i32
    %dma_start3A_978 = tpu.memref_slice %arg9[%dma_start3A_974, %dma_start3A_975, %dma_start3A_976, %dma_start3A_977] : memref<2x16x8x64xf32, #tpu.memory_space<vmem>> -> memref<1x1x8x64xf32, #tpu.memory_space<vmem>>
    %dma_start3A_979 = tpu.memref_squeeze %dma_start3A_978 : memref<1x1x8x64xf32, #tpu.memory_space<vmem>> -> memref<8x64xf32, #tpu.memory_space<vmem>>
    %dma_start3A_980 = arith.constant 0 : i32
    %dma_start3A_981 = tpu.memref_slice %arg3[%multiple_of3A_973, %dma_start3A_980] : memref<1000000x64xf32, #tpu.memory_space<hbm>> -> memref<8x64xf32, #tpu.memory_space<hbm>>
    %dma_start3A_982 = arith.constant 0 : i32
    %dma_start3A_983 = arith.constant 0 : i32
    %dma_start3A_984 = tpu.memref_slice %arg9[%dma_start3A_974, %dma_start3A_975, %dma_start3A_982, %dma_start3A_983] : memref<2x16x8x64xf32, #tpu.memory_space<vmem>> -> memref<1x1x8x64xf32, #tpu.memory_space<vmem>>
    %dma_start3A_985 = tpu.memref_squeeze %dma_start3A_984 : memref<1x1x8x64xf32, #tpu.memory_space<vmem>> -> memref<8x64xf32, #tpu.memory_space<vmem>>
    %dma_start3A_986 = arith.constant 0 : i32
    %dma_start3A_987 = tpu.memref_slice %arg3[%multiple_of3A_973, %dma_start3A_986] : memref<1000000x64xf32, #tpu.memory_space<hbm>> -> memref<8x64xf32, #tpu.memory_space<hbm>>
    tpu.enqueue_dma source(%dma_start3A_987 : memref<8x64xf32, #tpu.memory_space<hbm>>) target(%dma_start3A_985 : memref<8x64xf32, #tpu.memory_space<vmem>>) target_semaphore(%arg11 : memref<!tpu.dma_semaphore, #tpu.memory_space<semaphore_mem>>)
    %slice3A_988 = vector.extract_strided_slice %get3A_817 {offsets = [10], sizes = [1], strides = [1]} : vector<16xi32> to vector<1xi32>
    %squeeze3A_989 = vector.extract %slice3A_988[0] : i32 from vector<1xi32>
    %multiple_of3A_990 = tpu.assume_multiple %squeeze3A_989, 8 : i32
    %dma_start3A_991 = arith.constant 1 : i32
    %dma_start3A_992 = arith.constant 10 : i32
    %dma_start3A_993 = arith.constant 0 : i32
    %dma_start3A_994 = arith.constant 0 : i32
    %dma_start3A_995 = tpu.memref_slice %arg9[%dma_start3A_991, %dma_start3A_992, %dma_start3A_993, %dma_start3A_994] : memref<2x16x8x64xf32, #tpu.memory_space<vmem>> -> memref<1x1x8x64xf32, #tpu.memory_space<vmem>>
    %dma_start3A_996 = tpu.memref_squeeze %dma_start3A_995 : memref<1x1x8x64xf32, #tpu.memory_space<vmem>> -> memref<8x64xf32, #tpu.memory_space<vmem>>
    %dma_start3A_997 = arith.constant 0 : i32
    %dma_start3A_998 = tpu.memref_slice %arg3[%multiple_of3A_990, %dma_start3A_997] : memref<1000000x64xf32, #tpu.memory_space<hbm>> -> memref<8x64xf32, #tpu.memory_space<hbm>>
    %dma_start3A_999 = arith.constant 0 : i32
    %dma_start3A_1000 = arith.constant 0 : i32
    %dma_start3A_1001 = tpu.memref_slice %arg9[%dma_start3A_991, %dma_start3A_992, %dma_start3A_999, %dma_start3A_1000] : memref<2x16x8x64xf32, #tpu.memory_space<vmem>> -> memref<1x1x8x64xf32, #tpu.memory_space<vmem>>
    %dma_start3A_1002 = tpu.memref_squeeze %dma_start3A_1001 : memref<1x1x8x64xf32, #tpu.memory_space<vmem>> -> memref<8x64xf32, #tpu.memory_space<vmem>>
    %dma_start3A_1003 = arith.constant 0 : i32
    %dma_start3A_1004 = tpu.memref_slice %arg3[%multiple_of3A_990, %dma_start3A_1003] : memref<1000000x64xf32, #tpu.memory_space<hbm>> -> memref<8x64xf32, #tpu.memory_space<hbm>>
    tpu.enqueue_dma source(%dma_start3A_1004 : memref<8x64xf32, #tpu.memory_space<hbm>>) target(%dma_start3A_1002 : memref<8x64xf32, #tpu.memory_space<vmem>>) target_semaphore(%arg11 : memref<!tpu.dma_semaphore, #tpu.memory_space<semaphore_mem>>)
    %slice3A_1005 = vector.extract_strided_slice %get3A_817 {offsets = [11], sizes = [1], strides = [1]} : vector<16xi32> to vector<1xi32>
    %squeeze3A_1006 = vector.extract %slice3A_1005[0] : i32 from vector<1xi32>
    %multiple_of3A_1007 = tpu.assume_multiple %squeeze3A_1006, 8 : i32
    %dma_start3A_1008 = arith.constant 1 : i32
    %dma_start3A_1009 = arith.constant 11 : i32
    %dma_start3A_1010 = arith.constant 0 : i32
    %dma_start3A_1011 = arith.constant 0 : i32
    %dma_start3A_1012 = tpu.memref_slice %arg9[%dma_start3A_1008, %dma_start3A_1009, %dma_start3A_1010, %dma_start3A_1011] : memref<2x16x8x64xf32, #tpu.memory_space<vmem>> -> memref<1x1x8x64xf32, #tpu.memory_space<vmem>>
    %dma_start3A_1013 = tpu.memref_squeeze %dma_start3A_1012 : memref<1x1x8x64xf32, #tpu.memory_space<vmem>> -> memref<8x64xf32, #tpu.memory_space<vmem>>
    %dma_start3A_1014 = arith.constant 0 : i32
    %dma_start3A_1015 = tpu.memref_slice %arg3[%multiple_of3A_1007, %dma_start3A_1014] : memref<1000000x64xf32, #tpu.memory_space<hbm>> -> memref<8x64xf32, #tpu.memory_space<hbm>>
    %dma_start3A_1016 = arith.constant 0 : i32
    %dma_start3A_1017 = arith.constant 0 : i32
    %dma_start3A_1018 = tpu.memref_slice %arg9[%dma_start3A_1008, %dma_start3A_1009, %dma_start3A_1016, %dma_start3A_1017] : memref<2x16x8x64xf32, #tpu.memory_space<vmem>> -> memref<1x1x8x64xf32, #tpu.memory_space<vmem>>
    %dma_start3A_1019 = tpu.memref_squeeze %dma_start3A_1018 : memref<1x1x8x64xf32, #tpu.memory_space<vmem>> -> memref<8x64xf32, #tpu.memory_space<vmem>>
    %dma_start3A_1020 = arith.constant 0 : i32
    %dma_start3A_1021 = tpu.memref_slice %arg3[%multiple_of3A_1007, %dma_start3A_1020] : memref<1000000x64xf32, #tpu.memory_space<hbm>> -> memref<8x64xf32, #tpu.memory_space<hbm>>
    tpu.enqueue_dma source(%dma_start3A_1021 : memref<8x64xf32, #tpu.memory_space<hbm>>) target(%dma_start3A_1019 : memref<8x64xf32, #tpu.memory_space<vmem>>) target_semaphore(%arg11 : memref<!tpu.dma_semaphore, #tpu.memory_space<semaphore_mem>>)
    %slice3A_1022 = vector.extract_strided_slice %get3A_817 {offsets = [12], sizes = [1], strides = [1]} : vector<16xi32> to vector<1xi32>
    %squeeze3A_1023 = vector.extract %slice3A_1022[0] : i32 from vector<1xi32>
    %multiple_of3A_1024 = tpu.assume_multiple %squeeze3A_1023, 8 : i32
    %dma_start3A_1025 = arith.constant 1 : i32
    %dma_start3A_1026 = arith.constant 12 : i32
    %dma_start3A_1027 = arith.constant 0 : i32
    %dma_start3A_1028 = arith.constant 0 : i32
    %dma_start3A_1029 = tpu.memref_slice %arg9[%dma_start3A_1025, %dma_start3A_1026, %dma_start3A_1027, %dma_start3A_1028] : memref<2x16x8x64xf32, #tpu.memory_space<vmem>> -> memref<1x1x8x64xf32, #tpu.memory_space<vmem>>
    %dma_start3A_1030 = tpu.memref_squeeze %dma_start3A_1029 : memref<1x1x8x64xf32, #tpu.memory_space<vmem>> -> memref<8x64xf32, #tpu.memory_space<vmem>>
    %dma_start3A_1031 = arith.constant 0 : i32
    %dma_start3A_1032 = tpu.memref_slice %arg3[%multiple_of3A_1024, %dma_start3A_1031] : memref<1000000x64xf32, #tpu.memory_space<hbm>> -> memref<8x64xf32, #tpu.memory_space<hbm>>
    %dma_start3A_1033 = arith.constant 0 : i32
    %dma_start3A_1034 = arith.constant 0 : i32
    %dma_start3A_1035 = tpu.memref_slice %arg9[%dma_start3A_1025, %dma_start3A_1026, %dma_start3A_1033, %dma_start3A_1034] : memref<2x16x8x64xf32, #tpu.memory_space<vmem>> -> memref<1x1x8x64xf32, #tpu.memory_space<vmem>>
    %dma_start3A_1036 = tpu.memref_squeeze %dma_start3A_1035 : memref<1x1x8x64xf32, #tpu.memory_space<vmem>> -> memref<8x64xf32, #tpu.memory_space<vmem>>
    %dma_start3A_1037 = arith.constant 0 : i32
    %dma_start3A_1038 = tpu.memref_slice %arg3[%multiple_of3A_1024, %dma_start3A_1037] : memref<1000000x64xf32, #tpu.memory_space<hbm>> -> memref<8x64xf32, #tpu.memory_space<hbm>>
    tpu.enqueue_dma source(%dma_start3A_1038 : memref<8x64xf32, #tpu.memory_space<hbm>>) target(%dma_start3A_1036 : memref<8x64xf32, #tpu.memory_space<vmem>>) target_semaphore(%arg11 : memref<!tpu.dma_semaphore, #tpu.memory_space<semaphore_mem>>)
    %slice3A_1039 = vector.extract_strided_slice %get3A_817 {offsets = [13], sizes = [1], strides = [1]} : vector<16xi32> to vector<1xi32>
    %squeeze3A_1040 = vector.extract %slice3A_1039[0] : i32 from vector<1xi32>
    %multiple_of3A_1041 = tpu.assume_multiple %squeeze3A_1040, 8 : i32
    %dma_start3A_1042 = arith.constant 1 : i32
    %dma_start3A_1043 = arith.constant 13 : i32
    %dma_start3A_1044 = arith.constant 0 : i32
    %dma_start3A_1045 = arith.constant 0 : i32
    %dma_start3A_1046 = tpu.memref_slice %arg9[%dma_start3A_1042, %dma_start3A_1043, %dma_start3A_1044, %dma_start3A_1045] : memref<2x16x8x64xf32, #tpu.memory_space<vmem>> -> memref<1x1x8x64xf32, #tpu.memory_space<vmem>>
    %dma_start3A_1047 = tpu.memref_squeeze %dma_start3A_1046 : memref<1x1x8x64xf32, #tpu.memory_space<vmem>> -> memref<8x64xf32, #tpu.memory_space<vmem>>
    %dma_start3A_1048 = arith.constant 0 : i32
    %dma_start3A_1049 = tpu.memref_slice %arg3[%multiple_of3A_1041, %dma_start3A_1048] : memref<1000000x64xf32, #tpu.memory_space<hbm>> -> memref<8x64xf32, #tpu.memory_space<hbm>>
    %dma_start3A_1050 = arith.constant 0 : i32
    %dma_start3A_1051 = arith.constant 0 : i32
    %dma_start3A_1052 = tpu.memref_slice %arg9[%dma_start3A_1042, %dma_start3A_1043, %dma_start3A_1050, %dma_start3A_1051] : memref<2x16x8x64xf32, #tpu.memory_space<vmem>> -> memref<1x1x8x64xf32, #tpu.memory_space<vmem>>
    %dma_start3A_1053 = tpu.memref_squeeze %dma_start3A_1052 : memref<1x1x8x64xf32, #tpu.memory_space<vmem>> -> memref<8x64xf32, #tpu.memory_space<vmem>>
    %dma_start3A_1054 = arith.constant 0 : i32
    %dma_start3A_1055 = tpu.memref_slice %arg3[%multiple_of3A_1041, %dma_start3A_1054] : memref<1000000x64xf32, #tpu.memory_space<hbm>> -> memref<8x64xf32, #tpu.memory_space<hbm>>
    tpu.enqueue_dma source(%dma_start3A_1055 : memref<8x64xf32, #tpu.memory_space<hbm>>) target(%dma_start3A_1053 : memref<8x64xf32, #tpu.memory_space<vmem>>) target_semaphore(%arg11 : memref<!tpu.dma_semaphore, #tpu.memory_space<semaphore_mem>>)
    %slice3A_1056 = vector.extract_strided_slice %get3A_817 {offsets = [14], sizes = [1], strides = [1]} : vector<16xi32> to vector<1xi32>
    %squeeze3A_1057 = vector.extract %slice3A_1056[0] : i32 from vector<1xi32>
    %multiple_of3A_1058 = tpu.assume_multiple %squeeze3A_1057, 8 : i32
    %dma_start3A_1059 = arith.constant 1 : i32
    %dma_start3A_1060 = arith.constant 14 : i32
    %dma_start3A_1061 = arith.constant 0 : i32
    %dma_start3A_1062 = arith.constant 0 : i32
    %dma_start3A_1063 = tpu.memref_slice %arg9[%dma_start3A_1059, %dma_start3A_1060, %dma_start3A_1061, %dma_start3A_1062] : memref<2x16x8x64xf32, #tpu.memory_space<vmem>> -> memref<1x1x8x64xf32, #tpu.memory_space<vmem>>
    %dma_start3A_1064 = tpu.memref_squeeze %dma_start3A_1063 : memref<1x1x8x64xf32, #tpu.memory_space<vmem>> -> memref<8x64xf32, #tpu.memory_space<vmem>>
    %dma_start3A_1065 = arith.constant 0 : i32
    %dma_start3A_1066 = tpu.memref_slice %arg3[%multiple_of3A_1058, %dma_start3A_1065] : memref<1000000x64xf32, #tpu.memory_space<hbm>> -> memref<8x64xf32, #tpu.memory_space<hbm>>
    %dma_start3A_1067 = arith.constant 0 : i32
    %dma_start3A_1068 = arith.constant 0 : i32
    %dma_start3A_1069 = tpu.memref_slice %arg9[%dma_start3A_1059, %dma_start3A_1060, %dma_start3A_1067, %dma_start3A_1068] : memref<2x16x8x64xf32, #tpu.memory_space<vmem>> -> memref<1x1x8x64xf32, #tpu.memory_space<vmem>>
    %dma_start3A_1070 = tpu.memref_squeeze %dma_start3A_1069 : memref<1x1x8x64xf32, #tpu.memory_space<vmem>> -> memref<8x64xf32, #tpu.memory_space<vmem>>
    %dma_start3A_1071 = arith.constant 0 : i32
    %dma_start3A_1072 = tpu.memref_slice %arg3[%multiple_of3A_1058, %dma_start3A_1071] : memref<1000000x64xf32, #tpu.memory_space<hbm>> -> memref<8x64xf32, #tpu.memory_space<hbm>>
    tpu.enqueue_dma source(%dma_start3A_1072 : memref<8x64xf32, #tpu.memory_space<hbm>>) target(%dma_start3A_1070 : memref<8x64xf32, #tpu.memory_space<vmem>>) target_semaphore(%arg11 : memref<!tpu.dma_semaphore, #tpu.memory_space<semaphore_mem>>)
    %slice3A_1073 = vector.extract_strided_slice %get3A_817 {offsets = [15], sizes = [1], strides = [1]} : vector<16xi32> to vector<1xi32>
    %squeeze3A_1074 = vector.extract %slice3A_1073[0] : i32 from vector<1xi32>
    %multiple_of3A_1075 = tpu.assume_multiple %squeeze3A_1074, 8 : i32
    %dma_start3A_1076 = arith.constant 1 : i32
    %dma_start3A_1077 = arith.constant 15 : i32
    %dma_start3A_1078 = arith.constant 0 : i32
    %dma_start3A_1079 = arith.constant 0 : i32
    %dma_start3A_1080 = tpu.memref_slice %arg9[%dma_start3A_1076, %dma_start3A_1077, %dma_start3A_1078, %dma_start3A_1079] : memref<2x16x8x64xf32, #tpu.memory_space<vmem>> -> memref<1x1x8x64xf32, #tpu.memory_space<vmem>>
    %dma_start3A_1081 = tpu.memref_squeeze %dma_start3A_1080 : memref<1x1x8x64xf32, #tpu.memory_space<vmem>> -> memref<8x64xf32, #tpu.memory_space<vmem>>
    %dma_start3A_1082 = arith.constant 0 : i32
    %dma_start3A_1083 = tpu.memref_slice %arg3[%multiple_of3A_1075, %dma_start3A_1082] : memref<1000000x64xf32, #tpu.memory_space<hbm>> -> memref<8x64xf32, #tpu.memory_space<hbm>>
    %dma_start3A_1084 = arith.constant 0 : i32
    %dma_start3A_1085 = arith.constant 0 : i32
    %dma_start3A_1086 = tpu.memref_slice %arg9[%dma_start3A_1076, %dma_start3A_1077, %dma_start3A_1084, %dma_start3A_1085] : memref<2x16x8x64xf32, #tpu.memory_space<vmem>> -> memref<1x1x8x64xf32, #tpu.memory_space<vmem>>
    %dma_start3A_1087 = tpu.memref_squeeze %dma_start3A_1086 : memref<1x1x8x64xf32, #tpu.memory_space<vmem>> -> memref<8x64xf32, #tpu.memory_space<vmem>>
    %dma_start3A_1088 = arith.constant 0 : i32
    %dma_start3A_1089 = tpu.memref_slice %arg3[%multiple_of3A_1075, %dma_start3A_1088] : memref<1000000x64xf32, #tpu.memory_space<hbm>> -> memref<8x64xf32, #tpu.memory_space<hbm>>
    tpu.enqueue_dma source(%dma_start3A_1089 : memref<8x64xf32, #tpu.memory_space<hbm>>) target(%dma_start3A_1087 : memref<8x64xf32, #tpu.memory_space<vmem>>) target_semaphore(%arg11 : memref<!tpu.dma_semaphore, #tpu.memory_space<semaphore_mem>>)
    %scan3A = arith.constant 0 : i32
    %scan3A_1090 = arith.constant 0 : i32
    %scan3A_1091 = arith.constant 16 : i32
    %scan3A_1092 = arith.addi %scan3A_1090, %scan3A_1091 : i32
    %scan3A_1093 = arith.constant 1 : i32
    scf.for %scan3A_1095 = %scan3A_1090 to %scan3A_1092 step %scan3A_1093  : i32 {
      %mul3A_1096 = arith.constant 2 : i32
      %mul3A_1097 = arith.muli %scan3A_1095, %mul3A_1096 : i32
      %dma_wait3A = arith.constant 0 : i32
      %dma_wait3A_1098 = arith.constant 0 : i32
      %dma_wait3A_1099 = arith.constant 0 : i32
      %dma_wait3A_1100 = arith.constant 0 : i32
      %dma_wait3A_1101 = tpu.memref_slice %arg9[%dma_wait3A, %dma_wait3A_1098, %dma_wait3A_1099, %dma_wait3A_1100] : memref<2x16x8x64xf32, #tpu.memory_space<vmem>> -> memref<1x1x8x64xf32, #tpu.memory_space<vmem>>
      %dma_wait3A_1102 = tpu.memref_squeeze %dma_wait3A_1101 : memref<1x1x8x64xf32, #tpu.memory_space<vmem>> -> memref<8x64xf32, #tpu.memory_space<vmem>>
      %dma_wait3A_1103 = arith.constant 0 : i32
      %dma_wait3A_1104 = arith.constant 0 : i32
      %dma_wait3A_1105 = tpu.memref_slice %arg3[%dma_wait3A_1103, %dma_wait3A_1104] : memref<1000000x64xf32, #tpu.memory_space<hbm>> -> memref<8x64xf32, #tpu.memory_space<hbm>>
      %dma_wait3A_1106 = arith.constant 0 : i32
      %dma_wait3A_1107 = arith.constant 0 : i32
      %dma_wait3A_1108 = tpu.memref_slice %arg9[%dma_wait3A, %dma_wait3A_1098, %dma_wait3A_1106, %dma_wait3A_1107] : memref<2x16x8x64xf32, #tpu.memory_space<vmem>> -> memref<1x1x8x64xf32, #tpu.memory_space<vmem>>
      %dma_wait3A_1109 = tpu.memref_squeeze %dma_wait3A_1108 : memref<1x1x8x64xf32, #tpu.memory_space<vmem>> -> memref<8x64xf32, #tpu.memory_space<vmem>>
      %dma_wait3A_1110 = arith.constant 0 : i32
      %dma_wait3A_1111 = arith.constant 0 : i32
      %dma_wait3A_1112 = tpu.memref_slice %arg3[%dma_wait3A_1110, %dma_wait3A_1111] : memref<1000000x64xf32, #tpu.memory_space<hbm>> -> memref<8x64xf32, #tpu.memory_space<hbm>>
      tpu.wait_dma2 semaphore(%arg10 : memref<!tpu.dma_semaphore, #tpu.memory_space<semaphore_mem>>) src(%dma_wait3A_1112 : memref<8x64xf32, #tpu.memory_space<hbm>>) dst(%dma_wait3A_1109 : memref<8x64xf32, #tpu.memory_space<vmem>>)
      %dma_wait3A_1113 = arith.constant 0 : i32
      %dma_wait3A_1114 = arith.constant 1 : i32
      %dma_wait3A_1115 = arith.constant 0 : i32
      %dma_wait3A_1116 = arith.constant 0 : i32
      %dma_wait3A_1117 = tpu.memref_slice %arg9[%dma_wait3A_1113, %dma_wait3A_1114, %dma_wait3A_1115, %dma_wait3A_1116] : memref<2x16x8x64xf32, #tpu.memory_space<vmem>> -> memref<1x1x8x64xf32, #tpu.memory_space<vmem>>
      %dma_wait3A_1118 = tpu.memref_squeeze %dma_wait3A_1117 : memref<1x1x8x64xf32, #tpu.memory_space<vmem>> -> memref<8x64xf32, #tpu.memory_space<vmem>>
      %dma_wait3A_1119 = arith.constant 0 : i32
      %dma_wait3A_1120 = arith.constant 0 : i32
      %dma_wait3A_1121 = tpu.memref_slice %arg3[%dma_wait3A_1119, %dma_wait3A_1120] : memref<1000000x64xf32, #tpu.memory_space<hbm>> -> memref<8x64xf32, #tpu.memory_space<hbm>>
      %dma_wait3A_1122 = arith.constant 0 : i32
      %dma_wait3A_1123 = arith.constant 0 : i32
      %dma_wait3A_1124 = tpu.memref_slice %arg9[%dma_wait3A_1113, %dma_wait3A_1114, %dma_wait3A_1122, %dma_wait3A_1123] : memref<2x16x8x64xf32, #tpu.memory_space<vmem>> -> memref<1x1x8x64xf32, #tpu.memory_space<vmem>>
      %dma_wait3A_1125 = tpu.memref_squeeze %dma_wait3A_1124 : memref<1x1x8x64xf32, #tpu.memory_space<vmem>> -> memref<8x64xf32, #tpu.memory_space<vmem>>
      %dma_wait3A_1126 = arith.constant 0 : i32
      %dma_wait3A_1127 = arith.constant 0 : i32
      %dma_wait3A_1128 = tpu.memref_slice %arg3[%dma_wait3A_1126, %dma_wait3A_1127] : memref<1000000x64xf32, #tpu.memory_space<hbm>> -> memref<8x64xf32, #tpu.memory_space<hbm>>
      tpu.wait_dma2 semaphore(%arg10 : memref<!tpu.dma_semaphore, #tpu.memory_space<semaphore_mem>>) src(%dma_wait3A_1128 : memref<8x64xf32, #tpu.memory_space<hbm>>) dst(%dma_wait3A_1125 : memref<8x64xf32, #tpu.memory_space<vmem>>)
      %dma_wait3A_1129 = arith.constant 0 : i32
      %dma_wait3A_1130 = arith.constant 2 : i32
      %dma_wait3A_1131 = arith.constant 0 : i32
      %dma_wait3A_1132 = arith.constant 0 : i32
      %dma_wait3A_1133 = tpu.memref_slice %arg9[%dma_wait3A_1129, %dma_wait3A_1130, %dma_wait3A_1131, %dma_wait3A_1132] : memref<2x16x8x64xf32, #tpu.memory_space<vmem>> -> memref<1x1x8x64xf32, #tpu.memory_space<vmem>>
      %dma_wait3A_1134 = tpu.memref_squeeze %dma_wait3A_1133 : memref<1x1x8x64xf32, #tpu.memory_space<vmem>> -> memref<8x64xf32, #tpu.memory_space<vmem>>
      %dma_wait3A_1135 = arith.constant 0 : i32
      %dma_wait3A_1136 = arith.constant 0 : i32
      %dma_wait3A_1137 = tpu.memref_slice %arg3[%dma_wait3A_1135, %dma_wait3A_1136] : memref<1000000x64xf32, #tpu.memory_space<hbm>> -> memref<8x64xf32, #tpu.memory_space<hbm>>
      %dma_wait3A_1138 = arith.constant 0 : i32
      %dma_wait3A_1139 = arith.constant 0 : i32
      %dma_wait3A_1140 = tpu.memref_slice %arg9[%dma_wait3A_1129, %dma_wait3A_1130, %dma_wait3A_1138, %dma_wait3A_1139] : memref<2x16x8x64xf32, #tpu.memory_space<vmem>> -> memref<1x1x8x64xf32, #tpu.memory_space<vmem>>
      %dma_wait3A_1141 = tpu.memref_squeeze %dma_wait3A_1140 : memref<1x1x8x64xf32, #tpu.memory_space<vmem>> -> memref<8x64xf32, #tpu.memory_space<vmem>>
      %dma_wait3A_1142 = arith.constant 0 : i32
      %dma_wait3A_1143 = arith.constant 0 : i32
      %dma_wait3A_1144 = tpu.memref_slice %arg3[%dma_wait3A_1142, %dma_wait3A_1143] : memref<1000000x64xf32, #tpu.memory_space<hbm>> -> memref<8x64xf32, #tpu.memory_space<hbm>>
      tpu.wait_dma2 semaphore(%arg10 : memref<!tpu.dma_semaphore, #tpu.memory_space<semaphore_mem>>) src(%dma_wait3A_1144 : memref<8x64xf32, #tpu.memory_space<hbm>>) dst(%dma_wait3A_1141 : memref<8x64xf32, #tpu.memory_space<vmem>>)
      %dma_wait3A_1145 = arith.constant 0 : i32
      %dma_wait3A_1146 = arith.constant 3 : i32
      %dma_wait3A_1147 = arith.constant 0 : i32
      %dma_wait3A_1148 = arith.constant 0 : i32
      %dma_wait3A_1149 = tpu.memref_slice %arg9[%dma_wait3A_1145, %dma_wait3A_1146, %dma_wait3A_1147, %dma_wait3A_1148] : memref<2x16x8x64xf32, #tpu.memory_space<vmem>> -> memref<1x1x8x64xf32, #tpu.memory_space<vmem>>
      %dma_wait3A_1150 = tpu.memref_squeeze %dma_wait3A_1149 : memref<1x1x8x64xf32, #tpu.memory_space<vmem>> -> memref<8x64xf32, #tpu.memory_space<vmem>>
      %dma_wait3A_1151 = arith.constant 0 : i32
      %dma_wait3A_1152 = arith.constant 0 : i32
      %dma_wait3A_1153 = tpu.memref_slice %arg3[%dma_wait3A_1151, %dma_wait3A_1152] : memref<1000000x64xf32, #tpu.memory_space<hbm>> -> memref<8x64xf32, #tpu.memory_space<hbm>>
      %dma_wait3A_1154 = arith.constant 0 : i32
      %dma_wait3A_1155 = arith.constant 0 : i32
      %dma_wait3A_1156 = tpu.memref_slice %arg9[%dma_wait3A_1145, %dma_wait3A_1146, %dma_wait3A_1154, %dma_wait3A_1155] : memref<2x16x8x64xf32, #tpu.memory_space<vmem>> -> memref<1x1x8x64xf32, #tpu.memory_space<vmem>>
      %dma_wait3A_1157 = tpu.memref_squeeze %dma_wait3A_1156 : memref<1x1x8x64xf32, #tpu.memory_space<vmem>> -> memref<8x64xf32, #tpu.memory_space<vmem>>
      %dma_wait3A_1158 = arith.constant 0 : i32
      %dma_wait3A_1159 = arith.constant 0 : i32
      %dma_wait3A_1160 = tpu.memref_slice %arg3[%dma_wait3A_1158, %dma_wait3A_1159] : memref<1000000x64xf32, #tpu.memory_space<hbm>> -> memref<8x64xf32, #tpu.memory_space<hbm>>
      tpu.wait_dma2 semaphore(%arg10 : memref<!tpu.dma_semaphore, #tpu.memory_space<semaphore_mem>>) src(%dma_wait3A_1160 : memref<8x64xf32, #tpu.memory_space<hbm>>) dst(%dma_wait3A_1157 : memref<8x64xf32, #tpu.memory_space<vmem>>)
      %dma_wait3A_1161 = arith.constant 0 : i32
      %dma_wait3A_1162 = arith.constant 4 : i32
      %dma_wait3A_1163 = arith.constant 0 : i32
      %dma_wait3A_1164 = arith.constant 0 : i32
      %dma_wait3A_1165 = tpu.memref_slice %arg9[%dma_wait3A_1161, %dma_wait3A_1162, %dma_wait3A_1163, %dma_wait3A_1164] : memref<2x16x8x64xf32, #tpu.memory_space<vmem>> -> memref<1x1x8x64xf32, #tpu.memory_space<vmem>>
      %dma_wait3A_1166 = tpu.memref_squeeze %dma_wait3A_1165 : memref<1x1x8x64xf32, #tpu.memory_space<vmem>> -> memref<8x64xf32, #tpu.memory_space<vmem>>
      %dma_wait3A_1167 = arith.constant 0 : i32
      %dma_wait3A_1168 = arith.constant 0 : i32
      %dma_wait3A_1169 = tpu.memref_slice %arg3[%dma_wait3A_1167, %dma_wait3A_1168] : memref<1000000x64xf32, #tpu.memory_space<hbm>> -> memref<8x64xf32, #tpu.memory_space<hbm>>
      %dma_wait3A_1170 = arith.constant 0 : i32
      %dma_wait3A_1171 = arith.constant 0 : i32
      %dma_wait3A_1172 = tpu.memref_slice %arg9[%dma_wait3A_1161, %dma_wait3A_1162, %dma_wait3A_1170, %dma_wait3A_1171] : memref<2x16x8x64xf32, #tpu.memory_space<vmem>> -> memref<1x1x8x64xf32, #tpu.memory_space<vmem>>
      %dma_wait3A_1173 = tpu.memref_squeeze %dma_wait3A_1172 : memref<1x1x8x64xf32, #tpu.memory_space<vmem>> -> memref<8x64xf32, #tpu.memory_space<vmem>>
      %dma_wait3A_1174 = arith.constant 0 : i32
      %dma_wait3A_1175 = arith.constant 0 : i32
      %dma_wait3A_1176 = tpu.memref_slice %arg3[%dma_wait3A_1174, %dma_wait3A_1175] : memref<1000000x64xf32, #tpu.memory_space<hbm>> -> memref<8x64xf32, #tpu.memory_space<hbm>>
      tpu.wait_dma2 semaphore(%arg10 : memref<!tpu.dma_semaphore, #tpu.memory_space<semaphore_mem>>) src(%dma_wait3A_1176 : memref<8x64xf32, #tpu.memory_space<hbm>>) dst(%dma_wait3A_1173 : memref<8x64xf32, #tpu.memory_space<vmem>>)
      %dma_wait3A_1177 = arith.constant 0 : i32
      %dma_wait3A_1178 = arith.constant 5 : i32
      %dma_wait3A_1179 = arith.constant 0 : i32
      %dma_wait3A_1180 = arith.constant 0 : i32
      %dma_wait3A_1181 = tpu.memref_slice %arg9[%dma_wait3A_1177, %dma_wait3A_1178, %dma_wait3A_1179, %dma_wait3A_1180] : memref<2x16x8x64xf32, #tpu.memory_space<vmem>> -> memref<1x1x8x64xf32, #tpu.memory_space<vmem>>
      %dma_wait3A_1182 = tpu.memref_squeeze %dma_wait3A_1181 : memref<1x1x8x64xf32, #tpu.memory_space<vmem>> -> memref<8x64xf32, #tpu.memory_space<vmem>>
      %dma_wait3A_1183 = arith.constant 0 : i32
      %dma_wait3A_1184 = arith.constant 0 : i32
      %dma_wait3A_1185 = tpu.memref_slice %arg3[%dma_wait3A_1183, %dma_wait3A_1184] : memref<1000000x64xf32, #tpu.memory_space<hbm>> -> memref<8x64xf32, #tpu.memory_space<hbm>>
      %dma_wait3A_1186 = arith.constant 0 : i32
      %dma_wait3A_1187 = arith.constant 0 : i32
      %dma_wait3A_1188 = tpu.memref_slice %arg9[%dma_wait3A_1177, %dma_wait3A_1178, %dma_wait3A_1186, %dma_wait3A_1187] : memref<2x16x8x64xf32, #tpu.memory_space<vmem>> -> memref<1x1x8x64xf32, #tpu.memory_space<vmem>>
      %dma_wait3A_1189 = tpu.memref_squeeze %dma_wait3A_1188 : memref<1x1x8x64xf32, #tpu.memory_space<vmem>> -> memref<8x64xf32, #tpu.memory_space<vmem>>
      %dma_wait3A_1190 = arith.constant 0 : i32
      %dma_wait3A_1191 = arith.constant 0 : i32
      %dma_wait3A_1192 = tpu.memref_slice %arg3[%dma_wait3A_1190, %dma_wait3A_1191] : memref<1000000x64xf32, #tpu.memory_space<hbm>> -> memref<8x64xf32, #tpu.memory_space<hbm>>
      tpu.wait_dma2 semaphore(%arg10 : memref<!tpu.dma_semaphore, #tpu.memory_space<semaphore_mem>>) src(%dma_wait3A_1192 : memref<8x64xf32, #tpu.memory_space<hbm>>) dst(%dma_wait3A_1189 : memref<8x64xf32, #tpu.memory_space<vmem>>)
      %dma_wait3A_1193 = arith.constant 0 : i32
      %dma_wait3A_1194 = arith.constant 6 : i32
      %dma_wait3A_1195 = arith.constant 0 : i32
      %dma_wait3A_1196 = arith.constant 0 : i32
      %dma_wait3A_1197 = tpu.memref_slice %arg9[%dma_wait3A_1193, %dma_wait3A_1194, %dma_wait3A_1195, %dma_wait3A_1196] : memref<2x16x8x64xf32, #tpu.memory_space<vmem>> -> memref<1x1x8x64xf32, #tpu.memory_space<vmem>>
      %dma_wait3A_1198 = tpu.memref_squeeze %dma_wait3A_1197 : memref<1x1x8x64xf32, #tpu.memory_space<vmem>> -> memref<8x64xf32, #tpu.memory_space<vmem>>
      %dma_wait3A_1199 = arith.constant 0 : i32
      %dma_wait3A_1200 = arith.constant 0 : i32
      %dma_wait3A_1201 = tpu.memref_slice %arg3[%dma_wait3A_1199, %dma_wait3A_1200] : memref<1000000x64xf32, #tpu.memory_space<hbm>> -> memref<8x64xf32, #tpu.memory_space<hbm>>
      %dma_wait3A_1202 = arith.constant 0 : i32
      %dma_wait3A_1203 = arith.constant 0 : i32
      %dma_wait3A_1204 = tpu.memref_slice %arg9[%dma_wait3A_1193, %dma_wait3A_1194, %dma_wait3A_1202, %dma_wait3A_1203] : memref<2x16x8x64xf32, #tpu.memory_space<vmem>> -> memref<1x1x8x64xf32, #tpu.memory_space<vmem>>
      %dma_wait3A_1205 = tpu.memref_squeeze %dma_wait3A_1204 : memref<1x1x8x64xf32, #tpu.memory_space<vmem>> -> memref<8x64xf32, #tpu.memory_space<vmem>>
      %dma_wait3A_1206 = arith.constant 0 : i32
      %dma_wait3A_1207 = arith.constant 0 : i32
      %dma_wait3A_1208 = tpu.memref_slice %arg3[%dma_wait3A_1206, %dma_wait3A_1207] : memref<1000000x64xf32, #tpu.memory_space<hbm>> -> memref<8x64xf32, #tpu.memory_space<hbm>>
      tpu.wait_dma2 semaphore(%arg10 : memref<!tpu.dma_semaphore, #tpu.memory_space<semaphore_mem>>) src(%dma_wait3A_1208 : memref<8x64xf32, #tpu.memory_space<hbm>>) dst(%dma_wait3A_1205 : memref<8x64xf32, #tpu.memory_space<vmem>>)
      %dma_wait3A_1209 = arith.constant 0 : i32
      %dma_wait3A_1210 = arith.constant 7 : i32
      %dma_wait3A_1211 = arith.constant 0 : i32
      %dma_wait3A_1212 = arith.constant 0 : i32
      %dma_wait3A_1213 = tpu.memref_slice %arg9[%dma_wait3A_1209, %dma_wait3A_1210, %dma_wait3A_1211, %dma_wait3A_1212] : memref<2x16x8x64xf32, #tpu.memory_space<vmem>> -> memref<1x1x8x64xf32, #tpu.memory_space<vmem>>
      %dma_wait3A_1214 = tpu.memref_squeeze %dma_wait3A_1213 : memref<1x1x8x64xf32, #tpu.memory_space<vmem>> -> memref<8x64xf32, #tpu.memory_space<vmem>>
      %dma_wait3A_1215 = arith.constant 0 : i32
      %dma_wait3A_1216 = arith.constant 0 : i32
      %dma_wait3A_1217 = tpu.memref_slice %arg3[%dma_wait3A_1215, %dma_wait3A_1216] : memref<1000000x64xf32, #tpu.memory_space<hbm>> -> memref<8x64xf32, #tpu.memory_space<hbm>>
      %dma_wait3A_1218 = arith.constant 0 : i32
      %dma_wait3A_1219 = arith.constant 0 : i32
      %dma_wait3A_1220 = tpu.memref_slice %arg9[%dma_wait3A_1209, %dma_wait3A_1210, %dma_wait3A_1218, %dma_wait3A_1219] : memref<2x16x8x64xf32, #tpu.memory_space<vmem>> -> memref<1x1x8x64xf32, #tpu.memory_space<vmem>>
      %dma_wait3A_1221 = tpu.memref_squeeze %dma_wait3A_1220 : memref<1x1x8x64xf32, #tpu.memory_space<vmem>> -> memref<8x64xf32, #tpu.memory_space<vmem>>
      %dma_wait3A_1222 = arith.constant 0 : i32
      %dma_wait3A_1223 = arith.constant 0 : i32
      %dma_wait3A_1224 = tpu.memref_slice %arg3[%dma_wait3A_1222, %dma_wait3A_1223] : memref<1000000x64xf32, #tpu.memory_space<hbm>> -> memref<8x64xf32, #tpu.memory_space<hbm>>
      tpu.wait_dma2 semaphore(%arg10 : memref<!tpu.dma_semaphore, #tpu.memory_space<semaphore_mem>>) src(%dma_wait3A_1224 : memref<8x64xf32, #tpu.memory_space<hbm>>) dst(%dma_wait3A_1221 : memref<8x64xf32, #tpu.memory_space<vmem>>)
      %dma_wait3A_1225 = arith.constant 0 : i32
      %dma_wait3A_1226 = arith.constant 8 : i32
      %dma_wait3A_1227 = arith.constant 0 : i32
      %dma_wait3A_1228 = arith.constant 0 : i32
      %dma_wait3A_1229 = tpu.memref_slice %arg9[%dma_wait3A_1225, %dma_wait3A_1226, %dma_wait3A_1227, %dma_wait3A_1228] : memref<2x16x8x64xf32, #tpu.memory_space<vmem>> -> memref<1x1x8x64xf32, #tpu.memory_space<vmem>>
      %dma_wait3A_1230 = tpu.memref_squeeze %dma_wait3A_1229 : memref<1x1x8x64xf32, #tpu.memory_space<vmem>> -> memref<8x64xf32, #tpu.memory_space<vmem>>
      %dma_wait3A_1231 = arith.constant 0 : i32
      %dma_wait3A_1232 = arith.constant 0 : i32
      %dma_wait3A_1233 = tpu.memref_slice %arg3[%dma_wait3A_1231, %dma_wait3A_1232] : memref<1000000x64xf32, #tpu.memory_space<hbm>> -> memref<8x64xf32, #tpu.memory_space<hbm>>
      %dma_wait3A_1234 = arith.constant 0 : i32
      %dma_wait3A_1235 = arith.constant 0 : i32
      %dma_wait3A_1236 = tpu.memref_slice %arg9[%dma_wait3A_1225, %dma_wait3A_1226, %dma_wait3A_1234, %dma_wait3A_1235] : memref<2x16x8x64xf32, #tpu.memory_space<vmem>> -> memref<1x1x8x64xf32, #tpu.memory_space<vmem>>
      %dma_wait3A_1237 = tpu.memref_squeeze %dma_wait3A_1236 : memref<1x1x8x64xf32, #tpu.memory_space<vmem>> -> memref<8x64xf32, #tpu.memory_space<vmem>>
      %dma_wait3A_1238 = arith.constant 0 : i32
      %dma_wait3A_1239 = arith.constant 0 : i32
      %dma_wait3A_1240 = tpu.memref_slice %arg3[%dma_wait3A_1238, %dma_wait3A_1239] : memref<1000000x64xf32, #tpu.memory_space<hbm>> -> memref<8x64xf32, #tpu.memory_space<hbm>>
      tpu.wait_dma2 semaphore(%arg10 : memref<!tpu.dma_semaphore, #tpu.memory_space<semaphore_mem>>) src(%dma_wait3A_1240 : memref<8x64xf32, #tpu.memory_space<hbm>>) dst(%dma_wait3A_1237 : memref<8x64xf32, #tpu.memory_space<vmem>>)
      %dma_wait3A_1241 = arith.constant 0 : i32
      %dma_wait3A_1242 = arith.constant 9 : i32
      %dma_wait3A_1243 = arith.constant 0 : i32
      %dma_wait3A_1244 = arith.constant 0 : i32
      %dma_wait3A_1245 = tpu.memref_slice %arg9[%dma_wait3A_1241, %dma_wait3A_1242, %dma_wait3A_1243, %dma_wait3A_1244] : memref<2x16x8x64xf32, #tpu.memory_space<vmem>> -> memref<1x1x8x64xf32, #tpu.memory_space<vmem>>
      %dma_wait3A_1246 = tpu.memref_squeeze %dma_wait3A_1245 : memref<1x1x8x64xf32, #tpu.memory_space<vmem>> -> memref<8x64xf32, #tpu.memory_space<vmem>>
      %dma_wait3A_1247 = arith.constant 0 : i32
      %dma_wait3A_1248 = arith.constant 0 : i32
      %dma_wait3A_1249 = tpu.memref_slice %arg3[%dma_wait3A_1247, %dma_wait3A_1248] : memref<1000000x64xf32, #tpu.memory_space<hbm>> -> memref<8x64xf32, #tpu.memory_space<hbm>>
      %dma_wait3A_1250 = arith.constant 0 : i32
      %dma_wait3A_1251 = arith.constant 0 : i32
      %dma_wait3A_1252 = tpu.memref_slice %arg9[%dma_wait3A_1241, %dma_wait3A_1242, %dma_wait3A_1250, %dma_wait3A_1251] : memref<2x16x8x64xf32, #tpu.memory_space<vmem>> -> memref<1x1x8x64xf32, #tpu.memory_space<vmem>>
      %dma_wait3A_1253 = tpu.memref_squeeze %dma_wait3A_1252 : memref<1x1x8x64xf32, #tpu.memory_space<vmem>> -> memref<8x64xf32, #tpu.memory_space<vmem>>
      %dma_wait3A_1254 = arith.constant 0 : i32
      %dma_wait3A_1255 = arith.constant 0 : i32
      %dma_wait3A_1256 = tpu.memref_slice %arg3[%dma_wait3A_1254, %dma_wait3A_1255] : memref<1000000x64xf32, #tpu.memory_space<hbm>> -> memref<8x64xf32, #tpu.memory_space<hbm>>
      tpu.wait_dma2 semaphore(%arg10 : memref<!tpu.dma_semaphore, #tpu.memory_space<semaphore_mem>>) src(%dma_wait3A_1256 : memref<8x64xf32, #tpu.memory_space<hbm>>) dst(%dma_wait3A_1253 : memref<8x64xf32, #tpu.memory_space<vmem>>)
      %dma_wait3A_1257 = arith.constant 0 : i32
      %dma_wait3A_1258 = arith.constant 10 : i32
      %dma_wait3A_1259 = arith.constant 0 : i32
      %dma_wait3A_1260 = arith.constant 0 : i32
      %dma_wait3A_1261 = tpu.memref_slice %arg9[%dma_wait3A_1257, %dma_wait3A_1258, %dma_wait3A_1259, %dma_wait3A_1260] : memref<2x16x8x64xf32, #tpu.memory_space<vmem>> -> memref<1x1x8x64xf32, #tpu.memory_space<vmem>>
      %dma_wait3A_1262 = tpu.memref_squeeze %dma_wait3A_1261 : memref<1x1x8x64xf32, #tpu.memory_space<vmem>> -> memref<8x64xf32, #tpu.memory_space<vmem>>
      %dma_wait3A_1263 = arith.constant 0 : i32
      %dma_wait3A_1264 = arith.constant 0 : i32
      %dma_wait3A_1265 = tpu.memref_slice %arg3[%dma_wait3A_1263, %dma_wait3A_1264] : memref<1000000x64xf32, #tpu.memory_space<hbm>> -> memref<8x64xf32, #tpu.memory_space<hbm>>
      %dma_wait3A_1266 = arith.constant 0 : i32
      %dma_wait3A_1267 = arith.constant 0 : i32
      %dma_wait3A_1268 = tpu.memref_slice %arg9[%dma_wait3A_1257, %dma_wait3A_1258, %dma_wait3A_1266, %dma_wait3A_1267] : memref<2x16x8x64xf32, #tpu.memory_space<vmem>> -> memref<1x1x8x64xf32, #tpu.memory_space<vmem>>
      %dma_wait3A_1269 = tpu.memref_squeeze %dma_wait3A_1268 : memref<1x1x8x64xf32, #tpu.memory_space<vmem>> -> memref<8x64xf32, #tpu.memory_space<vmem>>
      %dma_wait3A_1270 = arith.constant 0 : i32
      %dma_wait3A_1271 = arith.constant 0 : i32
      %dma_wait3A_1272 = tpu.memref_slice %arg3[%dma_wait3A_1270, %dma_wait3A_1271] : memref<1000000x64xf32, #tpu.memory_space<hbm>> -> memref<8x64xf32, #tpu.memory_space<hbm>>
      tpu.wait_dma2 semaphore(%arg10 : memref<!tpu.dma_semaphore, #tpu.memory_space<semaphore_mem>>) src(%dma_wait3A_1272 : memref<8x64xf32, #tpu.memory_space<hbm>>) dst(%dma_wait3A_1269 : memref<8x64xf32, #tpu.memory_space<vmem>>)
      %dma_wait3A_1273 = arith.constant 0 : i32
      %dma_wait3A_1274 = arith.constant 11 : i32
      %dma_wait3A_1275 = arith.constant 0 : i32
      %dma_wait3A_1276 = arith.constant 0 : i32
      %dma_wait3A_1277 = tpu.memref_slice %arg9[%dma_wait3A_1273, %dma_wait3A_1274, %dma_wait3A_1275, %dma_wait3A_1276] : memref<2x16x8x64xf32, #tpu.memory_space<vmem>> -> memref<1x1x8x64xf32, #tpu.memory_space<vmem>>
      %dma_wait3A_1278 = tpu.memref_squeeze %dma_wait3A_1277 : memref<1x1x8x64xf32, #tpu.memory_space<vmem>> -> memref<8x64xf32, #tpu.memory_space<vmem>>
      %dma_wait3A_1279 = arith.constant 0 : i32
      %dma_wait3A_1280 = arith.constant 0 : i32
      %dma_wait3A_1281 = tpu.memref_slice %arg3[%dma_wait3A_1279, %dma_wait3A_1280] : memref<1000000x64xf32, #tpu.memory_space<hbm>> -> memref<8x64xf32, #tpu.memory_space<hbm>>
      %dma_wait3A_1282 = arith.constant 0 : i32
      %dma_wait3A_1283 = arith.constant 0 : i32
      %dma_wait3A_1284 = tpu.memref_slice %arg9[%dma_wait3A_1273, %dma_wait3A_1274, %dma_wait3A_1282, %dma_wait3A_1283] : memref<2x16x8x64xf32, #tpu.memory_space<vmem>> -> memref<1x1x8x64xf32, #tpu.memory_space<vmem>>
      %dma_wait3A_1285 = tpu.memref_squeeze %dma_wait3A_1284 : memref<1x1x8x64xf32, #tpu.memory_space<vmem>> -> memref<8x64xf32, #tpu.memory_space<vmem>>
      %dma_wait3A_1286 = arith.constant 0 : i32
      %dma_wait3A_1287 = arith.constant 0 : i32
      %dma_wait3A_1288 = tpu.memref_slice %arg3[%dma_wait3A_1286, %dma_wait3A_1287] : memref<1000000x64xf32, #tpu.memory_space<hbm>> -> memref<8x64xf32, #tpu.memory_space<hbm>>
      tpu.wait_dma2 semaphore(%arg10 : memref<!tpu.dma_semaphore, #tpu.memory_space<semaphore_mem>>) src(%dma_wait3A_1288 : memref<8x64xf32, #tpu.memory_space<hbm>>) dst(%dma_wait3A_1285 : memref<8x64xf32, #tpu.memory_space<vmem>>)
      %dma_wait3A_1289 = arith.constant 0 : i32
      %dma_wait3A_1290 = arith.constant 12 : i32
      %dma_wait3A_1291 = arith.constant 0 : i32
      %dma_wait3A_1292 = arith.constant 0 : i32
      %dma_wait3A_1293 = tpu.memref_slice %arg9[%dma_wait3A_1289, %dma_wait3A_1290, %dma_wait3A_1291, %dma_wait3A_1292] : memref<2x16x8x64xf32, #tpu.memory_space<vmem>> -> memref<1x1x8x64xf32, #tpu.memory_space<vmem>>
      %dma_wait3A_1294 = tpu.memref_squeeze %dma_wait3A_1293 : memref<1x1x8x64xf32, #tpu.memory_space<vmem>> -> memref<8x64xf32, #tpu.memory_space<vmem>>
      %dma_wait3A_1295 = arith.constant 0 : i32
      %dma_wait3A_1296 = arith.constant 0 : i32
      %dma_wait3A_1297 = tpu.memref_slice %arg3[%dma_wait3A_1295, %dma_wait3A_1296] : memref<1000000x64xf32, #tpu.memory_space<hbm>> -> memref<8x64xf32, #tpu.memory_space<hbm>>
      %dma_wait3A_1298 = arith.constant 0 : i32
      %dma_wait3A_1299 = arith.constant 0 : i32
      %dma_wait3A_1300 = tpu.memref_slice %arg9[%dma_wait3A_1289, %dma_wait3A_1290, %dma_wait3A_1298, %dma_wait3A_1299] : memref<2x16x8x64xf32, #tpu.memory_space<vmem>> -> memref<1x1x8x64xf32, #tpu.memory_space<vmem>>
      %dma_wait3A_1301 = tpu.memref_squeeze %dma_wait3A_1300 : memref<1x1x8x64xf32, #tpu.memory_space<vmem>> -> memref<8x64xf32, #tpu.memory_space<vmem>>
      %dma_wait3A_1302 = arith.constant 0 : i32
      %dma_wait3A_1303 = arith.constant 0 : i32
      %dma_wait3A_1304 = tpu.memref_slice %arg3[%dma_wait3A_1302, %dma_wait3A_1303] : memref<1000000x64xf32, #tpu.memory_space<hbm>> -> memref<8x64xf32, #tpu.memory_space<hbm>>
      tpu.wait_dma2 semaphore(%arg10 : memref<!tpu.dma_semaphore, #tpu.memory_space<semaphore_mem>>) src(%dma_wait3A_1304 : memref<8x64xf32, #tpu.memory_space<hbm>>) dst(%dma_wait3A_1301 : memref<8x64xf32, #tpu.memory_space<vmem>>)
      %dma_wait3A_1305 = arith.constant 0 : i32
      %dma_wait3A_1306 = arith.constant 13 : i32
      %dma_wait3A_1307 = arith.constant 0 : i32
      %dma_wait3A_1308 = arith.constant 0 : i32
      %dma_wait3A_1309 = tpu.memref_slice %arg9[%dma_wait3A_1305, %dma_wait3A_1306, %dma_wait3A_1307, %dma_wait3A_1308] : memref<2x16x8x64xf32, #tpu.memory_space<vmem>> -> memref<1x1x8x64xf32, #tpu.memory_space<vmem>>
      %dma_wait3A_1310 = tpu.memref_squeeze %dma_wait3A_1309 : memref<1x1x8x64xf32, #tpu.memory_space<vmem>> -> memref<8x64xf32, #tpu.memory_space<vmem>>
      %dma_wait3A_1311 = arith.constant 0 : i32
      %dma_wait3A_1312 = arith.constant 0 : i32
      %dma_wait3A_1313 = tpu.memref_slice %arg3[%dma_wait3A_1311, %dma_wait3A_1312] : memref<1000000x64xf32, #tpu.memory_space<hbm>> -> memref<8x64xf32, #tpu.memory_space<hbm>>
      %dma_wait3A_1314 = arith.constant 0 : i32
      %dma_wait3A_1315 = arith.constant 0 : i32
      %dma_wait3A_1316 = tpu.memref_slice %arg9[%dma_wait3A_1305, %dma_wait3A_1306, %dma_wait3A_1314, %dma_wait3A_1315] : memref<2x16x8x64xf32, #tpu.memory_space<vmem>> -> memref<1x1x8x64xf32, #tpu.memory_space<vmem>>
      %dma_wait3A_1317 = tpu.memref_squeeze %dma_wait3A_1316 : memref<1x1x8x64xf32, #tpu.memory_space<vmem>> -> memref<8x64xf32, #tpu.memory_space<vmem>>
      %dma_wait3A_1318 = arith.constant 0 : i32
      %dma_wait3A_1319 = arith.constant 0 : i32
      %dma_wait3A_1320 = tpu.memref_slice %arg3[%dma_wait3A_1318, %dma_wait3A_1319] : memref<1000000x64xf32, #tpu.memory_space<hbm>> -> memref<8x64xf32, #tpu.memory_space<hbm>>
      tpu.wait_dma2 semaphore(%arg10 : memref<!tpu.dma_semaphore, #tpu.memory_space<semaphore_mem>>) src(%dma_wait3A_1320 : memref<8x64xf32, #tpu.memory_space<hbm>>) dst(%dma_wait3A_1317 : memref<8x64xf32, #tpu.memory_space<vmem>>)
      %dma_wait3A_1321 = arith.constant 0 : i32
      %dma_wait3A_1322 = arith.constant 14 : i32
      %dma_wait3A_1323 = arith.constant 0 : i32
      %dma_wait3A_1324 = arith.constant 0 : i32
      %dma_wait3A_1325 = tpu.memref_slice %arg9[%dma_wait3A_1321, %dma_wait3A_1322, %dma_wait3A_1323, %dma_wait3A_1324] : memref<2x16x8x64xf32, #tpu.memory_space<vmem>> -> memref<1x1x8x64xf32, #tpu.memory_space<vmem>>
      %dma_wait3A_1326 = tpu.memref_squeeze %dma_wait3A_1325 : memref<1x1x8x64xf32, #tpu.memory_space<vmem>> -> memref<8x64xf32, #tpu.memory_space<vmem>>
      %dma_wait3A_1327 = arith.constant 0 : i32
      %dma_wait3A_1328 = arith.constant 0 : i32
      %dma_wait3A_1329 = tpu.memref_slice %arg3[%dma_wait3A_1327, %dma_wait3A_1328] : memref<1000000x64xf32, #tpu.memory_space<hbm>> -> memref<8x64xf32, #tpu.memory_space<hbm>>
      %dma_wait3A_1330 = arith.constant 0 : i32
      %dma_wait3A_1331 = arith.constant 0 : i32
      %dma_wait3A_1332 = tpu.memref_slice %arg9[%dma_wait3A_1321, %dma_wait3A_1322, %dma_wait3A_1330, %dma_wait3A_1331] : memref<2x16x8x64xf32, #tpu.memory_space<vmem>> -> memref<1x1x8x64xf32, #tpu.memory_space<vmem>>
      %dma_wait3A_1333 = tpu.memref_squeeze %dma_wait3A_1332 : memref<1x1x8x64xf32, #tpu.memory_space<vmem>> -> memref<8x64xf32, #tpu.memory_space<vmem>>
      %dma_wait3A_1334 = arith.constant 0 : i32
      %dma_wait3A_1335 = arith.constant 0 : i32
      %dma_wait3A_1336 = tpu.memref_slice %arg3[%dma_wait3A_1334, %dma_wait3A_1335] : memref<1000000x64xf32, #tpu.memory_space<hbm>> -> memref<8x64xf32, #tpu.memory_space<hbm>>
      tpu.wait_dma2 semaphore(%arg10 : memref<!tpu.dma_semaphore, #tpu.memory_space<semaphore_mem>>) src(%dma_wait3A_1336 : memref<8x64xf32, #tpu.memory_space<hbm>>) dst(%dma_wait3A_1333 : memref<8x64xf32, #tpu.memory_space<vmem>>)
      %dma_wait3A_1337 = arith.constant 0 : i32
      %dma_wait3A_1338 = arith.constant 15 : i32
      %dma_wait3A_1339 = arith.constant 0 : i32
      %dma_wait3A_1340 = arith.constant 0 : i32
      %dma_wait3A_1341 = tpu.memref_slice %arg9[%dma_wait3A_1337, %dma_wait3A_1338, %dma_wait3A_1339, %dma_wait3A_1340] : memref<2x16x8x64xf32, #tpu.memory_space<vmem>> -> memref<1x1x8x64xf32, #tpu.memory_space<vmem>>
      %dma_wait3A_1342 = tpu.memref_squeeze %dma_wait3A_1341 : memref<1x1x8x64xf32, #tpu.memory_space<vmem>> -> memref<8x64xf32, #tpu.memory_space<vmem>>
      %dma_wait3A_1343 = arith.constant 0 : i32
      %dma_wait3A_1344 = arith.constant 0 : i32
      %dma_wait3A_1345 = tpu.memref_slice %arg3[%dma_wait3A_1343, %dma_wait3A_1344] : memref<1000000x64xf32, #tpu.memory_space<hbm>> -> memref<8x64xf32, #tpu.memory_space<hbm>>
      %dma_wait3A_1346 = arith.constant 0 : i32
      %dma_wait3A_1347 = arith.constant 0 : i32
      %dma_wait3A_1348 = tpu.memref_slice %arg9[%dma_wait3A_1337, %dma_wait3A_1338, %dma_wait3A_1346, %dma_wait3A_1347] : memref<2x16x8x64xf32, #tpu.memory_space<vmem>> -> memref<1x1x8x64xf32, #tpu.memory_space<vmem>>
      %dma_wait3A_1349 = tpu.memref_squeeze %dma_wait3A_1348 : memref<1x1x8x64xf32, #tpu.memory_space<vmem>> -> memref<8x64xf32, #tpu.memory_space<vmem>>
      %dma_wait3A_1350 = arith.constant 0 : i32
      %dma_wait3A_1351 = arith.constant 0 : i32
      %dma_wait3A_1352 = tpu.memref_slice %arg3[%dma_wait3A_1350, %dma_wait3A_1351] : memref<1000000x64xf32, #tpu.memory_space<hbm>> -> memref<8x64xf32, #tpu.memory_space<hbm>>
      tpu.wait_dma2 semaphore(%arg10 : memref<!tpu.dma_semaphore, #tpu.memory_space<semaphore_mem>>) src(%dma_wait3A_1352 : memref<8x64xf32, #tpu.memory_space<hbm>>) dst(%dma_wait3A_1349 : memref<8x64xf32, #tpu.memory_space<vmem>>)
      %mul3A_1353 = arith.constant 16 : i32
      %mul3A_1354 = arith.muli %mul3A_1097, %mul3A_1353 : i32
      %get3A_1355 = arith.index_cast %mul3A_1354 : i32 to index
      %get3A_1356 = tpu.vector_load %arg7[%get3A_1355] {strides = array<i32>} : memref<512xi32, #tpu.memory_space<vmem>>, vector<16xi32>,
      %get3A_1357 = vector.shape_cast %get3A_1356 : vector<16xi32> to vector<16xi32>
      %slice3A_1358 = vector.extract_strided_slice %get3A_1357 {offsets = [0], sizes = [1], strides = [1]} : vector<16xi32> to vector<1xi32>
      %squeeze3A_1359 = vector.extract %slice3A_1358[0] : i32 from vector<1xi32>
      %mul3A_1360 = arith.constant 16 : i32
      %mul3A_1361 = arith.muli %mul3A_1097, %mul3A_1360 : i32
      %add3A_1362 = arith.constant 0 : i32
      %add3A_1363 = arith.addi %mul3A_1361, %add3A_1362 : i32
      %get3A_1364 = arith.constant 0 : i32
      %get3A_1365 = arith.constant 0 : i32
      %get3A_1366 = arith.index_cast %get3A_1364 : i32 to index
      %get3A_1367 = arith.index_cast %get3A_1365 : i32 to index
      %get3A_1368 = arith.index_cast %squeeze3A_1359 : i32 to index
      %get3A_1369 = arith.constant 0 : index
      %get3A_1370 = tpu.vector_load %arg9[%get3A_1366, %get3A_1367, %get3A_1368, %get3A_1369] {strides = array<i32>} : memref<2x16x8x64xf32, #tpu.memory_space<vmem>>, vector<1x1x1x16xf32>,
      %get3A_1371 = vector.shape_cast %get3A_1370 : vector<1x1x1x16xf32> to vector<16xf32>
      %swap3A_1372 = arith.index_cast %add3A_1363 : i32 to index
      %swap3A_1373 = arith.constant 0 : index
      %swap3A_1374 = tpu.vector_load %arg8[%swap3A_1372, %swap3A_1373] {strides = array<i32>} : memref<512x64xf32, #tpu.memory_space<vmem>>, vector<1x16xf32>,
      %swap3A_1375 = vector.shape_cast %swap3A_1374 : vector<1x16xf32> to vector<16xf32>
      %swap3A_1376 = vector.shape_cast %get3A_1371 : vector<16xf32> to vector<1x16xf32>
      tpu.vector_store %arg8[%swap3A_1372, %swap3A_1373], %swap3A_1376 {strides = array<i32>} : memref<512x64xf32, #tpu.memory_space<vmem>>, vector<1x16xf32>,
      %get3A_1377 = arith.constant 0 : i32
      %get3A_1378 = arith.constant 0 : i32
      %get3A_1379 = arith.index_cast %get3A_1377 : i32 to index
      %get3A_1380 = arith.index_cast %get3A_1378 : i32 to index
      %get3A_1381 = arith.index_cast %squeeze3A_1359 : i32 to index
      %get3A_1382 = arith.constant 16 : index
      %get3A_1383 = tpu.vector_load %arg9[%get3A_1379, %get3A_1380, %get3A_1381, %get3A_1382] {strides = array<i32>} : memref<2x16x8x64xf32, #tpu.memory_space<vmem>>, vector<1x1x1x16xf32>,
      %get3A_1384 = vector.shape_cast %get3A_1383 : vector<1x1x1x16xf32> to vector<16xf32>
      %swap3A_1385 = arith.index_cast %add3A_1363 : i32 to index
      %swap3A_1386 = arith.constant 16 : index
      %swap3A_1387 = tpu.vector_load %arg8[%swap3A_1385, %swap3A_1386] {strides = array<i32>} : memref<512x64xf32, #tpu.memory_space<vmem>>, vector<1x16xf32>,
      %swap3A_1388 = vector.shape_cast %swap3A_1387 : vector<1x16xf32> to vector<16xf32>
      %swap3A_1389 = vector.shape_cast %get3A_1384 : vector<16xf32> to vector<1x16xf32>
      tpu.vector_store %arg8[%swap3A_1385, %swap3A_1386], %swap3A_1389 {strides = array<i32>} : memref<512x64xf32, #tpu.memory_space<vmem>>, vector<1x16xf32>,
      %get3A_1390 = arith.constant 0 : i32
      %get3A_1391 = arith.constant 0 : i32
      %get3A_1392 = arith.index_cast %get3A_1390 : i32 to index
      %get3A_1393 = arith.index_cast %get3A_1391 : i32 to index
      %get3A_1394 = arith.index_cast %squeeze3A_1359 : i32 to index
      %get3A_1395 = arith.constant 32 : index
      %get3A_1396 = tpu.vector_load %arg9[%get3A_1392, %get3A_1393, %get3A_1394, %get3A_1395] {strides = array<i32>} : memref<2x16x8x64xf32, #tpu.memory_space<vmem>>, vector<1x1x1x16xf32>,
      %get3A_1397 = vector.shape_cast %get3A_1396 : vector<1x1x1x16xf32> to vector<16xf32>
      %swap3A_1398 = arith.index_cast %add3A_1363 : i32 to index
      %swap3A_1399 = arith.constant 32 : index
      %swap3A_1400 = tpu.vector_load %arg8[%swap3A_1398, %swap3A_1399] {strides = array<i32>} : memref<512x64xf32, #tpu.memory_space<vmem>>, vector<1x16xf32>,
      %swap3A_1401 = vector.shape_cast %swap3A_1400 : vector<1x16xf32> to vector<16xf32>
      %swap3A_1402 = vector.shape_cast %get3A_1397 : vector<16xf32> to vector<1x16xf32>
      tpu.vector_store %arg8[%swap3A_1398, %swap3A_1399], %swap3A_1402 {strides = array<i32>} : memref<512x64xf32, #tpu.memory_space<vmem>>, vector<1x16xf32>,
      %get3A_1403 = arith.constant 0 : i32
      %get3A_1404 = arith.constant 0 : i32
      %get3A_1405 = arith.index_cast %get3A_1403 : i32 to index
      %get3A_1406 = arith.index_cast %get3A_1404 : i32 to index
      %get3A_1407 = arith.index_cast %squeeze3A_1359 : i32 to index
      %get3A_1408 = arith.constant 48 : index
      %get3A_1409 = tpu.vector_load %arg9[%get3A_1405, %get3A_1406, %get3A_1407, %get3A_1408] {strides = array<i32>} : memref<2x16x8x64xf32, #tpu.memory_space<vmem>>, vector<1x1x1x16xf32>,
      %get3A_1410 = vector.shape_cast %get3A_1409 : vector<1x1x1x16xf32> to vector<16xf32>
      %swap3A_1411 = arith.index_cast %add3A_1363 : i32 to index
      %swap3A_1412 = arith.constant 48 : index
      %swap3A_1413 = tpu.vector_load %arg8[%swap3A_1411, %swap3A_1412] {strides = array<i32>} : memref<512x64xf32, #tpu.memory_space<vmem>>, vector<1x16xf32>,
      %swap3A_1414 = vector.shape_cast %swap3A_1413 : vector<1x16xf32> to vector<16xf32>
      %swap3A_1415 = vector.shape_cast %get3A_1410 : vector<16xf32> to vector<1x16xf32>
      tpu.vector_store %arg8[%swap3A_1411, %swap3A_1412], %swap3A_1415 {strides = array<i32>} : memref<512x64xf32, #tpu.memory_space<vmem>>, vector<1x16xf32>,
      %slice3A_1416 = vector.extract_strided_slice %get3A_1357 {offsets = [1], sizes = [1], strides = [1]} : vector<16xi32> to vector<1xi32>
      %squeeze3A_1417 = vector.extract %slice3A_1416[0] : i32 from vector<1xi32>
      %mul3A_1418 = arith.constant 16 : i32
      %mul3A_1419 = arith.muli %mul3A_1097, %mul3A_1418 : i32
      %add3A_1420 = arith.constant 1 : i32
      %add3A_1421 = arith.addi %mul3A_1419, %add3A_1420 : i32
      %get3A_1422 = arith.constant 0 : i32
      %get3A_1423 = arith.constant 1 : i32
      %get3A_1424 = arith.index_cast %get3A_1422 : i32 to index
      %get3A_1425 = arith.index_cast %get3A_1423 : i32 to index
      %get3A_1426 = arith.index_cast %squeeze3A_1417 : i32 to index
      %get3A_1427 = arith.constant 0 : index
      %get3A_1428 = tpu.vector_load %arg9[%get3A_1424, %get3A_1425, %get3A_1426, %get3A_1427] {strides = array<i32>} : memref<2x16x8x64xf32, #tpu.memory_space<vmem>>, vector<1x1x1x16xf32>,
      %get3A_1429 = vector.shape_cast %get3A_1428 : vector<1x1x1x16xf32> to vector<16xf32>
      %swap3A_1430 = arith.index_cast %add3A_1421 : i32 to index
      %swap3A_1431 = arith.constant 0 : index
      %swap3A_1432 = tpu.vector_load %arg8[%swap3A_1430, %swap3A_1431] {strides = array<i32>} : memref<512x64xf32, #tpu.memory_space<vmem>>, vector<1x16xf32>,
      %swap3A_1433 = vector.shape_cast %swap3A_1432 : vector<1x16xf32> to vector<16xf32>
      %swap3A_1434 = vector.shape_cast %get3A_1429 : vector<16xf32> to vector<1x16xf32>
      tpu.vector_store %arg8[%swap3A_1430, %swap3A_1431], %swap3A_1434 {strides = array<i32>} : memref<512x64xf32, #tpu.memory_space<vmem>>, vector<1x16xf32>,
      %get3A_1435 = arith.constant 0 : i32
      %get3A_1436 = arith.constant 1 : i32
      %get3A_1437 = arith.index_cast %get3A_1435 : i32 to index
      %get3A_1438 = arith.index_cast %get3A_1436 : i32 to index
      %get3A_1439 = arith.index_cast %squeeze3A_1417 : i32 to index
      %get3A_1440 = arith.constant 16 : index
      %get3A_1441 = tpu.vector_load %arg9[%get3A_1437, %get3A_1438, %get3A_1439, %get3A_1440] {strides = array<i32>} : memref<2x16x8x64xf32, #tpu.memory_space<vmem>>, vector<1x1x1x16xf32>,
      %get3A_1442 = vector.shape_cast %get3A_1441 : vector<1x1x1x16xf32> to vector<16xf32>
      %swap3A_1443 = arith.index_cast %add3A_1421 : i32 to index
      %swap3A_1444 = arith.constant 16 : index
      %swap3A_1445 = tpu.vector_load %arg8[%swap3A_1443, %swap3A_1444] {strides = array<i32>} : memref<512x64xf32, #tpu.memory_space<vmem>>, vector<1x16xf32>,
      %swap3A_1446 = vector.shape_cast %swap3A_1445 : vector<1x16xf32> to vector<16xf32>
      %swap3A_1447 = vector.shape_cast %get3A_1442 : vector<16xf32> to vector<1x16xf32>
      tpu.vector_store %arg8[%swap3A_1443, %swap3A_1444], %swap3A_1447 {strides = array<i32>} : memref<512x64xf32, #tpu.memory_space<vmem>>, vector<1x16xf32>,
      %get3A_1448 = arith.constant 0 : i32
      %get3A_1449 = arith.constant 1 : i32
      %get3A_1450 = arith.index_cast %get3A_1448 : i32 to index
      %get3A_1451 = arith.index_cast %get3A_1449 : i32 to index
      %get3A_1452 = arith.index_cast %squeeze3A_1417 : i32 to index
      %get3A_1453 = arith.constant 32 : index
      %get3A_1454 = tpu.vector_load %arg9[%get3A_1450, %get3A_1451, %get3A_1452, %get3A_1453] {strides = array<i32>} : memref<2x16x8x64xf32, #tpu.memory_space<vmem>>, vector<1x1x1x16xf32>,
      %get3A_1455 = vector.shape_cast %get3A_1454 : vector<1x1x1x16xf32> to vector<16xf32>
      %swap3A_1456 = arith.index_cast %add3A_1421 : i32 to index
      %swap3A_1457 = arith.constant 32 : index
      %swap3A_1458 = tpu.vector_load %arg8[%swap3A_1456, %swap3A_1457] {strides = array<i32>} : memref<512x64xf32, #tpu.memory_space<vmem>>, vector<1x16xf32>,
      %swap3A_1459 = vector.shape_cast %swap3A_1458 : vector<1x16xf32> to vector<16xf32>
      %swap3A_1460 = vector.shape_cast %get3A_1455 : vector<16xf32> to vector<1x16xf32>
      tpu.vector_store %arg8[%swap3A_1456, %swap3A_1457], %swap3A_1460 {strides = array<i32>} : memref<512x64xf32, #tpu.memory_space<vmem>>, vector<1x16xf32>,
      %get3A_1461 = arith.constant 0 : i32
      %get3A_1462 = arith.constant 1 : i32
      %get3A_1463 = arith.index_cast %get3A_1461 : i32 to index
      %get3A_1464 = arith.index_cast %get3A_1462 : i32 to index
      %get3A_1465 = arith.index_cast %squeeze3A_1417 : i32 to index
      %get3A_1466 = arith.constant 48 : index
      %get3A_1467 = tpu.vector_load %arg9[%get3A_1463, %get3A_1464, %get3A_1465, %get3A_1466] {strides = array<i32>} : memref<2x16x8x64xf32, #tpu.memory_space<vmem>>, vector<1x1x1x16xf32>,
      %get3A_1468 = vector.shape_cast %get3A_1467 : vector<1x1x1x16xf32> to vector<16xf32>
      %swap3A_1469 = arith.index_cast %add3A_1421 : i32 to index
      %swap3A_1470 = arith.constant 48 : index
      %swap3A_1471 = tpu.vector_load %arg8[%swap3A_1469, %swap3A_1470] {strides = array<i32>} : memref<512x64xf32, #tpu.memory_space<vmem>>, vector<1x16xf32>,
      %swap3A_1472 = vector.shape_cast %swap3A_1471 : vector<1x16xf32> to vector<16xf32>
      %swap3A_1473 = vector.shape_cast %get3A_1468 : vector<16xf32> to vector<1x16xf32>
      tpu.vector_store %arg8[%swap3A_1469, %swap3A_1470], %swap3A_1473 {strides = array<i32>} : memref<512x64xf32, #tpu.memory_space<vmem>>, vector<1x16xf32>,
      %slice3A_1474 = vector.extract_strided_slice %get3A_1357 {offsets = [2], sizes = [1], strides = [1]} : vector<16xi32> to vector<1xi32>
      %squeeze3A_1475 = vector.extract %slice3A_1474[0] : i32 from vector<1xi32>
      %mul3A_1476 = arith.constant 16 : i32
      %mul3A_1477 = arith.muli %mul3A_1097, %mul3A_1476 : i32
      %add3A_1478 = arith.constant 2 : i32
      %add3A_1479 = arith.addi %mul3A_1477, %add3A_1478 : i32
      %get3A_1480 = arith.constant 0 : i32
      %get3A_1481 = arith.constant 2 : i32
      %get3A_1482 = arith.index_cast %get3A_1480 : i32 to index
      %get3A_1483 = arith.index_cast %get3A_1481 : i32 to index
      %get3A_1484 = arith.index_cast %squeeze3A_1475 : i32 to index
      %get3A_1485 = arith.constant 0 : index
      %get3A_1486 = tpu.vector_load %arg9[%get3A_1482, %get3A_1483, %get3A_1484, %get3A_1485] {strides = array<i32>} : memref<2x16x8x64xf32, #tpu.memory_space<vmem>>, vector<1x1x1x16xf32>,
      %get3A_1487 = vector.shape_cast %get3A_1486 : vector<1x1x1x16xf32> to vector<16xf32>
      %swap3A_1488 = arith.index_cast %add3A_1479 : i32 to index
      %swap3A_1489 = arith.constant 0 : index
      %swap3A_1490 = tpu.vector_load %arg8[%swap3A_1488, %swap3A_1489] {strides = array<i32>} : memref<512x64xf32, #tpu.memory_space<vmem>>, vector<1x16xf32>,
      %swap3A_1491 = vector.shape_cast %swap3A_1490 : vector<1x16xf32> to vector<16xf32>
      %swap3A_1492 = vector.shape_cast %get3A_1487 : vector<16xf32> to vector<1x16xf32>
      tpu.vector_store %arg8[%swap3A_1488, %swap3A_1489], %swap3A_1492 {strides = array<i32>} : memref<512x64xf32, #tpu.memory_space<vmem>>, vector<1x16xf32>,
      %get3A_1493 = arith.constant 0 : i32
      %get3A_1494 = arith.constant 2 : i32
      %get3A_1495 = arith.index_cast %get3A_1493 : i32 to index
      %get3A_1496 = arith.index_cast %get3A_1494 : i32 to index
      %get3A_1497 = arith.index_cast %squeeze3A_1475 : i32 to index
      %get3A_1498 = arith.constant 16 : index
      %get3A_1499 = tpu.vector_load %arg9[%get3A_1495, %get3A_1496, %get3A_1497, %get3A_1498] {strides = array<i32>} : memref<2x16x8x64xf32, #tpu.memory_space<vmem>>, vector<1x1x1x16xf32>,
      %get3A_1500 = vector.shape_cast %get3A_1499 : vector<1x1x1x16xf32> to vector<16xf32>
      %swap3A_1501 = arith.index_cast %add3A_1479 : i32 to index
      %swap3A_1502 = arith.constant 16 : index
      %swap3A_1503 = tpu.vector_load %arg8[%swap3A_1501, %swap3A_1502] {strides = array<i32>} : memref<512x64xf32, #tpu.memory_space<vmem>>, vector<1x16xf32>,
      %swap3A_1504 = vector.shape_cast %swap3A_1503 : vector<1x16xf32> to vector<16xf32>
      %swap3A_1505 = vector.shape_cast %get3A_1500 : vector<16xf32> to vector<1x16xf32>
      tpu.vector_store %arg8[%swap3A_1501, %swap3A_1502], %swap3A_1505 {strides = array<i32>} : memref<512x64xf32, #tpu.memory_space<vmem>>, vector<1x16xf32>,
      %get3A_1506 = arith.constant 0 : i32
      %get3A_1507 = arith.constant 2 : i32
      %get3A_1508 = arith.index_cast %get3A_1506 : i32 to index
      %get3A_1509 = arith.index_cast %get3A_1507 : i32 to index
      %get3A_1510 = arith.index_cast %squeeze3A_1475 : i32 to index
      %get3A_1511 = arith.constant 32 : index
      %get3A_1512 = tpu.vector_load %arg9[%get3A_1508, %get3A_1509, %get3A_1510, %get3A_1511] {strides = array<i32>} : memref<2x16x8x64xf32, #tpu.memory_space<vmem>>, vector<1x1x1x16xf32>,
      %get3A_1513 = vector.shape_cast %get3A_1512 : vector<1x1x1x16xf32> to vector<16xf32>
      %swap3A_1514 = arith.index_cast %add3A_1479 : i32 to index
      %swap3A_1515 = arith.constant 32 : index
      %swap3A_1516 = tpu.vector_load %arg8[%swap3A_1514, %swap3A_1515] {strides = array<i32>} : memref<512x64xf32, #tpu.memory_space<vmem>>, vector<1x16xf32>,
      %swap3A_1517 = vector.shape_cast %swap3A_1516 : vector<1x16xf32> to vector<16xf32>
      %swap3A_1518 = vector.shape_cast %get3A_1513 : vector<16xf32> to vector<1x16xf32>
      tpu.vector_store %arg8[%swap3A_1514, %swap3A_1515], %swap3A_1518 {strides = array<i32>} : memref<512x64xf32, #tpu.memory_space<vmem>>, vector<1x16xf32>,
      %get3A_1519 = arith.constant 0 : i32
      %get3A_1520 = arith.constant 2 : i32
      %get3A_1521 = arith.index_cast %get3A_1519 : i32 to index
      %get3A_1522 = arith.index_cast %get3A_1520 : i32 to index
      %get3A_1523 = arith.index_cast %squeeze3A_1475 : i32 to index
      %get3A_1524 = arith.constant 48 : index
      %get3A_1525 = tpu.vector_load %arg9[%get3A_1521, %get3A_1522, %get3A_1523, %get3A_1524] {strides = array<i32>} : memref<2x16x8x64xf32, #tpu.memory_space<vmem>>, vector<1x1x1x16xf32>,
      %get3A_1526 = vector.shape_cast %get3A_1525 : vector<1x1x1x16xf32> to vector<16xf32>
      %swap3A_1527 = arith.index_cast %add3A_1479 : i32 to index
      %swap3A_1528 = arith.constant 48 : index
      %swap3A_1529 = tpu.vector_load %arg8[%swap3A_1527, %swap3A_1528] {strides = array<i32>} : memref<512x64xf32, #tpu.memory_space<vmem>>, vector<1x16xf32>,
      %swap3A_1530 = vector.shape_cast %swap3A_1529 : vector<1x16xf32> to vector<16xf32>
      %swap3A_1531 = vector.shape_cast %get3A_1526 : vector<16xf32> to vector<1x16xf32>
      tpu.vector_store %arg8[%swap3A_1527, %swap3A_1528], %swap3A_1531 {strides = array<i32>} : memref<512x64xf32, #tpu.memory_space<vmem>>, vector<1x16xf32>,
      %slice3A_1532 = vector.extract_strided_slice %get3A_1357 {offsets = [3], sizes = [1], strides = [1]} : vector<16xi32> to vector<1xi32>
      %squeeze3A_1533 = vector.extract %slice3A_1532[0] : i32 from vector<1xi32>
      %mul3A_1534 = arith.constant 16 : i32
      %mul3A_1535 = arith.muli %mul3A_1097, %mul3A_1534 : i32
      %add3A_1536 = arith.constant 3 : i32
      %add3A_1537 = arith.addi %mul3A_1535, %add3A_1536 : i32
      %get3A_1538 = arith.constant 0 : i32
      %get3A_1539 = arith.constant 3 : i32
      %get3A_1540 = arith.index_cast %get3A_1538 : i32 to index
      %get3A_1541 = arith.index_cast %get3A_1539 : i32 to index
      %get3A_1542 = arith.index_cast %squeeze3A_1533 : i32 to index
      %get3A_1543 = arith.constant 0 : index
      %get3A_1544 = tpu.vector_load %arg9[%get3A_1540, %get3A_1541, %get3A_1542, %get3A_1543] {strides = array<i32>} : memref<2x16x8x64xf32, #tpu.memory_space<vmem>>, vector<1x1x1x16xf32>,
      %get3A_1545 = vector.shape_cast %get3A_1544 : vector<1x1x1x16xf32> to vector<16xf32>
      %swap3A_1546 = arith.index_cast %add3A_1537 : i32 to index
      %swap3A_1547 = arith.constant 0 : index
      %swap3A_1548 = tpu.vector_load %arg8[%swap3A_1546, %swap3A_1547] {strides = array<i32>} : memref<512x64xf32, #tpu.memory_space<vmem>>, vector<1x16xf32>,
      %swap3A_1549 = vector.shape_cast %swap3A_1548 : vector<1x16xf32> to vector<16xf32>
      %swap3A_1550 = vector.shape_cast %get3A_1545 : vector<16xf32> to vector<1x16xf32>
      tpu.vector_store %arg8[%swap3A_1546, %swap3A_1547], %swap3A_1550 {strides = array<i32>} : memref<512x64xf32, #tpu.memory_space<vmem>>, vector<1x16xf32>,
      %get3A_1551 = arith.constant 0 : i32
      %get3A_1552 = arith.constant 3 : i32
      %get3A_1553 = arith.index_cast %get3A_1551 : i32 to index
      %get3A_1554 = arith.index_cast %get3A_1552 : i32 to index
      %get3A_1555 = arith.index_cast %squeeze3A_1533 : i32 to index
      %get3A_1556 = arith.constant 16 : index
      %get3A_1557 = tpu.vector_load %arg9[%get3A_1553, %get3A_1554, %get3A_1555, %get3A_1556] {strides = array<i32>} : memref<2x16x8x64xf32, #tpu.memory_space<vmem>>, vector<1x1x1x16xf32>,
      %get3A_1558 = vector.shape_cast %get3A_1557 : vector<1x1x1x16xf32> to vector<16xf32>
      %swap3A_1559 = arith.index_cast %add3A_1537 : i32 to index
      %swap3A_1560 = arith.constant 16 : index
      %swap3A_1561 = tpu.vector_load %arg8[%swap3A_1559, %swap3A_1560] {strides = array<i32>} : memref<512x64xf32, #tpu.memory_space<vmem>>, vector<1x16xf32>,
      %swap3A_1562 = vector.shape_cast %swap3A_1561 : vector<1x16xf32> to vector<16xf32>
      %swap3A_1563 = vector.shape_cast %get3A_1558 : vector<16xf32> to vector<1x16xf32>
      tpu.vector_store %arg8[%swap3A_1559, %swap3A_1560], %swap3A_1563 {strides = array<i32>} : memref<512x64xf32, #tpu.memory_space<vmem>>, vector<1x16xf32>,
      %get3A_1564 = arith.constant 0 : i32
      %get3A_1565 = arith.constant 3 : i32
      %get3A_1566 = arith.index_cast %get3A_1564 : i32 to index
      %get3A_1567 = arith.index_cast %get3A_1565 : i32 to index
      %get3A_1568 = arith.index_cast %squeeze3A_1533 : i32 to index
      %get3A_1569 = arith.constant 32 : index
      %get3A_1570 = tpu.vector_load %arg9[%get3A_1566, %get3A_1567, %get3A_1568, %get3A_1569] {strides = array<i32>} : memref<2x16x8x64xf32, #tpu.memory_space<vmem>>, vector<1x1x1x16xf32>,
      %get3A_1571 = vector.shape_cast %get3A_1570 : vector<1x1x1x16xf32> to vector<16xf32>
      %swap3A_1572 = arith.index_cast %add3A_1537 : i32 to index
      %swap3A_1573 = arith.constant 32 : index
      %swap3A_1574 = tpu.vector_load %arg8[%swap3A_1572, %swap3A_1573] {strides = array<i32>} : memref<512x64xf32, #tpu.memory_space<vmem>>, vector<1x16xf32>,
      %swap3A_1575 = vector.shape_cast %swap3A_1574 : vector<1x16xf32> to vector<16xf32>
      %swap3A_1576 = vector.shape_cast %get3A_1571 : vector<16xf32> to vector<1x16xf32>
      tpu.vector_store %arg8[%swap3A_1572, %swap3A_1573], %swap3A_1576 {strides = array<i32>} : memref<512x64xf32, #tpu.memory_space<vmem>>, vector<1x16xf32>,
      %get3A_1577 = arith.constant 0 : i32
      %get3A_1578 = arith.constant 3 : i32
      %get3A_1579 = arith.index_cast %get3A_1577 : i32 to index
      %get3A_1580 = arith.index_cast %get3A_1578 : i32 to index
      %get3A_1581 = arith.index_cast %squeeze3A_1533 : i32 to index
      %get3A_1582 = arith.constant 48 : index
      %get3A_1583 = tpu.vector_load %arg9[%get3A_1579, %get3A_1580, %get3A_1581, %get3A_1582] {strides = array<i32>} : memref<2x16x8x64xf32, #tpu.memory_space<vmem>>, vector<1x1x1x16xf32>,
      %get3A_1584 = vector.shape_cast %get3A_1583 : vector<1x1x1x16xf32> to vector<16xf32>
      %swap3A_1585 = arith.index_cast %add3A_1537 : i32 to index
      %swap3A_1586 = arith.constant 48 : index
      %swap3A_1587 = tpu.vector_load %arg8[%swap3A_1585, %swap3A_1586] {strides = array<i32>} : memref<512x64xf32, #tpu.memory_space<vmem>>, vector<1x16xf32>,
      %swap3A_1588 = vector.shape_cast %swap3A_1587 : vector<1x16xf32> to vector<16xf32>
      %swap3A_1589 = vector.shape_cast %get3A_1584 : vector<16xf32> to vector<1x16xf32>
      tpu.vector_store %arg8[%swap3A_1585, %swap3A_1586], %swap3A_1589 {strides = array<i32>} : memref<512x64xf32, #tpu.memory_space<vmem>>, vector<1x16xf32>,
      %slice3A_1590 = vector.extract_strided_slice %get3A_1357 {offsets = [4], sizes = [1], strides = [1]} : vector<16xi32> to vector<1xi32>
      %squeeze3A_1591 = vector.extract %slice3A_1590[0] : i32 from vector<1xi32>
      %mul3A_1592 = arith.constant 16 : i32
      %mul3A_1593 = arith.muli %mul3A_1097, %mul3A_1592 : i32
      %add3A_1594 = arith.constant 4 : i32
      %add3A_1595 = arith.addi %mul3A_1593, %add3A_1594 : i32
      %get3A_1596 = arith.constant 0 : i32
      %get3A_1597 = arith.constant 4 : i32
      %get3A_1598 = arith.index_cast %get3A_1596 : i32 to index
      %get3A_1599 = arith.index_cast %get3A_1597 : i32 to index
      %get3A_1600 = arith.index_cast %squeeze3A_1591 : i32 to index
      %get3A_1601 = arith.constant 0 : index
      %get3A_1602 = tpu.vector_load %arg9[%get3A_1598, %get3A_1599, %get3A_1600, %get3A_1601] {strides = array<i32>} : memref<2x16x8x64xf32, #tpu.memory_space<vmem>>, vector<1x1x1x16xf32>,
      %get3A_1603 = vector.shape_cast %get3A_1602 : vector<1x1x1x16xf32> to vector<16xf32>
      %swap3A_1604 = arith.index_cast %add3A_1595 : i32 to index
      %swap3A_1605 = arith.constant 0 : index
      %swap3A_1606 = tpu.vector_load %arg8[%swap3A_1604, %swap3A_1605] {strides = array<i32>} : memref<512x64xf32, #tpu.memory_space<vmem>>, vector<1x16xf32>,
      %swap3A_1607 = vector.shape_cast %swap3A_1606 : vector<1x16xf32> to vector<16xf32>
      %swap3A_1608 = vector.shape_cast %get3A_1603 : vector<16xf32> to vector<1x16xf32>
      tpu.vector_store %arg8[%swap3A_1604, %swap3A_1605], %swap3A_1608 {strides = array<i32>} : memref<512x64xf32, #tpu.memory_space<vmem>>, vector<1x16xf32>,
      %get3A_1609 = arith.constant 0 : i32
      %get3A_1610 = arith.constant 4 : i32
      %get3A_1611 = arith.index_cast %get3A_1609 : i32 to index
      %get3A_1612 = arith.index_cast %get3A_1610 : i32 to index
      %get3A_1613 = arith.index_cast %squeeze3A_1591 : i32 to index
      %get3A_1614 = arith.constant 16 : index
      %get3A_1615 = tpu.vector_load %arg9[%get3A_1611, %get3A_1612, %get3A_1613, %get3A_1614] {strides = array<i32>} : memref<2x16x8x64xf32, #tpu.memory_space<vmem>>, vector<1x1x1x16xf32>,
      %get3A_1616 = vector.shape_cast %get3A_1615 : vector<1x1x1x16xf32> to vector<16xf32>
      %swap3A_1617 = arith.index_cast %add3A_1595 : i32 to index
      %swap3A_1618 = arith.constant 16 : index
      %swap3A_1619 = tpu.vector_load %arg8[%swap3A_1617, %swap3A_1618] {strides = array<i32>} : memref<512x64xf32, #tpu.memory_space<vmem>>, vector<1x16xf32>,
      %swap3A_1620 = vector.shape_cast %swap3A_1619 : vector<1x16xf32> to vector<16xf32>
      %swap3A_1621 = vector.shape_cast %get3A_1616 : vector<16xf32> to vector<1x16xf32>
      tpu.vector_store %arg8[%swap3A_1617, %swap3A_1618], %swap3A_1621 {strides = array<i32>} : memref<512x64xf32, #tpu.memory_space<vmem>>, vector<1x16xf32>,
      %get3A_1622 = arith.constant 0 : i32
      %get3A_1623 = arith.constant 4 : i32
      %get3A_1624 = arith.index_cast %get3A_1622 : i32 to index
      %get3A_1625 = arith.index_cast %get3A_1623 : i32 to index
      %get3A_1626 = arith.index_cast %squeeze3A_1591 : i32 to index
      %get3A_1627 = arith.constant 32 : index
      %get3A_1628 = tpu.vector_load %arg9[%get3A_1624, %get3A_1625, %get3A_1626, %get3A_1627] {strides = array<i32>} : memref<2x16x8x64xf32, #tpu.memory_space<vmem>>, vector<1x1x1x16xf32>,
      %get3A_1629 = vector.shape_cast %get3A_1628 : vector<1x1x1x16xf32> to vector<16xf32>
      %swap3A_1630 = arith.index_cast %add3A_1595 : i32 to index
      %swap3A_1631 = arith.constant 32 : index
      %swap3A_1632 = tpu.vector_load %arg8[%swap3A_1630, %swap3A_1631] {strides = array<i32>} : memref<512x64xf32, #tpu.memory_space<vmem>>, vector<1x16xf32>,
      %swap3A_1633 = vector.shape_cast %swap3A_1632 : vector<1x16xf32> to vector<16xf32>
      %swap3A_1634 = vector.shape_cast %get3A_1629 : vector<16xf32> to vector<1x16xf32>
      tpu.vector_store %arg8[%swap3A_1630, %swap3A_1631], %swap3A_1634 {strides = array<i32>} : memref<512x64xf32, #tpu.memory_space<vmem>>, vector<1x16xf32>,
      %get3A_1635 = arith.constant 0 : i32
      %get3A_1636 = arith.constant 4 : i32
      %get3A_1637 = arith.index_cast %get3A_1635 : i32 to index
      %get3A_1638 = arith.index_cast %get3A_1636 : i32 to index
      %get3A_1639 = arith.index_cast %squeeze3A_1591 : i32 to index
      %get3A_1640 = arith.constant 48 : index
      %get3A_1641 = tpu.vector_load %arg9[%get3A_1637, %get3A_1638, %get3A_1639, %get3A_1640] {strides = array<i32>} : memref<2x16x8x64xf32, #tpu.memory_space<vmem>>, vector<1x1x1x16xf32>,
      %get3A_1642 = vector.shape_cast %get3A_1641 : vector<1x1x1x16xf32> to vector<16xf32>
      %swap3A_1643 = arith.index_cast %add3A_1595 : i32 to index
      %swap3A_1644 = arith.constant 48 : index
      %swap3A_1645 = tpu.vector_load %arg8[%swap3A_1643, %swap3A_1644] {strides = array<i32>} : memref<512x64xf32, #tpu.memory_space<vmem>>, vector<1x16xf32>,
      %swap3A_1646 = vector.shape_cast %swap3A_1645 : vector<1x16xf32> to vector<16xf32>
      %swap3A_1647 = vector.shape_cast %get3A_1642 : vector<16xf32> to vector<1x16xf32>
      tpu.vector_store %arg8[%swap3A_1643, %swap3A_1644], %swap3A_1647 {strides = array<i32>} : memref<512x64xf32, #tpu.memory_space<vmem>>, vector<1x16xf32>,
      %slice3A_1648 = vector.extract_strided_slice %get3A_1357 {offsets = [5], sizes = [1], strides = [1]} : vector<16xi32> to vector<1xi32>
      %squeeze3A_1649 = vector.extract %slice3A_1648[0] : i32 from vector<1xi32>
      %mul3A_1650 = arith.constant 16 : i32
      %mul3A_1651 = arith.muli %mul3A_1097, %mul3A_1650 : i32
      %add3A_1652 = arith.constant 5 : i32
      %add3A_1653 = arith.addi %mul3A_1651, %add3A_1652 : i32
      %get3A_1654 = arith.constant 0 : i32
      %get3A_1655 = arith.constant 5 : i32
      %get3A_1656 = arith.index_cast %get3A_1654 : i32 to index
      %get3A_1657 = arith.index_cast %get3A_1655 : i32 to index
      %get3A_1658 = arith.index_cast %squeeze3A_1649 : i32 to index
      %get3A_1659 = arith.constant 0 : index
      %get3A_1660 = tpu.vector_load %arg9[%get3A_1656, %get3A_1657, %get3A_1658, %get3A_1659] {strides = array<i32>} : memref<2x16x8x64xf32, #tpu.memory_space<vmem>>, vector<1x1x1x16xf32>,
      %get3A_1661 = vector.shape_cast %get3A_1660 : vector<1x1x1x16xf32> to vector<16xf32>
      %swap3A_1662 = arith.index_cast %add3A_1653 : i32 to index
      %swap3A_1663 = arith.constant 0 : index
      %swap3A_1664 = tpu.vector_load %arg8[%swap3A_1662, %swap3A_1663] {strides = array<i32>} : memref<512x64xf32, #tpu.memory_space<vmem>>, vector<1x16xf32>,
      %swap3A_1665 = vector.shape_cast %swap3A_1664 : vector<1x16xf32> to vector<16xf32>
      %swap3A_1666 = vector.shape_cast %get3A_1661 : vector<16xf32> to vector<1x16xf32>
      tpu.vector_store %arg8[%swap3A_1662, %swap3A_1663], %swap3A_1666 {strides = array<i32>} : memref<512x64xf32, #tpu.memory_space<vmem>>, vector<1x16xf32>,
      %get3A_1667 = arith.constant 0 : i32
      %get3A_1668 = arith.constant 5 : i32
      %get3A_1669 = arith.index_cast %get3A_1667 : i32 to index
      %get3A_1670 = arith.index_cast %get3A_1668 : i32 to index
      %get3A_1671 = arith.index_cast %squeeze3A_1649 : i32 to index
      %get3A_1672 = arith.constant 16 : index
      %get3A_1673 = tpu.vector_load %arg9[%get3A_1669, %get3A_1670, %get3A_1671, %get3A_1672] {strides = array<i32>} : memref<2x16x8x64xf32, #tpu.memory_space<vmem>>, vector<1x1x1x16xf32>,
      %get3A_1674 = vector.shape_cast %get3A_1673 : vector<1x1x1x16xf32> to vector<16xf32>
      %swap3A_1675 = arith.index_cast %add3A_1653 : i32 to index
      %swap3A_1676 = arith.constant 16 : index
      %swap3A_1677 = tpu.vector_load %arg8[%swap3A_1675, %swap3A_1676] {strides = array<i32>} : memref<512x64xf32, #tpu.memory_space<vmem>>, vector<1x16xf32>,
      %swap3A_1678 = vector.shape_cast %swap3A_1677 : vector<1x16xf32> to vector<16xf32>
      %swap3A_1679 = vector.shape_cast %get3A_1674 : vector<16xf32> to vector<1x16xf32>
      tpu.vector_store %arg8[%swap3A_1675, %swap3A_1676], %swap3A_1679 {strides = array<i32>} : memref<512x64xf32, #tpu.memory_space<vmem>>, vector<1x16xf32>,
      %get3A_1680 = arith.constant 0 : i32
      %get3A_1681 = arith.constant 5 : i32
      %get3A_1682 = arith.index_cast %get3A_1680 : i32 to index
      %get3A_1683 = arith.index_cast %get3A_1681 : i32 to index
      %get3A_1684 = arith.index_cast %squeeze3A_1649 : i32 to index
      %get3A_1685 = arith.constant 32 : index
      %get3A_1686 = tpu.vector_load %arg9[%get3A_1682, %get3A_1683, %get3A_1684, %get3A_1685] {strides = array<i32>} : memref<2x16x8x64xf32, #tpu.memory_space<vmem>>, vector<1x1x1x16xf32>,
      %get3A_1687 = vector.shape_cast %get3A_1686 : vector<1x1x1x16xf32> to vector<16xf32>
      %swap3A_1688 = arith.index_cast %add3A_1653 : i32 to index
      %swap3A_1689 = arith.constant 32 : index
      %swap3A_1690 = tpu.vector_load %arg8[%swap3A_1688, %swap3A_1689] {strides = array<i32>} : memref<512x64xf32, #tpu.memory_space<vmem>>, vector<1x16xf32>,
      %swap3A_1691 = vector.shape_cast %swap3A_1690 : vector<1x16xf32> to vector<16xf32>
      %swap3A_1692 = vector.shape_cast %get3A_1687 : vector<16xf32> to vector<1x16xf32>
      tpu.vector_store %arg8[%swap3A_1688, %swap3A_1689], %swap3A_1692 {strides = array<i32>} : memref<512x64xf32, #tpu.memory_space<vmem>>, vector<1x16xf32>,
      %get3A_1693 = arith.constant 0 : i32
      %get3A_1694 = arith.constant 5 : i32
      %get3A_1695 = arith.index_cast %get3A_1693 : i32 to index
      %get3A_1696 = arith.index_cast %get3A_1694 : i32 to index
      %get3A_1697 = arith.index_cast %squeeze3A_1649 : i32 to index
      %get3A_1698 = arith.constant 48 : index
      %get3A_1699 = tpu.vector_load %arg9[%get3A_1695, %get3A_1696, %get3A_1697, %get3A_1698] {strides = array<i32>} : memref<2x16x8x64xf32, #tpu.memory_space<vmem>>, vector<1x1x1x16xf32>,
      %get3A_1700 = vector.shape_cast %get3A_1699 : vector<1x1x1x16xf32> to vector<16xf32>
      %swap3A_1701 = arith.index_cast %add3A_1653 : i32 to index
      %swap3A_1702 = arith.constant 48 : index
      %swap3A_1703 = tpu.vector_load %arg8[%swap3A_1701, %swap3A_1702] {strides = array<i32>} : memref<512x64xf32, #tpu.memory_space<vmem>>, vector<1x16xf32>,
      %swap3A_1704 = vector.shape_cast %swap3A_1703 : vector<1x16xf32> to vector<16xf32>
      %swap3A_1705 = vector.shape_cast %get3A_1700 : vector<16xf32> to vector<1x16xf32>
      tpu.vector_store %arg8[%swap3A_1701, %swap3A_1702], %swap3A_1705 {strides = array<i32>} : memref<512x64xf32, #tpu.memory_space<vmem>>, vector<1x16xf32>,
      %slice3A_1706 = vector.extract_strided_slice %get3A_1357 {offsets = [6], sizes = [1], strides = [1]} : vector<16xi32> to vector<1xi32>
      %squeeze3A_1707 = vector.extract %slice3A_1706[0] : i32 from vector<1xi32>
      %mul3A_1708 = arith.constant 16 : i32
      %mul3A_1709 = arith.muli %mul3A_1097, %mul3A_1708 : i32
      %add3A_1710 = arith.constant 6 : i32
      %add3A_1711 = arith.addi %mul3A_1709, %add3A_1710 : i32
      %get3A_1712 = arith.constant 0 : i32
      %get3A_1713 = arith.constant 6 : i32
      %get3A_1714 = arith.index_cast %get3A_1712 : i32 to index
      %get3A_1715 = arith.index_cast %get3A_1713 : i32 to index
      %get3A_1716 = arith.index_cast %squeeze3A_1707 : i32 to index
      %get3A_1717 = arith.constant 0 : index
      %get3A_1718 = tpu.vector_load %arg9[%get3A_1714, %get3A_1715, %get3A_1716, %get3A_1717] {strides = array<i32>} : memref<2x16x8x64xf32, #tpu.memory_space<vmem>>, vector<1x1x1x16xf32>,
      %get3A_1719 = vector.shape_cast %get3A_1718 : vector<1x1x1x16xf32> to vector<16xf32>
      %swap3A_1720 = arith.index_cast %add3A_1711 : i32 to index
      %swap3A_1721 = arith.constant 0 : index
      %swap3A_1722 = tpu.vector_load %arg8[%swap3A_1720, %swap3A_1721] {strides = array<i32>} : memref<512x64xf32, #tpu.memory_space<vmem>>, vector<1x16xf32>,
      %swap3A_1723 = vector.shape_cast %swap3A_1722 : vector<1x16xf32> to vector<16xf32>
      %swap3A_1724 = vector.shape_cast %get3A_1719 : vector<16xf32> to vector<1x16xf32>
      tpu.vector_store %arg8[%swap3A_1720, %swap3A_1721], %swap3A_1724 {strides = array<i32>} : memref<512x64xf32, #tpu.memory_space<vmem>>, vector<1x16xf32>,
      %get3A_1725 = arith.constant 0 : i32
      %get3A_1726 = arith.constant 6 : i32
      %get3A_1727 = arith.index_cast %get3A_1725 : i32 to index
      %get3A_1728 = arith.index_cast %get3A_1726 : i32 to index
      %get3A_1729 = arith.index_cast %squeeze3A_1707 : i32 to index
      %get3A_1730 = arith.constant 16 : index
      %get3A_1731 = tpu.vector_load %arg9[%get3A_1727, %get3A_1728, %get3A_1729, %get3A_1730] {strides = array<i32>} : memref<2x16x8x64xf32, #tpu.memory_space<vmem>>, vector<1x1x1x16xf32>,
      %get3A_1732 = vector.shape_cast %get3A_1731 : vector<1x1x1x16xf32> to vector<16xf32>
      %swap3A_1733 = arith.index_cast %add3A_1711 : i32 to index
      %swap3A_1734 = arith.constant 16 : index
      %swap3A_1735 = tpu.vector_load %arg8[%swap3A_1733, %swap3A_1734] {strides = array<i32>} : memref<512x64xf32, #tpu.memory_space<vmem>>, vector<1x16xf32>,
      %swap3A_1736 = vector.shape_cast %swap3A_1735 : vector<1x16xf32> to vector<16xf32>
      %swap3A_1737 = vector.shape_cast %get3A_1732 : vector<16xf32> to vector<1x16xf32>
      tpu.vector_store %arg8[%swap3A_1733, %swap3A_1734], %swap3A_1737 {strides = array<i32>} : memref<512x64xf32, #tpu.memory_space<vmem>>, vector<1x16xf32>,
      %get3A_1738 = arith.constant 0 : i32
      %get3A_1739 = arith.constant 6 : i32
      %get3A_1740 = arith.index_cast %get3A_1738 : i32 to index
      %get3A_1741 = arith.index_cast %get3A_1739 : i32 to index
      %get3A_1742 = arith.index_cast %squeeze3A_1707 : i32 to index
      %get3A_1743 = arith.constant 32 : index
      %get3A_1744 = tpu.vector_load %arg9[%get3A_1740, %get3A_1741, %get3A_1742, %get3A_1743] {strides = array<i32>} : memref<2x16x8x64xf32, #tpu.memory_space<vmem>>, vector<1x1x1x16xf32>,
      %get3A_1745 = vector.shape_cast %get3A_1744 : vector<1x1x1x16xf32> to vector<16xf32>
      %swap3A_1746 = arith.index_cast %add3A_1711 : i32 to index
      %swap3A_1747 = arith.constant 32 : index
      %swap3A_1748 = tpu.vector_load %arg8[%swap3A_1746, %swap3A_1747] {strides = array<i32>} : memref<512x64xf32, #tpu.memory_space<vmem>>, vector<1x16xf32>,
      %swap3A_1749 = vector.shape_cast %swap3A_1748 : vector<1x16xf32> to vector<16xf32>
      %swap3A_1750 = vector.shape_cast %get3A_1745 : vector<16xf32> to vector<1x16xf32>
      tpu.vector_store %arg8[%swap3A_1746, %swap3A_1747], %swap3A_1750 {strides = array<i32>} : memref<512x64xf32, #tpu.memory_space<vmem>>, vector<1x16xf32>,
      %get3A_1751 = arith.constant 0 : i32
      %get3A_1752 = arith.constant 6 : i32
      %get3A_1753 = arith.index_cast %get3A_1751 : i32 to index
      %get3A_1754 = arith.index_cast %get3A_1752 : i32 to index
      %get3A_1755 = arith.index_cast %squeeze3A_1707 : i32 to index
      %get3A_1756 = arith.constant 48 : index
      %get3A_1757 = tpu.vector_load %arg9[%get3A_1753, %get3A_1754, %get3A_1755, %get3A_1756] {strides = array<i32>} : memref<2x16x8x64xf32, #tpu.memory_space<vmem>>, vector<1x1x1x16xf32>,
      %get3A_1758 = vector.shape_cast %get3A_1757 : vector<1x1x1x16xf32> to vector<16xf32>
      %swap3A_1759 = arith.index_cast %add3A_1711 : i32 to index
      %swap3A_1760 = arith.constant 48 : index
      %swap3A_1761 = tpu.vector_load %arg8[%swap3A_1759, %swap3A_1760] {strides = array<i32>} : memref<512x64xf32, #tpu.memory_space<vmem>>, vector<1x16xf32>,
      %swap3A_1762 = vector.shape_cast %swap3A_1761 : vector<1x16xf32> to vector<16xf32>
      %swap3A_1763 = vector.shape_cast %get3A_1758 : vector<16xf32> to vector<1x16xf32>
      tpu.vector_store %arg8[%swap3A_1759, %swap3A_1760], %swap3A_1763 {strides = array<i32>} : memref<512x64xf32, #tpu.memory_space<vmem>>, vector<1x16xf32>,
      %slice3A_1764 = vector.extract_strided_slice %get3A_1357 {offsets = [7], sizes = [1], strides = [1]} : vector<16xi32> to vector<1xi32>
      %squeeze3A_1765 = vector.extract %slice3A_1764[0] : i32 from vector<1xi32>
      %mul3A_1766 = arith.constant 16 : i32
      %mul3A_1767 = arith.muli %mul3A_1097, %mul3A_1766 : i32
      %add3A_1768 = arith.constant 7 : i32
      %add3A_1769 = arith.addi %mul3A_1767, %add3A_1768 : i32
      %get3A_1770 = arith.constant 0 : i32
      %get3A_1771 = arith.constant 7 : i32
      %get3A_1772 = arith.index_cast %get3A_1770 : i32 to index
      %get3A_1773 = arith.index_cast %get3A_1771 : i32 to index
      %get3A_1774 = arith.index_cast %squeeze3A_1765 : i32 to index
      %get3A_1775 = arith.constant 0 : index
      %get3A_1776 = tpu.vector_load %arg9[%get3A_1772, %get3A_1773, %get3A_1774, %get3A_1775] {strides = array<i32>} : memref<2x16x8x64xf32, #tpu.memory_space<vmem>>, vector<1x1x1x16xf32>,
      %get3A_1777 = vector.shape_cast %get3A_1776 : vector<1x1x1x16xf32> to vector<16xf32>
      %swap3A_1778 = arith.index_cast %add3A_1769 : i32 to index
      %swap3A_1779 = arith.constant 0 : index
      %swap3A_1780 = tpu.vector_load %arg8[%swap3A_1778, %swap3A_1779] {strides = array<i32>} : memref<512x64xf32, #tpu.memory_space<vmem>>, vector<1x16xf32>,
      %swap3A_1781 = vector.shape_cast %swap3A_1780 : vector<1x16xf32> to vector<16xf32>
      %swap3A_1782 = vector.shape_cast %get3A_1777 : vector<16xf32> to vector<1x16xf32>
      tpu.vector_store %arg8[%swap3A_1778, %swap3A_1779], %swap3A_1782 {strides = array<i32>} : memref<512x64xf32, #tpu.memory_space<vmem>>, vector<1x16xf32>,
      %get3A_1783 = arith.constant 0 : i32
      %get3A_1784 = arith.constant 7 : i32
      %get3A_1785 = arith.index_cast %get3A_1783 : i32 to index
      %get3A_1786 = arith.index_cast %get3A_1784 : i32 to index
      %get3A_1787 = arith.index_cast %squeeze3A_1765 : i32 to index
      %get3A_1788 = arith.constant 16 : index
      %get3A_1789 = tpu.vector_load %arg9[%get3A_1785, %get3A_1786, %get3A_1787, %get3A_1788] {strides = array<i32>} : memref<2x16x8x64xf32, #tpu.memory_space<vmem>>, vector<1x1x1x16xf32>,
      %get3A_1790 = vector.shape_cast %get3A_1789 : vector<1x1x1x16xf32> to vector<16xf32>
      %swap3A_1791 = arith.index_cast %add3A_1769 : i32 to index
      %swap3A_1792 = arith.constant 16 : index
      %swap3A_1793 = tpu.vector_load %arg8[%swap3A_1791, %swap3A_1792] {strides = array<i32>} : memref<512x64xf32, #tpu.memory_space<vmem>>, vector<1x16xf32>,
      %swap3A_1794 = vector.shape_cast %swap3A_1793 : vector<1x16xf32> to vector<16xf32>
      %swap3A_1795 = vector.shape_cast %get3A_1790 : vector<16xf32> to vector<1x16xf32>
      tpu.vector_store %arg8[%swap3A_1791, %swap3A_1792], %swap3A_1795 {strides = array<i32>} : memref<512x64xf32, #tpu.memory_space<vmem>>, vector<1x16xf32>,
      %get3A_1796 = arith.constant 0 : i32
      %get3A_1797 = arith.constant 7 : i32
      %get3A_1798 = arith.index_cast %get3A_1796 : i32 to index
      %get3A_1799 = arith.index_cast %get3A_1797 : i32 to index
      %get3A_1800 = arith.index_cast %squeeze3A_1765 : i32 to index
      %get3A_1801 = arith.constant 32 : index
      %get3A_1802 = tpu.vector_load %arg9[%get3A_1798, %get3A_1799, %get3A_1800, %get3A_1801] {strides = array<i32>} : memref<2x16x8x64xf32, #tpu.memory_space<vmem>>, vector<1x1x1x16xf32>,
      %get3A_1803 = vector.shape_cast %get3A_1802 : vector<1x1x1x16xf32> to vector<16xf32>
      %swap3A_1804 = arith.index_cast %add3A_1769 : i32 to index
      %swap3A_1805 = arith.constant 32 : index
      %swap3A_1806 = tpu.vector_load %arg8[%swap3A_1804, %swap3A_1805] {strides = array<i32>} : memref<512x64xf32, #tpu.memory_space<vmem>>, vector<1x16xf32>,
      %swap3A_1807 = vector.shape_cast %swap3A_1806 : vector<1x16xf32> to vector<16xf32>
      %swap3A_1808 = vector.shape_cast %get3A_1803 : vector<16xf32> to vector<1x16xf32>
      tpu.vector_store %arg8[%swap3A_1804, %swap3A_1805], %swap3A_1808 {strides = array<i32>} : memref<512x64xf32, #tpu.memory_space<vmem>>, vector<1x16xf32>,
      %get3A_1809 = arith.constant 0 : i32
      %get3A_1810 = arith.constant 7 : i32
      %get3A_1811 = arith.index_cast %get3A_1809 : i32 to index
      %get3A_1812 = arith.index_cast %get3A_1810 : i32 to index
      %get3A_1813 = arith.index_cast %squeeze3A_1765 : i32 to index
      %get3A_1814 = arith.constant 48 : index
      %get3A_1815 = tpu.vector_load %arg9[%get3A_1811, %get3A_1812, %get3A_1813, %get3A_1814] {strides = array<i32>} : memref<2x16x8x64xf32, #tpu.memory_space<vmem>>, vector<1x1x1x16xf32>,
      %get3A_1816 = vector.shape_cast %get3A_1815 : vector<1x1x1x16xf32> to vector<16xf32>
      %swap3A_1817 = arith.index_cast %add3A_1769 : i32 to index
      %swap3A_1818 = arith.constant 48 : index
      %swap3A_1819 = tpu.vector_load %arg8[%swap3A_1817, %swap3A_1818] {strides = array<i32>} : memref<512x64xf32, #tpu.memory_space<vmem>>, vector<1x16xf32>,
      %swap3A_1820 = vector.shape_cast %swap3A_1819 : vector<1x16xf32> to vector<16xf32>
      %swap3A_1821 = vector.shape_cast %get3A_1816 : vector<16xf32> to vector<1x16xf32>
      tpu.vector_store %arg8[%swap3A_1817, %swap3A_1818], %swap3A_1821 {strides = array<i32>} : memref<512x64xf32, #tpu.memory_space<vmem>>, vector<1x16xf32>,
      %slice3A_1822 = vector.extract_strided_slice %get3A_1357 {offsets = [8], sizes = [1], strides = [1]} : vector<16xi32> to vector<1xi32>
      %squeeze3A_1823 = vector.extract %slice3A_1822[0] : i32 from vector<1xi32>
      %mul3A_1824 = arith.constant 16 : i32
      %mul3A_1825 = arith.muli %mul3A_1097, %mul3A_1824 : i32
      %add3A_1826 = arith.constant 8 : i32
      %add3A_1827 = arith.addi %mul3A_1825, %add3A_1826 : i32
      %get3A_1828 = arith.constant 0 : i32
      %get3A_1829 = arith.constant 8 : i32
      %get3A_1830 = arith.index_cast %get3A_1828 : i32 to index
      %get3A_1831 = arith.index_cast %get3A_1829 : i32 to index
      %get3A_1832 = arith.index_cast %squeeze3A_1823 : i32 to index
      %get3A_1833 = arith.constant 0 : index
      %get3A_1834 = tpu.vector_load %arg9[%get3A_1830, %get3A_1831, %get3A_1832, %get3A_1833] {strides = array<i32>} : memref<2x16x8x64xf32, #tpu.memory_space<vmem>>, vector<1x1x1x16xf32>,
      %get3A_1835 = vector.shape_cast %get3A_1834 : vector<1x1x1x16xf32> to vector<16xf32>
      %swap3A_1836 = arith.index_cast %add3A_1827 : i32 to index
      %swap3A_1837 = arith.constant 0 : index
      %swap3A_1838 = tpu.vector_load %arg8[%swap3A_1836, %swap3A_1837] {strides = array<i32>} : memref<512x64xf32, #tpu.memory_space<vmem>>, vector<1x16xf32>,
      %swap3A_1839 = vector.shape_cast %swap3A_1838 : vector<1x16xf32> to vector<16xf32>
      %swap3A_1840 = vector.shape_cast %get3A_1835 : vector<16xf32> to vector<1x16xf32>
      tpu.vector_store %arg8[%swap3A_1836, %swap3A_1837], %swap3A_1840 {strides = array<i32>} : memref<512x64xf32, #tpu.memory_space<vmem>>, vector<1x16xf32>,
      %get3A_1841 = arith.constant 0 : i32
      %get3A_1842 = arith.constant 8 : i32
      %get3A_1843 = arith.index_cast %get3A_1841 : i32 to index
      %get3A_1844 = arith.index_cast %get3A_1842 : i32 to index
      %get3A_1845 = arith.index_cast %squeeze3A_1823 : i32 to index
      %get3A_1846 = arith.constant 16 : index
      %get3A_1847 = tpu.vector_load %arg9[%get3A_1843, %get3A_1844, %get3A_1845, %get3A_1846] {strides = array<i32>} : memref<2x16x8x64xf32, #tpu.memory_space<vmem>>, vector<1x1x1x16xf32>,
      %get3A_1848 = vector.shape_cast %get3A_1847 : vector<1x1x1x16xf32> to vector<16xf32>
      %swap3A_1849 = arith.index_cast %add3A_1827 : i32 to index
      %swap3A_1850 = arith.constant 16 : index
      %swap3A_1851 = tpu.vector_load %arg8[%swap3A_1849, %swap3A_1850] {strides = array<i32>} : memref<512x64xf32, #tpu.memory_space<vmem>>, vector<1x16xf32>,
      %swap3A_1852 = vector.shape_cast %swap3A_1851 : vector<1x16xf32> to vector<16xf32>
      %swap3A_1853 = vector.shape_cast %get3A_1848 : vector<16xf32> to vector<1x16xf32>
      tpu.vector_store %arg8[%swap3A_1849, %swap3A_1850], %swap3A_1853 {strides = array<i32>} : memref<512x64xf32, #tpu.memory_space<vmem>>, vector<1x16xf32>,
      %get3A_1854 = arith.constant 0 : i32
      %get3A_1855 = arith.constant 8 : i32
      %get3A_1856 = arith.index_cast %get3A_1854 : i32 to index
      %get3A_1857 = arith.index_cast %get3A_1855 : i32 to index
      %get3A_1858 = arith.index_cast %squeeze3A_1823 : i32 to index
      %get3A_1859 = arith.constant 32 : index
      %get3A_1860 = tpu.vector_load %arg9[%get3A_1856, %get3A_1857, %get3A_1858, %get3A_1859] {strides = array<i32>} : memref<2x16x8x64xf32, #tpu.memory_space<vmem>>, vector<1x1x1x16xf32>,
      %get3A_1861 = vector.shape_cast %get3A_1860 : vector<1x1x1x16xf32> to vector<16xf32>
      %swap3A_1862 = arith.index_cast %add3A_1827 : i32 to index
      %swap3A_1863 = arith.constant 32 : index
      %swap3A_1864 = tpu.vector_load %arg8[%swap3A_1862, %swap3A_1863] {strides = array<i32>} : memref<512x64xf32, #tpu.memory_space<vmem>>, vector<1x16xf32>,
      %swap3A_1865 = vector.shape_cast %swap3A_1864 : vector<1x16xf32> to vector<16xf32>
      %swap3A_1866 = vector.shape_cast %get3A_1861 : vector<16xf32> to vector<1x16xf32>
      tpu.vector_store %arg8[%swap3A_1862, %swap3A_1863], %swap3A_1866 {strides = array<i32>} : memref<512x64xf32, #tpu.memory_space<vmem>>, vector<1x16xf32>,
      %get3A_1867 = arith.constant 0 : i32
      %get3A_1868 = arith.constant 8 : i32
      %get3A_1869 = arith.index_cast %get3A_1867 : i32 to index
      %get3A_1870 = arith.index_cast %get3A_1868 : i32 to index
      %get3A_1871 = arith.index_cast %squeeze3A_1823 : i32 to index
      %get3A_1872 = arith.constant 48 : index
      %get3A_1873 = tpu.vector_load %arg9[%get3A_1869, %get3A_1870, %get3A_1871, %get3A_1872] {strides = array<i32>} : memref<2x16x8x64xf32, #tpu.memory_space<vmem>>, vector<1x1x1x16xf32>,
      %get3A_1874 = vector.shape_cast %get3A_1873 : vector<1x1x1x16xf32> to vector<16xf32>
      %swap3A_1875 = arith.index_cast %add3A_1827 : i32 to index
      %swap3A_1876 = arith.constant 48 : index
      %swap3A_1877 = tpu.vector_load %arg8[%swap3A_1875, %swap3A_1876] {strides = array<i32>} : memref<512x64xf32, #tpu.memory_space<vmem>>, vector<1x16xf32>,
      %swap3A_1878 = vector.shape_cast %swap3A_1877 : vector<1x16xf32> to vector<16xf32>
      %swap3A_1879 = vector.shape_cast %get3A_1874 : vector<16xf32> to vector<1x16xf32>
      tpu.vector_store %arg8[%swap3A_1875, %swap3A_1876], %swap3A_1879 {strides = array<i32>} : memref<512x64xf32, #tpu.memory_space<vmem>>, vector<1x16xf32>,
      %slice3A_1880 = vector.extract_strided_slice %get3A_1357 {offsets = [9], sizes = [1], strides = [1]} : vector<16xi32> to vector<1xi32>
      %squeeze3A_1881 = vector.extract %slice3A_1880[0] : i32 from vector<1xi32>
      %mul3A_1882 = arith.constant 16 : i32
      %mul3A_1883 = arith.muli %mul3A_1097, %mul3A_1882 : i32
      %add3A_1884 = arith.constant 9 : i32
      %add3A_1885 = arith.addi %mul3A_1883, %add3A_1884 : i32
      %get3A_1886 = arith.constant 0 : i32
      %get3A_1887 = arith.constant 9 : i32
      %get3A_1888 = arith.index_cast %get3A_1886 : i32 to index
      %get3A_1889 = arith.index_cast %get3A_1887 : i32 to index
      %get3A_1890 = arith.index_cast %squeeze3A_1881 : i32 to index
      %get3A_1891 = arith.constant 0 : index
      %get3A_1892 = tpu.vector_load %arg9[%get3A_1888, %get3A_1889, %get3A_1890, %get3A_1891] {strides = array<i32>} : memref<2x16x8x64xf32, #tpu.memory_space<vmem>>, vector<1x1x1x16xf32>,
      %get3A_1893 = vector.shape_cast %get3A_1892 : vector<1x1x1x16xf32> to vector<16xf32>
      %swap3A_1894 = arith.index_cast %add3A_1885 : i32 to index
      %swap3A_1895 = arith.constant 0 : index
      %swap3A_1896 = tpu.vector_load %arg8[%swap3A_1894, %swap3A_1895] {strides = array<i32>} : memref<512x64xf32, #tpu.memory_space<vmem>>, vector<1x16xf32>,
      %swap3A_1897 = vector.shape_cast %swap3A_1896 : vector<1x16xf32> to vector<16xf32>
      %swap3A_1898 = vector.shape_cast %get3A_1893 : vector<16xf32> to vector<1x16xf32>
      tpu.vector_store %arg8[%swap3A_1894, %swap3A_1895], %swap3A_1898 {strides = array<i32>} : memref<512x64xf32, #tpu.memory_space<vmem>>, vector<1x16xf32>,
      %get3A_1899 = arith.constant 0 : i32
      %get3A_1900 = arith.constant 9 : i32
      %get3A_1901 = arith.index_cast %get3A_1899 : i32 to index
      %get3A_1902 = arith.index_cast %get3A_1900 : i32 to index
      %get3A_1903 = arith.index_cast %squeeze3A_1881 : i32 to index
      %get3A_1904 = arith.constant 16 : index
      %get3A_1905 = tpu.vector_load %arg9[%get3A_1901, %get3A_1902, %get3A_1903, %get3A_1904] {strides = array<i32>} : memref<2x16x8x64xf32, #tpu.memory_space<vmem>>, vector<1x1x1x16xf32>,
      %get3A_1906 = vector.shape_cast %get3A_1905 : vector<1x1x1x16xf32> to vector<16xf32>
      %swap3A_1907 = arith.index_cast %add3A_1885 : i32 to index
      %swap3A_1908 = arith.constant 16 : index
      %swap3A_1909 = tpu.vector_load %arg8[%swap3A_1907, %swap3A_1908] {strides = array<i32>} : memref<512x64xf32, #tpu.memory_space<vmem>>, vector<1x16xf32>,
      %swap3A_1910 = vector.shape_cast %swap3A_1909 : vector<1x16xf32> to vector<16xf32>
      %swap3A_1911 = vector.shape_cast %get3A_1906 : vector<16xf32> to vector<1x16xf32>
      tpu.vector_store %arg8[%swap3A_1907, %swap3A_1908], %swap3A_1911 {strides = array<i32>} : memref<512x64xf32, #tpu.memory_space<vmem>>, vector<1x16xf32>,
      %get3A_1912 = arith.constant 0 : i32
      %get3A_1913 = arith.constant 9 : i32
      %get3A_1914 = arith.index_cast %get3A_1912 : i32 to index
      %get3A_1915 = arith.index_cast %get3A_1913 : i32 to index
      %get3A_1916 = arith.index_cast %squeeze3A_1881 : i32 to index
      %get3A_1917 = arith.constant 32 : index
      %get3A_1918 = tpu.vector_load %arg9[%get3A_1914, %get3A_1915, %get3A_1916, %get3A_1917] {strides = array<i32>} : memref<2x16x8x64xf32, #tpu.memory_space<vmem>>, vector<1x1x1x16xf32>,
      %get3A_1919 = vector.shape_cast %get3A_1918 : vector<1x1x1x16xf32> to vector<16xf32>
      %swap3A_1920 = arith.index_cast %add3A_1885 : i32 to index
      %swap3A_1921 = arith.constant 32 : index
      %swap3A_1922 = tpu.vector_load %arg8[%swap3A_1920, %swap3A_1921] {strides = array<i32>} : memref<512x64xf32, #tpu.memory_space<vmem>>, vector<1x16xf32>,
      %swap3A_1923 = vector.shape_cast %swap3A_1922 : vector<1x16xf32> to vector<16xf32>
      %swap3A_1924 = vector.shape_cast %get3A_1919 : vector<16xf32> to vector<1x16xf32>
      tpu.vector_store %arg8[%swap3A_1920, %swap3A_1921], %swap3A_1924 {strides = array<i32>} : memref<512x64xf32, #tpu.memory_space<vmem>>, vector<1x16xf32>,
      %get3A_1925 = arith.constant 0 : i32
      %get3A_1926 = arith.constant 9 : i32
      %get3A_1927 = arith.index_cast %get3A_1925 : i32 to index
      %get3A_1928 = arith.index_cast %get3A_1926 : i32 to index
      %get3A_1929 = arith.index_cast %squeeze3A_1881 : i32 to index
      %get3A_1930 = arith.constant 48 : index
      %get3A_1931 = tpu.vector_load %arg9[%get3A_1927, %get3A_1928, %get3A_1929, %get3A_1930] {strides = array<i32>} : memref<2x16x8x64xf32, #tpu.memory_space<vmem>>, vector<1x1x1x16xf32>,
      %get3A_1932 = vector.shape_cast %get3A_1931 : vector<1x1x1x16xf32> to vector<16xf32>
      %swap3A_1933 = arith.index_cast %add3A_1885 : i32 to index
      %swap3A_1934 = arith.constant 48 : index
      %swap3A_1935 = tpu.vector_load %arg8[%swap3A_1933, %swap3A_1934] {strides = array<i32>} : memref<512x64xf32, #tpu.memory_space<vmem>>, vector<1x16xf32>,
      %swap3A_1936 = vector.shape_cast %swap3A_1935 : vector<1x16xf32> to vector<16xf32>
      %swap3A_1937 = vector.shape_cast %get3A_1932 : vector<16xf32> to vector<1x16xf32>
      tpu.vector_store %arg8[%swap3A_1933, %swap3A_1934], %swap3A_1937 {strides = array<i32>} : memref<512x64xf32, #tpu.memory_space<vmem>>, vector<1x16xf32>,
      %slice3A_1938 = vector.extract_strided_slice %get3A_1357 {offsets = [10], sizes = [1], strides = [1]} : vector<16xi32> to vector<1xi32>
      %squeeze3A_1939 = vector.extract %slice3A_1938[0] : i32 from vector<1xi32>
      %mul3A_1940 = arith.constant 16 : i32
      %mul3A_1941 = arith.muli %mul3A_1097, %mul3A_1940 : i32
      %add3A_1942 = arith.constant 10 : i32
      %add3A_1943 = arith.addi %mul3A_1941, %add3A_1942 : i32
      %get3A_1944 = arith.constant 0 : i32
      %get3A_1945 = arith.constant 10 : i32
      %get3A_1946 = arith.index_cast %get3A_1944 : i32 to index
      %get3A_1947 = arith.index_cast %get3A_1945 : i32 to index
      %get3A_1948 = arith.index_cast %squeeze3A_1939 : i32 to index
      %get3A_1949 = arith.constant 0 : index
      %get3A_1950 = tpu.vector_load %arg9[%get3A_1946, %get3A_1947, %get3A_1948, %get3A_1949] {strides = array<i32>} : memref<2x16x8x64xf32, #tpu.memory_space<vmem>>, vector<1x1x1x16xf32>,
      %get3A_1951 = vector.shape_cast %get3A_1950 : vector<1x1x1x16xf32> to vector<16xf32>
      %swap3A_1952 = arith.index_cast %add3A_1943 : i32 to index
      %swap3A_1953 = arith.constant 0 : index
      %swap3A_1954 = tpu.vector_load %arg8[%swap3A_1952, %swap3A_1953] {strides = array<i32>} : memref<512x64xf32, #tpu.memory_space<vmem>>, vector<1x16xf32>,
      %swap3A_1955 = vector.shape_cast %swap3A_1954 : vector<1x16xf32> to vector<16xf32>
      %swap3A_1956 = vector.shape_cast %get3A_1951 : vector<16xf32> to vector<1x16xf32>
      tpu.vector_store %arg8[%swap3A_1952, %swap3A_1953], %swap3A_1956 {strides = array<i32>} : memref<512x64xf32, #tpu.memory_space<vmem>>, vector<1x16xf32>,
      %get3A_1957 = arith.constant 0 : i32
      %get3A_1958 = arith.constant 10 : i32
      %get3A_1959 = arith.index_cast %get3A_1957 : i32 to index
      %get3A_1960 = arith.index_cast %get3A_1958 : i32 to index
      %get3A_1961 = arith.index_cast %squeeze3A_1939 : i32 to index
      %get3A_1962 = arith.constant 16 : index
      %get3A_1963 = tpu.vector_load %arg9[%get3A_1959, %get3A_1960, %get3A_1961, %get3A_1962] {strides = array<i32>} : memref<2x16x8x64xf32, #tpu.memory_space<vmem>>, vector<1x1x1x16xf32>,
      %get3A_1964 = vector.shape_cast %get3A_1963 : vector<1x1x1x16xf32> to vector<16xf32>
      %swap3A_1965 = arith.index_cast %add3A_1943 : i32 to index
      %swap3A_1966 = arith.constant 16 : index
      %swap3A_1967 = tpu.vector_load %arg8[%swap3A_1965, %swap3A_1966] {strides = array<i32>} : memref<512x64xf32, #tpu.memory_space<vmem>>, vector<1x16xf32>,
      %swap3A_1968 = vector.shape_cast %swap3A_1967 : vector<1x16xf32> to vector<16xf32>
      %swap3A_1969 = vector.shape_cast %get3A_1964 : vector<16xf32> to vector<1x16xf32>
      tpu.vector_store %arg8[%swap3A_1965, %swap3A_1966], %swap3A_1969 {strides = array<i32>} : memref<512x64xf32, #tpu.memory_space<vmem>>, vector<1x16xf32>,
      %get3A_1970 = arith.constant 0 : i32
      %get3A_1971 = arith.constant 10 : i32
      %get3A_1972 = arith.index_cast %get3A_1970 : i32 to index
      %get3A_1973 = arith.index_cast %get3A_1971 : i32 to index
      %get3A_1974 = arith.index_cast %squeeze3A_1939 : i32 to index
      %get3A_1975 = arith.constant 32 : index
      %get3A_1976 = tpu.vector_load %arg9[%get3A_1972, %get3A_1973, %get3A_1974, %get3A_1975] {strides = array<i32>} : memref<2x16x8x64xf32, #tpu.memory_space<vmem>>, vector<1x1x1x16xf32>,
      %get3A_1977 = vector.shape_cast %get3A_1976 : vector<1x1x1x16xf32> to vector<16xf32>
      %swap3A_1978 = arith.index_cast %add3A_1943 : i32 to index
      %swap3A_1979 = arith.constant 32 : index
      %swap3A_1980 = tpu.vector_load %arg8[%swap3A_1978, %swap3A_1979] {strides = array<i32>} : memref<512x64xf32, #tpu.memory_space<vmem>>, vector<1x16xf32>,
      %swap3A_1981 = vector.shape_cast %swap3A_1980 : vector<1x16xf32> to vector<16xf32>
      %swap3A_1982 = vector.shape_cast %get3A_1977 : vector<16xf32> to vector<1x16xf32>
      tpu.vector_store %arg8[%swap3A_1978, %swap3A_1979], %swap3A_1982 {strides = array<i32>} : memref<512x64xf32, #tpu.memory_space<vmem>>, vector<1x16xf32>,
      %get3A_1983 = arith.constant 0 : i32
      %get3A_1984 = arith.constant 10 : i32
      %get3A_1985 = arith.index_cast %get3A_1983 : i32 to index
      %get3A_1986 = arith.index_cast %get3A_1984 : i32 to index
      %get3A_1987 = arith.index_cast %squeeze3A_1939 : i32 to index
      %get3A_1988 = arith.constant 48 : index
      %get3A_1989 = tpu.vector_load %arg9[%get3A_1985, %get3A_1986, %get3A_1987, %get3A_1988] {strides = array<i32>} : memref<2x16x8x64xf32, #tpu.memory_space<vmem>>, vector<1x1x1x16xf32>,
      %get3A_1990 = vector.shape_cast %get3A_1989 : vector<1x1x1x16xf32> to vector<16xf32>
      %swap3A_1991 = arith.index_cast %add3A_1943 : i32 to index
      %swap3A_1992 = arith.constant 48 : index
      %swap3A_1993 = tpu.vector_load %arg8[%swap3A_1991, %swap3A_1992] {strides = array<i32>} : memref<512x64xf32, #tpu.memory_space<vmem>>, vector<1x16xf32>,
      %swap3A_1994 = vector.shape_cast %swap3A_1993 : vector<1x16xf32> to vector<16xf32>
      %swap3A_1995 = vector.shape_cast %get3A_1990 : vector<16xf32> to vector<1x16xf32>
      tpu.vector_store %arg8[%swap3A_1991, %swap3A_1992], %swap3A_1995 {strides = array<i32>} : memref<512x64xf32, #tpu.memory_space<vmem>>, vector<1x16xf32>,
      %slice3A_1996 = vector.extract_strided_slice %get3A_1357 {offsets = [11], sizes = [1], strides = [1]} : vector<16xi32> to vector<1xi32>
      %squeeze3A_1997 = vector.extract %slice3A_1996[0] : i32 from vector<1xi32>
      %mul3A_1998 = arith.constant 16 : i32
      %mul3A_1999 = arith.muli %mul3A_1097, %mul3A_1998 : i32
      %add3A_2000 = arith.constant 11 : i32
      %add3A_2001 = arith.addi %mul3A_1999, %add3A_2000 : i32
      %get3A_2002 = arith.constant 0 : i32
      %get3A_2003 = arith.constant 11 : i32
      %get3A_2004 = arith.index_cast %get3A_2002 : i32 to index
      %get3A_2005 = arith.index_cast %get3A_2003 : i32 to index
      %get3A_2006 = arith.index_cast %squeeze3A_1997 : i32 to index
      %get3A_2007 = arith.constant 0 : index
      %get3A_2008 = tpu.vector_load %arg9[%get3A_2004, %get3A_2005, %get3A_2006, %get3A_2007] {strides = array<i32>} : memref<2x16x8x64xf32, #tpu.memory_space<vmem>>, vector<1x1x1x16xf32>,
      %get3A_2009 = vector.shape_cast %get3A_2008 : vector<1x1x1x16xf32> to vector<16xf32>
      %swap3A_2010 = arith.index_cast %add3A_2001 : i32 to index
      %swap3A_2011 = arith.constant 0 : index
      %swap3A_2012 = tpu.vector_load %arg8[%swap3A_2010, %swap3A_2011] {strides = array<i32>} : memref<512x64xf32, #tpu.memory_space<vmem>>, vector<1x16xf32>,
      %swap3A_2013 = vector.shape_cast %swap3A_2012 : vector<1x16xf32> to vector<16xf32>
      %swap3A_2014 = vector.shape_cast %get3A_2009 : vector<16xf32> to vector<1x16xf32>
      tpu.vector_store %arg8[%swap3A_2010, %swap3A_2011], %swap3A_2014 {strides = array<i32>} : memref<512x64xf32, #tpu.memory_space<vmem>>, vector<1x16xf32>,
      %get3A_2015 = arith.constant 0 : i32
      %get3A_2016 = arith.constant 11 : i32
      %get3A_2017 = arith.index_cast %get3A_2015 : i32 to index
      %get3A_2018 = arith.index_cast %get3A_2016 : i32 to index
      %get3A_2019 = arith.index_cast %squeeze3A_1997 : i32 to index
      %get3A_2020 = arith.constant 16 : index
      %get3A_2021 = tpu.vector_load %arg9[%get3A_2017, %get3A_2018, %get3A_2019, %get3A_2020] {strides = array<i32>} : memref<2x16x8x64xf32, #tpu.memory_space<vmem>>, vector<1x1x1x16xf32>,
      %get3A_2022 = vector.shape_cast %get3A_2021 : vector<1x1x1x16xf32> to vector<16xf32>
      %swap3A_2023 = arith.index_cast %add3A_2001 : i32 to index
      %swap3A_2024 = arith.constant 16 : index
      %swap3A_2025 = tpu.vector_load %arg8[%swap3A_2023, %swap3A_2024] {strides = array<i32>} : memref<512x64xf32, #tpu.memory_space<vmem>>, vector<1x16xf32>,
      %swap3A_2026 = vector.shape_cast %swap3A_2025 : vector<1x16xf32> to vector<16xf32>
      %swap3A_2027 = vector.shape_cast %get3A_2022 : vector<16xf32> to vector<1x16xf32>
      tpu.vector_store %arg8[%swap3A_2023, %swap3A_2024], %swap3A_2027 {strides = array<i32>} : memref<512x64xf32, #tpu.memory_space<vmem>>, vector<1x16xf32>,
      %get3A_2028 = arith.constant 0 : i32
      %get3A_2029 = arith.constant 11 : i32
      %get3A_2030 = arith.index_cast %get3A_2028 : i32 to index
      %get3A_2031 = arith.index_cast %get3A_2029 : i32 to index
      %get3A_2032 = arith.index_cast %squeeze3A_1997 : i32 to index
      %get3A_2033 = arith.constant 32 : index
      %get3A_2034 = tpu.vector_load %arg9[%get3A_2030, %get3A_2031, %get3A_2032, %get3A_2033] {strides = array<i32>} : memref<2x16x8x64xf32, #tpu.memory_space<vmem>>, vector<1x1x1x16xf32>,
      %get3A_2035 = vector.shape_cast %get3A_2034 : vector<1x1x1x16xf32> to vector<16xf32>
      %swap3A_2036 = arith.index_cast %add3A_2001 : i32 to index
      %swap3A_2037 = arith.constant 32 : index
      %swap3A_2038 = tpu.vector_load %arg8[%swap3A_2036, %swap3A_2037] {strides = array<i32>} : memref<512x64xf32, #tpu.memory_space<vmem>>, vector<1x16xf32>,
      %swap3A_2039 = vector.shape_cast %swap3A_2038 : vector<1x16xf32> to vector<16xf32>
      %swap3A_2040 = vector.shape_cast %get3A_2035 : vector<16xf32> to vector<1x16xf32>
      tpu.vector_store %arg8[%swap3A_2036, %swap3A_2037], %swap3A_2040 {strides = array<i32>} : memref<512x64xf32, #tpu.memory_space<vmem>>, vector<1x16xf32>,
      %get3A_2041 = arith.constant 0 : i32
      %get3A_2042 = arith.constant 11 : i32
      %get3A_2043 = arith.index_cast %get3A_2041 : i32 to index
      %get3A_2044 = arith.index_cast %get3A_2042 : i32 to index
      %get3A_2045 = arith.index_cast %squeeze3A_1997 : i32 to index
      %get3A_2046 = arith.constant 48 : index
      %get3A_2047 = tpu.vector_load %arg9[%get3A_2043, %get3A_2044, %get3A_2045, %get3A_2046] {strides = array<i32>} : memref<2x16x8x64xf32, #tpu.memory_space<vmem>>, vector<1x1x1x16xf32>,
      %get3A_2048 = vector.shape_cast %get3A_2047 : vector<1x1x1x16xf32> to vector<16xf32>
      %swap3A_2049 = arith.index_cast %add3A_2001 : i32 to index
      %swap3A_2050 = arith.constant 48 : index
      %swap3A_2051 = tpu.vector_load %arg8[%swap3A_2049, %swap3A_2050] {strides = array<i32>} : memref<512x64xf32, #tpu.memory_space<vmem>>, vector<1x16xf32>,
      %swap3A_2052 = vector.shape_cast %swap3A_2051 : vector<1x16xf32> to vector<16xf32>
      %swap3A_2053 = vector.shape_cast %get3A_2048 : vector<16xf32> to vector<1x16xf32>
      tpu.vector_store %arg8[%swap3A_2049, %swap3A_2050], %swap3A_2053 {strides = array<i32>} : memref<512x64xf32, #tpu.memory_space<vmem>>, vector<1x16xf32>,
      %slice3A_2054 = vector.extract_strided_slice %get3A_1357 {offsets = [12], sizes = [1], strides = [1]} : vector<16xi32> to vector<1xi32>
      %squeeze3A_2055 = vector.extract %slice3A_2054[0] : i32 from vector<1xi32>
      %mul3A_2056 = arith.constant 16 : i32
      %mul3A_2057 = arith.muli %mul3A_1097, %mul3A_2056 : i32
      %add3A_2058 = arith.constant 12 : i32
      %add3A_2059 = arith.addi %mul3A_2057, %add3A_2058 : i32
      %get3A_2060 = arith.constant 0 : i32
      %get3A_2061 = arith.constant 12 : i32
      %get3A_2062 = arith.index_cast %get3A_2060 : i32 to index
      %get3A_2063 = arith.index_cast %get3A_2061 : i32 to index
      %get3A_2064 = arith.index_cast %squeeze3A_2055 : i32 to index
      %get3A_2065 = arith.constant 0 : index
      %get3A_2066 = tpu.vector_load %arg9[%get3A_2062, %get3A_2063, %get3A_2064, %get3A_2065] {strides = array<i32>} : memref<2x16x8x64xf32, #tpu.memory_space<vmem>>, vector<1x1x1x16xf32>,
      %get3A_2067 = vector.shape_cast %get3A_2066 : vector<1x1x1x16xf32> to vector<16xf32>
      %swap3A_2068 = arith.index_cast %add3A_2059 : i32 to index
      %swap3A_2069 = arith.constant 0 : index
      %swap3A_2070 = tpu.vector_load %arg8[%swap3A_2068, %swap3A_2069] {strides = array<i32>} : memref<512x64xf32, #tpu.memory_space<vmem>>, vector<1x16xf32>,
      %swap3A_2071 = vector.shape_cast %swap3A_2070 : vector<1x16xf32> to vector<16xf32>
      %swap3A_2072 = vector.shape_cast %get3A_2067 : vector<16xf32> to vector<1x16xf32>
      tpu.vector_store %arg8[%swap3A_2068, %swap3A_2069], %swap3A_2072 {strides = array<i32>} : memref<512x64xf32, #tpu.memory_space<vmem>>, vector<1x16xf32>,
      %get3A_2073 = arith.constant 0 : i32
      %get3A_2074 = arith.constant 12 : i32
      %get3A_2075 = arith.index_cast %get3A_2073 : i32 to index
      %get3A_2076 = arith.index_cast %get3A_2074 : i32 to index
      %get3A_2077 = arith.index_cast %squeeze3A_2055 : i32 to index
      %get3A_2078 = arith.constant 16 : index
      %get3A_2079 = tpu.vector_load %arg9[%get3A_2075, %get3A_2076, %get3A_2077, %get3A_2078] {strides = array<i32>} : memref<2x16x8x64xf32, #tpu.memory_space<vmem>>, vector<1x1x1x16xf32>,
      %get3A_2080 = vector.shape_cast %get3A_2079 : vector<1x1x1x16xf32> to vector<16xf32>
      %swap3A_2081 = arith.index_cast %add3A_2059 : i32 to index
      %swap3A_2082 = arith.constant 16 : index
      %swap3A_2083 = tpu.vector_load %arg8[%swap3A_2081, %swap3A_2082] {strides = array<i32>} : memref<512x64xf32, #tpu.memory_space<vmem>>, vector<1x16xf32>,
      %swap3A_2084 = vector.shape_cast %swap3A_2083 : vector<1x16xf32> to vector<16xf32>
      %swap3A_2085 = vector.shape_cast %get3A_2080 : vector<16xf32> to vector<1x16xf32>
      tpu.vector_store %arg8[%swap3A_2081, %swap3A_2082], %swap3A_2085 {strides = array<i32>} : memref<512x64xf32, #tpu.memory_space<vmem>>, vector<1x16xf32>,
      %get3A_2086 = arith.constant 0 : i32
      %get3A_2087 = arith.constant 12 : i32
      %get3A_2088 = arith.index_cast %get3A_2086 : i32 to index
      %get3A_2089 = arith.index_cast %get3A_2087 : i32 to index
      %get3A_2090 = arith.index_cast %squeeze3A_2055 : i32 to index
      %get3A_2091 = arith.constant 32 : index
      %get3A_2092 = tpu.vector_load %arg9[%get3A_2088, %get3A_2089, %get3A_2090, %get3A_2091] {strides = array<i32>} : memref<2x16x8x64xf32, #tpu.memory_space<vmem>>, vector<1x1x1x16xf32>,
      %get3A_2093 = vector.shape_cast %get3A_2092 : vector<1x1x1x16xf32> to vector<16xf32>
      %swap3A_2094 = arith.index_cast %add3A_2059 : i32 to index
      %swap3A_2095 = arith.constant 32 : index
      %swap3A_2096 = tpu.vector_load %arg8[%swap3A_2094, %swap3A_2095] {strides = array<i32>} : memref<512x64xf32, #tpu.memory_space<vmem>>, vector<1x16xf32>,
      %swap3A_2097 = vector.shape_cast %swap3A_2096 : vector<1x16xf32> to vector<16xf32>
      %swap3A_2098 = vector.shape_cast %get3A_2093 : vector<16xf32> to vector<1x16xf32>
      tpu.vector_store %arg8[%swap3A_2094, %swap3A_2095], %swap3A_2098 {strides = array<i32>} : memref<512x64xf32, #tpu.memory_space<vmem>>, vector<1x16xf32>,
      %get3A_2099 = arith.constant 0 : i32
      %get3A_2100 = arith.constant 12 : i32
      %get3A_2101 = arith.index_cast %get3A_2099 : i32 to index
      %get3A_2102 = arith.index_cast %get3A_2100 : i32 to index
      %get3A_2103 = arith.index_cast %squeeze3A_2055 : i32 to index
      %get3A_2104 = arith.constant 48 : index
      %get3A_2105 = tpu.vector_load %arg9[%get3A_2101, %get3A_2102, %get3A_2103, %get3A_2104] {strides = array<i32>} : memref<2x16x8x64xf32, #tpu.memory_space<vmem>>, vector<1x1x1x16xf32>,
      %get3A_2106 = vector.shape_cast %get3A_2105 : vector<1x1x1x16xf32> to vector<16xf32>
      %swap3A_2107 = arith.index_cast %add3A_2059 : i32 to index
      %swap3A_2108 = arith.constant 48 : index
      %swap3A_2109 = tpu.vector_load %arg8[%swap3A_2107, %swap3A_2108] {strides = array<i32>} : memref<512x64xf32, #tpu.memory_space<vmem>>, vector<1x16xf32>,
      %swap3A_2110 = vector.shape_cast %swap3A_2109 : vector<1x16xf32> to vector<16xf32>
      %swap3A_2111 = vector.shape_cast %get3A_2106 : vector<16xf32> to vector<1x16xf32>
      tpu.vector_store %arg8[%swap3A_2107, %swap3A_2108], %swap3A_2111 {strides = array<i32>} : memref<512x64xf32, #tpu.memory_space<vmem>>, vector<1x16xf32>,
      %slice3A_2112 = vector.extract_strided_slice %get3A_1357 {offsets = [13], sizes = [1], strides = [1]} : vector<16xi32> to vector<1xi32>
      %squeeze3A_2113 = vector.extract %slice3A_2112[0] : i32 from vector<1xi32>
      %mul3A_2114 = arith.constant 16 : i32
      %mul3A_2115 = arith.muli %mul3A_1097, %mul3A_2114 : i32
      %add3A_2116 = arith.constant 13 : i32
      %add3A_2117 = arith.addi %mul3A_2115, %add3A_2116 : i32
      %get3A_2118 = arith.constant 0 : i32
      %get3A_2119 = arith.constant 13 : i32
      %get3A_2120 = arith.index_cast %get3A_2118 : i32 to index
      %get3A_2121 = arith.index_cast %get3A_2119 : i32 to index
      %get3A_2122 = arith.index_cast %squeeze3A_2113 : i32 to index
      %get3A_2123 = arith.constant 0 : index
      %get3A_2124 = tpu.vector_load %arg9[%get3A_2120, %get3A_2121, %get3A_2122, %get3A_2123] {strides = array<i32>} : memref<2x16x8x64xf32, #tpu.memory_space<vmem>>, vector<1x1x1x16xf32>,
      %get3A_2125 = vector.shape_cast %get3A_2124 : vector<1x1x1x16xf32> to vector<16xf32>
      %swap3A_2126 = arith.index_cast %add3A_2117 : i32 to index
      %swap3A_2127 = arith.constant 0 : index
      %swap3A_2128 = tpu.vector_load %arg8[%swap3A_2126, %swap3A_2127] {strides = array<i32>} : memref<512x64xf32, #tpu.memory_space<vmem>>, vector<1x16xf32>,
      %swap3A_2129 = vector.shape_cast %swap3A_2128 : vector<1x16xf32> to vector<16xf32>
      %swap3A_2130 = vector.shape_cast %get3A_2125 : vector<16xf32> to vector<1x16xf32>
      tpu.vector_store %arg8[%swap3A_2126, %swap3A_2127], %swap3A_2130 {strides = array<i32>} : memref<512x64xf32, #tpu.memory_space<vmem>>, vector<1x16xf32>,
      %get3A_2131 = arith.constant 0 : i32
      %get3A_2132 = arith.constant 13 : i32
      %get3A_2133 = arith.index_cast %get3A_2131 : i32 to index
      %get3A_2134 = arith.index_cast %get3A_2132 : i32 to index
      %get3A_2135 = arith.index_cast %squeeze3A_2113 : i32 to index
      %get3A_2136 = arith.constant 16 : index
      %get3A_2137 = tpu.vector_load %arg9[%get3A_2133, %get3A_2134, %get3A_2135, %get3A_2136] {strides = array<i32>} : memref<2x16x8x64xf32, #tpu.memory_space<vmem>>, vector<1x1x1x16xf32>,
      %get3A_2138 = vector.shape_cast %get3A_2137 : vector<1x1x1x16xf32> to vector<16xf32>
      %swap3A_2139 = arith.index_cast %add3A_2117 : i32 to index
      %swap3A_2140 = arith.constant 16 : index
      %swap3A_2141 = tpu.vector_load %arg8[%swap3A_2139, %swap3A_2140] {strides = array<i32>} : memref<512x64xf32, #tpu.memory_space<vmem>>, vector<1x16xf32>,
      %swap3A_2142 = vector.shape_cast %swap3A_2141 : vector<1x16xf32> to vector<16xf32>
      %swap3A_2143 = vector.shape_cast %get3A_2138 : vector<16xf32> to vector<1x16xf32>
      tpu.vector_store %arg8[%swap3A_2139, %swap3A_2140], %swap3A_2143 {strides = array<i32>} : memref<512x64xf32, #tpu.memory_space<vmem>>, vector<1x16xf32>,
      %get3A_2144 = arith.constant 0 : i32
      %get3A_2145 = arith.constant 13 : i32
      %get3A_2146 = arith.index_cast %get3A_2144 : i32 to index
      %get3A_2147 = arith.index_cast %get3A_2145 : i32 to index
      %get3A_2148 = arith.index_cast %squeeze3A_2113 : i32 to index
      %get3A_2149 = arith.constant 32 : index
      %get3A_2150 = tpu.vector_load %arg9[%get3A_2146, %get3A_2147, %get3A_2148, %get3A_2149] {strides = array<i32>} : memref<2x16x8x64xf32, #tpu.memory_space<vmem>>, vector<1x1x1x16xf32>,
      %get3A_2151 = vector.shape_cast %get3A_2150 : vector<1x1x1x16xf32> to vector<16xf32>
      %swap3A_2152 = arith.index_cast %add3A_2117 : i32 to index
      %swap3A_2153 = arith.constant 32 : index
      %swap3A_2154 = tpu.vector_load %arg8[%swap3A_2152, %swap3A_2153] {strides = array<i32>} : memref<512x64xf32, #tpu.memory_space<vmem>>, vector<1x16xf32>,
      %swap3A_2155 = vector.shape_cast %swap3A_2154 : vector<1x16xf32> to vector<16xf32>
      %swap3A_2156 = vector.shape_cast %get3A_2151 : vector<16xf32> to vector<1x16xf32>
      tpu.vector_store %arg8[%swap3A_2152, %swap3A_2153], %swap3A_2156 {strides = array<i32>} : memref<512x64xf32, #tpu.memory_space<vmem>>, vector<1x16xf32>,
      %get3A_2157 = arith.constant 0 : i32
      %get3A_2158 = arith.constant 13 : i32
      %get3A_2159 = arith.index_cast %get3A_2157 : i32 to index
      %get3A_2160 = arith.index_cast %get3A_2158 : i32 to index
      %get3A_2161 = arith.index_cast %squeeze3A_2113 : i32 to index
      %get3A_2162 = arith.constant 48 : index
      %get3A_2163 = tpu.vector_load %arg9[%get3A_2159, %get3A_2160, %get3A_2161, %get3A_2162] {strides = array<i32>} : memref<2x16x8x64xf32, #tpu.memory_space<vmem>>, vector<1x1x1x16xf32>,
      %get3A_2164 = vector.shape_cast %get3A_2163 : vector<1x1x1x16xf32> to vector<16xf32>
      %swap3A_2165 = arith.index_cast %add3A_2117 : i32 to index
      %swap3A_2166 = arith.constant 48 : index
      %swap3A_2167 = tpu.vector_load %arg8[%swap3A_2165, %swap3A_2166] {strides = array<i32>} : memref<512x64xf32, #tpu.memory_space<vmem>>, vector<1x16xf32>,
      %swap3A_2168 = vector.shape_cast %swap3A_2167 : vector<1x16xf32> to vector<16xf32>
      %swap3A_2169 = vector.shape_cast %get3A_2164 : vector<16xf32> to vector<1x16xf32>
      tpu.vector_store %arg8[%swap3A_2165, %swap3A_2166], %swap3A_2169 {strides = array<i32>} : memref<512x64xf32, #tpu.memory_space<vmem>>, vector<1x16xf32>,
      %slice3A_2170 = vector.extract_strided_slice %get3A_1357 {offsets = [14], sizes = [1], strides = [1]} : vector<16xi32> to vector<1xi32>
      %squeeze3A_2171 = vector.extract %slice3A_2170[0] : i32 from vector<1xi32>
      %mul3A_2172 = arith.constant 16 : i32
      %mul3A_2173 = arith.muli %mul3A_1097, %mul3A_2172 : i32
      %add3A_2174 = arith.constant 14 : i32
      %add3A_2175 = arith.addi %mul3A_2173, %add3A_2174 : i32
      %get3A_2176 = arith.constant 0 : i32
      %get3A_2177 = arith.constant 14 : i32
      %get3A_2178 = arith.index_cast %get3A_2176 : i32 to index
      %get3A_2179 = arith.index_cast %get3A_2177 : i32 to index
      %get3A_2180 = arith.index_cast %squeeze3A_2171 : i32 to index
      %get3A_2181 = arith.constant 0 : index
      %get3A_2182 = tpu.vector_load %arg9[%get3A_2178, %get3A_2179, %get3A_2180, %get3A_2181] {strides = array<i32>} : memref<2x16x8x64xf32, #tpu.memory_space<vmem>>, vector<1x1x1x16xf32>,
      %get3A_2183 = vector.shape_cast %get3A_2182 : vector<1x1x1x16xf32> to vector<16xf32>
      %swap3A_2184 = arith.index_cast %add3A_2175 : i32 to index
      %swap3A_2185 = arith.constant 0 : index
      %swap3A_2186 = tpu.vector_load %arg8[%swap3A_2184, %swap3A_2185] {strides = array<i32>} : memref<512x64xf32, #tpu.memory_space<vmem>>, vector<1x16xf32>,
      %swap3A_2187 = vector.shape_cast %swap3A_2186 : vector<1x16xf32> to vector<16xf32>
      %swap3A_2188 = vector.shape_cast %get3A_2183 : vector<16xf32> to vector<1x16xf32>
      tpu.vector_store %arg8[%swap3A_2184, %swap3A_2185], %swap3A_2188 {strides = array<i32>} : memref<512x64xf32, #tpu.memory_space<vmem>>, vector<1x16xf32>,
      %get3A_2189 = arith.constant 0 : i32
      %get3A_2190 = arith.constant 14 : i32
      %get3A_2191 = arith.index_cast %get3A_2189 : i32 to index
      %get3A_2192 = arith.index_cast %get3A_2190 : i32 to index
      %get3A_2193 = arith.index_cast %squeeze3A_2171 : i32 to index
      %get3A_2194 = arith.constant 16 : index
      %get3A_2195 = tpu.vector_load %arg9[%get3A_2191, %get3A_2192, %get3A_2193, %get3A_2194] {strides = array<i32>} : memref<2x16x8x64xf32, #tpu.memory_space<vmem>>, vector<1x1x1x16xf32>,
      %get3A_2196 = vector.shape_cast %get3A_2195 : vector<1x1x1x16xf32> to vector<16xf32>
      %swap3A_2197 = arith.index_cast %add3A_2175 : i32 to index
      %swap3A_2198 = arith.constant 16 : index
      %swap3A_2199 = tpu.vector_load %arg8[%swap3A_2197, %swap3A_2198] {strides = array<i32>} : memref<512x64xf32, #tpu.memory_space<vmem>>, vector<1x16xf32>,
      %swap3A_2200 = vector.shape_cast %swap3A_2199 : vector<1x16xf32> to vector<16xf32>
      %swap3A_2201 = vector.shape_cast %get3A_2196 : vector<16xf32> to vector<1x16xf32>
      tpu.vector_store %arg8[%swap3A_2197, %swap3A_2198], %swap3A_2201 {strides = array<i32>} : memref<512x64xf32, #tpu.memory_space<vmem>>, vector<1x16xf32>,
      %get3A_2202 = arith.constant 0 : i32
      %get3A_2203 = arith.constant 14 : i32
      %get3A_2204 = arith.index_cast %get3A_2202 : i32 to index
      %get3A_2205 = arith.index_cast %get3A_2203 : i32 to index
      %get3A_2206 = arith.index_cast %squeeze3A_2171 : i32 to index
      %get3A_2207 = arith.constant 32 : index
      %get3A_2208 = tpu.vector_load %arg9[%get3A_2204, %get3A_2205, %get3A_2206, %get3A_2207] {strides = array<i32>} : memref<2x16x8x64xf32, #tpu.memory_space<vmem>>, vector<1x1x1x16xf32>,
      %get3A_2209 = vector.shape_cast %get3A_2208 : vector<1x1x1x16xf32> to vector<16xf32>
      %swap3A_2210 = arith.index_cast %add3A_2175 : i32 to index
      %swap3A_2211 = arith.constant 32 : index
      %swap3A_2212 = tpu.vector_load %arg8[%swap3A_2210, %swap3A_2211] {strides = array<i32>} : memref<512x64xf32, #tpu.memory_space<vmem>>, vector<1x16xf32>,
      %swap3A_2213 = vector.shape_cast %swap3A_2212 : vector<1x16xf32> to vector<16xf32>
      %swap3A_2214 = vector.shape_cast %get3A_2209 : vector<16xf32> to vector<1x16xf32>
      tpu.vector_store %arg8[%swap3A_2210, %swap3A_2211], %swap3A_2214 {strides = array<i32>} : memref<512x64xf32, #tpu.memory_space<vmem>>, vector<1x16xf32>,
      %get3A_2215 = arith.constant 0 : i32
      %get3A_2216 = arith.constant 14 : i32
      %get3A_2217 = arith.index_cast %get3A_2215 : i32 to index
      %get3A_2218 = arith.index_cast %get3A_2216 : i32 to index
      %get3A_2219 = arith.index_cast %squeeze3A_2171 : i32 to index
      %get3A_2220 = arith.constant 48 : index
      %get3A_2221 = tpu.vector_load %arg9[%get3A_2217, %get3A_2218, %get3A_2219, %get3A_2220] {strides = array<i32>} : memref<2x16x8x64xf32, #tpu.memory_space<vmem>>, vector<1x1x1x16xf32>,
      %get3A_2222 = vector.shape_cast %get3A_2221 : vector<1x1x1x16xf32> to vector<16xf32>
      %swap3A_2223 = arith.index_cast %add3A_2175 : i32 to index
      %swap3A_2224 = arith.constant 48 : index
      %swap3A_2225 = tpu.vector_load %arg8[%swap3A_2223, %swap3A_2224] {strides = array<i32>} : memref<512x64xf32, #tpu.memory_space<vmem>>, vector<1x16xf32>,
      %swap3A_2226 = vector.shape_cast %swap3A_2225 : vector<1x16xf32> to vector<16xf32>
      %swap3A_2227 = vector.shape_cast %get3A_2222 : vector<16xf32> to vector<1x16xf32>
      tpu.vector_store %arg8[%swap3A_2223, %swap3A_2224], %swap3A_2227 {strides = array<i32>} : memref<512x64xf32, #tpu.memory_space<vmem>>, vector<1x16xf32>,
      %slice3A_2228 = vector.extract_strided_slice %get3A_1357 {offsets = [15], sizes = [1], strides = [1]} : vector<16xi32> to vector<1xi32>
      %squeeze3A_2229 = vector.extract %slice3A_2228[0] : i32 from vector<1xi32>
      %mul3A_2230 = arith.constant 16 : i32
      %mul3A_2231 = arith.muli %mul3A_1097, %mul3A_2230 : i32
      %add3A_2232 = arith.constant 15 : i32
      %add3A_2233 = arith.addi %mul3A_2231, %add3A_2232 : i32
      %get3A_2234 = arith.constant 0 : i32
      %get3A_2235 = arith.constant 15 : i32
      %get3A_2236 = arith.index_cast %get3A_2234 : i32 to index
      %get3A_2237 = arith.index_cast %get3A_2235 : i32 to index
      %get3A_2238 = arith.index_cast %squeeze3A_2229 : i32 to index
      %get3A_2239 = arith.constant 0 : index
      %get3A_2240 = tpu.vector_load %arg9[%get3A_2236, %get3A_2237, %get3A_2238, %get3A_2239] {strides = array<i32>} : memref<2x16x8x64xf32, #tpu.memory_space<vmem>>, vector<1x1x1x16xf32>,
      %get3A_2241 = vector.shape_cast %get3A_2240 : vector<1x1x1x16xf32> to vector<16xf32>
      %swap3A_2242 = arith.index_cast %add3A_2233 : i32 to index
      %swap3A_2243 = arith.constant 0 : index
      %swap3A_2244 = tpu.vector_load %arg8[%swap3A_2242, %swap3A_2243] {strides = array<i32>} : memref<512x64xf32, #tpu.memory_space<vmem>>, vector<1x16xf32>,
      %swap3A_2245 = vector.shape_cast %swap3A_2244 : vector<1x16xf32> to vector<16xf32>
      %swap3A_2246 = vector.shape_cast %get3A_2241 : vector<16xf32> to vector<1x16xf32>
      tpu.vector_store %arg8[%swap3A_2242, %swap3A_2243], %swap3A_2246 {strides = array<i32>} : memref<512x64xf32, #tpu.memory_space<vmem>>, vector<1x16xf32>,
      %get3A_2247 = arith.constant 0 : i32
      %get3A_2248 = arith.constant 15 : i32
      %get3A_2249 = arith.index_cast %get3A_2247 : i32 to index
      %get3A_2250 = arith.index_cast %get3A_2248 : i32 to index
      %get3A_2251 = arith.index_cast %squeeze3A_2229 : i32 to index
      %get3A_2252 = arith.constant 16 : index
      %get3A_2253 = tpu.vector_load %arg9[%get3A_2249, %get3A_2250, %get3A_2251, %get3A_2252] {strides = array<i32>} : memref<2x16x8x64xf32, #tpu.memory_space<vmem>>, vector<1x1x1x16xf32>,
      %get3A_2254 = vector.shape_cast %get3A_2253 : vector<1x1x1x16xf32> to vector<16xf32>
      %swap3A_2255 = arith.index_cast %add3A_2233 : i32 to index
      %swap3A_2256 = arith.constant 16 : index
      %swap3A_2257 = tpu.vector_load %arg8[%swap3A_2255, %swap3A_2256] {strides = array<i32>} : memref<512x64xf32, #tpu.memory_space<vmem>>, vector<1x16xf32>,
      %swap3A_2258 = vector.shape_cast %swap3A_2257 : vector<1x16xf32> to vector<16xf32>
      %swap3A_2259 = vector.shape_cast %get3A_2254 : vector<16xf32> to vector<1x16xf32>
      tpu.vector_store %arg8[%swap3A_2255, %swap3A_2256], %swap3A_2259 {strides = array<i32>} : memref<512x64xf32, #tpu.memory_space<vmem>>, vector<1x16xf32>,
      %get3A_2260 = arith.constant 0 : i32
      %get3A_2261 = arith.constant 15 : i32
      %get3A_2262 = arith.index_cast %get3A_2260 : i32 to index
      %get3A_2263 = arith.index_cast %get3A_2261 : i32 to index
      %get3A_2264 = arith.index_cast %squeeze3A_2229 : i32 to index
      %get3A_2265 = arith.constant 32 : index
      %get3A_2266 = tpu.vector_load %arg9[%get3A_2262, %get3A_2263, %get3A_2264, %get3A_2265] {strides = array<i32>} : memref<2x16x8x64xf32, #tpu.memory_space<vmem>>, vector<1x1x1x16xf32>,
      %get3A_2267 = vector.shape_cast %get3A_2266 : vector<1x1x1x16xf32> to vector<16xf32>
      %swap3A_2268 = arith.index_cast %add3A_2233 : i32 to index
      %swap3A_2269 = arith.constant 32 : index
      %swap3A_2270 = tpu.vector_load %arg8[%swap3A_2268, %swap3A_2269] {strides = array<i32>} : memref<512x64xf32, #tpu.memory_space<vmem>>, vector<1x16xf32>,
      %swap3A_2271 = vector.shape_cast %swap3A_2270 : vector<1x16xf32> to vector<16xf32>
      %swap3A_2272 = vector.shape_cast %get3A_2267 : vector<16xf32> to vector<1x16xf32>
      tpu.vector_store %arg8[%swap3A_2268, %swap3A_2269], %swap3A_2272 {strides = array<i32>} : memref<512x64xf32, #tpu.memory_space<vmem>>, vector<1x16xf32>,
      %get3A_2273 = arith.constant 0 : i32
      %get3A_2274 = arith.constant 15 : i32
      %get3A_2275 = arith.index_cast %get3A_2273 : i32 to index
      %get3A_2276 = arith.index_cast %get3A_2274 : i32 to index
      %get3A_2277 = arith.index_cast %squeeze3A_2229 : i32 to index
      %get3A_2278 = arith.constant 48 : index
      %get3A_2279 = tpu.vector_load %arg9[%get3A_2275, %get3A_2276, %get3A_2277, %get3A_2278] {strides = array<i32>} : memref<2x16x8x64xf32, #tpu.memory_space<vmem>>, vector<1x1x1x16xf32>,
      %get3A_2280 = vector.shape_cast %get3A_2279 : vector<1x1x1x16xf32> to vector<16xf32>
      %swap3A_2281 = arith.index_cast %add3A_2233 : i32 to index
      %swap3A_2282 = arith.constant 48 : index
      %swap3A_2283 = tpu.vector_load %arg8[%swap3A_2281, %swap3A_2282] {strides = array<i32>} : memref<512x64xf32, #tpu.memory_space<vmem>>, vector<1x16xf32>,
      %swap3A_2284 = vector.shape_cast %swap3A_2283 : vector<1x16xf32> to vector<16xf32>
      %swap3A_2285 = vector.shape_cast %get3A_2280 : vector<16xf32> to vector<1x16xf32>
      tpu.vector_store %arg8[%swap3A_2281, %swap3A_2282], %swap3A_2285 {strides = array<i32>} : memref<512x64xf32, #tpu.memory_space<vmem>>, vector<1x16xf32>,
      %lt3A = arith.constant 15 : i32
      %lt3A_2286 = arith.cmpi slt, %scan3A_1095, %lt3A : i32
      %convert_element_type3A = arith.extui %lt3A_2286 : i1 to i32
      %cond3A = arith.constant 0 : i32
      %cond3A_2287 = arith.cmpi ne, %convert_element_type3A, %cond3A : i32
      scf.if %cond3A_2287 {
        %add3A_3484 = arith.constant 2 : i32
        %add3A_3485 = arith.addi %mul3A_1097, %add3A_3484 : i32
        %mul3A_3486 = arith.constant 16 : i32
        %mul3A_3487 = arith.muli %add3A_3485, %mul3A_3486 : i32
        %get3A_3488 = arith.index_cast %mul3A_3487 : i32 to index
        %get3A_3489 = tpu.vector_load %arg6[%get3A_3488] {strides = array<i32>} : memref<512xi32, #tpu.memory_space<vmem>>, vector<16xi32>,
        %get3A_3490 = vector.shape_cast %get3A_3489 : vector<16xi32> to vector<16xi32>
        %slice3A_3491 = vector.extract_strided_slice %get3A_3490 {offsets = [0], sizes = [1], strides = [1]} : vector<16xi32> to vector<1xi32>
        %squeeze3A_3492 = vector.extract %slice3A_3491[0] : i32 from vector<1xi32>
        %multiple_of3A_3493 = tpu.assume_multiple %squeeze3A_3492, 8 : i32
        %dma_start3A_3494 = arith.constant 0 : i32
        %dma_start3A_3495 = arith.constant 0 : i32
        %dma_start3A_3496 = arith.constant 0 : i32
        %dma_start3A_3497 = arith.constant 0 : i32
        %dma_start3A_3498 = tpu.memref_slice %arg9[%dma_start3A_3494, %dma_start3A_3495, %dma_start3A_3496, %dma_start3A_3497] : memref<2x16x8x64xf32, #tpu.memory_space<vmem>> -> memref<1x1x8x64xf32, #tpu.memory_space<vmem>>
        %dma_start3A_3499 = tpu.memref_squeeze %dma_start3A_3498 : memref<1x1x8x64xf32, #tpu.memory_space<vmem>> -> memref<8x64xf32, #tpu.memory_space<vmem>>
        %dma_start3A_3500 = arith.constant 0 : i32
        %dma_start3A_3501 = tpu.memref_slice %arg3[%multiple_of3A_3493, %dma_start3A_3500] : memref<1000000x64xf32, #tpu.memory_space<hbm>> -> memref<8x64xf32, #tpu.memory_space<hbm>>
        %dma_start3A_3502 = arith.constant 0 : i32
        %dma_start3A_3503 = arith.constant 0 : i32
        %dma_start3A_3504 = tpu.memref_slice %arg9[%dma_start3A_3494, %dma_start3A_3495, %dma_start3A_3502, %dma_start3A_3503] : memref<2x16x8x64xf32, #tpu.memory_space<vmem>> -> memref<1x1x8x64xf32, #tpu.memory_space<vmem>>
        %dma_start3A_3505 = tpu.memref_squeeze %dma_start3A_3504 : memref<1x1x8x64xf32, #tpu.memory_space<vmem>> -> memref<8x64xf32, #tpu.memory_space<vmem>>
        %dma_start3A_3506 = arith.constant 0 : i32
        %dma_start3A_3507 = tpu.memref_slice %arg3[%multiple_of3A_3493, %dma_start3A_3506] : memref<1000000x64xf32, #tpu.memory_space<hbm>> -> memref<8x64xf32, #tpu.memory_space<hbm>>
        tpu.enqueue_dma source(%dma_start3A_3507 : memref<8x64xf32, #tpu.memory_space<hbm>>) target(%dma_start3A_3505 : memref<8x64xf32, #tpu.memory_space<vmem>>) target_semaphore(%arg10 : memref<!tpu.dma_semaphore, #tpu.memory_space<semaphore_mem>>)
        %slice3A_3508 = vector.extract_strided_slice %get3A_3490 {offsets = [1], sizes = [1], strides = [1]} : vector<16xi32> to vector<1xi32>
        %squeeze3A_3509 = vector.extract %slice3A_3508[0] : i32 from vector<1xi32>
        %multiple_of3A_3510 = tpu.assume_multiple %squeeze3A_3509, 8 : i32
        %dma_start3A_3511 = arith.constant 0 : i32
        %dma_start3A_3512 = arith.constant 1 : i32
        %dma_start3A_3513 = arith.constant 0 : i32
        %dma_start3A_3514 = arith.constant 0 : i32
        %dma_start3A_3515 = tpu.memref_slice %arg9[%dma_start3A_3511, %dma_start3A_3512, %dma_start3A_3513, %dma_start3A_3514] : memref<2x16x8x64xf32, #tpu.memory_space<vmem>> -> memref<1x1x8x64xf32, #tpu.memory_space<vmem>>
        %dma_start3A_3516 = tpu.memref_squeeze %dma_start3A_3515 : memref<1x1x8x64xf32, #tpu.memory_space<vmem>> -> memref<8x64xf32, #tpu.memory_space<vmem>>
        %dma_start3A_3517 = arith.constant 0 : i32
        %dma_start3A_3518 = tpu.memref_slice %arg3[%multiple_of3A_3510, %dma_start3A_3517] : memref<1000000x64xf32, #tpu.memory_space<hbm>> -> memref<8x64xf32, #tpu.memory_space<hbm>>
        %dma_start3A_3519 = arith.constant 0 : i32
        %dma_start3A_3520 = arith.constant 0 : i32
        %dma_start3A_3521 = tpu.memref_slice %arg9[%dma_start3A_3511, %dma_start3A_3512, %dma_start3A_3519, %dma_start3A_3520] : memref<2x16x8x64xf32, #tpu.memory_space<vmem>> -> memref<1x1x8x64xf32, #tpu.memory_space<vmem>>
        %dma_start3A_3522 = tpu.memref_squeeze %dma_start3A_3521 : memref<1x1x8x64xf32, #tpu.memory_space<vmem>> -> memref<8x64xf32, #tpu.memory_space<vmem>>
        %dma_start3A_3523 = arith.constant 0 : i32
        %dma_start3A_3524 = tpu.memref_slice %arg3[%multiple_of3A_3510, %dma_start3A_3523] : memref<1000000x64xf32, #tpu.memory_space<hbm>> -> memref<8x64xf32, #tpu.memory_space<hbm>>
        tpu.enqueue_dma source(%dma_start3A_3524 : memref<8x64xf32, #tpu.memory_space<hbm>>) target(%dma_start3A_3522 : memref<8x64xf32, #tpu.memory_space<vmem>>) target_semaphore(%arg10 : memref<!tpu.dma_semaphore, #tpu.memory_space<semaphore_mem>>)
        %slice3A_3525 = vector.extract_strided_slice %get3A_3490 {offsets = [2], sizes = [1], strides = [1]} : vector<16xi32> to vector<1xi32>
        %squeeze3A_3526 = vector.extract %slice3A_3525[0] : i32 from vector<1xi32>
        %multiple_of3A_3527 = tpu.assume_multiple %squeeze3A_3526, 8 : i32
        %dma_start3A_3528 = arith.constant 0 : i32
        %dma_start3A_3529 = arith.constant 2 : i32
        %dma_start3A_3530 = arith.constant 0 : i32
        %dma_start3A_3531 = arith.constant 0 : i32
        %dma_start3A_3532 = tpu.memref_slice %arg9[%dma_start3A_3528, %dma_start3A_3529, %dma_start3A_3530, %dma_start3A_3531] : memref<2x16x8x64xf32, #tpu.memory_space<vmem>> -> memref<1x1x8x64xf32, #tpu.memory_space<vmem>>
        %dma_start3A_3533 = tpu.memref_squeeze %dma_start3A_3532 : memref<1x1x8x64xf32, #tpu.memory_space<vmem>> -> memref<8x64xf32, #tpu.memory_space<vmem>>
        %dma_start3A_3534 = arith.constant 0 : i32
        %dma_start3A_3535 = tpu.memref_slice %arg3[%multiple_of3A_3527, %dma_start3A_3534] : memref<1000000x64xf32, #tpu.memory_space<hbm>> -> memref<8x64xf32, #tpu.memory_space<hbm>>
        %dma_start3A_3536 = arith.constant 0 : i32
        %dma_start3A_3537 = arith.constant 0 : i32
        %dma_start3A_3538 = tpu.memref_slice %arg9[%dma_start3A_3528, %dma_start3A_3529, %dma_start3A_3536, %dma_start3A_3537] : memref<2x16x8x64xf32, #tpu.memory_space<vmem>> -> memref<1x1x8x64xf32, #tpu.memory_space<vmem>>
        %dma_start3A_3539 = tpu.memref_squeeze %dma_start3A_3538 : memref<1x1x8x64xf32, #tpu.memory_space<vmem>> -> memref<8x64xf32, #tpu.memory_space<vmem>>
        %dma_start3A_3540 = arith.constant 0 : i32
        %dma_start3A_3541 = tpu.memref_slice %arg3[%multiple_of3A_3527, %dma_start3A_3540] : memref<1000000x64xf32, #tpu.memory_space<hbm>> -> memref<8x64xf32, #tpu.memory_space<hbm>>
        tpu.enqueue_dma source(%dma_start3A_3541 : memref<8x64xf32, #tpu.memory_space<hbm>>) target(%dma_start3A_3539 : memref<8x64xf32, #tpu.memory_space<vmem>>) target_semaphore(%arg10 : memref<!tpu.dma_semaphore, #tpu.memory_space<semaphore_mem>>)
        %slice3A_3542 = vector.extract_strided_slice %get3A_3490 {offsets = [3], sizes = [1], strides = [1]} : vector<16xi32> to vector<1xi32>
        %squeeze3A_3543 = vector.extract %slice3A_3542[0] : i32 from vector<1xi32>
        %multiple_of3A_3544 = tpu.assume_multiple %squeeze3A_3543, 8 : i32
        %dma_start3A_3545 = arith.constant 0 : i32
        %dma_start3A_3546 = arith.constant 3 : i32
        %dma_start3A_3547 = arith.constant 0 : i32
        %dma_start3A_3548 = arith.constant 0 : i32
        %dma_start3A_3549 = tpu.memref_slice %arg9[%dma_start3A_3545, %dma_start3A_3546, %dma_start3A_3547, %dma_start3A_3548] : memref<2x16x8x64xf32, #tpu.memory_space<vmem>> -> memref<1x1x8x64xf32, #tpu.memory_space<vmem>>
        %dma_start3A_3550 = tpu.memref_squeeze %dma_start3A_3549 : memref<1x1x8x64xf32, #tpu.memory_space<vmem>> -> memref<8x64xf32, #tpu.memory_space<vmem>>
        %dma_start3A_3551 = arith.constant 0 : i32
        %dma_start3A_3552 = tpu.memref_slice %arg3[%multiple_of3A_3544, %dma_start3A_3551] : memref<1000000x64xf32, #tpu.memory_space<hbm>> -> memref<8x64xf32, #tpu.memory_space<hbm>>
        %dma_start3A_3553 = arith.constant 0 : i32
        %dma_start3A_3554 = arith.constant 0 : i32
        %dma_start3A_3555 = tpu.memref_slice %arg9[%dma_start3A_3545, %dma_start3A_3546, %dma_start3A_3553, %dma_start3A_3554] : memref<2x16x8x64xf32, #tpu.memory_space<vmem>> -> memref<1x1x8x64xf32, #tpu.memory_space<vmem>>
        %dma_start3A_3556 = tpu.memref_squeeze %dma_start3A_3555 : memref<1x1x8x64xf32, #tpu.memory_space<vmem>> -> memref<8x64xf32, #tpu.memory_space<vmem>>
        %dma_start3A_3557 = arith.constant 0 : i32
        %dma_start3A_3558 = tpu.memref_slice %arg3[%multiple_of3A_3544, %dma_start3A_3557] : memref<1000000x64xf32, #tpu.memory_space<hbm>> -> memref<8x64xf32, #tpu.memory_space<hbm>>
        tpu.enqueue_dma source(%dma_start3A_3558 : memref<8x64xf32, #tpu.memory_space<hbm>>) target(%dma_start3A_3556 : memref<8x64xf32, #tpu.memory_space<vmem>>) target_semaphore(%arg10 : memref<!tpu.dma_semaphore, #tpu.memory_space<semaphore_mem>>)
        %slice3A_3559 = vector.extract_strided_slice %get3A_3490 {offsets = [4], sizes = [1], strides = [1]} : vector<16xi32> to vector<1xi32>
        %squeeze3A_3560 = vector.extract %slice3A_3559[0] : i32 from vector<1xi32>
        %multiple_of3A_3561 = tpu.assume_multiple %squeeze3A_3560, 8 : i32
        %dma_start3A_3562 = arith.constant 0 : i32
        %dma_start3A_3563 = arith.constant 4 : i32
        %dma_start3A_3564 = arith.constant 0 : i32
        %dma_start3A_3565 = arith.constant 0 : i32
        %dma_start3A_3566 = tpu.memref_slice %arg9[%dma_start3A_3562, %dma_start3A_3563, %dma_start3A_3564, %dma_start3A_3565] : memref<2x16x8x64xf32, #tpu.memory_space<vmem>> -> memref<1x1x8x64xf32, #tpu.memory_space<vmem>>
        %dma_start3A_3567 = tpu.memref_squeeze %dma_start3A_3566 : memref<1x1x8x64xf32, #tpu.memory_space<vmem>> -> memref<8x64xf32, #tpu.memory_space<vmem>>
        %dma_start3A_3568 = arith.constant 0 : i32
        %dma_start3A_3569 = tpu.memref_slice %arg3[%multiple_of3A_3561, %dma_start3A_3568] : memref<1000000x64xf32, #tpu.memory_space<hbm>> -> memref<8x64xf32, #tpu.memory_space<hbm>>
        %dma_start3A_3570 = arith.constant 0 : i32
        %dma_start3A_3571 = arith.constant 0 : i32
        %dma_start3A_3572 = tpu.memref_slice %arg9[%dma_start3A_3562, %dma_start3A_3563, %dma_start3A_3570, %dma_start3A_3571] : memref<2x16x8x64xf32, #tpu.memory_space<vmem>> -> memref<1x1x8x64xf32, #tpu.memory_space<vmem>>
        %dma_start3A_3573 = tpu.memref_squeeze %dma_start3A_3572 : memref<1x1x8x64xf32, #tpu.memory_space<vmem>> -> memref<8x64xf32, #tpu.memory_space<vmem>>
        %dma_start3A_3574 = arith.constant 0 : i32
        %dma_start3A_3575 = tpu.memref_slice %arg3[%multiple_of3A_3561, %dma_start3A_3574] : memref<1000000x64xf32, #tpu.memory_space<hbm>> -> memref<8x64xf32, #tpu.memory_space<hbm>>
        tpu.enqueue_dma source(%dma_start3A_3575 : memref<8x64xf32, #tpu.memory_space<hbm>>) target(%dma_start3A_3573 : memref<8x64xf32, #tpu.memory_space<vmem>>) target_semaphore(%arg10 : memref<!tpu.dma_semaphore, #tpu.memory_space<semaphore_mem>>)
        %slice3A_3576 = vector.extract_strided_slice %get3A_3490 {offsets = [5], sizes = [1], strides = [1]} : vector<16xi32> to vector<1xi32>
        %squeeze3A_3577 = vector.extract %slice3A_3576[0] : i32 from vector<1xi32>
        %multiple_of3A_3578 = tpu.assume_multiple %squeeze3A_3577, 8 : i32
        %dma_start3A_3579 = arith.constant 0 : i32
        %dma_start3A_3580 = arith.constant 5 : i32
        %dma_start3A_3581 = arith.constant 0 : i32
        %dma_start3A_3582 = arith.constant 0 : i32
        %dma_start3A_3583 = tpu.memref_slice %arg9[%dma_start3A_3579, %dma_start3A_3580, %dma_start3A_3581, %dma_start3A_3582] : memref<2x16x8x64xf32, #tpu.memory_space<vmem>> -> memref<1x1x8x64xf32, #tpu.memory_space<vmem>>
        %dma_start3A_3584 = tpu.memref_squeeze %dma_start3A_3583 : memref<1x1x8x64xf32, #tpu.memory_space<vmem>> -> memref<8x64xf32, #tpu.memory_space<vmem>>
        %dma_start3A_3585 = arith.constant 0 : i32
        %dma_start3A_3586 = tpu.memref_slice %arg3[%multiple_of3A_3578, %dma_start3A_3585] : memref<1000000x64xf32, #tpu.memory_space<hbm>> -> memref<8x64xf32, #tpu.memory_space<hbm>>
        %dma_start3A_3587 = arith.constant 0 : i32
        %dma_start3A_3588 = arith.constant 0 : i32
        %dma_start3A_3589 = tpu.memref_slice %arg9[%dma_start3A_3579, %dma_start3A_3580, %dma_start3A_3587, %dma_start3A_3588] : memref<2x16x8x64xf32, #tpu.memory_space<vmem>> -> memref<1x1x8x64xf32, #tpu.memory_space<vmem>>
        %dma_start3A_3590 = tpu.memref_squeeze %dma_start3A_3589 : memref<1x1x8x64xf32, #tpu.memory_space<vmem>> -> memref<8x64xf32, #tpu.memory_space<vmem>>
        %dma_start3A_3591 = arith.constant 0 : i32
        %dma_start3A_3592 = tpu.memref_slice %arg3[%multiple_of3A_3578, %dma_start3A_3591] : memref<1000000x64xf32, #tpu.memory_space<hbm>> -> memref<8x64xf32, #tpu.memory_space<hbm>>
        tpu.enqueue_dma source(%dma_start3A_3592 : memref<8x64xf32, #tpu.memory_space<hbm>>) target(%dma_start3A_3590 : memref<8x64xf32, #tpu.memory_space<vmem>>) target_semaphore(%arg10 : memref<!tpu.dma_semaphore, #tpu.memory_space<semaphore_mem>>)
        %slice3A_3593 = vector.extract_strided_slice %get3A_3490 {offsets = [6], sizes = [1], strides = [1]} : vector<16xi32> to vector<1xi32>
        %squeeze3A_3594 = vector.extract %slice3A_3593[0] : i32 from vector<1xi32>
        %multiple_of3A_3595 = tpu.assume_multiple %squeeze3A_3594, 8 : i32
        %dma_start3A_3596 = arith.constant 0 : i32
        %dma_start3A_3597 = arith.constant 6 : i32
        %dma_start3A_3598 = arith.constant 0 : i32
        %dma_start3A_3599 = arith.constant 0 : i32
        %dma_start3A_3600 = tpu.memref_slice %arg9[%dma_start3A_3596, %dma_start3A_3597, %dma_start3A_3598, %dma_start3A_3599] : memref<2x16x8x64xf32, #tpu.memory_space<vmem>> -> memref<1x1x8x64xf32, #tpu.memory_space<vmem>>
        %dma_start3A_3601 = tpu.memref_squeeze %dma_start3A_3600 : memref<1x1x8x64xf32, #tpu.memory_space<vmem>> -> memref<8x64xf32, #tpu.memory_space<vmem>>
        %dma_start3A_3602 = arith.constant 0 : i32
        %dma_start3A_3603 = tpu.memref_slice %arg3[%multiple_of3A_3595, %dma_start3A_3602] : memref<1000000x64xf32, #tpu.memory_space<hbm>> -> memref<8x64xf32, #tpu.memory_space<hbm>>
        %dma_start3A_3604 = arith.constant 0 : i32
        %dma_start3A_3605 = arith.constant 0 : i32
        %dma_start3A_3606 = tpu.memref_slice %arg9[%dma_start3A_3596, %dma_start3A_3597, %dma_start3A_3604, %dma_start3A_3605] : memref<2x16x8x64xf32, #tpu.memory_space<vmem>> -> memref<1x1x8x64xf32, #tpu.memory_space<vmem>>
        %dma_start3A_3607 = tpu.memref_squeeze %dma_start3A_3606 : memref<1x1x8x64xf32, #tpu.memory_space<vmem>> -> memref<8x64xf32, #tpu.memory_space<vmem>>
        %dma_start3A_3608 = arith.constant 0 : i32
        %dma_start3A_3609 = tpu.memref_slice %arg3[%multiple_of3A_3595, %dma_start3A_3608] : memref<1000000x64xf32, #tpu.memory_space<hbm>> -> memref<8x64xf32, #tpu.memory_space<hbm>>
        tpu.enqueue_dma source(%dma_start3A_3609 : memref<8x64xf32, #tpu.memory_space<hbm>>) target(%dma_start3A_3607 : memref<8x64xf32, #tpu.memory_space<vmem>>) target_semaphore(%arg10 : memref<!tpu.dma_semaphore, #tpu.memory_space<semaphore_mem>>)
        %slice3A_3610 = vector.extract_strided_slice %get3A_3490 {offsets = [7], sizes = [1], strides = [1]} : vector<16xi32> to vector<1xi32>
        %squeeze3A_3611 = vector.extract %slice3A_3610[0] : i32 from vector<1xi32>
        %multiple_of3A_3612 = tpu.assume_multiple %squeeze3A_3611, 8 : i32
        %dma_start3A_3613 = arith.constant 0 : i32
        %dma_start3A_3614 = arith.constant 7 : i32
        %dma_start3A_3615 = arith.constant 0 : i32
        %dma_start3A_3616 = arith.constant 0 : i32
        %dma_start3A_3617 = tpu.memref_slice %arg9[%dma_start3A_3613, %dma_start3A_3614, %dma_start3A_3615, %dma_start3A_3616] : memref<2x16x8x64xf32, #tpu.memory_space<vmem>> -> memref<1x1x8x64xf32, #tpu.memory_space<vmem>>
        %dma_start3A_3618 = tpu.memref_squeeze %dma_start3A_3617 : memref<1x1x8x64xf32, #tpu.memory_space<vmem>> -> memref<8x64xf32, #tpu.memory_space<vmem>>
        %dma_start3A_3619 = arith.constant 0 : i32
        %dma_start3A_3620 = tpu.memref_slice %arg3[%multiple_of3A_3612, %dma_start3A_3619] : memref<1000000x64xf32, #tpu.memory_space<hbm>> -> memref<8x64xf32, #tpu.memory_space<hbm>>
        %dma_start3A_3621 = arith.constant 0 : i32
        %dma_start3A_3622 = arith.constant 0 : i32
        %dma_start3A_3623 = tpu.memref_slice %arg9[%dma_start3A_3613, %dma_start3A_3614, %dma_start3A_3621, %dma_start3A_3622] : memref<2x16x8x64xf32, #tpu.memory_space<vmem>> -> memref<1x1x8x64xf32, #tpu.memory_space<vmem>>
        %dma_start3A_3624 = tpu.memref_squeeze %dma_start3A_3623 : memref<1x1x8x64xf32, #tpu.memory_space<vmem>> -> memref<8x64xf32, #tpu.memory_space<vmem>>
        %dma_start3A_3625 = arith.constant 0 : i32
        %dma_start3A_3626 = tpu.memref_slice %arg3[%multiple_of3A_3612, %dma_start3A_3625] : memref<1000000x64xf32, #tpu.memory_space<hbm>> -> memref<8x64xf32, #tpu.memory_space<hbm>>
        tpu.enqueue_dma source(%dma_start3A_3626 : memref<8x64xf32, #tpu.memory_space<hbm>>) target(%dma_start3A_3624 : memref<8x64xf32, #tpu.memory_space<vmem>>) target_semaphore(%arg10 : memref<!tpu.dma_semaphore, #tpu.memory_space<semaphore_mem>>)
        %slice3A_3627 = vector.extract_strided_slice %get3A_3490 {offsets = [8], sizes = [1], strides = [1]} : vector<16xi32> to vector<1xi32>
        %squeeze3A_3628 = vector.extract %slice3A_3627[0] : i32 from vector<1xi32>
        %multiple_of3A_3629 = tpu.assume_multiple %squeeze3A_3628, 8 : i32
        %dma_start3A_3630 = arith.constant 0 : i32
        %dma_start3A_3631 = arith.constant 8 : i32
        %dma_start3A_3632 = arith.constant 0 : i32
        %dma_start3A_3633 = arith.constant 0 : i32
        %dma_start3A_3634 = tpu.memref_slice %arg9[%dma_start3A_3630, %dma_start3A_3631, %dma_start3A_3632, %dma_start3A_3633] : memref<2x16x8x64xf32, #tpu.memory_space<vmem>> -> memref<1x1x8x64xf32, #tpu.memory_space<vmem>>
        %dma_start3A_3635 = tpu.memref_squeeze %dma_start3A_3634 : memref<1x1x8x64xf32, #tpu.memory_space<vmem>> -> memref<8x64xf32, #tpu.memory_space<vmem>>
        %dma_start3A_3636 = arith.constant 0 : i32
        %dma_start3A_3637 = tpu.memref_slice %arg3[%multiple_of3A_3629, %dma_start3A_3636] : memref<1000000x64xf32, #tpu.memory_space<hbm>> -> memref<8x64xf32, #tpu.memory_space<hbm>>
        %dma_start3A_3638 = arith.constant 0 : i32
        %dma_start3A_3639 = arith.constant 0 : i32
        %dma_start3A_3640 = tpu.memref_slice %arg9[%dma_start3A_3630, %dma_start3A_3631, %dma_start3A_3638, %dma_start3A_3639] : memref<2x16x8x64xf32, #tpu.memory_space<vmem>> -> memref<1x1x8x64xf32, #tpu.memory_space<vmem>>
        %dma_start3A_3641 = tpu.memref_squeeze %dma_start3A_3640 : memref<1x1x8x64xf32, #tpu.memory_space<vmem>> -> memref<8x64xf32, #tpu.memory_space<vmem>>
        %dma_start3A_3642 = arith.constant 0 : i32
        %dma_start3A_3643 = tpu.memref_slice %arg3[%multiple_of3A_3629, %dma_start3A_3642] : memref<1000000x64xf32, #tpu.memory_space<hbm>> -> memref<8x64xf32, #tpu.memory_space<hbm>>
        tpu.enqueue_dma source(%dma_start3A_3643 : memref<8x64xf32, #tpu.memory_space<hbm>>) target(%dma_start3A_3641 : memref<8x64xf32, #tpu.memory_space<vmem>>) target_semaphore(%arg10 : memref<!tpu.dma_semaphore, #tpu.memory_space<semaphore_mem>>)
        %slice3A_3644 = vector.extract_strided_slice %get3A_3490 {offsets = [9], sizes = [1], strides = [1]} : vector<16xi32> to vector<1xi32>
        %squeeze3A_3645 = vector.extract %slice3A_3644[0] : i32 from vector<1xi32>
        %multiple_of3A_3646 = tpu.assume_multiple %squeeze3A_3645, 8 : i32
        %dma_start3A_3647 = arith.constant 0 : i32
        %dma_start3A_3648 = arith.constant 9 : i32
        %dma_start3A_3649 = arith.constant 0 : i32
        %dma_start3A_3650 = arith.constant 0 : i32
        %dma_start3A_3651 = tpu.memref_slice %arg9[%dma_start3A_3647, %dma_start3A_3648, %dma_start3A_3649, %dma_start3A_3650] : memref<2x16x8x64xf32, #tpu.memory_space<vmem>> -> memref<1x1x8x64xf32, #tpu.memory_space<vmem>>
        %dma_start3A_3652 = tpu.memref_squeeze %dma_start3A_3651 : memref<1x1x8x64xf32, #tpu.memory_space<vmem>> -> memref<8x64xf32, #tpu.memory_space<vmem>>
        %dma_start3A_3653 = arith.constant 0 : i32
        %dma_start3A_3654 = tpu.memref_slice %arg3[%multiple_of3A_3646, %dma_start3A_3653] : memref<1000000x64xf32, #tpu.memory_space<hbm>> -> memref<8x64xf32, #tpu.memory_space<hbm>>
        %dma_start3A_3655 = arith.constant 0 : i32
        %dma_start3A_3656 = arith.constant 0 : i32
        %dma_start3A_3657 = tpu.memref_slice %arg9[%dma_start3A_3647, %dma_start3A_3648, %dma_start3A_3655, %dma_start3A_3656] : memref<2x16x8x64xf32, #tpu.memory_space<vmem>> -> memref<1x1x8x64xf32, #tpu.memory_space<vmem>>
        %dma_start3A_3658 = tpu.memref_squeeze %dma_start3A_3657 : memref<1x1x8x64xf32, #tpu.memory_space<vmem>> -> memref<8x64xf32, #tpu.memory_space<vmem>>
        %dma_start3A_3659 = arith.constant 0 : i32
        %dma_start3A_3660 = tpu.memref_slice %arg3[%multiple_of3A_3646, %dma_start3A_3659] : memref<1000000x64xf32, #tpu.memory_space<hbm>> -> memref<8x64xf32, #tpu.memory_space<hbm>>
        tpu.enqueue_dma source(%dma_start3A_3660 : memref<8x64xf32, #tpu.memory_space<hbm>>) target(%dma_start3A_3658 : memref<8x64xf32, #tpu.memory_space<vmem>>) target_semaphore(%arg10 : memref<!tpu.dma_semaphore, #tpu.memory_space<semaphore_mem>>)
        %slice3A_3661 = vector.extract_strided_slice %get3A_3490 {offsets = [10], sizes = [1], strides = [1]} : vector<16xi32> to vector<1xi32>
        %squeeze3A_3662 = vector.extract %slice3A_3661[0] : i32 from vector<1xi32>
        %multiple_of3A_3663 = tpu.assume_multiple %squeeze3A_3662, 8 : i32
        %dma_start3A_3664 = arith.constant 0 : i32
        %dma_start3A_3665 = arith.constant 10 : i32
        %dma_start3A_3666 = arith.constant 0 : i32
        %dma_start3A_3667 = arith.constant 0 : i32
        %dma_start3A_3668 = tpu.memref_slice %arg9[%dma_start3A_3664, %dma_start3A_3665, %dma_start3A_3666, %dma_start3A_3667] : memref<2x16x8x64xf32, #tpu.memory_space<vmem>> -> memref<1x1x8x64xf32, #tpu.memory_space<vmem>>
        %dma_start3A_3669 = tpu.memref_squeeze %dma_start3A_3668 : memref<1x1x8x64xf32, #tpu.memory_space<vmem>> -> memref<8x64xf32, #tpu.memory_space<vmem>>
        %dma_start3A_3670 = arith.constant 0 : i32
        %dma_start3A_3671 = tpu.memref_slice %arg3[%multiple_of3A_3663, %dma_start3A_3670] : memref<1000000x64xf32, #tpu.memory_space<hbm>> -> memref<8x64xf32, #tpu.memory_space<hbm>>
        %dma_start3A_3672 = arith.constant 0 : i32
        %dma_start3A_3673 = arith.constant 0 : i32
        %dma_start3A_3674 = tpu.memref_slice %arg9[%dma_start3A_3664, %dma_start3A_3665, %dma_start3A_3672, %dma_start3A_3673] : memref<2x16x8x64xf32, #tpu.memory_space<vmem>> -> memref<1x1x8x64xf32, #tpu.memory_space<vmem>>
        %dma_start3A_3675 = tpu.memref_squeeze %dma_start3A_3674 : memref<1x1x8x64xf32, #tpu.memory_space<vmem>> -> memref<8x64xf32, #tpu.memory_space<vmem>>
        %dma_start3A_3676 = arith.constant 0 : i32
        %dma_start3A_3677 = tpu.memref_slice %arg3[%multiple_of3A_3663, %dma_start3A_3676] : memref<1000000x64xf32, #tpu.memory_space<hbm>> -> memref<8x64xf32, #tpu.memory_space<hbm>>
        tpu.enqueue_dma source(%dma_start3A_3677 : memref<8x64xf32, #tpu.memory_space<hbm>>) target(%dma_start3A_3675 : memref<8x64xf32, #tpu.memory_space<vmem>>) target_semaphore(%arg10 : memref<!tpu.dma_semaphore, #tpu.memory_space<semaphore_mem>>)
        %slice3A_3678 = vector.extract_strided_slice %get3A_3490 {offsets = [11], sizes = [1], strides = [1]} : vector<16xi32> to vector<1xi32>
        %squeeze3A_3679 = vector.extract %slice3A_3678[0] : i32 from vector<1xi32>
        %multiple_of3A_3680 = tpu.assume_multiple %squeeze3A_3679, 8 : i32
        %dma_start3A_3681 = arith.constant 0 : i32
        %dma_start3A_3682 = arith.constant 11 : i32
        %dma_start3A_3683 = arith.constant 0 : i32
        %dma_start3A_3684 = arith.constant 0 : i32
        %dma_start3A_3685 = tpu.memref_slice %arg9[%dma_start3A_3681, %dma_start3A_3682, %dma_start3A_3683, %dma_start3A_3684] : memref<2x16x8x64xf32, #tpu.memory_space<vmem>> -> memref<1x1x8x64xf32, #tpu.memory_space<vmem>>
        %dma_start3A_3686 = tpu.memref_squeeze %dma_start3A_3685 : memref<1x1x8x64xf32, #tpu.memory_space<vmem>> -> memref<8x64xf32, #tpu.memory_space<vmem>>
        %dma_start3A_3687 = arith.constant 0 : i32
        %dma_start3A_3688 = tpu.memref_slice %arg3[%multiple_of3A_3680, %dma_start3A_3687] : memref<1000000x64xf32, #tpu.memory_space<hbm>> -> memref<8x64xf32, #tpu.memory_space<hbm>>
        %dma_start3A_3689 = arith.constant 0 : i32
        %dma_start3A_3690 = arith.constant 0 : i32
        %dma_start3A_3691 = tpu.memref_slice %arg9[%dma_start3A_3681, %dma_start3A_3682, %dma_start3A_3689, %dma_start3A_3690] : memref<2x16x8x64xf32, #tpu.memory_space<vmem>> -> memref<1x1x8x64xf32, #tpu.memory_space<vmem>>
        %dma_start3A_3692 = tpu.memref_squeeze %dma_start3A_3691 : memref<1x1x8x64xf32, #tpu.memory_space<vmem>> -> memref<8x64xf32, #tpu.memory_space<vmem>>
        %dma_start3A_3693 = arith.constant 0 : i32
        %dma_start3A_3694 = tpu.memref_slice %arg3[%multiple_of3A_3680, %dma_start3A_3693] : memref<1000000x64xf32, #tpu.memory_space<hbm>> -> memref<8x64xf32, #tpu.memory_space<hbm>>
        tpu.enqueue_dma source(%dma_start3A_3694 : memref<8x64xf32, #tpu.memory_space<hbm>>) target(%dma_start3A_3692 : memref<8x64xf32, #tpu.memory_space<vmem>>) target_semaphore(%arg10 : memref<!tpu.dma_semaphore, #tpu.memory_space<semaphore_mem>>)
        %slice3A_3695 = vector.extract_strided_slice %get3A_3490 {offsets = [12], sizes = [1], strides = [1]} : vector<16xi32> to vector<1xi32>
        %squeeze3A_3696 = vector.extract %slice3A_3695[0] : i32 from vector<1xi32>
        %multiple_of3A_3697 = tpu.assume_multiple %squeeze3A_3696, 8 : i32
        %dma_start3A_3698 = arith.constant 0 : i32
        %dma_start3A_3699 = arith.constant 12 : i32
        %dma_start3A_3700 = arith.constant 0 : i32
        %dma_start3A_3701 = arith.constant 0 : i32
        %dma_start3A_3702 = tpu.memref_slice %arg9[%dma_start3A_3698, %dma_start3A_3699, %dma_start3A_3700, %dma_start3A_3701] : memref<2x16x8x64xf32, #tpu.memory_space<vmem>> -> memref<1x1x8x64xf32, #tpu.memory_space<vmem>>
        %dma_start3A_3703 = tpu.memref_squeeze %dma_start3A_3702 : memref<1x1x8x64xf32, #tpu.memory_space<vmem>> -> memref<8x64xf32, #tpu.memory_space<vmem>>
        %dma_start3A_3704 = arith.constant 0 : i32
        %dma_start3A_3705 = tpu.memref_slice %arg3[%multiple_of3A_3697, %dma_start3A_3704] : memref<1000000x64xf32, #tpu.memory_space<hbm>> -> memref<8x64xf32, #tpu.memory_space<hbm>>
        %dma_start3A_3706 = arith.constant 0 : i32
        %dma_start3A_3707 = arith.constant 0 : i32
        %dma_start3A_3708 = tpu.memref_slice %arg9[%dma_start3A_3698, %dma_start3A_3699, %dma_start3A_3706, %dma_start3A_3707] : memref<2x16x8x64xf32, #tpu.memory_space<vmem>> -> memref<1x1x8x64xf32, #tpu.memory_space<vmem>>
        %dma_start3A_3709 = tpu.memref_squeeze %dma_start3A_3708 : memref<1x1x8x64xf32, #tpu.memory_space<vmem>> -> memref<8x64xf32, #tpu.memory_space<vmem>>
        %dma_start3A_3710 = arith.constant 0 : i32
        %dma_start3A_3711 = tpu.memref_slice %arg3[%multiple_of3A_3697, %dma_start3A_3710] : memref<1000000x64xf32, #tpu.memory_space<hbm>> -> memref<8x64xf32, #tpu.memory_space<hbm>>
        tpu.enqueue_dma source(%dma_start3A_3711 : memref<8x64xf32, #tpu.memory_space<hbm>>) target(%dma_start3A_3709 : memref<8x64xf32, #tpu.memory_space<vmem>>) target_semaphore(%arg10 : memref<!tpu.dma_semaphore, #tpu.memory_space<semaphore_mem>>)
        %slice3A_3712 = vector.extract_strided_slice %get3A_3490 {offsets = [13], sizes = [1], strides = [1]} : vector<16xi32> to vector<1xi32>
        %squeeze3A_3713 = vector.extract %slice3A_3712[0] : i32 from vector<1xi32>
        %multiple_of3A_3714 = tpu.assume_multiple %squeeze3A_3713, 8 : i32
        %dma_start3A_3715 = arith.constant 0 : i32
        %dma_start3A_3716 = arith.constant 13 : i32
        %dma_start3A_3717 = arith.constant 0 : i32
        %dma_start3A_3718 = arith.constant 0 : i32
        %dma_start3A_3719 = tpu.memref_slice %arg9[%dma_start3A_3715, %dma_start3A_3716, %dma_start3A_3717, %dma_start3A_3718] : memref<2x16x8x64xf32, #tpu.memory_space<vmem>> -> memref<1x1x8x64xf32, #tpu.memory_space<vmem>>
        %dma_start3A_3720 = tpu.memref_squeeze %dma_start3A_3719 : memref<1x1x8x64xf32, #tpu.memory_space<vmem>> -> memref<8x64xf32, #tpu.memory_space<vmem>>
        %dma_start3A_3721 = arith.constant 0 : i32
        %dma_start3A_3722 = tpu.memref_slice %arg3[%multiple_of3A_3714, %dma_start3A_3721] : memref<1000000x64xf32, #tpu.memory_space<hbm>> -> memref<8x64xf32, #tpu.memory_space<hbm>>
        %dma_start3A_3723 = arith.constant 0 : i32
        %dma_start3A_3724 = arith.constant 0 : i32
        %dma_start3A_3725 = tpu.memref_slice %arg9[%dma_start3A_3715, %dma_start3A_3716, %dma_start3A_3723, %dma_start3A_3724] : memref<2x16x8x64xf32, #tpu.memory_space<vmem>> -> memref<1x1x8x64xf32, #tpu.memory_space<vmem>>
        %dma_start3A_3726 = tpu.memref_squeeze %dma_start3A_3725 : memref<1x1x8x64xf32, #tpu.memory_space<vmem>> -> memref<8x64xf32, #tpu.memory_space<vmem>>
        %dma_start3A_3727 = arith.constant 0 : i32
        %dma_start3A_3728 = tpu.memref_slice %arg3[%multiple_of3A_3714, %dma_start3A_3727] : memref<1000000x64xf32, #tpu.memory_space<hbm>> -> memref<8x64xf32, #tpu.memory_space<hbm>>
        tpu.enqueue_dma source(%dma_start3A_3728 : memref<8x64xf32, #tpu.memory_space<hbm>>) target(%dma_start3A_3726 : memref<8x64xf32, #tpu.memory_space<vmem>>) target_semaphore(%arg10 : memref<!tpu.dma_semaphore, #tpu.memory_space<semaphore_mem>>)
        %slice3A_3729 = vector.extract_strided_slice %get3A_3490 {offsets = [14], sizes = [1], strides = [1]} : vector<16xi32> to vector<1xi32>
        %squeeze3A_3730 = vector.extract %slice3A_3729[0] : i32 from vector<1xi32>
        %multiple_of3A_3731 = tpu.assume_multiple %squeeze3A_3730, 8 : i32
        %dma_start3A_3732 = arith.constant 0 : i32
        %dma_start3A_3733 = arith.constant 14 : i32
        %dma_start3A_3734 = arith.constant 0 : i32
        %dma_start3A_3735 = arith.constant 0 : i32
        %dma_start3A_3736 = tpu.memref_slice %arg9[%dma_start3A_3732, %dma_start3A_3733, %dma_start3A_3734, %dma_start3A_3735] : memref<2x16x8x64xf32, #tpu.memory_space<vmem>> -> memref<1x1x8x64xf32, #tpu.memory_space<vmem>>
        %dma_start3A_3737 = tpu.memref_squeeze %dma_start3A_3736 : memref<1x1x8x64xf32, #tpu.memory_space<vmem>> -> memref<8x64xf32, #tpu.memory_space<vmem>>
        %dma_start3A_3738 = arith.constant 0 : i32
        %dma_start3A_3739 = tpu.memref_slice %arg3[%multiple_of3A_3731, %dma_start3A_3738] : memref<1000000x64xf32, #tpu.memory_space<hbm>> -> memref<8x64xf32, #tpu.memory_space<hbm>>
        %dma_start3A_3740 = arith.constant 0 : i32
        %dma_start3A_3741 = arith.constant 0 : i32
        %dma_start3A_3742 = tpu.memref_slice %arg9[%dma_start3A_3732, %dma_start3A_3733, %dma_start3A_3740, %dma_start3A_3741] : memref<2x16x8x64xf32, #tpu.memory_space<vmem>> -> memref<1x1x8x64xf32, #tpu.memory_space<vmem>>
        %dma_start3A_3743 = tpu.memref_squeeze %dma_start3A_3742 : memref<1x1x8x64xf32, #tpu.memory_space<vmem>> -> memref<8x64xf32, #tpu.memory_space<vmem>>
        %dma_start3A_3744 = arith.constant 0 : i32
        %dma_start3A_3745 = tpu.memref_slice %arg3[%multiple_of3A_3731, %dma_start3A_3744] : memref<1000000x64xf32, #tpu.memory_space<hbm>> -> memref<8x64xf32, #tpu.memory_space<hbm>>
        tpu.enqueue_dma source(%dma_start3A_3745 : memref<8x64xf32, #tpu.memory_space<hbm>>) target(%dma_start3A_3743 : memref<8x64xf32, #tpu.memory_space<vmem>>) target_semaphore(%arg10 : memref<!tpu.dma_semaphore, #tpu.memory_space<semaphore_mem>>)
        %slice3A_3746 = vector.extract_strided_slice %get3A_3490 {offsets = [15], sizes = [1], strides = [1]} : vector<16xi32> to vector<1xi32>
        %squeeze3A_3747 = vector.extract %slice3A_3746[0] : i32 from vector<1xi32>
        %multiple_of3A_3748 = tpu.assume_multiple %squeeze3A_3747, 8 : i32
        %dma_start3A_3749 = arith.constant 0 : i32
        %dma_start3A_3750 = arith.constant 15 : i32
        %dma_start3A_3751 = arith.constant 0 : i32
        %dma_start3A_3752 = arith.constant 0 : i32
        %dma_start3A_3753 = tpu.memref_slice %arg9[%dma_start3A_3749, %dma_start3A_3750, %dma_start3A_3751, %dma_start3A_3752] : memref<2x16x8x64xf32, #tpu.memory_space<vmem>> -> memref<1x1x8x64xf32, #tpu.memory_space<vmem>>
        %dma_start3A_3754 = tpu.memref_squeeze %dma_start3A_3753 : memref<1x1x8x64xf32, #tpu.memory_space<vmem>> -> memref<8x64xf32, #tpu.memory_space<vmem>>
        %dma_start3A_3755 = arith.constant 0 : i32
        %dma_start3A_3756 = tpu.memref_slice %arg3[%multiple_of3A_3748, %dma_start3A_3755] : memref<1000000x64xf32, #tpu.memory_space<hbm>> -> memref<8x64xf32, #tpu.memory_space<hbm>>
        %dma_start3A_3757 = arith.constant 0 : i32
        %dma_start3A_3758 = arith.constant 0 : i32
        %dma_start3A_3759 = tpu.memref_slice %arg9[%dma_start3A_3749, %dma_start3A_3750, %dma_start3A_3757, %dma_start3A_3758] : memref<2x16x8x64xf32, #tpu.memory_space<vmem>> -> memref<1x1x8x64xf32, #tpu.memory_space<vmem>>
        %dma_start3A_3760 = tpu.memref_squeeze %dma_start3A_3759 : memref<1x1x8x64xf32, #tpu.memory_space<vmem>> -> memref<8x64xf32, #tpu.memory_space<vmem>>
        %dma_start3A_3761 = arith.constant 0 : i32
        %dma_start3A_3762 = tpu.memref_slice %arg3[%multiple_of3A_3748, %dma_start3A_3761] : memref<1000000x64xf32, #tpu.memory_space<hbm>> -> memref<8x64xf32, #tpu.memory_space<hbm>>
        tpu.enqueue_dma source(%dma_start3A_3762 : memref<8x64xf32, #tpu.memory_space<hbm>>) target(%dma_start3A_3760 : memref<8x64xf32, #tpu.memory_space<vmem>>) target_semaphore(%arg10 : memref<!tpu.dma_semaphore, #tpu.memory_space<semaphore_mem>>)
      } else {
      }
      %dma_wait3A_2288 = arith.constant 0 : i32
      %dma_wait3A_2289 = arith.constant 0 : i32
      %dma_wait3A_2290 = arith.constant 0 : i32
      %dma_wait3A_2291 = arith.constant 0 : i32
      %dma_wait3A_2292 = tpu.memref_slice %arg9[%dma_wait3A_2288, %dma_wait3A_2289, %dma_wait3A_2290, %dma_wait3A_2291] : memref<2x16x8x64xf32, #tpu.memory_space<vmem>> -> memref<1x1x8x64xf32, #tpu.memory_space<vmem>>
      %dma_wait3A_2293 = tpu.memref_squeeze %dma_wait3A_2292 : memref<1x1x8x64xf32, #tpu.memory_space<vmem>> -> memref<8x64xf32, #tpu.memory_space<vmem>>
      %dma_wait3A_2294 = arith.constant 0 : i32
      %dma_wait3A_2295 = arith.constant 0 : i32
      %dma_wait3A_2296 = tpu.memref_slice %arg3[%dma_wait3A_2294, %dma_wait3A_2295] : memref<1000000x64xf32, #tpu.memory_space<hbm>> -> memref<8x64xf32, #tpu.memory_space<hbm>>
      %dma_wait3A_2297 = arith.constant 0 : i32
      %dma_wait3A_2298 = arith.constant 0 : i32
      %dma_wait3A_2299 = tpu.memref_slice %arg9[%dma_wait3A_2288, %dma_wait3A_2289, %dma_wait3A_2297, %dma_wait3A_2298] : memref<2x16x8x64xf32, #tpu.memory_space<vmem>> -> memref<1x1x8x64xf32, #tpu.memory_space<vmem>>
      %dma_wait3A_2300 = tpu.memref_squeeze %dma_wait3A_2299 : memref<1x1x8x64xf32, #tpu.memory_space<vmem>> -> memref<8x64xf32, #tpu.memory_space<vmem>>
      %dma_wait3A_2301 = arith.constant 0 : i32
      %dma_wait3A_2302 = arith.constant 0 : i32
      %dma_wait3A_2303 = tpu.memref_slice %arg3[%dma_wait3A_2301, %dma_wait3A_2302] : memref<1000000x64xf32, #tpu.memory_space<hbm>> -> memref<8x64xf32, #tpu.memory_space<hbm>>
      tpu.wait_dma2 semaphore(%arg11 : memref<!tpu.dma_semaphore, #tpu.memory_space<semaphore_mem>>) src(%dma_wait3A_2303 : memref<8x64xf32, #tpu.memory_space<hbm>>) dst(%dma_wait3A_2300 : memref<8x64xf32, #tpu.memory_space<vmem>>)
      %dma_wait3A_2304 = arith.constant 0 : i32
      %dma_wait3A_2305 = arith.constant 1 : i32
      %dma_wait3A_2306 = arith.constant 0 : i32
      %dma_wait3A_2307 = arith.constant 0 : i32
      %dma_wait3A_2308 = tpu.memref_slice %arg9[%dma_wait3A_2304, %dma_wait3A_2305, %dma_wait3A_2306, %dma_wait3A_2307] : memref<2x16x8x64xf32, #tpu.memory_space<vmem>> -> memref<1x1x8x64xf32, #tpu.memory_space<vmem>>
      %dma_wait3A_2309 = tpu.memref_squeeze %dma_wait3A_2308 : memref<1x1x8x64xf32, #tpu.memory_space<vmem>> -> memref<8x64xf32, #tpu.memory_space<vmem>>
      %dma_wait3A_2310 = arith.constant 0 : i32
      %dma_wait3A_2311 = arith.constant 0 : i32
      %dma_wait3A_2312 = tpu.memref_slice %arg3[%dma_wait3A_2310, %dma_wait3A_2311] : memref<1000000x64xf32, #tpu.memory_space<hbm>> -> memref<8x64xf32, #tpu.memory_space<hbm>>
      %dma_wait3A_2313 = arith.constant 0 : i32
      %dma_wait3A_2314 = arith.constant 0 : i32
      %dma_wait3A_2315 = tpu.memref_slice %arg9[%dma_wait3A_2304, %dma_wait3A_2305, %dma_wait3A_2313, %dma_wait3A_2314] : memref<2x16x8x64xf32, #tpu.memory_space<vmem>> -> memref<1x1x8x64xf32, #tpu.memory_space<vmem>>
      %dma_wait3A_2316 = tpu.memref_squeeze %dma_wait3A_2315 : memref<1x1x8x64xf32, #tpu.memory_space<vmem>> -> memref<8x64xf32, #tpu.memory_space<vmem>>
      %dma_wait3A_2317 = arith.constant 0 : i32
      %dma_wait3A_2318 = arith.constant 0 : i32
      %dma_wait3A_2319 = tpu.memref_slice %arg3[%dma_wait3A_2317, %dma_wait3A_2318] : memref<1000000x64xf32, #tpu.memory_space<hbm>> -> memref<8x64xf32, #tpu.memory_space<hbm>>
      tpu.wait_dma2 semaphore(%arg11 : memref<!tpu.dma_semaphore, #tpu.memory_space<semaphore_mem>>) src(%dma_wait3A_2319 : memref<8x64xf32, #tpu.memory_space<hbm>>) dst(%dma_wait3A_2316 : memref<8x64xf32, #tpu.memory_space<vmem>>)
      %dma_wait3A_2320 = arith.constant 0 : i32
      %dma_wait3A_2321 = arith.constant 2 : i32
      %dma_wait3A_2322 = arith.constant 0 : i32
      %dma_wait3A_2323 = arith.constant 0 : i32
      %dma_wait3A_2324 = tpu.memref_slice %arg9[%dma_wait3A_2320, %dma_wait3A_2321, %dma_wait3A_2322, %dma_wait3A_2323] : memref<2x16x8x64xf32, #tpu.memory_space<vmem>> -> memref<1x1x8x64xf32, #tpu.memory_space<vmem>>
      %dma_wait3A_2325 = tpu.memref_squeeze %dma_wait3A_2324 : memref<1x1x8x64xf32, #tpu.memory_space<vmem>> -> memref<8x64xf32, #tpu.memory_space<vmem>>
      %dma_wait3A_2326 = arith.constant 0 : i32
      %dma_wait3A_2327 = arith.constant 0 : i32
      %dma_wait3A_2328 = tpu.memref_slice %arg3[%dma_wait3A_2326, %dma_wait3A_2327] : memref<1000000x64xf32, #tpu.memory_space<hbm>> -> memref<8x64xf32, #tpu.memory_space<hbm>>
      %dma_wait3A_2329 = arith.constant 0 : i32
      %dma_wait3A_2330 = arith.constant 0 : i32
      %dma_wait3A_2331 = tpu.memref_slice %arg9[%dma_wait3A_2320, %dma_wait3A_2321, %dma_wait3A_2329, %dma_wait3A_2330] : memref<2x16x8x64xf32, #tpu.memory_space<vmem>> -> memref<1x1x8x64xf32, #tpu.memory_space<vmem>>
      %dma_wait3A_2332 = tpu.memref_squeeze %dma_wait3A_2331 : memref<1x1x8x64xf32, #tpu.memory_space<vmem>> -> memref<8x64xf32, #tpu.memory_space<vmem>>
      %dma_wait3A_2333 = arith.constant 0 : i32
      %dma_wait3A_2334 = arith.constant 0 : i32
      %dma_wait3A_2335 = tpu.memref_slice %arg3[%dma_wait3A_2333, %dma_wait3A_2334] : memref<1000000x64xf32, #tpu.memory_space<hbm>> -> memref<8x64xf32, #tpu.memory_space<hbm>>
      tpu.wait_dma2 semaphore(%arg11 : memref<!tpu.dma_semaphore, #tpu.memory_space<semaphore_mem>>) src(%dma_wait3A_2335 : memref<8x64xf32, #tpu.memory_space<hbm>>) dst(%dma_wait3A_2332 : memref<8x64xf32, #tpu.memory_space<vmem>>)
      %dma_wait3A_2336 = arith.constant 0 : i32
      %dma_wait3A_2337 = arith.constant 3 : i32
      %dma_wait3A_2338 = arith.constant 0 : i32
      %dma_wait3A_2339 = arith.constant 0 : i32
      %dma_wait3A_2340 = tpu.memref_slice %arg9[%dma_wait3A_2336, %dma_wait3A_2337, %dma_wait3A_2338, %dma_wait3A_2339] : memref<2x16x8x64xf32, #tpu.memory_space<vmem>> -> memref<1x1x8x64xf32, #tpu.memory_space<vmem>>
      %dma_wait3A_2341 = tpu.memref_squeeze %dma_wait3A_2340 : memref<1x1x8x64xf32, #tpu.memory_space<vmem>> -> memref<8x64xf32, #tpu.memory_space<vmem>>
      %dma_wait3A_2342 = arith.constant 0 : i32
      %dma_wait3A_2343 = arith.constant 0 : i32
      %dma_wait3A_2344 = tpu.memref_slice %arg3[%dma_wait3A_2342, %dma_wait3A_2343] : memref<1000000x64xf32, #tpu.memory_space<hbm>> -> memref<8x64xf32, #tpu.memory_space<hbm>>
      %dma_wait3A_2345 = arith.constant 0 : i32
      %dma_wait3A_2346 = arith.constant 0 : i32
      %dma_wait3A_2347 = tpu.memref_slice %arg9[%dma_wait3A_2336, %dma_wait3A_2337, %dma_wait3A_2345, %dma_wait3A_2346] : memref<2x16x8x64xf32, #tpu.memory_space<vmem>> -> memref<1x1x8x64xf32, #tpu.memory_space<vmem>>
      %dma_wait3A_2348 = tpu.memref_squeeze %dma_wait3A_2347 : memref<1x1x8x64xf32, #tpu.memory_space<vmem>> -> memref<8x64xf32, #tpu.memory_space<vmem>>
      %dma_wait3A_2349 = arith.constant 0 : i32
      %dma_wait3A_2350 = arith.constant 0 : i32
      %dma_wait3A_2351 = tpu.memref_slice %arg3[%dma_wait3A_2349, %dma_wait3A_2350] : memref<1000000x64xf32, #tpu.memory_space<hbm>> -> memref<8x64xf32, #tpu.memory_space<hbm>>
      tpu.wait_dma2 semaphore(%arg11 : memref<!tpu.dma_semaphore, #tpu.memory_space<semaphore_mem>>) src(%dma_wait3A_2351 : memref<8x64xf32, #tpu.memory_space<hbm>>) dst(%dma_wait3A_2348 : memref<8x64xf32, #tpu.memory_space<vmem>>)
      %dma_wait3A_2352 = arith.constant 0 : i32
      %dma_wait3A_2353 = arith.constant 4 : i32
      %dma_wait3A_2354 = arith.constant 0 : i32
      %dma_wait3A_2355 = arith.constant 0 : i32
      %dma_wait3A_2356 = tpu.memref_slice %arg9[%dma_wait3A_2352, %dma_wait3A_2353, %dma_wait3A_2354, %dma_wait3A_2355] : memref<2x16x8x64xf32, #tpu.memory_space<vmem>> -> memref<1x1x8x64xf32, #tpu.memory_space<vmem>>
      %dma_wait3A_2357 = tpu.memref_squeeze %dma_wait3A_2356 : memref<1x1x8x64xf32, #tpu.memory_space<vmem>> -> memref<8x64xf32, #tpu.memory_space<vmem>>
      %dma_wait3A_2358 = arith.constant 0 : i32
      %dma_wait3A_2359 = arith.constant 0 : i32
      %dma_wait3A_2360 = tpu.memref_slice %arg3[%dma_wait3A_2358, %dma_wait3A_2359] : memref<1000000x64xf32, #tpu.memory_space<hbm>> -> memref<8x64xf32, #tpu.memory_space<hbm>>
      %dma_wait3A_2361 = arith.constant 0 : i32
      %dma_wait3A_2362 = arith.constant 0 : i32
      %dma_wait3A_2363 = tpu.memref_slice %arg9[%dma_wait3A_2352, %dma_wait3A_2353, %dma_wait3A_2361, %dma_wait3A_2362] : memref<2x16x8x64xf32, #tpu.memory_space<vmem>> -> memref<1x1x8x64xf32, #tpu.memory_space<vmem>>
      %dma_wait3A_2364 = tpu.memref_squeeze %dma_wait3A_2363 : memref<1x1x8x64xf32, #tpu.memory_space<vmem>> -> memref<8x64xf32, #tpu.memory_space<vmem>>
      %dma_wait3A_2365 = arith.constant 0 : i32
      %dma_wait3A_2366 = arith.constant 0 : i32
      %dma_wait3A_2367 = tpu.memref_slice %arg3[%dma_wait3A_2365, %dma_wait3A_2366] : memref<1000000x64xf32, #tpu.memory_space<hbm>> -> memref<8x64xf32, #tpu.memory_space<hbm>>
      tpu.wait_dma2 semaphore(%arg11 : memref<!tpu.dma_semaphore, #tpu.memory_space<semaphore_mem>>) src(%dma_wait3A_2367 : memref<8x64xf32, #tpu.memory_space<hbm>>) dst(%dma_wait3A_2364 : memref<8x64xf32, #tpu.memory_space<vmem>>)
      %dma_wait3A_2368 = arith.constant 0 : i32
      %dma_wait3A_2369 = arith.constant 5 : i32
      %dma_wait3A_2370 = arith.constant 0 : i32
      %dma_wait3A_2371 = arith.constant 0 : i32
      %dma_wait3A_2372 = tpu.memref_slice %arg9[%dma_wait3A_2368, %dma_wait3A_2369, %dma_wait3A_2370, %dma_wait3A_2371] : memref<2x16x8x64xf32, #tpu.memory_space<vmem>> -> memref<1x1x8x64xf32, #tpu.memory_space<vmem>>
      %dma_wait3A_2373 = tpu.memref_squeeze %dma_wait3A_2372 : memref<1x1x8x64xf32, #tpu.memory_space<vmem>> -> memref<8x64xf32, #tpu.memory_space<vmem>>
      %dma_wait3A_2374 = arith.constant 0 : i32
      %dma_wait3A_2375 = arith.constant 0 : i32
      %dma_wait3A_2376 = tpu.memref_slice %arg3[%dma_wait3A_2374, %dma_wait3A_2375] : memref<1000000x64xf32, #tpu.memory_space<hbm>> -> memref<8x64xf32, #tpu.memory_space<hbm>>
      %dma_wait3A_2377 = arith.constant 0 : i32
      %dma_wait3A_2378 = arith.constant 0 : i32
      %dma_wait3A_2379 = tpu.memref_slice %arg9[%dma_wait3A_2368, %dma_wait3A_2369, %dma_wait3A_2377, %dma_wait3A_2378] : memref<2x16x8x64xf32, #tpu.memory_space<vmem>> -> memref<1x1x8x64xf32, #tpu.memory_space<vmem>>
      %dma_wait3A_2380 = tpu.memref_squeeze %dma_wait3A_2379 : memref<1x1x8x64xf32, #tpu.memory_space<vmem>> -> memref<8x64xf32, #tpu.memory_space<vmem>>
      %dma_wait3A_2381 = arith.constant 0 : i32
      %dma_wait3A_2382 = arith.constant 0 : i32
      %dma_wait3A_2383 = tpu.memref_slice %arg3[%dma_wait3A_2381, %dma_wait3A_2382] : memref<1000000x64xf32, #tpu.memory_space<hbm>> -> memref<8x64xf32, #tpu.memory_space<hbm>>
      tpu.wait_dma2 semaphore(%arg11 : memref<!tpu.dma_semaphore, #tpu.memory_space<semaphore_mem>>) src(%dma_wait3A_2383 : memref<8x64xf32, #tpu.memory_space<hbm>>) dst(%dma_wait3A_2380 : memref<8x64xf32, #tpu.memory_space<vmem>>)
      %dma_wait3A_2384 = arith.constant 0 : i32
      %dma_wait3A_2385 = arith.constant 6 : i32
      %dma_wait3A_2386 = arith.constant 0 : i32
      %dma_wait3A_2387 = arith.constant 0 : i32
      %dma_wait3A_2388 = tpu.memref_slice %arg9[%dma_wait3A_2384, %dma_wait3A_2385, %dma_wait3A_2386, %dma_wait3A_2387] : memref<2x16x8x64xf32, #tpu.memory_space<vmem>> -> memref<1x1x8x64xf32, #tpu.memory_space<vmem>>
      %dma_wait3A_2389 = tpu.memref_squeeze %dma_wait3A_2388 : memref<1x1x8x64xf32, #tpu.memory_space<vmem>> -> memref<8x64xf32, #tpu.memory_space<vmem>>
      %dma_wait3A_2390 = arith.constant 0 : i32
      %dma_wait3A_2391 = arith.constant 0 : i32
      %dma_wait3A_2392 = tpu.memref_slice %arg3[%dma_wait3A_2390, %dma_wait3A_2391] : memref<1000000x64xf32, #tpu.memory_space<hbm>> -> memref<8x64xf32, #tpu.memory_space<hbm>>
      %dma_wait3A_2393 = arith.constant 0 : i32
      %dma_wait3A_2394 = arith.constant 0 : i32
      %dma_wait3A_2395 = tpu.memref_slice %arg9[%dma_wait3A_2384, %dma_wait3A_2385, %dma_wait3A_2393, %dma_wait3A_2394] : memref<2x16x8x64xf32, #tpu.memory_space<vmem>> -> memref<1x1x8x64xf32, #tpu.memory_space<vmem>>
      %dma_wait3A_2396 = tpu.memref_squeeze %dma_wait3A_2395 : memref<1x1x8x64xf32, #tpu.memory_space<vmem>> -> memref<8x64xf32, #tpu.memory_space<vmem>>
      %dma_wait3A_2397 = arith.constant 0 : i32
      %dma_wait3A_2398 = arith.constant 0 : i32
      %dma_wait3A_2399 = tpu.memref_slice %arg3[%dma_wait3A_2397, %dma_wait3A_2398] : memref<1000000x64xf32, #tpu.memory_space<hbm>> -> memref<8x64xf32, #tpu.memory_space<hbm>>
      tpu.wait_dma2 semaphore(%arg11 : memref<!tpu.dma_semaphore, #tpu.memory_space<semaphore_mem>>) src(%dma_wait3A_2399 : memref<8x64xf32, #tpu.memory_space<hbm>>) dst(%dma_wait3A_2396 : memref<8x64xf32, #tpu.memory_space<vmem>>)
      %dma_wait3A_2400 = arith.constant 0 : i32
      %dma_wait3A_2401 = arith.constant 7 : i32
      %dma_wait3A_2402 = arith.constant 0 : i32
      %dma_wait3A_2403 = arith.constant 0 : i32
      %dma_wait3A_2404 = tpu.memref_slice %arg9[%dma_wait3A_2400, %dma_wait3A_2401, %dma_wait3A_2402, %dma_wait3A_2403] : memref<2x16x8x64xf32, #tpu.memory_space<vmem>> -> memref<1x1x8x64xf32, #tpu.memory_space<vmem>>
      %dma_wait3A_2405 = tpu.memref_squeeze %dma_wait3A_2404 : memref<1x1x8x64xf32, #tpu.memory_space<vmem>> -> memref<8x64xf32, #tpu.memory_space<vmem>>
      %dma_wait3A_2406 = arith.constant 0 : i32
      %dma_wait3A_2407 = arith.constant 0 : i32
      %dma_wait3A_2408 = tpu.memref_slice %arg3[%dma_wait3A_2406, %dma_wait3A_2407] : memref<1000000x64xf32, #tpu.memory_space<hbm>> -> memref<8x64xf32, #tpu.memory_space<hbm>>
      %dma_wait3A_2409 = arith.constant 0 : i32
      %dma_wait3A_2410 = arith.constant 0 : i32
      %dma_wait3A_2411 = tpu.memref_slice %arg9[%dma_wait3A_2400, %dma_wait3A_2401, %dma_wait3A_2409, %dma_wait3A_2410] : memref<2x16x8x64xf32, #tpu.memory_space<vmem>> -> memref<1x1x8x64xf32, #tpu.memory_space<vmem>>
      %dma_wait3A_2412 = tpu.memref_squeeze %dma_wait3A_2411 : memref<1x1x8x64xf32, #tpu.memory_space<vmem>> -> memref<8x64xf32, #tpu.memory_space<vmem>>
      %dma_wait3A_2413 = arith.constant 0 : i32
      %dma_wait3A_2414 = arith.constant 0 : i32
      %dma_wait3A_2415 = tpu.memref_slice %arg3[%dma_wait3A_2413, %dma_wait3A_2414] : memref<1000000x64xf32, #tpu.memory_space<hbm>> -> memref<8x64xf32, #tpu.memory_space<hbm>>
      tpu.wait_dma2 semaphore(%arg11 : memref<!tpu.dma_semaphore, #tpu.memory_space<semaphore_mem>>) src(%dma_wait3A_2415 : memref<8x64xf32, #tpu.memory_space<hbm>>) dst(%dma_wait3A_2412 : memref<8x64xf32, #tpu.memory_space<vmem>>)
      %dma_wait3A_2416 = arith.constant 0 : i32
      %dma_wait3A_2417 = arith.constant 8 : i32
      %dma_wait3A_2418 = arith.constant 0 : i32
      %dma_wait3A_2419 = arith.constant 0 : i32
      %dma_wait3A_2420 = tpu.memref_slice %arg9[%dma_wait3A_2416, %dma_wait3A_2417, %dma_wait3A_2418, %dma_wait3A_2419] : memref<2x16x8x64xf32, #tpu.memory_space<vmem>> -> memref<1x1x8x64xf32, #tpu.memory_space<vmem>>
      %dma_wait3A_2421 = tpu.memref_squeeze %dma_wait3A_2420 : memref<1x1x8x64xf32, #tpu.memory_space<vmem>> -> memref<8x64xf32, #tpu.memory_space<vmem>>
      %dma_wait3A_2422 = arith.constant 0 : i32
      %dma_wait3A_2423 = arith.constant 0 : i32
      %dma_wait3A_2424 = tpu.memref_slice %arg3[%dma_wait3A_2422, %dma_wait3A_2423] : memref<1000000x64xf32, #tpu.memory_space<hbm>> -> memref<8x64xf32, #tpu.memory_space<hbm>>
      %dma_wait3A_2425 = arith.constant 0 : i32
      %dma_wait3A_2426 = arith.constant 0 : i32
      %dma_wait3A_2427 = tpu.memref_slice %arg9[%dma_wait3A_2416, %dma_wait3A_2417, %dma_wait3A_2425, %dma_wait3A_2426] : memref<2x16x8x64xf32, #tpu.memory_space<vmem>> -> memref<1x1x8x64xf32, #tpu.memory_space<vmem>>
      %dma_wait3A_2428 = tpu.memref_squeeze %dma_wait3A_2427 : memref<1x1x8x64xf32, #tpu.memory_space<vmem>> -> memref<8x64xf32, #tpu.memory_space<vmem>>
      %dma_wait3A_2429 = arith.constant 0 : i32
      %dma_wait3A_2430 = arith.constant 0 : i32
      %dma_wait3A_2431 = tpu.memref_slice %arg3[%dma_wait3A_2429, %dma_wait3A_2430] : memref<1000000x64xf32, #tpu.memory_space<hbm>> -> memref<8x64xf32, #tpu.memory_space<hbm>>
      tpu.wait_dma2 semaphore(%arg11 : memref<!tpu.dma_semaphore, #tpu.memory_space<semaphore_mem>>) src(%dma_wait3A_2431 : memref<8x64xf32, #tpu.memory_space<hbm>>) dst(%dma_wait3A_2428 : memref<8x64xf32, #tpu.memory_space<vmem>>)
      %dma_wait3A_2432 = arith.constant 0 : i32
      %dma_wait3A_2433 = arith.constant 9 : i32
      %dma_wait3A_2434 = arith.constant 0 : i32
      %dma_wait3A_2435 = arith.constant 0 : i32
      %dma_wait3A_2436 = tpu.memref_slice %arg9[%dma_wait3A_2432, %dma_wait3A_2433, %dma_wait3A_2434, %dma_wait3A_2435] : memref<2x16x8x64xf32, #tpu.memory_space<vmem>> -> memref<1x1x8x64xf32, #tpu.memory_space<vmem>>
      %dma_wait3A_2437 = tpu.memref_squeeze %dma_wait3A_2436 : memref<1x1x8x64xf32, #tpu.memory_space<vmem>> -> memref<8x64xf32, #tpu.memory_space<vmem>>
      %dma_wait3A_2438 = arith.constant 0 : i32
      %dma_wait3A_2439 = arith.constant 0 : i32
      %dma_wait3A_2440 = tpu.memref_slice %arg3[%dma_wait3A_2438, %dma_wait3A_2439] : memref<1000000x64xf32, #tpu.memory_space<hbm>> -> memref<8x64xf32, #tpu.memory_space<hbm>>
      %dma_wait3A_2441 = arith.constant 0 : i32
      %dma_wait3A_2442 = arith.constant 0 : i32
      %dma_wait3A_2443 = tpu.memref_slice %arg9[%dma_wait3A_2432, %dma_wait3A_2433, %dma_wait3A_2441, %dma_wait3A_2442] : memref<2x16x8x64xf32, #tpu.memory_space<vmem>> -> memref<1x1x8x64xf32, #tpu.memory_space<vmem>>
      %dma_wait3A_2444 = tpu.memref_squeeze %dma_wait3A_2443 : memref<1x1x8x64xf32, #tpu.memory_space<vmem>> -> memref<8x64xf32, #tpu.memory_space<vmem>>
      %dma_wait3A_2445 = arith.constant 0 : i32
      %dma_wait3A_2446 = arith.constant 0 : i32
      %dma_wait3A_2447 = tpu.memref_slice %arg3[%dma_wait3A_2445, %dma_wait3A_2446] : memref<1000000x64xf32, #tpu.memory_space<hbm>> -> memref<8x64xf32, #tpu.memory_space<hbm>>
      tpu.wait_dma2 semaphore(%arg11 : memref<!tpu.dma_semaphore, #tpu.memory_space<semaphore_mem>>) src(%dma_wait3A_2447 : memref<8x64xf32, #tpu.memory_space<hbm>>) dst(%dma_wait3A_2444 : memref<8x64xf32, #tpu.memory_space<vmem>>)
      %dma_wait3A_2448 = arith.constant 0 : i32
      %dma_wait3A_2449 = arith.constant 10 : i32
      %dma_wait3A_2450 = arith.constant 0 : i32
      %dma_wait3A_2451 = arith.constant 0 : i32
      %dma_wait3A_2452 = tpu.memref_slice %arg9[%dma_wait3A_2448, %dma_wait3A_2449, %dma_wait3A_2450, %dma_wait3A_2451] : memref<2x16x8x64xf32, #tpu.memory_space<vmem>> -> memref<1x1x8x64xf32, #tpu.memory_space<vmem>>
      %dma_wait3A_2453 = tpu.memref_squeeze %dma_wait3A_2452 : memref<1x1x8x64xf32, #tpu.memory_space<vmem>> -> memref<8x64xf32, #tpu.memory_space<vmem>>
      %dma_wait3A_2454 = arith.constant 0 : i32
      %dma_wait3A_2455 = arith.constant 0 : i32
      %dma_wait3A_2456 = tpu.memref_slice %arg3[%dma_wait3A_2454, %dma_wait3A_2455] : memref<1000000x64xf32, #tpu.memory_space<hbm>> -> memref<8x64xf32, #tpu.memory_space<hbm>>
      %dma_wait3A_2457 = arith.constant 0 : i32
      %dma_wait3A_2458 = arith.constant 0 : i32
      %dma_wait3A_2459 = tpu.memref_slice %arg9[%dma_wait3A_2448, %dma_wait3A_2449, %dma_wait3A_2457, %dma_wait3A_2458] : memref<2x16x8x64xf32, #tpu.memory_space<vmem>> -> memref<1x1x8x64xf32, #tpu.memory_space<vmem>>
      %dma_wait3A_2460 = tpu.memref_squeeze %dma_wait3A_2459 : memref<1x1x8x64xf32, #tpu.memory_space<vmem>> -> memref<8x64xf32, #tpu.memory_space<vmem>>
      %dma_wait3A_2461 = arith.constant 0 : i32
      %dma_wait3A_2462 = arith.constant 0 : i32
      %dma_wait3A_2463 = tpu.memref_slice %arg3[%dma_wait3A_2461, %dma_wait3A_2462] : memref<1000000x64xf32, #tpu.memory_space<hbm>> -> memref<8x64xf32, #tpu.memory_space<hbm>>
      tpu.wait_dma2 semaphore(%arg11 : memref<!tpu.dma_semaphore, #tpu.memory_space<semaphore_mem>>) src(%dma_wait3A_2463 : memref<8x64xf32, #tpu.memory_space<hbm>>) dst(%dma_wait3A_2460 : memref<8x64xf32, #tpu.memory_space<vmem>>)
      %dma_wait3A_2464 = arith.constant 0 : i32
      %dma_wait3A_2465 = arith.constant 11 : i32
      %dma_wait3A_2466 = arith.constant 0 : i32
      %dma_wait3A_2467 = arith.constant 0 : i32
      %dma_wait3A_2468 = tpu.memref_slice %arg9[%dma_wait3A_2464, %dma_wait3A_2465, %dma_wait3A_2466, %dma_wait3A_2467] : memref<2x16x8x64xf32, #tpu.memory_space<vmem>> -> memref<1x1x8x64xf32, #tpu.memory_space<vmem>>
      %dma_wait3A_2469 = tpu.memref_squeeze %dma_wait3A_2468 : memref<1x1x8x64xf32, #tpu.memory_space<vmem>> -> memref<8x64xf32, #tpu.memory_space<vmem>>
      %dma_wait3A_2470 = arith.constant 0 : i32
      %dma_wait3A_2471 = arith.constant 0 : i32
      %dma_wait3A_2472 = tpu.memref_slice %arg3[%dma_wait3A_2470, %dma_wait3A_2471] : memref<1000000x64xf32, #tpu.memory_space<hbm>> -> memref<8x64xf32, #tpu.memory_space<hbm>>
      %dma_wait3A_2473 = arith.constant 0 : i32
      %dma_wait3A_2474 = arith.constant 0 : i32
      %dma_wait3A_2475 = tpu.memref_slice %arg9[%dma_wait3A_2464, %dma_wait3A_2465, %dma_wait3A_2473, %dma_wait3A_2474] : memref<2x16x8x64xf32, #tpu.memory_space<vmem>> -> memref<1x1x8x64xf32, #tpu.memory_space<vmem>>
      %dma_wait3A_2476 = tpu.memref_squeeze %dma_wait3A_2475 : memref<1x1x8x64xf32, #tpu.memory_space<vmem>> -> memref<8x64xf32, #tpu.memory_space<vmem>>
      %dma_wait3A_2477 = arith.constant 0 : i32
      %dma_wait3A_2478 = arith.constant 0 : i32
      %dma_wait3A_2479 = tpu.memref_slice %arg3[%dma_wait3A_2477, %dma_wait3A_2478] : memref<1000000x64xf32, #tpu.memory_space<hbm>> -> memref<8x64xf32, #tpu.memory_space<hbm>>
      tpu.wait_dma2 semaphore(%arg11 : memref<!tpu.dma_semaphore, #tpu.memory_space<semaphore_mem>>) src(%dma_wait3A_2479 : memref<8x64xf32, #tpu.memory_space<hbm>>) dst(%dma_wait3A_2476 : memref<8x64xf32, #tpu.memory_space<vmem>>)
      %dma_wait3A_2480 = arith.constant 0 : i32
      %dma_wait3A_2481 = arith.constant 12 : i32
      %dma_wait3A_2482 = arith.constant 0 : i32
      %dma_wait3A_2483 = arith.constant 0 : i32
      %dma_wait3A_2484 = tpu.memref_slice %arg9[%dma_wait3A_2480, %dma_wait3A_2481, %dma_wait3A_2482, %dma_wait3A_2483] : memref<2x16x8x64xf32, #tpu.memory_space<vmem>> -> memref<1x1x8x64xf32, #tpu.memory_space<vmem>>
      %dma_wait3A_2485 = tpu.memref_squeeze %dma_wait3A_2484 : memref<1x1x8x64xf32, #tpu.memory_space<vmem>> -> memref<8x64xf32, #tpu.memory_space<vmem>>
      %dma_wait3A_2486 = arith.constant 0 : i32
      %dma_wait3A_2487 = arith.constant 0 : i32
      %dma_wait3A_2488 = tpu.memref_slice %arg3[%dma_wait3A_2486, %dma_wait3A_2487] : memref<1000000x64xf32, #tpu.memory_space<hbm>> -> memref<8x64xf32, #tpu.memory_space<hbm>>
      %dma_wait3A_2489 = arith.constant 0 : i32
      %dma_wait3A_2490 = arith.constant 0 : i32
      %dma_wait3A_2491 = tpu.memref_slice %arg9[%dma_wait3A_2480, %dma_wait3A_2481, %dma_wait3A_2489, %dma_wait3A_2490] : memref<2x16x8x64xf32, #tpu.memory_space<vmem>> -> memref<1x1x8x64xf32, #tpu.memory_space<vmem>>
      %dma_wait3A_2492 = tpu.memref_squeeze %dma_wait3A_2491 : memref<1x1x8x64xf32, #tpu.memory_space<vmem>> -> memref<8x64xf32, #tpu.memory_space<vmem>>
      %dma_wait3A_2493 = arith.constant 0 : i32
      %dma_wait3A_2494 = arith.constant 0 : i32
      %dma_wait3A_2495 = tpu.memref_slice %arg3[%dma_wait3A_2493, %dma_wait3A_2494] : memref<1000000x64xf32, #tpu.memory_space<hbm>> -> memref<8x64xf32, #tpu.memory_space<hbm>>
      tpu.wait_dma2 semaphore(%arg11 : memref<!tpu.dma_semaphore, #tpu.memory_space<semaphore_mem>>) src(%dma_wait3A_2495 : memref<8x64xf32, #tpu.memory_space<hbm>>) dst(%dma_wait3A_2492 : memref<8x64xf32, #tpu.memory_space<vmem>>)
      %dma_wait3A_2496 = arith.constant 0 : i32
      %dma_wait3A_2497 = arith.constant 13 : i32
      %dma_wait3A_2498 = arith.constant 0 : i32
      %dma_wait3A_2499 = arith.constant 0 : i32
      %dma_wait3A_2500 = tpu.memref_slice %arg9[%dma_wait3A_2496, %dma_wait3A_2497, %dma_wait3A_2498, %dma_wait3A_2499] : memref<2x16x8x64xf32, #tpu.memory_space<vmem>> -> memref<1x1x8x64xf32, #tpu.memory_space<vmem>>
      %dma_wait3A_2501 = tpu.memref_squeeze %dma_wait3A_2500 : memref<1x1x8x64xf32, #tpu.memory_space<vmem>> -> memref<8x64xf32, #tpu.memory_space<vmem>>
      %dma_wait3A_2502 = arith.constant 0 : i32
      %dma_wait3A_2503 = arith.constant 0 : i32
      %dma_wait3A_2504 = tpu.memref_slice %arg3[%dma_wait3A_2502, %dma_wait3A_2503] : memref<1000000x64xf32, #tpu.memory_space<hbm>> -> memref<8x64xf32, #tpu.memory_space<hbm>>
      %dma_wait3A_2505 = arith.constant 0 : i32
      %dma_wait3A_2506 = arith.constant 0 : i32
      %dma_wait3A_2507 = tpu.memref_slice %arg9[%dma_wait3A_2496, %dma_wait3A_2497, %dma_wait3A_2505, %dma_wait3A_2506] : memref<2x16x8x64xf32, #tpu.memory_space<vmem>> -> memref<1x1x8x64xf32, #tpu.memory_space<vmem>>
      %dma_wait3A_2508 = tpu.memref_squeeze %dma_wait3A_2507 : memref<1x1x8x64xf32, #tpu.memory_space<vmem>> -> memref<8x64xf32, #tpu.memory_space<vmem>>
      %dma_wait3A_2509 = arith.constant 0 : i32
      %dma_wait3A_2510 = arith.constant 0 : i32
      %dma_wait3A_2511 = tpu.memref_slice %arg3[%dma_wait3A_2509, %dma_wait3A_2510] : memref<1000000x64xf32, #tpu.memory_space<hbm>> -> memref<8x64xf32, #tpu.memory_space<hbm>>
      tpu.wait_dma2 semaphore(%arg11 : memref<!tpu.dma_semaphore, #tpu.memory_space<semaphore_mem>>) src(%dma_wait3A_2511 : memref<8x64xf32, #tpu.memory_space<hbm>>) dst(%dma_wait3A_2508 : memref<8x64xf32, #tpu.memory_space<vmem>>)
      %dma_wait3A_2512 = arith.constant 0 : i32
      %dma_wait3A_2513 = arith.constant 14 : i32
      %dma_wait3A_2514 = arith.constant 0 : i32
      %dma_wait3A_2515 = arith.constant 0 : i32
      %dma_wait3A_2516 = tpu.memref_slice %arg9[%dma_wait3A_2512, %dma_wait3A_2513, %dma_wait3A_2514, %dma_wait3A_2515] : memref<2x16x8x64xf32, #tpu.memory_space<vmem>> -> memref<1x1x8x64xf32, #tpu.memory_space<vmem>>
      %dma_wait3A_2517 = tpu.memref_squeeze %dma_wait3A_2516 : memref<1x1x8x64xf32, #tpu.memory_space<vmem>> -> memref<8x64xf32, #tpu.memory_space<vmem>>
      %dma_wait3A_2518 = arith.constant 0 : i32
      %dma_wait3A_2519 = arith.constant 0 : i32
      %dma_wait3A_2520 = tpu.memref_slice %arg3[%dma_wait3A_2518, %dma_wait3A_2519] : memref<1000000x64xf32, #tpu.memory_space<hbm>> -> memref<8x64xf32, #tpu.memory_space<hbm>>
      %dma_wait3A_2521 = arith.constant 0 : i32
      %dma_wait3A_2522 = arith.constant 0 : i32
      %dma_wait3A_2523 = tpu.memref_slice %arg9[%dma_wait3A_2512, %dma_wait3A_2513, %dma_wait3A_2521, %dma_wait3A_2522] : memref<2x16x8x64xf32, #tpu.memory_space<vmem>> -> memref<1x1x8x64xf32, #tpu.memory_space<vmem>>
      %dma_wait3A_2524 = tpu.memref_squeeze %dma_wait3A_2523 : memref<1x1x8x64xf32, #tpu.memory_space<vmem>> -> memref<8x64xf32, #tpu.memory_space<vmem>>
      %dma_wait3A_2525 = arith.constant 0 : i32
      %dma_wait3A_2526 = arith.constant 0 : i32
      %dma_wait3A_2527 = tpu.memref_slice %arg3[%dma_wait3A_2525, %dma_wait3A_2526] : memref<1000000x64xf32, #tpu.memory_space<hbm>> -> memref<8x64xf32, #tpu.memory_space<hbm>>
      tpu.wait_dma2 semaphore(%arg11 : memref<!tpu.dma_semaphore, #tpu.memory_space<semaphore_mem>>) src(%dma_wait3A_2527 : memref<8x64xf32, #tpu.memory_space<hbm>>) dst(%dma_wait3A_2524 : memref<8x64xf32, #tpu.memory_space<vmem>>)
      %dma_wait3A_2528 = arith.constant 0 : i32
      %dma_wait3A_2529 = arith.constant 15 : i32
      %dma_wait3A_2530 = arith.constant 0 : i32
      %dma_wait3A_2531 = arith.constant 0 : i32
      %dma_wait3A_2532 = tpu.memref_slice %arg9[%dma_wait3A_2528, %dma_wait3A_2529, %dma_wait3A_2530, %dma_wait3A_2531] : memref<2x16x8x64xf32, #tpu.memory_space<vmem>> -> memref<1x1x8x64xf32, #tpu.memory_space<vmem>>
      %dma_wait3A_2533 = tpu.memref_squeeze %dma_wait3A_2532 : memref<1x1x8x64xf32, #tpu.memory_space<vmem>> -> memref<8x64xf32, #tpu.memory_space<vmem>>
      %dma_wait3A_2534 = arith.constant 0 : i32
      %dma_wait3A_2535 = arith.constant 0 : i32
      %dma_wait3A_2536 = tpu.memref_slice %arg3[%dma_wait3A_2534, %dma_wait3A_2535] : memref<1000000x64xf32, #tpu.memory_space<hbm>> -> memref<8x64xf32, #tpu.memory_space<hbm>>
      %dma_wait3A_2537 = arith.constant 0 : i32
      %dma_wait3A_2538 = arith.constant 0 : i32
      %dma_wait3A_2539 = tpu.memref_slice %arg9[%dma_wait3A_2528, %dma_wait3A_2529, %dma_wait3A_2537, %dma_wait3A_2538] : memref<2x16x8x64xf32, #tpu.memory_space<vmem>> -> memref<1x1x8x64xf32, #tpu.memory_space<vmem>>
      %dma_wait3A_2540 = tpu.memref_squeeze %dma_wait3A_2539 : memref<1x1x8x64xf32, #tpu.memory_space<vmem>> -> memref<8x64xf32, #tpu.memory_space<vmem>>
      %dma_wait3A_2541 = arith.constant 0 : i32
      %dma_wait3A_2542 = arith.constant 0 : i32
      %dma_wait3A_2543 = tpu.memref_slice %arg3[%dma_wait3A_2541, %dma_wait3A_2542] : memref<1000000x64xf32, #tpu.memory_space<hbm>> -> memref<8x64xf32, #tpu.memory_space<hbm>>
      tpu.wait_dma2 semaphore(%arg11 : memref<!tpu.dma_semaphore, #tpu.memory_space<semaphore_mem>>) src(%dma_wait3A_2543 : memref<8x64xf32, #tpu.memory_space<hbm>>) dst(%dma_wait3A_2540 : memref<8x64xf32, #tpu.memory_space<vmem>>)
      %add3A_2544 = arith.constant 1 : i32
      %add3A_2545 = arith.addi %mul3A_1097, %add3A_2544 : i32
      %mul3A_2546 = arith.constant 16 : i32
      %mul3A_2547 = arith.muli %add3A_2545, %mul3A_2546 : i32
      %get3A_2548 = arith.index_cast %mul3A_2547 : i32 to index
      %get3A_2549 = tpu.vector_load %arg7[%get3A_2548] {strides = array<i32>} : memref<512xi32, #tpu.memory_space<vmem>>, vector<16xi32>,
      %get3A_2550 = vector.shape_cast %get3A_2549 : vector<16xi32> to vector<16xi32>
      %slice3A_2551 = vector.extract_strided_slice %get3A_2550 {offsets = [0], sizes = [1], strides = [1]} : vector<16xi32> to vector<1xi32>
      %squeeze3A_2552 = vector.extract %slice3A_2551[0] : i32 from vector<1xi32>
      %mul3A_2553 = arith.constant 16 : i32
      %mul3A_2554 = arith.muli %add3A_2545, %mul3A_2553 : i32
      %add3A_2555 = arith.constant 0 : i32
      %add3A_2556 = arith.addi %mul3A_2554, %add3A_2555 : i32
      %get3A_2557 = arith.constant 1 : i32
      %get3A_2558 = arith.constant 0 : i32
      %get3A_2559 = arith.index_cast %get3A_2557 : i32 to index
      %get3A_2560 = arith.index_cast %get3A_2558 : i32 to index
      %get3A_2561 = arith.index_cast %squeeze3A_2552 : i32 to index
      %get3A_2562 = arith.constant 0 : index
      %get3A_2563 = tpu.vector_load %arg9[%get3A_2559, %get3A_2560, %get3A_2561, %get3A_2562] {strides = array<i32>} : memref<2x16x8x64xf32, #tpu.memory_space<vmem>>, vector<1x1x1x16xf32>,
      %get3A_2564 = vector.shape_cast %get3A_2563 : vector<1x1x1x16xf32> to vector<16xf32>
      %swap3A_2565 = arith.index_cast %add3A_2556 : i32 to index
      %swap3A_2566 = arith.constant 0 : index
      %swap3A_2567 = tpu.vector_load %arg8[%swap3A_2565, %swap3A_2566] {strides = array<i32>} : memref<512x64xf32, #tpu.memory_space<vmem>>, vector<1x16xf32>,
      %swap3A_2568 = vector.shape_cast %swap3A_2567 : vector<1x16xf32> to vector<16xf32>
      %swap3A_2569 = vector.shape_cast %get3A_2564 : vector<16xf32> to vector<1x16xf32>
      tpu.vector_store %arg8[%swap3A_2565, %swap3A_2566], %swap3A_2569 {strides = array<i32>} : memref<512x64xf32, #tpu.memory_space<vmem>>, vector<1x16xf32>,
      %get3A_2570 = arith.constant 1 : i32
      %get3A_2571 = arith.constant 0 : i32
      %get3A_2572 = arith.index_cast %get3A_2570 : i32 to index
      %get3A_2573 = arith.index_cast %get3A_2571 : i32 to index
      %get3A_2574 = arith.index_cast %squeeze3A_2552 : i32 to index
      %get3A_2575 = arith.constant 16 : index
      %get3A_2576 = tpu.vector_load %arg9[%get3A_2572, %get3A_2573, %get3A_2574, %get3A_2575] {strides = array<i32>} : memref<2x16x8x64xf32, #tpu.memory_space<vmem>>, vector<1x1x1x16xf32>,
      %get3A_2577 = vector.shape_cast %get3A_2576 : vector<1x1x1x16xf32> to vector<16xf32>
      %swap3A_2578 = arith.index_cast %add3A_2556 : i32 to index
      %swap3A_2579 = arith.constant 16 : index
      %swap3A_2580 = tpu.vector_load %arg8[%swap3A_2578, %swap3A_2579] {strides = array<i32>} : memref<512x64xf32, #tpu.memory_space<vmem>>, vector<1x16xf32>,
      %swap3A_2581 = vector.shape_cast %swap3A_2580 : vector<1x16xf32> to vector<16xf32>
      %swap3A_2582 = vector.shape_cast %get3A_2577 : vector<16xf32> to vector<1x16xf32>
      tpu.vector_store %arg8[%swap3A_2578, %swap3A_2579], %swap3A_2582 {strides = array<i32>} : memref<512x64xf32, #tpu.memory_space<vmem>>, vector<1x16xf32>,
      %get3A_2583 = arith.constant 1 : i32
      %get3A_2584 = arith.constant 0 : i32
      %get3A_2585 = arith.index_cast %get3A_2583 : i32 to index
      %get3A_2586 = arith.index_cast %get3A_2584 : i32 to index
      %get3A_2587 = arith.index_cast %squeeze3A_2552 : i32 to index
      %get3A_2588 = arith.constant 32 : index
      %get3A_2589 = tpu.vector_load %arg9[%get3A_2585, %get3A_2586, %get3A_2587, %get3A_2588] {strides = array<i32>} : memref<2x16x8x64xf32, #tpu.memory_space<vmem>>, vector<1x1x1x16xf32>,
      %get3A_2590 = vector.shape_cast %get3A_2589 : vector<1x1x1x16xf32> to vector<16xf32>
      %swap3A_2591 = arith.index_cast %add3A_2556 : i32 to index
      %swap3A_2592 = arith.constant 32 : index
      %swap3A_2593 = tpu.vector_load %arg8[%swap3A_2591, %swap3A_2592] {strides = array<i32>} : memref<512x64xf32, #tpu.memory_space<vmem>>, vector<1x16xf32>,
      %swap3A_2594 = vector.shape_cast %swap3A_2593 : vector<1x16xf32> to vector<16xf32>
      %swap3A_2595 = vector.shape_cast %get3A_2590 : vector<16xf32> to vector<1x16xf32>
      tpu.vector_store %arg8[%swap3A_2591, %swap3A_2592], %swap3A_2595 {strides = array<i32>} : memref<512x64xf32, #tpu.memory_space<vmem>>, vector<1x16xf32>,
      %get3A_2596 = arith.constant 1 : i32
      %get3A_2597 = arith.constant 0 : i32
      %get3A_2598 = arith.index_cast %get3A_2596 : i32 to index
      %get3A_2599 = arith.index_cast %get3A_2597 : i32 to index
      %get3A_2600 = arith.index_cast %squeeze3A_2552 : i32 to index
      %get3A_2601 = arith.constant 48 : index
      %get3A_2602 = tpu.vector_load %arg9[%get3A_2598, %get3A_2599, %get3A_2600, %get3A_2601] {strides = array<i32>} : memref<2x16x8x64xf32, #tpu.memory_space<vmem>>, vector<1x1x1x16xf32>,
      %get3A_2603 = vector.shape_cast %get3A_2602 : vector<1x1x1x16xf32> to vector<16xf32>
      %swap3A_2604 = arith.index_cast %add3A_2556 : i32 to index
      %swap3A_2605 = arith.constant 48 : index
      %swap3A_2606 = tpu.vector_load %arg8[%swap3A_2604, %swap3A_2605] {strides = array<i32>} : memref<512x64xf32, #tpu.memory_space<vmem>>, vector<1x16xf32>,
      %swap3A_2607 = vector.shape_cast %swap3A_2606 : vector<1x16xf32> to vector<16xf32>
      %swap3A_2608 = vector.shape_cast %get3A_2603 : vector<16xf32> to vector<1x16xf32>
      tpu.vector_store %arg8[%swap3A_2604, %swap3A_2605], %swap3A_2608 {strides = array<i32>} : memref<512x64xf32, #tpu.memory_space<vmem>>, vector<1x16xf32>,
      %slice3A_2609 = vector.extract_strided_slice %get3A_2550 {offsets = [1], sizes = [1], strides = [1]} : vector<16xi32> to vector<1xi32>
      %squeeze3A_2610 = vector.extract %slice3A_2609[0] : i32 from vector<1xi32>
      %mul3A_2611 = arith.constant 16 : i32
      %mul3A_2612 = arith.muli %add3A_2545, %mul3A_2611 : i32
      %add3A_2613 = arith.constant 1 : i32
      %add3A_2614 = arith.addi %mul3A_2612, %add3A_2613 : i32
      %get3A_2615 = arith.constant 1 : i32
      %get3A_2616 = arith.constant 1 : i32
      %get3A_2617 = arith.index_cast %get3A_2615 : i32 to index
      %get3A_2618 = arith.index_cast %get3A_2616 : i32 to index
      %get3A_2619 = arith.index_cast %squeeze3A_2610 : i32 to index
      %get3A_2620 = arith.constant 0 : index
      %get3A_2621 = tpu.vector_load %arg9[%get3A_2617, %get3A_2618, %get3A_2619, %get3A_2620] {strides = array<i32>} : memref<2x16x8x64xf32, #tpu.memory_space<vmem>>, vector<1x1x1x16xf32>,
      %get3A_2622 = vector.shape_cast %get3A_2621 : vector<1x1x1x16xf32> to vector<16xf32>
      %swap3A_2623 = arith.index_cast %add3A_2614 : i32 to index
      %swap3A_2624 = arith.constant 0 : index
      %swap3A_2625 = tpu.vector_load %arg8[%swap3A_2623, %swap3A_2624] {strides = array<i32>} : memref<512x64xf32, #tpu.memory_space<vmem>>, vector<1x16xf32>,
      %swap3A_2626 = vector.shape_cast %swap3A_2625 : vector<1x16xf32> to vector<16xf32>
      %swap3A_2627 = vector.shape_cast %get3A_2622 : vector<16xf32> to vector<1x16xf32>
      tpu.vector_store %arg8[%swap3A_2623, %swap3A_2624], %swap3A_2627 {strides = array<i32>} : memref<512x64xf32, #tpu.memory_space<vmem>>, vector<1x16xf32>,
      %get3A_2628 = arith.constant 1 : i32
      %get3A_2629 = arith.constant 1 : i32
      %get3A_2630 = arith.index_cast %get3A_2628 : i32 to index
      %get3A_2631 = arith.index_cast %get3A_2629 : i32 to index
      %get3A_2632 = arith.index_cast %squeeze3A_2610 : i32 to index
      %get3A_2633 = arith.constant 16 : index
      %get3A_2634 = tpu.vector_load %arg9[%get3A_2630, %get3A_2631, %get3A_2632, %get3A_2633] {strides = array<i32>} : memref<2x16x8x64xf32, #tpu.memory_space<vmem>>, vector<1x1x1x16xf32>,
      %get3A_2635 = vector.shape_cast %get3A_2634 : vector<1x1x1x16xf32> to vector<16xf32>
      %swap3A_2636 = arith.index_cast %add3A_2614 : i32 to index
      %swap3A_2637 = arith.constant 16 : index
      %swap3A_2638 = tpu.vector_load %arg8[%swap3A_2636, %swap3A_2637] {strides = array<i32>} : memref<512x64xf32, #tpu.memory_space<vmem>>, vector<1x16xf32>,
      %swap3A_2639 = vector.shape_cast %swap3A_2638 : vector<1x16xf32> to vector<16xf32>
      %swap3A_2640 = vector.shape_cast %get3A_2635 : vector<16xf32> to vector<1x16xf32>
      tpu.vector_store %arg8[%swap3A_2636, %swap3A_2637], %swap3A_2640 {strides = array<i32>} : memref<512x64xf32, #tpu.memory_space<vmem>>, vector<1x16xf32>,
      %get3A_2641 = arith.constant 1 : i32
      %get3A_2642 = arith.constant 1 : i32
      %get3A_2643 = arith.index_cast %get3A_2641 : i32 to index
      %get3A_2644 = arith.index_cast %get3A_2642 : i32 to index
      %get3A_2645 = arith.index_cast %squeeze3A_2610 : i32 to index
      %get3A_2646 = arith.constant 32 : index
      %get3A_2647 = tpu.vector_load %arg9[%get3A_2643, %get3A_2644, %get3A_2645, %get3A_2646] {strides = array<i32>} : memref<2x16x8x64xf32, #tpu.memory_space<vmem>>, vector<1x1x1x16xf32>,
      %get3A_2648 = vector.shape_cast %get3A_2647 : vector<1x1x1x16xf32> to vector<16xf32>
      %swap3A_2649 = arith.index_cast %add3A_2614 : i32 to index
      %swap3A_2650 = arith.constant 32 : index
      %swap3A_2651 = tpu.vector_load %arg8[%swap3A_2649, %swap3A_2650] {strides = array<i32>} : memref<512x64xf32, #tpu.memory_space<vmem>>, vector<1x16xf32>,
      %swap3A_2652 = vector.shape_cast %swap3A_2651 : vector<1x16xf32> to vector<16xf32>
      %swap3A_2653 = vector.shape_cast %get3A_2648 : vector<16xf32> to vector<1x16xf32>
      tpu.vector_store %arg8[%swap3A_2649, %swap3A_2650], %swap3A_2653 {strides = array<i32>} : memref<512x64xf32, #tpu.memory_space<vmem>>, vector<1x16xf32>,
      %get3A_2654 = arith.constant 1 : i32
      %get3A_2655 = arith.constant 1 : i32
      %get3A_2656 = arith.index_cast %get3A_2654 : i32 to index
      %get3A_2657 = arith.index_cast %get3A_2655 : i32 to index
      %get3A_2658 = arith.index_cast %squeeze3A_2610 : i32 to index
      %get3A_2659 = arith.constant 48 : index
      %get3A_2660 = tpu.vector_load %arg9[%get3A_2656, %get3A_2657, %get3A_2658, %get3A_2659] {strides = array<i32>} : memref<2x16x8x64xf32, #tpu.memory_space<vmem>>, vector<1x1x1x16xf32>,
      %get3A_2661 = vector.shape_cast %get3A_2660 : vector<1x1x1x16xf32> to vector<16xf32>
      %swap3A_2662 = arith.index_cast %add3A_2614 : i32 to index
      %swap3A_2663 = arith.constant 48 : index
      %swap3A_2664 = tpu.vector_load %arg8[%swap3A_2662, %swap3A_2663] {strides = array<i32>} : memref<512x64xf32, #tpu.memory_space<vmem>>, vector<1x16xf32>,
      %swap3A_2665 = vector.shape_cast %swap3A_2664 : vector<1x16xf32> to vector<16xf32>
      %swap3A_2666 = vector.shape_cast %get3A_2661 : vector<16xf32> to vector<1x16xf32>
      tpu.vector_store %arg8[%swap3A_2662, %swap3A_2663], %swap3A_2666 {strides = array<i32>} : memref<512x64xf32, #tpu.memory_space<vmem>>, vector<1x16xf32>,
      %slice3A_2667 = vector.extract_strided_slice %get3A_2550 {offsets = [2], sizes = [1], strides = [1]} : vector<16xi32> to vector<1xi32>
      %squeeze3A_2668 = vector.extract %slice3A_2667[0] : i32 from vector<1xi32>
      %mul3A_2669 = arith.constant 16 : i32
      %mul3A_2670 = arith.muli %add3A_2545, %mul3A_2669 : i32
      %add3A_2671 = arith.constant 2 : i32
      %add3A_2672 = arith.addi %mul3A_2670, %add3A_2671 : i32
      %get3A_2673 = arith.constant 1 : i32
      %get3A_2674 = arith.constant 2 : i32
      %get3A_2675 = arith.index_cast %get3A_2673 : i32 to index
      %get3A_2676 = arith.index_cast %get3A_2674 : i32 to index
      %get3A_2677 = arith.index_cast %squeeze3A_2668 : i32 to index
      %get3A_2678 = arith.constant 0 : index
      %get3A_2679 = tpu.vector_load %arg9[%get3A_2675, %get3A_2676, %get3A_2677, %get3A_2678] {strides = array<i32>} : memref<2x16x8x64xf32, #tpu.memory_space<vmem>>, vector<1x1x1x16xf32>,
      %get3A_2680 = vector.shape_cast %get3A_2679 : vector<1x1x1x16xf32> to vector<16xf32>
      %swap3A_2681 = arith.index_cast %add3A_2672 : i32 to index
      %swap3A_2682 = arith.constant 0 : index
      %swap3A_2683 = tpu.vector_load %arg8[%swap3A_2681, %swap3A_2682] {strides = array<i32>} : memref<512x64xf32, #tpu.memory_space<vmem>>, vector<1x16xf32>,
      %swap3A_2684 = vector.shape_cast %swap3A_2683 : vector<1x16xf32> to vector<16xf32>
      %swap3A_2685 = vector.shape_cast %get3A_2680 : vector<16xf32> to vector<1x16xf32>
      tpu.vector_store %arg8[%swap3A_2681, %swap3A_2682], %swap3A_2685 {strides = array<i32>} : memref<512x64xf32, #tpu.memory_space<vmem>>, vector<1x16xf32>,
      %get3A_2686 = arith.constant 1 : i32
      %get3A_2687 = arith.constant 2 : i32
      %get3A_2688 = arith.index_cast %get3A_2686 : i32 to index
      %get3A_2689 = arith.index_cast %get3A_2687 : i32 to index
      %get3A_2690 = arith.index_cast %squeeze3A_2668 : i32 to index
      %get3A_2691 = arith.constant 16 : index
      %get3A_2692 = tpu.vector_load %arg9[%get3A_2688, %get3A_2689, %get3A_2690, %get3A_2691] {strides = array<i32>} : memref<2x16x8x64xf32, #tpu.memory_space<vmem>>, vector<1x1x1x16xf32>,
      %get3A_2693 = vector.shape_cast %get3A_2692 : vector<1x1x1x16xf32> to vector<16xf32>
      %swap3A_2694 = arith.index_cast %add3A_2672 : i32 to index
      %swap3A_2695 = arith.constant 16 : index
      %swap3A_2696 = tpu.vector_load %arg8[%swap3A_2694, %swap3A_2695] {strides = array<i32>} : memref<512x64xf32, #tpu.memory_space<vmem>>, vector<1x16xf32>,
      %swap3A_2697 = vector.shape_cast %swap3A_2696 : vector<1x16xf32> to vector<16xf32>
      %swap3A_2698 = vector.shape_cast %get3A_2693 : vector<16xf32> to vector<1x16xf32>
      tpu.vector_store %arg8[%swap3A_2694, %swap3A_2695], %swap3A_2698 {strides = array<i32>} : memref<512x64xf32, #tpu.memory_space<vmem>>, vector<1x16xf32>,
      %get3A_2699 = arith.constant 1 : i32
      %get3A_2700 = arith.constant 2 : i32
      %get3A_2701 = arith.index_cast %get3A_2699 : i32 to index
      %get3A_2702 = arith.index_cast %get3A_2700 : i32 to index
      %get3A_2703 = arith.index_cast %squeeze3A_2668 : i32 to index
      %get3A_2704 = arith.constant 32 : index
      %get3A_2705 = tpu.vector_load %arg9[%get3A_2701, %get3A_2702, %get3A_2703, %get3A_2704] {strides = array<i32>} : memref<2x16x8x64xf32, #tpu.memory_space<vmem>>, vector<1x1x1x16xf32>,
      %get3A_2706 = vector.shape_cast %get3A_2705 : vector<1x1x1x16xf32> to vector<16xf32>
      %swap3A_2707 = arith.index_cast %add3A_2672 : i32 to index
      %swap3A_2708 = arith.constant 32 : index
      %swap3A_2709 = tpu.vector_load %arg8[%swap3A_2707, %swap3A_2708] {strides = array<i32>} : memref<512x64xf32, #tpu.memory_space<vmem>>, vector<1x16xf32>,
      %swap3A_2710 = vector.shape_cast %swap3A_2709 : vector<1x16xf32> to vector<16xf32>
      %swap3A_2711 = vector.shape_cast %get3A_2706 : vector<16xf32> to vector<1x16xf32>
      tpu.vector_store %arg8[%swap3A_2707, %swap3A_2708], %swap3A_2711 {strides = array<i32>} : memref<512x64xf32, #tpu.memory_space<vmem>>, vector<1x16xf32>,
      %get3A_2712 = arith.constant 1 : i32
      %get3A_2713 = arith.constant 2 : i32
      %get3A_2714 = arith.index_cast %get3A_2712 : i32 to index
      %get3A_2715 = arith.index_cast %get3A_2713 : i32 to index
      %get3A_2716 = arith.index_cast %squeeze3A_2668 : i32 to index
      %get3A_2717 = arith.constant 48 : index
      %get3A_2718 = tpu.vector_load %arg9[%get3A_2714, %get3A_2715, %get3A_2716, %get3A_2717] {strides = array<i32>} : memref<2x16x8x64xf32, #tpu.memory_space<vmem>>, vector<1x1x1x16xf32>,
      %get3A_2719 = vector.shape_cast %get3A_2718 : vector<1x1x1x16xf32> to vector<16xf32>
      %swap3A_2720 = arith.index_cast %add3A_2672 : i32 to index
      %swap3A_2721 = arith.constant 48 : index
      %swap3A_2722 = tpu.vector_load %arg8[%swap3A_2720, %swap3A_2721] {strides = array<i32>} : memref<512x64xf32, #tpu.memory_space<vmem>>, vector<1x16xf32>,
      %swap3A_2723 = vector.shape_cast %swap3A_2722 : vector<1x16xf32> to vector<16xf32>
      %swap3A_2724 = vector.shape_cast %get3A_2719 : vector<16xf32> to vector<1x16xf32>
      tpu.vector_store %arg8[%swap3A_2720, %swap3A_2721], %swap3A_2724 {strides = array<i32>} : memref<512x64xf32, #tpu.memory_space<vmem>>, vector<1x16xf32>,
      %slice3A_2725 = vector.extract_strided_slice %get3A_2550 {offsets = [3], sizes = [1], strides = [1]} : vector<16xi32> to vector<1xi32>
      %squeeze3A_2726 = vector.extract %slice3A_2725[0] : i32 from vector<1xi32>
      %mul3A_2727 = arith.constant 16 : i32
      %mul3A_2728 = arith.muli %add3A_2545, %mul3A_2727 : i32
      %add3A_2729 = arith.constant 3 : i32
      %add3A_2730 = arith.addi %mul3A_2728, %add3A_2729 : i32
      %get3A_2731 = arith.constant 1 : i32
      %get3A_2732 = arith.constant 3 : i32
      %get3A_2733 = arith.index_cast %get3A_2731 : i32 to index
      %get3A_2734 = arith.index_cast %get3A_2732 : i32 to index
      %get3A_2735 = arith.index_cast %squeeze3A_2726 : i32 to index
      %get3A_2736 = arith.constant 0 : index
      %get3A_2737 = tpu.vector_load %arg9[%get3A_2733, %get3A_2734, %get3A_2735, %get3A_2736] {strides = array<i32>} : memref<2x16x8x64xf32, #tpu.memory_space<vmem>>, vector<1x1x1x16xf32>,
      %get3A_2738 = vector.shape_cast %get3A_2737 : vector<1x1x1x16xf32> to vector<16xf32>
      %swap3A_2739 = arith.index_cast %add3A_2730 : i32 to index
      %swap3A_2740 = arith.constant 0 : index
      %swap3A_2741 = tpu.vector_load %arg8[%swap3A_2739, %swap3A_2740] {strides = array<i32>} : memref<512x64xf32, #tpu.memory_space<vmem>>, vector<1x16xf32>,
      %swap3A_2742 = vector.shape_cast %swap3A_2741 : vector<1x16xf32> to vector<16xf32>
      %swap3A_2743 = vector.shape_cast %get3A_2738 : vector<16xf32> to vector<1x16xf32>
      tpu.vector_store %arg8[%swap3A_2739, %swap3A_2740], %swap3A_2743 {strides = array<i32>} : memref<512x64xf32, #tpu.memory_space<vmem>>, vector<1x16xf32>,
      %get3A_2744 = arith.constant 1 : i32
      %get3A_2745 = arith.constant 3 : i32
      %get3A_2746 = arith.index_cast %get3A_2744 : i32 to index
      %get3A_2747 = arith.index_cast %get3A_2745 : i32 to index
      %get3A_2748 = arith.index_cast %squeeze3A_2726 : i32 to index
      %get3A_2749 = arith.constant 16 : index
      %get3A_2750 = tpu.vector_load %arg9[%get3A_2746, %get3A_2747, %get3A_2748, %get3A_2749] {strides = array<i32>} : memref<2x16x8x64xf32, #tpu.memory_space<vmem>>, vector<1x1x1x16xf32>,
      %get3A_2751 = vector.shape_cast %get3A_2750 : vector<1x1x1x16xf32> to vector<16xf32>
      %swap3A_2752 = arith.index_cast %add3A_2730 : i32 to index
      %swap3A_2753 = arith.constant 16 : index
      %swap3A_2754 = tpu.vector_load %arg8[%swap3A_2752, %swap3A_2753] {strides = array<i32>} : memref<512x64xf32, #tpu.memory_space<vmem>>, vector<1x16xf32>,
      %swap3A_2755 = vector.shape_cast %swap3A_2754 : vector<1x16xf32> to vector<16xf32>
      %swap3A_2756 = vector.shape_cast %get3A_2751 : vector<16xf32> to vector<1x16xf32>
      tpu.vector_store %arg8[%swap3A_2752, %swap3A_2753], %swap3A_2756 {strides = array<i32>} : memref<512x64xf32, #tpu.memory_space<vmem>>, vector<1x16xf32>,
      %get3A_2757 = arith.constant 1 : i32
      %get3A_2758 = arith.constant 3 : i32
      %get3A_2759 = arith.index_cast %get3A_2757 : i32 to index
      %get3A_2760 = arith.index_cast %get3A_2758 : i32 to index
      %get3A_2761 = arith.index_cast %squeeze3A_2726 : i32 to index
      %get3A_2762 = arith.constant 32 : index
      %get3A_2763 = tpu.vector_load %arg9[%get3A_2759, %get3A_2760, %get3A_2761, %get3A_2762] {strides = array<i32>} : memref<2x16x8x64xf32, #tpu.memory_space<vmem>>, vector<1x1x1x16xf32>,
      %get3A_2764 = vector.shape_cast %get3A_2763 : vector<1x1x1x16xf32> to vector<16xf32>
      %swap3A_2765 = arith.index_cast %add3A_2730 : i32 to index
      %swap3A_2766 = arith.constant 32 : index
      %swap3A_2767 = tpu.vector_load %arg8[%swap3A_2765, %swap3A_2766] {strides = array<i32>} : memref<512x64xf32, #tpu.memory_space<vmem>>, vector<1x16xf32>,
      %swap3A_2768 = vector.shape_cast %swap3A_2767 : vector<1x16xf32> to vector<16xf32>
      %swap3A_2769 = vector.shape_cast %get3A_2764 : vector<16xf32> to vector<1x16xf32>
      tpu.vector_store %arg8[%swap3A_2765, %swap3A_2766], %swap3A_2769 {strides = array<i32>} : memref<512x64xf32, #tpu.memory_space<vmem>>, vector<1x16xf32>,
      %get3A_2770 = arith.constant 1 : i32
      %get3A_2771 = arith.constant 3 : i32
      %get3A_2772 = arith.index_cast %get3A_2770 : i32 to index
      %get3A_2773 = arith.index_cast %get3A_2771 : i32 to index
      %get3A_2774 = arith.index_cast %squeeze3A_2726 : i32 to index
      %get3A_2775 = arith.constant 48 : index
      %get3A_2776 = tpu.vector_load %arg9[%get3A_2772, %get3A_2773, %get3A_2774, %get3A_2775] {strides = array<i32>} : memref<2x16x8x64xf32, #tpu.memory_space<vmem>>, vector<1x1x1x16xf32>,
      %get3A_2777 = vector.shape_cast %get3A_2776 : vector<1x1x1x16xf32> to vector<16xf32>
      %swap3A_2778 = arith.index_cast %add3A_2730 : i32 to index
      %swap3A_2779 = arith.constant 48 : index
      %swap3A_2780 = tpu.vector_load %arg8[%swap3A_2778, %swap3A_2779] {strides = array<i32>} : memref<512x64xf32, #tpu.memory_space<vmem>>, vector<1x16xf32>,
      %swap3A_2781 = vector.shape_cast %swap3A_2780 : vector<1x16xf32> to vector<16xf32>
      %swap3A_2782 = vector.shape_cast %get3A_2777 : vector<16xf32> to vector<1x16xf32>
      tpu.vector_store %arg8[%swap3A_2778, %swap3A_2779], %swap3A_2782 {strides = array<i32>} : memref<512x64xf32, #tpu.memory_space<vmem>>, vector<1x16xf32>,
      %slice3A_2783 = vector.extract_strided_slice %get3A_2550 {offsets = [4], sizes = [1], strides = [1]} : vector<16xi32> to vector<1xi32>
      %squeeze3A_2784 = vector.extract %slice3A_2783[0] : i32 from vector<1xi32>
      %mul3A_2785 = arith.constant 16 : i32
      %mul3A_2786 = arith.muli %add3A_2545, %mul3A_2785 : i32
      %add3A_2787 = arith.constant 4 : i32
      %add3A_2788 = arith.addi %mul3A_2786, %add3A_2787 : i32
      %get3A_2789 = arith.constant 1 : i32
      %get3A_2790 = arith.constant 4 : i32
      %get3A_2791 = arith.index_cast %get3A_2789 : i32 to index
      %get3A_2792 = arith.index_cast %get3A_2790 : i32 to index
      %get3A_2793 = arith.index_cast %squeeze3A_2784 : i32 to index
      %get3A_2794 = arith.constant 0 : index
      %get3A_2795 = tpu.vector_load %arg9[%get3A_2791, %get3A_2792, %get3A_2793, %get3A_2794] {strides = array<i32>} : memref<2x16x8x64xf32, #tpu.memory_space<vmem>>, vector<1x1x1x16xf32>,
      %get3A_2796 = vector.shape_cast %get3A_2795 : vector<1x1x1x16xf32> to vector<16xf32>
      %swap3A_2797 = arith.index_cast %add3A_2788 : i32 to index
      %swap3A_2798 = arith.constant 0 : index
      %swap3A_2799 = tpu.vector_load %arg8[%swap3A_2797, %swap3A_2798] {strides = array<i32>} : memref<512x64xf32, #tpu.memory_space<vmem>>, vector<1x16xf32>,
      %swap3A_2800 = vector.shape_cast %swap3A_2799 : vector<1x16xf32> to vector<16xf32>
      %swap3A_2801 = vector.shape_cast %get3A_2796 : vector<16xf32> to vector<1x16xf32>
      tpu.vector_store %arg8[%swap3A_2797, %swap3A_2798], %swap3A_2801 {strides = array<i32>} : memref<512x64xf32, #tpu.memory_space<vmem>>, vector<1x16xf32>,
      %get3A_2802 = arith.constant 1 : i32
      %get3A_2803 = arith.constant 4 : i32
      %get3A_2804 = arith.index_cast %get3A_2802 : i32 to index
      %get3A_2805 = arith.index_cast %get3A_2803 : i32 to index
      %get3A_2806 = arith.index_cast %squeeze3A_2784 : i32 to index
      %get3A_2807 = arith.constant 16 : index
      %get3A_2808 = tpu.vector_load %arg9[%get3A_2804, %get3A_2805, %get3A_2806, %get3A_2807] {strides = array<i32>} : memref<2x16x8x64xf32, #tpu.memory_space<vmem>>, vector<1x1x1x16xf32>,
      %get3A_2809 = vector.shape_cast %get3A_2808 : vector<1x1x1x16xf32> to vector<16xf32>
      %swap3A_2810 = arith.index_cast %add3A_2788 : i32 to index
      %swap3A_2811 = arith.constant 16 : index
      %swap3A_2812 = tpu.vector_load %arg8[%swap3A_2810, %swap3A_2811] {strides = array<i32>} : memref<512x64xf32, #tpu.memory_space<vmem>>, vector<1x16xf32>,
      %swap3A_2813 = vector.shape_cast %swap3A_2812 : vector<1x16xf32> to vector<16xf32>
      %swap3A_2814 = vector.shape_cast %get3A_2809 : vector<16xf32> to vector<1x16xf32>
      tpu.vector_store %arg8[%swap3A_2810, %swap3A_2811], %swap3A_2814 {strides = array<i32>} : memref<512x64xf32, #tpu.memory_space<vmem>>, vector<1x16xf32>,
      %get3A_2815 = arith.constant 1 : i32
      %get3A_2816 = arith.constant 4 : i32
      %get3A_2817 = arith.index_cast %get3A_2815 : i32 to index
      %get3A_2818 = arith.index_cast %get3A_2816 : i32 to index
      %get3A_2819 = arith.index_cast %squeeze3A_2784 : i32 to index
      %get3A_2820 = arith.constant 32 : index
      %get3A_2821 = tpu.vector_load %arg9[%get3A_2817, %get3A_2818, %get3A_2819, %get3A_2820] {strides = array<i32>} : memref<2x16x8x64xf32, #tpu.memory_space<vmem>>, vector<1x1x1x16xf32>,
      %get3A_2822 = vector.shape_cast %get3A_2821 : vector<1x1x1x16xf32> to vector<16xf32>
      %swap3A_2823 = arith.index_cast %add3A_2788 : i32 to index
      %swap3A_2824 = arith.constant 32 : index
      %swap3A_2825 = tpu.vector_load %arg8[%swap3A_2823, %swap3A_2824] {strides = array<i32>} : memref<512x64xf32, #tpu.memory_space<vmem>>, vector<1x16xf32>,
      %swap3A_2826 = vector.shape_cast %swap3A_2825 : vector<1x16xf32> to vector<16xf32>
      %swap3A_2827 = vector.shape_cast %get3A_2822 : vector<16xf32> to vector<1x16xf32>
      tpu.vector_store %arg8[%swap3A_2823, %swap3A_2824], %swap3A_2827 {strides = array<i32>} : memref<512x64xf32, #tpu.memory_space<vmem>>, vector<1x16xf32>,
      %get3A_2828 = arith.constant 1 : i32
      %get3A_2829 = arith.constant 4 : i32
      %get3A_2830 = arith.index_cast %get3A_2828 : i32 to index
      %get3A_2831 = arith.index_cast %get3A_2829 : i32 to index
      %get3A_2832 = arith.index_cast %squeeze3A_2784 : i32 to index
      %get3A_2833 = arith.constant 48 : index
      %get3A_2834 = tpu.vector_load %arg9[%get3A_2830, %get3A_2831, %get3A_2832, %get3A_2833] {strides = array<i32>} : memref<2x16x8x64xf32, #tpu.memory_space<vmem>>, vector<1x1x1x16xf32>,
      %get3A_2835 = vector.shape_cast %get3A_2834 : vector<1x1x1x16xf32> to vector<16xf32>
      %swap3A_2836 = arith.index_cast %add3A_2788 : i32 to index
      %swap3A_2837 = arith.constant 48 : index
      %swap3A_2838 = tpu.vector_load %arg8[%swap3A_2836, %swap3A_2837] {strides = array<i32>} : memref<512x64xf32, #tpu.memory_space<vmem>>, vector<1x16xf32>,
      %swap3A_2839 = vector.shape_cast %swap3A_2838 : vector<1x16xf32> to vector<16xf32>
      %swap3A_2840 = vector.shape_cast %get3A_2835 : vector<16xf32> to vector<1x16xf32>
      tpu.vector_store %arg8[%swap3A_2836, %swap3A_2837], %swap3A_2840 {strides = array<i32>} : memref<512x64xf32, #tpu.memory_space<vmem>>, vector<1x16xf32>,
      %slice3A_2841 = vector.extract_strided_slice %get3A_2550 {offsets = [5], sizes = [1], strides = [1]} : vector<16xi32> to vector<1xi32>
      %squeeze3A_2842 = vector.extract %slice3A_2841[0] : i32 from vector<1xi32>
      %mul3A_2843 = arith.constant 16 : i32
      %mul3A_2844 = arith.muli %add3A_2545, %mul3A_2843 : i32
      %add3A_2845 = arith.constant 5 : i32
      %add3A_2846 = arith.addi %mul3A_2844, %add3A_2845 : i32
      %get3A_2847 = arith.constant 1 : i32
      %get3A_2848 = arith.constant 5 : i32
      %get3A_2849 = arith.index_cast %get3A_2847 : i32 to index
      %get3A_2850 = arith.index_cast %get3A_2848 : i32 to index
      %get3A_2851 = arith.index_cast %squeeze3A_2842 : i32 to index
      %get3A_2852 = arith.constant 0 : index
      %get3A_2853 = tpu.vector_load %arg9[%get3A_2849, %get3A_2850, %get3A_2851, %get3A_2852] {strides = array<i32>} : memref<2x16x8x64xf32, #tpu.memory_space<vmem>>, vector<1x1x1x16xf32>,
      %get3A_2854 = vector.shape_cast %get3A_2853 : vector<1x1x1x16xf32> to vector<16xf32>
      %swap3A_2855 = arith.index_cast %add3A_2846 : i32 to index
      %swap3A_2856 = arith.constant 0 : index
      %swap3A_2857 = tpu.vector_load %arg8[%swap3A_2855, %swap3A_2856] {strides = array<i32>} : memref<512x64xf32, #tpu.memory_space<vmem>>, vector<1x16xf32>,
      %swap3A_2858 = vector.shape_cast %swap3A_2857 : vector<1x16xf32> to vector<16xf32>
      %swap3A_2859 = vector.shape_cast %get3A_2854 : vector<16xf32> to vector<1x16xf32>
      tpu.vector_store %arg8[%swap3A_2855, %swap3A_2856], %swap3A_2859 {strides = array<i32>} : memref<512x64xf32, #tpu.memory_space<vmem>>, vector<1x16xf32>,
      %get3A_2860 = arith.constant 1 : i32
      %get3A_2861 = arith.constant 5 : i32
      %get3A_2862 = arith.index_cast %get3A_2860 : i32 to index
      %get3A_2863 = arith.index_cast %get3A_2861 : i32 to index
      %get3A_2864 = arith.index_cast %squeeze3A_2842 : i32 to index
      %get3A_2865 = arith.constant 16 : index
      %get3A_2866 = tpu.vector_load %arg9[%get3A_2862, %get3A_2863, %get3A_2864, %get3A_2865] {strides = array<i32>} : memref<2x16x8x64xf32, #tpu.memory_space<vmem>>, vector<1x1x1x16xf32>,
      %get3A_2867 = vector.shape_cast %get3A_2866 : vector<1x1x1x16xf32> to vector<16xf32>
      %swap3A_2868 = arith.index_cast %add3A_2846 : i32 to index
      %swap3A_2869 = arith.constant 16 : index
      %swap3A_2870 = tpu.vector_load %arg8[%swap3A_2868, %swap3A_2869] {strides = array<i32>} : memref<512x64xf32, #tpu.memory_space<vmem>>, vector<1x16xf32>,
      %swap3A_2871 = vector.shape_cast %swap3A_2870 : vector<1x16xf32> to vector<16xf32>
      %swap3A_2872 = vector.shape_cast %get3A_2867 : vector<16xf32> to vector<1x16xf32>
      tpu.vector_store %arg8[%swap3A_2868, %swap3A_2869], %swap3A_2872 {strides = array<i32>} : memref<512x64xf32, #tpu.memory_space<vmem>>, vector<1x16xf32>,
      %get3A_2873 = arith.constant 1 : i32
      %get3A_2874 = arith.constant 5 : i32
      %get3A_2875 = arith.index_cast %get3A_2873 : i32 to index
      %get3A_2876 = arith.index_cast %get3A_2874 : i32 to index
      %get3A_2877 = arith.index_cast %squeeze3A_2842 : i32 to index
      %get3A_2878 = arith.constant 32 : index
      %get3A_2879 = tpu.vector_load %arg9[%get3A_2875, %get3A_2876, %get3A_2877, %get3A_2878] {strides = array<i32>} : memref<2x16x8x64xf32, #tpu.memory_space<vmem>>, vector<1x1x1x16xf32>,
      %get3A_2880 = vector.shape_cast %get3A_2879 : vector<1x1x1x16xf32> to vector<16xf32>
      %swap3A_2881 = arith.index_cast %add3A_2846 : i32 to index
      %swap3A_2882 = arith.constant 32 : index
      %swap3A_2883 = tpu.vector_load %arg8[%swap3A_2881, %swap3A_2882] {strides = array<i32>} : memref<512x64xf32, #tpu.memory_space<vmem>>, vector<1x16xf32>,
      %swap3A_2884 = vector.shape_cast %swap3A_2883 : vector<1x16xf32> to vector<16xf32>
      %swap3A_2885 = vector.shape_cast %get3A_2880 : vector<16xf32> to vector<1x16xf32>
      tpu.vector_store %arg8[%swap3A_2881, %swap3A_2882], %swap3A_2885 {strides = array<i32>} : memref<512x64xf32, #tpu.memory_space<vmem>>, vector<1x16xf32>,
      %get3A_2886 = arith.constant 1 : i32
      %get3A_2887 = arith.constant 5 : i32
      %get3A_2888 = arith.index_cast %get3A_2886 : i32 to index
      %get3A_2889 = arith.index_cast %get3A_2887 : i32 to index
      %get3A_2890 = arith.index_cast %squeeze3A_2842 : i32 to index
      %get3A_2891 = arith.constant 48 : index
      %get3A_2892 = tpu.vector_load %arg9[%get3A_2888, %get3A_2889, %get3A_2890, %get3A_2891] {strides = array<i32>} : memref<2x16x8x64xf32, #tpu.memory_space<vmem>>, vector<1x1x1x16xf32>,
      %get3A_2893 = vector.shape_cast %get3A_2892 : vector<1x1x1x16xf32> to vector<16xf32>
      %swap3A_2894 = arith.index_cast %add3A_2846 : i32 to index
      %swap3A_2895 = arith.constant 48 : index
      %swap3A_2896 = tpu.vector_load %arg8[%swap3A_2894, %swap3A_2895] {strides = array<i32>} : memref<512x64xf32, #tpu.memory_space<vmem>>, vector<1x16xf32>,
      %swap3A_2897 = vector.shape_cast %swap3A_2896 : vector<1x16xf32> to vector<16xf32>
      %swap3A_2898 = vector.shape_cast %get3A_2893 : vector<16xf32> to vector<1x16xf32>
      tpu.vector_store %arg8[%swap3A_2894, %swap3A_2895], %swap3A_2898 {strides = array<i32>} : memref<512x64xf32, #tpu.memory_space<vmem>>, vector<1x16xf32>,
      %slice3A_2899 = vector.extract_strided_slice %get3A_2550 {offsets = [6], sizes = [1], strides = [1]} : vector<16xi32> to vector<1xi32>
      %squeeze3A_2900 = vector.extract %slice3A_2899[0] : i32 from vector<1xi32>
      %mul3A_2901 = arith.constant 16 : i32
      %mul3A_2902 = arith.muli %add3A_2545, %mul3A_2901 : i32
      %add3A_2903 = arith.constant 6 : i32
      %add3A_2904 = arith.addi %mul3A_2902, %add3A_2903 : i32
      %get3A_2905 = arith.constant 1 : i32
      %get3A_2906 = arith.constant 6 : i32
      %get3A_2907 = arith.index_cast %get3A_2905 : i32 to index
      %get3A_2908 = arith.index_cast %get3A_2906 : i32 to index
      %get3A_2909 = arith.index_cast %squeeze3A_2900 : i32 to index
      %get3A_2910 = arith.constant 0 : index
      %get3A_2911 = tpu.vector_load %arg9[%get3A_2907, %get3A_2908, %get3A_2909, %get3A_2910] {strides = array<i32>} : memref<2x16x8x64xf32, #tpu.memory_space<vmem>>, vector<1x1x1x16xf32>,
      %get3A_2912 = vector.shape_cast %get3A_2911 : vector<1x1x1x16xf32> to vector<16xf32>
      %swap3A_2913 = arith.index_cast %add3A_2904 : i32 to index
      %swap3A_2914 = arith.constant 0 : index
      %swap3A_2915 = tpu.vector_load %arg8[%swap3A_2913, %swap3A_2914] {strides = array<i32>} : memref<512x64xf32, #tpu.memory_space<vmem>>, vector<1x16xf32>,
      %swap3A_2916 = vector.shape_cast %swap3A_2915 : vector<1x16xf32> to vector<16xf32>
      %swap3A_2917 = vector.shape_cast %get3A_2912 : vector<16xf32> to vector<1x16xf32>
      tpu.vector_store %arg8[%swap3A_2913, %swap3A_2914], %swap3A_2917 {strides = array<i32>} : memref<512x64xf32, #tpu.memory_space<vmem>>, vector<1x16xf32>,
      %get3A_2918 = arith.constant 1 : i32
      %get3A_2919 = arith.constant 6 : i32
      %get3A_2920 = arith.index_cast %get3A_2918 : i32 to index
      %get3A_2921 = arith.index_cast %get3A_2919 : i32 to index
      %get3A_2922 = arith.index_cast %squeeze3A_2900 : i32 to index
      %get3A_2923 = arith.constant 16 : index
      %get3A_2924 = tpu.vector_load %arg9[%get3A_2920, %get3A_2921, %get3A_2922, %get3A_2923] {strides = array<i32>} : memref<2x16x8x64xf32, #tpu.memory_space<vmem>>, vector<1x1x1x16xf32>,
      %get3A_2925 = vector.shape_cast %get3A_2924 : vector<1x1x1x16xf32> to vector<16xf32>
      %swap3A_2926 = arith.index_cast %add3A_2904 : i32 to index
      %swap3A_2927 = arith.constant 16 : index
      %swap3A_2928 = tpu.vector_load %arg8[%swap3A_2926, %swap3A_2927] {strides = array<i32>} : memref<512x64xf32, #tpu.memory_space<vmem>>, vector<1x16xf32>,
      %swap3A_2929 = vector.shape_cast %swap3A_2928 : vector<1x16xf32> to vector<16xf32>
      %swap3A_2930 = vector.shape_cast %get3A_2925 : vector<16xf32> to vector<1x16xf32>
      tpu.vector_store %arg8[%swap3A_2926, %swap3A_2927], %swap3A_2930 {strides = array<i32>} : memref<512x64xf32, #tpu.memory_space<vmem>>, vector<1x16xf32>,
      %get3A_2931 = arith.constant 1 : i32
      %get3A_2932 = arith.constant 6 : i32
      %get3A_2933 = arith.index_cast %get3A_2931 : i32 to index
      %get3A_2934 = arith.index_cast %get3A_2932 : i32 to index
      %get3A_2935 = arith.index_cast %squeeze3A_2900 : i32 to index
      %get3A_2936 = arith.constant 32 : index
      %get3A_2937 = tpu.vector_load %arg9[%get3A_2933, %get3A_2934, %get3A_2935, %get3A_2936] {strides = array<i32>} : memref<2x16x8x64xf32, #tpu.memory_space<vmem>>, vector<1x1x1x16xf32>,
      %get3A_2938 = vector.shape_cast %get3A_2937 : vector<1x1x1x16xf32> to vector<16xf32>
      %swap3A_2939 = arith.index_cast %add3A_2904 : i32 to index
      %swap3A_2940 = arith.constant 32 : index
      %swap3A_2941 = tpu.vector_load %arg8[%swap3A_2939, %swap3A_2940] {strides = array<i32>} : memref<512x64xf32, #tpu.memory_space<vmem>>, vector<1x16xf32>,
      %swap3A_2942 = vector.shape_cast %swap3A_2941 : vector<1x16xf32> to vector<16xf32>
      %swap3A_2943 = vector.shape_cast %get3A_2938 : vector<16xf32> to vector<1x16xf32>
      tpu.vector_store %arg8[%swap3A_2939, %swap3A_2940], %swap3A_2943 {strides = array<i32>} : memref<512x64xf32, #tpu.memory_space<vmem>>, vector<1x16xf32>,
      %get3A_2944 = arith.constant 1 : i32
      %get3A_2945 = arith.constant 6 : i32
      %get3A_2946 = arith.index_cast %get3A_2944 : i32 to index
      %get3A_2947 = arith.index_cast %get3A_2945 : i32 to index
      %get3A_2948 = arith.index_cast %squeeze3A_2900 : i32 to index
      %get3A_2949 = arith.constant 48 : index
      %get3A_2950 = tpu.vector_load %arg9[%get3A_2946, %get3A_2947, %get3A_2948, %get3A_2949] {strides = array<i32>} : memref<2x16x8x64xf32, #tpu.memory_space<vmem>>, vector<1x1x1x16xf32>,
      %get3A_2951 = vector.shape_cast %get3A_2950 : vector<1x1x1x16xf32> to vector<16xf32>
      %swap3A_2952 = arith.index_cast %add3A_2904 : i32 to index
      %swap3A_2953 = arith.constant 48 : index
      %swap3A_2954 = tpu.vector_load %arg8[%swap3A_2952, %swap3A_2953] {strides = array<i32>} : memref<512x64xf32, #tpu.memory_space<vmem>>, vector<1x16xf32>,
      %swap3A_2955 = vector.shape_cast %swap3A_2954 : vector<1x16xf32> to vector<16xf32>
      %swap3A_2956 = vector.shape_cast %get3A_2951 : vector<16xf32> to vector<1x16xf32>
      tpu.vector_store %arg8[%swap3A_2952, %swap3A_2953], %swap3A_2956 {strides = array<i32>} : memref<512x64xf32, #tpu.memory_space<vmem>>, vector<1x16xf32>,
      %slice3A_2957 = vector.extract_strided_slice %get3A_2550 {offsets = [7], sizes = [1], strides = [1]} : vector<16xi32> to vector<1xi32>
      %squeeze3A_2958 = vector.extract %slice3A_2957[0] : i32 from vector<1xi32>
      %mul3A_2959 = arith.constant 16 : i32
      %mul3A_2960 = arith.muli %add3A_2545, %mul3A_2959 : i32
      %add3A_2961 = arith.constant 7 : i32
      %add3A_2962 = arith.addi %mul3A_2960, %add3A_2961 : i32
      %get3A_2963 = arith.constant 1 : i32
      %get3A_2964 = arith.constant 7 : i32
      %get3A_2965 = arith.index_cast %get3A_2963 : i32 to index
      %get3A_2966 = arith.index_cast %get3A_2964 : i32 to index
      %get3A_2967 = arith.index_cast %squeeze3A_2958 : i32 to index
      %get3A_2968 = arith.constant 0 : index
      %get3A_2969 = tpu.vector_load %arg9[%get3A_2965, %get3A_2966, %get3A_2967, %get3A_2968] {strides = array<i32>} : memref<2x16x8x64xf32, #tpu.memory_space<vmem>>, vector<1x1x1x16xf32>,
      %get3A_2970 = vector.shape_cast %get3A_2969 : vector<1x1x1x16xf32> to vector<16xf32>
      %swap3A_2971 = arith.index_cast %add3A_2962 : i32 to index
      %swap3A_2972 = arith.constant 0 : index
      %swap3A_2973 = tpu.vector_load %arg8[%swap3A_2971, %swap3A_2972] {strides = array<i32>} : memref<512x64xf32, #tpu.memory_space<vmem>>, vector<1x16xf32>,
      %swap3A_2974 = vector.shape_cast %swap3A_2973 : vector<1x16xf32> to vector<16xf32>
      %swap3A_2975 = vector.shape_cast %get3A_2970 : vector<16xf32> to vector<1x16xf32>
      tpu.vector_store %arg8[%swap3A_2971, %swap3A_2972], %swap3A_2975 {strides = array<i32>} : memref<512x64xf32, #tpu.memory_space<vmem>>, vector<1x16xf32>,
      %get3A_2976 = arith.constant 1 : i32
      %get3A_2977 = arith.constant 7 : i32
      %get3A_2978 = arith.index_cast %get3A_2976 : i32 to index
      %get3A_2979 = arith.index_cast %get3A_2977 : i32 to index
      %get3A_2980 = arith.index_cast %squeeze3A_2958 : i32 to index
      %get3A_2981 = arith.constant 16 : index
      %get3A_2982 = tpu.vector_load %arg9[%get3A_2978, %get3A_2979, %get3A_2980, %get3A_2981] {strides = array<i32>} : memref<2x16x8x64xf32, #tpu.memory_space<vmem>>, vector<1x1x1x16xf32>,
      %get3A_2983 = vector.shape_cast %get3A_2982 : vector<1x1x1x16xf32> to vector<16xf32>
      %swap3A_2984 = arith.index_cast %add3A_2962 : i32 to index
      %swap3A_2985 = arith.constant 16 : index
      %swap3A_2986 = tpu.vector_load %arg8[%swap3A_2984, %swap3A_2985] {strides = array<i32>} : memref<512x64xf32, #tpu.memory_space<vmem>>, vector<1x16xf32>,
      %swap3A_2987 = vector.shape_cast %swap3A_2986 : vector<1x16xf32> to vector<16xf32>
      %swap3A_2988 = vector.shape_cast %get3A_2983 : vector<16xf32> to vector<1x16xf32>
      tpu.vector_store %arg8[%swap3A_2984, %swap3A_2985], %swap3A_2988 {strides = array<i32>} : memref<512x64xf32, #tpu.memory_space<vmem>>, vector<1x16xf32>,
      %get3A_2989 = arith.constant 1 : i32
      %get3A_2990 = arith.constant 7 : i32
      %get3A_2991 = arith.index_cast %get3A_2989 : i32 to index
      %get3A_2992 = arith.index_cast %get3A_2990 : i32 to index
      %get3A_2993 = arith.index_cast %squeeze3A_2958 : i32 to index
      %get3A_2994 = arith.constant 32 : index
      %get3A_2995 = tpu.vector_load %arg9[%get3A_2991, %get3A_2992, %get3A_2993, %get3A_2994] {strides = array<i32>} : memref<2x16x8x64xf32, #tpu.memory_space<vmem>>, vector<1x1x1x16xf32>,
      %get3A_2996 = vector.shape_cast %get3A_2995 : vector<1x1x1x16xf32> to vector<16xf32>
      %swap3A_2997 = arith.index_cast %add3A_2962 : i32 to index
      %swap3A_2998 = arith.constant 32 : index
      %swap3A_2999 = tpu.vector_load %arg8[%swap3A_2997, %swap3A_2998] {strides = array<i32>} : memref<512x64xf32, #tpu.memory_space<vmem>>, vector<1x16xf32>,
      %swap3A_3000 = vector.shape_cast %swap3A_2999 : vector<1x16xf32> to vector<16xf32>
      %swap3A_3001 = vector.shape_cast %get3A_2996 : vector<16xf32> to vector<1x16xf32>
      tpu.vector_store %arg8[%swap3A_2997, %swap3A_2998], %swap3A_3001 {strides = array<i32>} : memref<512x64xf32, #tpu.memory_space<vmem>>, vector<1x16xf32>,
      %get3A_3002 = arith.constant 1 : i32
      %get3A_3003 = arith.constant 7 : i32
      %get3A_3004 = arith.index_cast %get3A_3002 : i32 to index
      %get3A_3005 = arith.index_cast %get3A_3003 : i32 to index
      %get3A_3006 = arith.index_cast %squeeze3A_2958 : i32 to index
      %get3A_3007 = arith.constant 48 : index
      %get3A_3008 = tpu.vector_load %arg9[%get3A_3004, %get3A_3005, %get3A_3006, %get3A_3007] {strides = array<i32>} : memref<2x16x8x64xf32, #tpu.memory_space<vmem>>, vector<1x1x1x16xf32>,
      %get3A_3009 = vector.shape_cast %get3A_3008 : vector<1x1x1x16xf32> to vector<16xf32>
      %swap3A_3010 = arith.index_cast %add3A_2962 : i32 to index
      %swap3A_3011 = arith.constant 48 : index
      %swap3A_3012 = tpu.vector_load %arg8[%swap3A_3010, %swap3A_3011] {strides = array<i32>} : memref<512x64xf32, #tpu.memory_space<vmem>>, vector<1x16xf32>,
      %swap3A_3013 = vector.shape_cast %swap3A_3012 : vector<1x16xf32> to vector<16xf32>
      %swap3A_3014 = vector.shape_cast %get3A_3009 : vector<16xf32> to vector<1x16xf32>
      tpu.vector_store %arg8[%swap3A_3010, %swap3A_3011], %swap3A_3014 {strides = array<i32>} : memref<512x64xf32, #tpu.memory_space<vmem>>, vector<1x16xf32>,
      %slice3A_3015 = vector.extract_strided_slice %get3A_2550 {offsets = [8], sizes = [1], strides = [1]} : vector<16xi32> to vector<1xi32>
      %squeeze3A_3016 = vector.extract %slice3A_3015[0] : i32 from vector<1xi32>
      %mul3A_3017 = arith.constant 16 : i32
      %mul3A_3018 = arith.muli %add3A_2545, %mul3A_3017 : i32
      %add3A_3019 = arith.constant 8 : i32
      %add3A_3020 = arith.addi %mul3A_3018, %add3A_3019 : i32
      %get3A_3021 = arith.constant 1 : i32
      %get3A_3022 = arith.constant 8 : i32
      %get3A_3023 = arith.index_cast %get3A_3021 : i32 to index
      %get3A_3024 = arith.index_cast %get3A_3022 : i32 to index
      %get3A_3025 = arith.index_cast %squeeze3A_3016 : i32 to index
      %get3A_3026 = arith.constant 0 : index
      %get3A_3027 = tpu.vector_load %arg9[%get3A_3023, %get3A_3024, %get3A_3025, %get3A_3026] {strides = array<i32>} : memref<2x16x8x64xf32, #tpu.memory_space<vmem>>, vector<1x1x1x16xf32>,
      %get3A_3028 = vector.shape_cast %get3A_3027 : vector<1x1x1x16xf32> to vector<16xf32>
      %swap3A_3029 = arith.index_cast %add3A_3020 : i32 to index
      %swap3A_3030 = arith.constant 0 : index
      %swap3A_3031 = tpu.vector_load %arg8[%swap3A_3029, %swap3A_3030] {strides = array<i32>} : memref<512x64xf32, #tpu.memory_space<vmem>>, vector<1x16xf32>,
      %swap3A_3032 = vector.shape_cast %swap3A_3031 : vector<1x16xf32> to vector<16xf32>
      %swap3A_3033 = vector.shape_cast %get3A_3028 : vector<16xf32> to vector<1x16xf32>
      tpu.vector_store %arg8[%swap3A_3029, %swap3A_3030], %swap3A_3033 {strides = array<i32>} : memref<512x64xf32, #tpu.memory_space<vmem>>, vector<1x16xf32>,
      %get3A_3034 = arith.constant 1 : i32
      %get3A_3035 = arith.constant 8 : i32
      %get3A_3036 = arith.index_cast %get3A_3034 : i32 to index
      %get3A_3037 = arith.index_cast %get3A_3035 : i32 to index
      %get3A_3038 = arith.index_cast %squeeze3A_3016 : i32 to index
      %get3A_3039 = arith.constant 16 : index
      %get3A_3040 = tpu.vector_load %arg9[%get3A_3036, %get3A_3037, %get3A_3038, %get3A_3039] {strides = array<i32>} : memref<2x16x8x64xf32, #tpu.memory_space<vmem>>, vector<1x1x1x16xf32>,
      %get3A_3041 = vector.shape_cast %get3A_3040 : vector<1x1x1x16xf32> to vector<16xf32>
      %swap3A_3042 = arith.index_cast %add3A_3020 : i32 to index
      %swap3A_3043 = arith.constant 16 : index
      %swap3A_3044 = tpu.vector_load %arg8[%swap3A_3042, %swap3A_3043] {strides = array<i32>} : memref<512x64xf32, #tpu.memory_space<vmem>>, vector<1x16xf32>,
      %swap3A_3045 = vector.shape_cast %swap3A_3044 : vector<1x16xf32> to vector<16xf32>
      %swap3A_3046 = vector.shape_cast %get3A_3041 : vector<16xf32> to vector<1x16xf32>
      tpu.vector_store %arg8[%swap3A_3042, %swap3A_3043], %swap3A_3046 {strides = array<i32>} : memref<512x64xf32, #tpu.memory_space<vmem>>, vector<1x16xf32>,
      %get3A_3047 = arith.constant 1 : i32
      %get3A_3048 = arith.constant 8 : i32
      %get3A_3049 = arith.index_cast %get3A_3047 : i32 to index
      %get3A_3050 = arith.index_cast %get3A_3048 : i32 to index
      %get3A_3051 = arith.index_cast %squeeze3A_3016 : i32 to index
      %get3A_3052 = arith.constant 32 : index
      %get3A_3053 = tpu.vector_load %arg9[%get3A_3049, %get3A_3050, %get3A_3051, %get3A_3052] {strides = array<i32>} : memref<2x16x8x64xf32, #tpu.memory_space<vmem>>, vector<1x1x1x16xf32>,
      %get3A_3054 = vector.shape_cast %get3A_3053 : vector<1x1x1x16xf32> to vector<16xf32>
      %swap3A_3055 = arith.index_cast %add3A_3020 : i32 to index
      %swap3A_3056 = arith.constant 32 : index
      %swap3A_3057 = tpu.vector_load %arg8[%swap3A_3055, %swap3A_3056] {strides = array<i32>} : memref<512x64xf32, #tpu.memory_space<vmem>>, vector<1x16xf32>,
      %swap3A_3058 = vector.shape_cast %swap3A_3057 : vector<1x16xf32> to vector<16xf32>
      %swap3A_3059 = vector.shape_cast %get3A_3054 : vector<16xf32> to vector<1x16xf32>
      tpu.vector_store %arg8[%swap3A_3055, %swap3A_3056], %swap3A_3059 {strides = array<i32>} : memref<512x64xf32, #tpu.memory_space<vmem>>, vector<1x16xf32>,
      %get3A_3060 = arith.constant 1 : i32
      %get3A_3061 = arith.constant 8 : i32
      %get3A_3062 = arith.index_cast %get3A_3060 : i32 to index
      %get3A_3063 = arith.index_cast %get3A_3061 : i32 to index
      %get3A_3064 = arith.index_cast %squeeze3A_3016 : i32 to index
      %get3A_3065 = arith.constant 48 : index
      %get3A_3066 = tpu.vector_load %arg9[%get3A_3062, %get3A_3063, %get3A_3064, %get3A_3065] {strides = array<i32>} : memref<2x16x8x64xf32, #tpu.memory_space<vmem>>, vector<1x1x1x16xf32>,
      %get3A_3067 = vector.shape_cast %get3A_3066 : vector<1x1x1x16xf32> to vector<16xf32>
      %swap3A_3068 = arith.index_cast %add3A_3020 : i32 to index
      %swap3A_3069 = arith.constant 48 : index
      %swap3A_3070 = tpu.vector_load %arg8[%swap3A_3068, %swap3A_3069] {strides = array<i32>} : memref<512x64xf32, #tpu.memory_space<vmem>>, vector<1x16xf32>,
      %swap3A_3071 = vector.shape_cast %swap3A_3070 : vector<1x16xf32> to vector<16xf32>
      %swap3A_3072 = vector.shape_cast %get3A_3067 : vector<16xf32> to vector<1x16xf32>
      tpu.vector_store %arg8[%swap3A_3068, %swap3A_3069], %swap3A_3072 {strides = array<i32>} : memref<512x64xf32, #tpu.memory_space<vmem>>, vector<1x16xf32>,
      %slice3A_3073 = vector.extract_strided_slice %get3A_2550 {offsets = [9], sizes = [1], strides = [1]} : vector<16xi32> to vector<1xi32>
      %squeeze3A_3074 = vector.extract %slice3A_3073[0] : i32 from vector<1xi32>
      %mul3A_3075 = arith.constant 16 : i32
      %mul3A_3076 = arith.muli %add3A_2545, %mul3A_3075 : i32
      %add3A_3077 = arith.constant 9 : i32
      %add3A_3078 = arith.addi %mul3A_3076, %add3A_3077 : i32
      %get3A_3079 = arith.constant 1 : i32
      %get3A_3080 = arith.constant 9 : i32
      %get3A_3081 = arith.index_cast %get3A_3079 : i32 to index
      %get3A_3082 = arith.index_cast %get3A_3080 : i32 to index
      %get3A_3083 = arith.index_cast %squeeze3A_3074 : i32 to index
      %get3A_3084 = arith.constant 0 : index
      %get3A_3085 = tpu.vector_load %arg9[%get3A_3081, %get3A_3082, %get3A_3083, %get3A_3084] {strides = array<i32>} : memref<2x16x8x64xf32, #tpu.memory_space<vmem>>, vector<1x1x1x16xf32>,
      %get3A_3086 = vector.shape_cast %get3A_3085 : vector<1x1x1x16xf32> to vector<16xf32>
      %swap3A_3087 = arith.index_cast %add3A_3078 : i32 to index
      %swap3A_3088 = arith.constant 0 : index
      %swap3A_3089 = tpu.vector_load %arg8[%swap3A_3087, %swap3A_3088] {strides = array<i32>} : memref<512x64xf32, #tpu.memory_space<vmem>>, vector<1x16xf32>,
      %swap3A_3090 = vector.shape_cast %swap3A_3089 : vector<1x16xf32> to vector<16xf32>
      %swap3A_3091 = vector.shape_cast %get3A_3086 : vector<16xf32> to vector<1x16xf32>
      tpu.vector_store %arg8[%swap3A_3087, %swap3A_3088], %swap3A_3091 {strides = array<i32>} : memref<512x64xf32, #tpu.memory_space<vmem>>, vector<1x16xf32>,
      %get3A_3092 = arith.constant 1 : i32
      %get3A_3093 = arith.constant 9 : i32
      %get3A_3094 = arith.index_cast %get3A_3092 : i32 to index
      %get3A_3095 = arith.index_cast %get3A_3093 : i32 to index
      %get3A_3096 = arith.index_cast %squeeze3A_3074 : i32 to index
      %get3A_3097 = arith.constant 16 : index
      %get3A_3098 = tpu.vector_load %arg9[%get3A_3094, %get3A_3095, %get3A_3096, %get3A_3097] {strides = array<i32>} : memref<2x16x8x64xf32, #tpu.memory_space<vmem>>, vector<1x1x1x16xf32>,
      %get3A_3099 = vector.shape_cast %get3A_3098 : vector<1x1x1x16xf32> to vector<16xf32>
      %swap3A_3100 = arith.index_cast %add3A_3078 : i32 to index
      %swap3A_3101 = arith.constant 16 : index
      %swap3A_3102 = tpu.vector_load %arg8[%swap3A_3100, %swap3A_3101] {strides = array<i32>} : memref<512x64xf32, #tpu.memory_space<vmem>>, vector<1x16xf32>,
      %swap3A_3103 = vector.shape_cast %swap3A_3102 : vector<1x16xf32> to vector<16xf32>
      %swap3A_3104 = vector.shape_cast %get3A_3099 : vector<16xf32> to vector<1x16xf32>
      tpu.vector_store %arg8[%swap3A_3100, %swap3A_3101], %swap3A_3104 {strides = array<i32>} : memref<512x64xf32, #tpu.memory_space<vmem>>, vector<1x16xf32>,
      %get3A_3105 = arith.constant 1 : i32
      %get3A_3106 = arith.constant 9 : i32
      %get3A_3107 = arith.index_cast %get3A_3105 : i32 to index
      %get3A_3108 = arith.index_cast %get3A_3106 : i32 to index
      %get3A_3109 = arith.index_cast %squeeze3A_3074 : i32 to index
      %get3A_3110 = arith.constant 32 : index
      %get3A_3111 = tpu.vector_load %arg9[%get3A_3107, %get3A_3108, %get3A_3109, %get3A_3110] {strides = array<i32>} : memref<2x16x8x64xf32, #tpu.memory_space<vmem>>, vector<1x1x1x16xf32>,
      %get3A_3112 = vector.shape_cast %get3A_3111 : vector<1x1x1x16xf32> to vector<16xf32>
      %swap3A_3113 = arith.index_cast %add3A_3078 : i32 to index
      %swap3A_3114 = arith.constant 32 : index
      %swap3A_3115 = tpu.vector_load %arg8[%swap3A_3113, %swap3A_3114] {strides = array<i32>} : memref<512x64xf32, #tpu.memory_space<vmem>>, vector<1x16xf32>,
      %swap3A_3116 = vector.shape_cast %swap3A_3115 : vector<1x16xf32> to vector<16xf32>
      %swap3A_3117 = vector.shape_cast %get3A_3112 : vector<16xf32> to vector<1x16xf32>
      tpu.vector_store %arg8[%swap3A_3113, %swap3A_3114], %swap3A_3117 {strides = array<i32>} : memref<512x64xf32, #tpu.memory_space<vmem>>, vector<1x16xf32>,
      %get3A_3118 = arith.constant 1 : i32
      %get3A_3119 = arith.constant 9 : i32
      %get3A_3120 = arith.index_cast %get3A_3118 : i32 to index
      %get3A_3121 = arith.index_cast %get3A_3119 : i32 to index
      %get3A_3122 = arith.index_cast %squeeze3A_3074 : i32 to index
      %get3A_3123 = arith.constant 48 : index
      %get3A_3124 = tpu.vector_load %arg9[%get3A_3120, %get3A_3121, %get3A_3122, %get3A_3123] {strides = array<i32>} : memref<2x16x8x64xf32, #tpu.memory_space<vmem>>, vector<1x1x1x16xf32>,
      %get3A_3125 = vector.shape_cast %get3A_3124 : vector<1x1x1x16xf32> to vector<16xf32>
      %swap3A_3126 = arith.index_cast %add3A_3078 : i32 to index
      %swap3A_3127 = arith.constant 48 : index
      %swap3A_3128 = tpu.vector_load %arg8[%swap3A_3126, %swap3A_3127] {strides = array<i32>} : memref<512x64xf32, #tpu.memory_space<vmem>>, vector<1x16xf32>,
      %swap3A_3129 = vector.shape_cast %swap3A_3128 : vector<1x16xf32> to vector<16xf32>
      %swap3A_3130 = vector.shape_cast %get3A_3125 : vector<16xf32> to vector<1x16xf32>
      tpu.vector_store %arg8[%swap3A_3126, %swap3A_3127], %swap3A_3130 {strides = array<i32>} : memref<512x64xf32, #tpu.memory_space<vmem>>, vector<1x16xf32>,
      %slice3A_3131 = vector.extract_strided_slice %get3A_2550 {offsets = [10], sizes = [1], strides = [1]} : vector<16xi32> to vector<1xi32>
      %squeeze3A_3132 = vector.extract %slice3A_3131[0] : i32 from vector<1xi32>
      %mul3A_3133 = arith.constant 16 : i32
      %mul3A_3134 = arith.muli %add3A_2545, %mul3A_3133 : i32
      %add3A_3135 = arith.constant 10 : i32
      %add3A_3136 = arith.addi %mul3A_3134, %add3A_3135 : i32
      %get3A_3137 = arith.constant 1 : i32
      %get3A_3138 = arith.constant 10 : i32
      %get3A_3139 = arith.index_cast %get3A_3137 : i32 to index
      %get3A_3140 = arith.index_cast %get3A_3138 : i32 to index
      %get3A_3141 = arith.index_cast %squeeze3A_3132 : i32 to index
      %get3A_3142 = arith.constant 0 : index
      %get3A_3143 = tpu.vector_load %arg9[%get3A_3139, %get3A_3140, %get3A_3141, %get3A_3142] {strides = array<i32>} : memref<2x16x8x64xf32, #tpu.memory_space<vmem>>, vector<1x1x1x16xf32>,
      %get3A_3144 = vector.shape_cast %get3A_3143 : vector<1x1x1x16xf32> to vector<16xf32>
      %swap3A_3145 = arith.index_cast %add3A_3136 : i32 to index
      %swap3A_3146 = arith.constant 0 : index
      %swap3A_3147 = tpu.vector_load %arg8[%swap3A_3145, %swap3A_3146] {strides = array<i32>} : memref<512x64xf32, #tpu.memory_space<vmem>>, vector<1x16xf32>,
      %swap3A_3148 = vector.shape_cast %swap3A_3147 : vector<1x16xf32> to vector<16xf32>
      %swap3A_3149 = vector.shape_cast %get3A_3144 : vector<16xf32> to vector<1x16xf32>
      tpu.vector_store %arg8[%swap3A_3145, %swap3A_3146], %swap3A_3149 {strides = array<i32>} : memref<512x64xf32, #tpu.memory_space<vmem>>, vector<1x16xf32>,
      %get3A_3150 = arith.constant 1 : i32
      %get3A_3151 = arith.constant 10 : i32
      %get3A_3152 = arith.index_cast %get3A_3150 : i32 to index
      %get3A_3153 = arith.index_cast %get3A_3151 : i32 to index
      %get3A_3154 = arith.index_cast %squeeze3A_3132 : i32 to index
      %get3A_3155 = arith.constant 16 : index
      %get3A_3156 = tpu.vector_load %arg9[%get3A_3152, %get3A_3153, %get3A_3154, %get3A_3155] {strides = array<i32>} : memref<2x16x8x64xf32, #tpu.memory_space<vmem>>, vector<1x1x1x16xf32>,
      %get3A_3157 = vector.shape_cast %get3A_3156 : vector<1x1x1x16xf32> to vector<16xf32>
      %swap3A_3158 = arith.index_cast %add3A_3136 : i32 to index
      %swap3A_3159 = arith.constant 16 : index
      %swap3A_3160 = tpu.vector_load %arg8[%swap3A_3158, %swap3A_3159] {strides = array<i32>} : memref<512x64xf32, #tpu.memory_space<vmem>>, vector<1x16xf32>,
      %swap3A_3161 = vector.shape_cast %swap3A_3160 : vector<1x16xf32> to vector<16xf32>
      %swap3A_3162 = vector.shape_cast %get3A_3157 : vector<16xf32> to vector<1x16xf32>
      tpu.vector_store %arg8[%swap3A_3158, %swap3A_3159], %swap3A_3162 {strides = array<i32>} : memref<512x64xf32, #tpu.memory_space<vmem>>, vector<1x16xf32>,
      %get3A_3163 = arith.constant 1 : i32
      %get3A_3164 = arith.constant 10 : i32
      %get3A_3165 = arith.index_cast %get3A_3163 : i32 to index
      %get3A_3166 = arith.index_cast %get3A_3164 : i32 to index
      %get3A_3167 = arith.index_cast %squeeze3A_3132 : i32 to index
      %get3A_3168 = arith.constant 32 : index
      %get3A_3169 = tpu.vector_load %arg9[%get3A_3165, %get3A_3166, %get3A_3167, %get3A_3168] {strides = array<i32>} : memref<2x16x8x64xf32, #tpu.memory_space<vmem>>, vector<1x1x1x16xf32>,
      %get3A_3170 = vector.shape_cast %get3A_3169 : vector<1x1x1x16xf32> to vector<16xf32>
      %swap3A_3171 = arith.index_cast %add3A_3136 : i32 to index
      %swap3A_3172 = arith.constant 32 : index
      %swap3A_3173 = tpu.vector_load %arg8[%swap3A_3171, %swap3A_3172] {strides = array<i32>} : memref<512x64xf32, #tpu.memory_space<vmem>>, vector<1x16xf32>,
      %swap3A_3174 = vector.shape_cast %swap3A_3173 : vector<1x16xf32> to vector<16xf32>
      %swap3A_3175 = vector.shape_cast %get3A_3170 : vector<16xf32> to vector<1x16xf32>
      tpu.vector_store %arg8[%swap3A_3171, %swap3A_3172], %swap3A_3175 {strides = array<i32>} : memref<512x64xf32, #tpu.memory_space<vmem>>, vector<1x16xf32>,
      %get3A_3176 = arith.constant 1 : i32
      %get3A_3177 = arith.constant 10 : i32
      %get3A_3178 = arith.index_cast %get3A_3176 : i32 to index
      %get3A_3179 = arith.index_cast %get3A_3177 : i32 to index
      %get3A_3180 = arith.index_cast %squeeze3A_3132 : i32 to index
      %get3A_3181 = arith.constant 48 : index
      %get3A_3182 = tpu.vector_load %arg9[%get3A_3178, %get3A_3179, %get3A_3180, %get3A_3181] {strides = array<i32>} : memref<2x16x8x64xf32, #tpu.memory_space<vmem>>, vector<1x1x1x16xf32>,
      %get3A_3183 = vector.shape_cast %get3A_3182 : vector<1x1x1x16xf32> to vector<16xf32>
      %swap3A_3184 = arith.index_cast %add3A_3136 : i32 to index
      %swap3A_3185 = arith.constant 48 : index
      %swap3A_3186 = tpu.vector_load %arg8[%swap3A_3184, %swap3A_3185] {strides = array<i32>} : memref<512x64xf32, #tpu.memory_space<vmem>>, vector<1x16xf32>,
      %swap3A_3187 = vector.shape_cast %swap3A_3186 : vector<1x16xf32> to vector<16xf32>
      %swap3A_3188 = vector.shape_cast %get3A_3183 : vector<16xf32> to vector<1x16xf32>
      tpu.vector_store %arg8[%swap3A_3184, %swap3A_3185], %swap3A_3188 {strides = array<i32>} : memref<512x64xf32, #tpu.memory_space<vmem>>, vector<1x16xf32>,
      %slice3A_3189 = vector.extract_strided_slice %get3A_2550 {offsets = [11], sizes = [1], strides = [1]} : vector<16xi32> to vector<1xi32>
      %squeeze3A_3190 = vector.extract %slice3A_3189[0] : i32 from vector<1xi32>
      %mul3A_3191 = arith.constant 16 : i32
      %mul3A_3192 = arith.muli %add3A_2545, %mul3A_3191 : i32
      %add3A_3193 = arith.constant 11 : i32
      %add3A_3194 = arith.addi %mul3A_3192, %add3A_3193 : i32
      %get3A_3195 = arith.constant 1 : i32
      %get3A_3196 = arith.constant 11 : i32
      %get3A_3197 = arith.index_cast %get3A_3195 : i32 to index
      %get3A_3198 = arith.index_cast %get3A_3196 : i32 to index
      %get3A_3199 = arith.index_cast %squeeze3A_3190 : i32 to index
      %get3A_3200 = arith.constant 0 : index
      %get3A_3201 = tpu.vector_load %arg9[%get3A_3197, %get3A_3198, %get3A_3199, %get3A_3200] {strides = array<i32>} : memref<2x16x8x64xf32, #tpu.memory_space<vmem>>, vector<1x1x1x16xf32>,
      %get3A_3202 = vector.shape_cast %get3A_3201 : vector<1x1x1x16xf32> to vector<16xf32>
      %swap3A_3203 = arith.index_cast %add3A_3194 : i32 to index
      %swap3A_3204 = arith.constant 0 : index
      %swap3A_3205 = tpu.vector_load %arg8[%swap3A_3203, %swap3A_3204] {strides = array<i32>} : memref<512x64xf32, #tpu.memory_space<vmem>>, vector<1x16xf32>,
      %swap3A_3206 = vector.shape_cast %swap3A_3205 : vector<1x16xf32> to vector<16xf32>
      %swap3A_3207 = vector.shape_cast %get3A_3202 : vector<16xf32> to vector<1x16xf32>
      tpu.vector_store %arg8[%swap3A_3203, %swap3A_3204], %swap3A_3207 {strides = array<i32>} : memref<512x64xf32, #tpu.memory_space<vmem>>, vector<1x16xf32>,
      %get3A_3208 = arith.constant 1 : i32
      %get3A_3209 = arith.constant 11 : i32
      %get3A_3210 = arith.index_cast %get3A_3208 : i32 to index
      %get3A_3211 = arith.index_cast %get3A_3209 : i32 to index
      %get3A_3212 = arith.index_cast %squeeze3A_3190 : i32 to index
      %get3A_3213 = arith.constant 16 : index
      %get3A_3214 = tpu.vector_load %arg9[%get3A_3210, %get3A_3211, %get3A_3212, %get3A_3213] {strides = array<i32>} : memref<2x16x8x64xf32, #tpu.memory_space<vmem>>, vector<1x1x1x16xf32>,
      %get3A_3215 = vector.shape_cast %get3A_3214 : vector<1x1x1x16xf32> to vector<16xf32>
      %swap3A_3216 = arith.index_cast %add3A_3194 : i32 to index
      %swap3A_3217 = arith.constant 16 : index
      %swap3A_3218 = tpu.vector_load %arg8[%swap3A_3216, %swap3A_3217] {strides = array<i32>} : memref<512x64xf32, #tpu.memory_space<vmem>>, vector<1x16xf32>,
      %swap3A_3219 = vector.shape_cast %swap3A_3218 : vector<1x16xf32> to vector<16xf32>
      %swap3A_3220 = vector.shape_cast %get3A_3215 : vector<16xf32> to vector<1x16xf32>
      tpu.vector_store %arg8[%swap3A_3216, %swap3A_3217], %swap3A_3220 {strides = array<i32>} : memref<512x64xf32, #tpu.memory_space<vmem>>, vector<1x16xf32>,
      %get3A_3221 = arith.constant 1 : i32
      %get3A_3222 = arith.constant 11 : i32
      %get3A_3223 = arith.index_cast %get3A_3221 : i32 to index
      %get3A_3224 = arith.index_cast %get3A_3222 : i32 to index
      %get3A_3225 = arith.index_cast %squeeze3A_3190 : i32 to index
      %get3A_3226 = arith.constant 32 : index
      %get3A_3227 = tpu.vector_load %arg9[%get3A_3223, %get3A_3224, %get3A_3225, %get3A_3226] {strides = array<i32>} : memref<2x16x8x64xf32, #tpu.memory_space<vmem>>, vector<1x1x1x16xf32>,
      %get3A_3228 = vector.shape_cast %get3A_3227 : vector<1x1x1x16xf32> to vector<16xf32>
      %swap3A_3229 = arith.index_cast %add3A_3194 : i32 to index
      %swap3A_3230 = arith.constant 32 : index
      %swap3A_3231 = tpu.vector_load %arg8[%swap3A_3229, %swap3A_3230] {strides = array<i32>} : memref<512x64xf32, #tpu.memory_space<vmem>>, vector<1x16xf32>,
      %swap3A_3232 = vector.shape_cast %swap3A_3231 : vector<1x16xf32> to vector<16xf32>
      %swap3A_3233 = vector.shape_cast %get3A_3228 : vector<16xf32> to vector<1x16xf32>
      tpu.vector_store %arg8[%swap3A_3229, %swap3A_3230], %swap3A_3233 {strides = array<i32>} : memref<512x64xf32, #tpu.memory_space<vmem>>, vector<1x16xf32>,
      %get3A_3234 = arith.constant 1 : i32
      %get3A_3235 = arith.constant 11 : i32
      %get3A_3236 = arith.index_cast %get3A_3234 : i32 to index
      %get3A_3237 = arith.index_cast %get3A_3235 : i32 to index
      %get3A_3238 = arith.index_cast %squeeze3A_3190 : i32 to index
      %get3A_3239 = arith.constant 48 : index
      %get3A_3240 = tpu.vector_load %arg9[%get3A_3236, %get3A_3237, %get3A_3238, %get3A_3239] {strides = array<i32>} : memref<2x16x8x64xf32, #tpu.memory_space<vmem>>, vector<1x1x1x16xf32>,
      %get3A_3241 = vector.shape_cast %get3A_3240 : vector<1x1x1x16xf32> to vector<16xf32>
      %swap3A_3242 = arith.index_cast %add3A_3194 : i32 to index
      %swap3A_3243 = arith.constant 48 : index
      %swap3A_3244 = tpu.vector_load %arg8[%swap3A_3242, %swap3A_3243] {strides = array<i32>} : memref<512x64xf32, #tpu.memory_space<vmem>>, vector<1x16xf32>,
      %swap3A_3245 = vector.shape_cast %swap3A_3244 : vector<1x16xf32> to vector<16xf32>
      %swap3A_3246 = vector.shape_cast %get3A_3241 : vector<16xf32> to vector<1x16xf32>
      tpu.vector_store %arg8[%swap3A_3242, %swap3A_3243], %swap3A_3246 {strides = array<i32>} : memref<512x64xf32, #tpu.memory_space<vmem>>, vector<1x16xf32>,
      %slice3A_3247 = vector.extract_strided_slice %get3A_2550 {offsets = [12], sizes = [1], strides = [1]} : vector<16xi32> to vector<1xi32>
      %squeeze3A_3248 = vector.extract %slice3A_3247[0] : i32 from vector<1xi32>
      %mul3A_3249 = arith.constant 16 : i32
      %mul3A_3250 = arith.muli %add3A_2545, %mul3A_3249 : i32
      %add3A_3251 = arith.constant 12 : i32
      %add3A_3252 = arith.addi %mul3A_3250, %add3A_3251 : i32
      %get3A_3253 = arith.constant 1 : i32
      %get3A_3254 = arith.constant 12 : i32
      %get3A_3255 = arith.index_cast %get3A_3253 : i32 to index
      %get3A_3256 = arith.index_cast %get3A_3254 : i32 to index
      %get3A_3257 = arith.index_cast %squeeze3A_3248 : i32 to index
      %get3A_3258 = arith.constant 0 : index
      %get3A_3259 = tpu.vector_load %arg9[%get3A_3255, %get3A_3256, %get3A_3257, %get3A_3258] {strides = array<i32>} : memref<2x16x8x64xf32, #tpu.memory_space<vmem>>, vector<1x1x1x16xf32>,
      %get3A_3260 = vector.shape_cast %get3A_3259 : vector<1x1x1x16xf32> to vector<16xf32>
      %swap3A_3261 = arith.index_cast %add3A_3252 : i32 to index
      %swap3A_3262 = arith.constant 0 : index
      %swap3A_3263 = tpu.vector_load %arg8[%swap3A_3261, %swap3A_3262] {strides = array<i32>} : memref<512x64xf32, #tpu.memory_space<vmem>>, vector<1x16xf32>,
      %swap3A_3264 = vector.shape_cast %swap3A_3263 : vector<1x16xf32> to vector<16xf32>
      %swap3A_3265 = vector.shape_cast %get3A_3260 : vector<16xf32> to vector<1x16xf32>
      tpu.vector_store %arg8[%swap3A_3261, %swap3A_3262], %swap3A_3265 {strides = array<i32>} : memref<512x64xf32, #tpu.memory_space<vmem>>, vector<1x16xf32>,
      %get3A_3266 = arith.constant 1 : i32
      %get3A_3267 = arith.constant 12 : i32
      %get3A_3268 = arith.index_cast %get3A_3266 : i32 to index
      %get3A_3269 = arith.index_cast %get3A_3267 : i32 to index
      %get3A_3270 = arith.index_cast %squeeze3A_3248 : i32 to index
      %get3A_3271 = arith.constant 16 : index
      %get3A_3272 = tpu.vector_load %arg9[%get3A_3268, %get3A_3269, %get3A_3270, %get3A_3271] {strides = array<i32>} : memref<2x16x8x64xf32, #tpu.memory_space<vmem>>, vector<1x1x1x16xf32>,
      %get3A_3273 = vector.shape_cast %get3A_3272 : vector<1x1x1x16xf32> to vector<16xf32>
      %swap3A_3274 = arith.index_cast %add3A_3252 : i32 to index
      %swap3A_3275 = arith.constant 16 : index
      %swap3A_3276 = tpu.vector_load %arg8[%swap3A_3274, %swap3A_3275] {strides = array<i32>} : memref<512x64xf32, #tpu.memory_space<vmem>>, vector<1x16xf32>,
      %swap3A_3277 = vector.shape_cast %swap3A_3276 : vector<1x16xf32> to vector<16xf32>
      %swap3A_3278 = vector.shape_cast %get3A_3273 : vector<16xf32> to vector<1x16xf32>
      tpu.vector_store %arg8[%swap3A_3274, %swap3A_3275], %swap3A_3278 {strides = array<i32>} : memref<512x64xf32, #tpu.memory_space<vmem>>, vector<1x16xf32>,
      %get3A_3279 = arith.constant 1 : i32
      %get3A_3280 = arith.constant 12 : i32
      %get3A_3281 = arith.index_cast %get3A_3279 : i32 to index
      %get3A_3282 = arith.index_cast %get3A_3280 : i32 to index
      %get3A_3283 = arith.index_cast %squeeze3A_3248 : i32 to index
      %get3A_3284 = arith.constant 32 : index
      %get3A_3285 = tpu.vector_load %arg9[%get3A_3281, %get3A_3282, %get3A_3283, %get3A_3284] {strides = array<i32>} : memref<2x16x8x64xf32, #tpu.memory_space<vmem>>, vector<1x1x1x16xf32>,
      %get3A_3286 = vector.shape_cast %get3A_3285 : vector<1x1x1x16xf32> to vector<16xf32>
      %swap3A_3287 = arith.index_cast %add3A_3252 : i32 to index
      %swap3A_3288 = arith.constant 32 : index
      %swap3A_3289 = tpu.vector_load %arg8[%swap3A_3287, %swap3A_3288] {strides = array<i32>} : memref<512x64xf32, #tpu.memory_space<vmem>>, vector<1x16xf32>,
      %swap3A_3290 = vector.shape_cast %swap3A_3289 : vector<1x16xf32> to vector<16xf32>
      %swap3A_3291 = vector.shape_cast %get3A_3286 : vector<16xf32> to vector<1x16xf32>
      tpu.vector_store %arg8[%swap3A_3287, %swap3A_3288], %swap3A_3291 {strides = array<i32>} : memref<512x64xf32, #tpu.memory_space<vmem>>, vector<1x16xf32>,
      %get3A_3292 = arith.constant 1 : i32
      %get3A_3293 = arith.constant 12 : i32
      %get3A_3294 = arith.index_cast %get3A_3292 : i32 to index
      %get3A_3295 = arith.index_cast %get3A_3293 : i32 to index
      %get3A_3296 = arith.index_cast %squeeze3A_3248 : i32 to index
      %get3A_3297 = arith.constant 48 : index
      %get3A_3298 = tpu.vector_load %arg9[%get3A_3294, %get3A_3295, %get3A_3296, %get3A_3297] {strides = array<i32>} : memref<2x16x8x64xf32, #tpu.memory_space<vmem>>, vector<1x1x1x16xf32>,
      %get3A_3299 = vector.shape_cast %get3A_3298 : vector<1x1x1x16xf32> to vector<16xf32>
      %swap3A_3300 = arith.index_cast %add3A_3252 : i32 to index
      %swap3A_3301 = arith.constant 48 : index
      %swap3A_3302 = tpu.vector_load %arg8[%swap3A_3300, %swap3A_3301] {strides = array<i32>} : memref<512x64xf32, #tpu.memory_space<vmem>>, vector<1x16xf32>,
      %swap3A_3303 = vector.shape_cast %swap3A_3302 : vector<1x16xf32> to vector<16xf32>
      %swap3A_3304 = vector.shape_cast %get3A_3299 : vector<16xf32> to vector<1x16xf32>
      tpu.vector_store %arg8[%swap3A_3300, %swap3A_3301], %swap3A_3304 {strides = array<i32>} : memref<512x64xf32, #tpu.memory_space<vmem>>, vector<1x16xf32>,
      %slice3A_3305 = vector.extract_strided_slice %get3A_2550 {offsets = [13], sizes = [1], strides = [1]} : vector<16xi32> to vector<1xi32>
      %squeeze3A_3306 = vector.extract %slice3A_3305[0] : i32 from vector<1xi32>
      %mul3A_3307 = arith.constant 16 : i32
      %mul3A_3308 = arith.muli %add3A_2545, %mul3A_3307 : i32
      %add3A_3309 = arith.constant 13 : i32
      %add3A_3310 = arith.addi %mul3A_3308, %add3A_3309 : i32
      %get3A_3311 = arith.constant 1 : i32
      %get3A_3312 = arith.constant 13 : i32
      %get3A_3313 = arith.index_cast %get3A_3311 : i32 to index
      %get3A_3314 = arith.index_cast %get3A_3312 : i32 to index
      %get3A_3315 = arith.index_cast %squeeze3A_3306 : i32 to index
      %get3A_3316 = arith.constant 0 : index
      %get3A_3317 = tpu.vector_load %arg9[%get3A_3313, %get3A_3314, %get3A_3315, %get3A_3316] {strides = array<i32>} : memref<2x16x8x64xf32, #tpu.memory_space<vmem>>, vector<1x1x1x16xf32>,
      %get3A_3318 = vector.shape_cast %get3A_3317 : vector<1x1x1x16xf32> to vector<16xf32>
      %swap3A_3319 = arith.index_cast %add3A_3310 : i32 to index
      %swap3A_3320 = arith.constant 0 : index
      %swap3A_3321 = tpu.vector_load %arg8[%swap3A_3319, %swap3A_3320] {strides = array<i32>} : memref<512x64xf32, #tpu.memory_space<vmem>>, vector<1x16xf32>,
      %swap3A_3322 = vector.shape_cast %swap3A_3321 : vector<1x16xf32> to vector<16xf32>
      %swap3A_3323 = vector.shape_cast %get3A_3318 : vector<16xf32> to vector<1x16xf32>
      tpu.vector_store %arg8[%swap3A_3319, %swap3A_3320], %swap3A_3323 {strides = array<i32>} : memref<512x64xf32, #tpu.memory_space<vmem>>, vector<1x16xf32>,
      %get3A_3324 = arith.constant 1 : i32
      %get3A_3325 = arith.constant 13 : i32
      %get3A_3326 = arith.index_cast %get3A_3324 : i32 to index
      %get3A_3327 = arith.index_cast %get3A_3325 : i32 to index
      %get3A_3328 = arith.index_cast %squeeze3A_3306 : i32 to index
      %get3A_3329 = arith.constant 16 : index
      %get3A_3330 = tpu.vector_load %arg9[%get3A_3326, %get3A_3327, %get3A_3328, %get3A_3329] {strides = array<i32>} : memref<2x16x8x64xf32, #tpu.memory_space<vmem>>, vector<1x1x1x16xf32>,
      %get3A_3331 = vector.shape_cast %get3A_3330 : vector<1x1x1x16xf32> to vector<16xf32>
      %swap3A_3332 = arith.index_cast %add3A_3310 : i32 to index
      %swap3A_3333 = arith.constant 16 : index
      %swap3A_3334 = tpu.vector_load %arg8[%swap3A_3332, %swap3A_3333] {strides = array<i32>} : memref<512x64xf32, #tpu.memory_space<vmem>>, vector<1x16xf32>,
      %swap3A_3335 = vector.shape_cast %swap3A_3334 : vector<1x16xf32> to vector<16xf32>
      %swap3A_3336 = vector.shape_cast %get3A_3331 : vector<16xf32> to vector<1x16xf32>
      tpu.vector_store %arg8[%swap3A_3332, %swap3A_3333], %swap3A_3336 {strides = array<i32>} : memref<512x64xf32, #tpu.memory_space<vmem>>, vector<1x16xf32>,
      %get3A_3337 = arith.constant 1 : i32
      %get3A_3338 = arith.constant 13 : i32
      %get3A_3339 = arith.index_cast %get3A_3337 : i32 to index
      %get3A_3340 = arith.index_cast %get3A_3338 : i32 to index
      %get3A_3341 = arith.index_cast %squeeze3A_3306 : i32 to index
      %get3A_3342 = arith.constant 32 : index
      %get3A_3343 = tpu.vector_load %arg9[%get3A_3339, %get3A_3340, %get3A_3341, %get3A_3342] {strides = array<i32>} : memref<2x16x8x64xf32, #tpu.memory_space<vmem>>, vector<1x1x1x16xf32>,
      %get3A_3344 = vector.shape_cast %get3A_3343 : vector<1x1x1x16xf32> to vector<16xf32>
      %swap3A_3345 = arith.index_cast %add3A_3310 : i32 to index
      %swap3A_3346 = arith.constant 32 : index
      %swap3A_3347 = tpu.vector_load %arg8[%swap3A_3345, %swap3A_3346] {strides = array<i32>} : memref<512x64xf32, #tpu.memory_space<vmem>>, vector<1x16xf32>,
      %swap3A_3348 = vector.shape_cast %swap3A_3347 : vector<1x16xf32> to vector<16xf32>
      %swap3A_3349 = vector.shape_cast %get3A_3344 : vector<16xf32> to vector<1x16xf32>
      tpu.vector_store %arg8[%swap3A_3345, %swap3A_3346], %swap3A_3349 {strides = array<i32>} : memref<512x64xf32, #tpu.memory_space<vmem>>, vector<1x16xf32>,
      %get3A_3350 = arith.constant 1 : i32
      %get3A_3351 = arith.constant 13 : i32
      %get3A_3352 = arith.index_cast %get3A_3350 : i32 to index
      %get3A_3353 = arith.index_cast %get3A_3351 : i32 to index
      %get3A_3354 = arith.index_cast %squeeze3A_3306 : i32 to index
      %get3A_3355 = arith.constant 48 : index
      %get3A_3356 = tpu.vector_load %arg9[%get3A_3352, %get3A_3353, %get3A_3354, %get3A_3355] {strides = array<i32>} : memref<2x16x8x64xf32, #tpu.memory_space<vmem>>, vector<1x1x1x16xf32>,
      %get3A_3357 = vector.shape_cast %get3A_3356 : vector<1x1x1x16xf32> to vector<16xf32>
      %swap3A_3358 = arith.index_cast %add3A_3310 : i32 to index
      %swap3A_3359 = arith.constant 48 : index
      %swap3A_3360 = tpu.vector_load %arg8[%swap3A_3358, %swap3A_3359] {strides = array<i32>} : memref<512x64xf32, #tpu.memory_space<vmem>>, vector<1x16xf32>,
      %swap3A_3361 = vector.shape_cast %swap3A_3360 : vector<1x16xf32> to vector<16xf32>
      %swap3A_3362 = vector.shape_cast %get3A_3357 : vector<16xf32> to vector<1x16xf32>
      tpu.vector_store %arg8[%swap3A_3358, %swap3A_3359], %swap3A_3362 {strides = array<i32>} : memref<512x64xf32, #tpu.memory_space<vmem>>, vector<1x16xf32>,
      %slice3A_3363 = vector.extract_strided_slice %get3A_2550 {offsets = [14], sizes = [1], strides = [1]} : vector<16xi32> to vector<1xi32>
      %squeeze3A_3364 = vector.extract %slice3A_3363[0] : i32 from vector<1xi32>
      %mul3A_3365 = arith.constant 16 : i32
      %mul3A_3366 = arith.muli %add3A_2545, %mul3A_3365 : i32
      %add3A_3367 = arith.constant 14 : i32
      %add3A_3368 = arith.addi %mul3A_3366, %add3A_3367 : i32
      %get3A_3369 = arith.constant 1 : i32
      %get3A_3370 = arith.constant 14 : i32
      %get3A_3371 = arith.index_cast %get3A_3369 : i32 to index
      %get3A_3372 = arith.index_cast %get3A_3370 : i32 to index
      %get3A_3373 = arith.index_cast %squeeze3A_3364 : i32 to index
      %get3A_3374 = arith.constant 0 : index
      %get3A_3375 = tpu.vector_load %arg9[%get3A_3371, %get3A_3372, %get3A_3373, %get3A_3374] {strides = array<i32>} : memref<2x16x8x64xf32, #tpu.memory_space<vmem>>, vector<1x1x1x16xf32>,
      %get3A_3376 = vector.shape_cast %get3A_3375 : vector<1x1x1x16xf32> to vector<16xf32>
      %swap3A_3377 = arith.index_cast %add3A_3368 : i32 to index
      %swap3A_3378 = arith.constant 0 : index
      %swap3A_3379 = tpu.vector_load %arg8[%swap3A_3377, %swap3A_3378] {strides = array<i32>} : memref<512x64xf32, #tpu.memory_space<vmem>>, vector<1x16xf32>,
      %swap3A_3380 = vector.shape_cast %swap3A_3379 : vector<1x16xf32> to vector<16xf32>
      %swap3A_3381 = vector.shape_cast %get3A_3376 : vector<16xf32> to vector<1x16xf32>
      tpu.vector_store %arg8[%swap3A_3377, %swap3A_3378], %swap3A_3381 {strides = array<i32>} : memref<512x64xf32, #tpu.memory_space<vmem>>, vector<1x16xf32>,
      %get3A_3382 = arith.constant 1 : i32
      %get3A_3383 = arith.constant 14 : i32
      %get3A_3384 = arith.index_cast %get3A_3382 : i32 to index
      %get3A_3385 = arith.index_cast %get3A_3383 : i32 to index
      %get3A_3386 = arith.index_cast %squeeze3A_3364 : i32 to index
      %get3A_3387 = arith.constant 16 : index
      %get3A_3388 = tpu.vector_load %arg9[%get3A_3384, %get3A_3385, %get3A_3386, %get3A_3387] {strides = array<i32>} : memref<2x16x8x64xf32, #tpu.memory_space<vmem>>, vector<1x1x1x16xf32>,
      %get3A_3389 = vector.shape_cast %get3A_3388 : vector<1x1x1x16xf32> to vector<16xf32>
      %swap3A_3390 = arith.index_cast %add3A_3368 : i32 to index
      %swap3A_3391 = arith.constant 16 : index
      %swap3A_3392 = tpu.vector_load %arg8[%swap3A_3390, %swap3A_3391] {strides = array<i32>} : memref<512x64xf32, #tpu.memory_space<vmem>>, vector<1x16xf32>,
      %swap3A_3393 = vector.shape_cast %swap3A_3392 : vector<1x16xf32> to vector<16xf32>
      %swap3A_3394 = vector.shape_cast %get3A_3389 : vector<16xf32> to vector<1x16xf32>
      tpu.vector_store %arg8[%swap3A_3390, %swap3A_3391], %swap3A_3394 {strides = array<i32>} : memref<512x64xf32, #tpu.memory_space<vmem>>, vector<1x16xf32>,
      %get3A_3395 = arith.constant 1 : i32
      %get3A_3396 = arith.constant 14 : i32
      %get3A_3397 = arith.index_cast %get3A_3395 : i32 to index
      %get3A_3398 = arith.index_cast %get3A_3396 : i32 to index
      %get3A_3399 = arith.index_cast %squeeze3A_3364 : i32 to index
      %get3A_3400 = arith.constant 32 : index
      %get3A_3401 = tpu.vector_load %arg9[%get3A_3397, %get3A_3398, %get3A_3399, %get3A_3400] {strides = array<i32>} : memref<2x16x8x64xf32, #tpu.memory_space<vmem>>, vector<1x1x1x16xf32>,
      %get3A_3402 = vector.shape_cast %get3A_3401 : vector<1x1x1x16xf32> to vector<16xf32>
      %swap3A_3403 = arith.index_cast %add3A_3368 : i32 to index
      %swap3A_3404 = arith.constant 32 : index
      %swap3A_3405 = tpu.vector_load %arg8[%swap3A_3403, %swap3A_3404] {strides = array<i32>} : memref<512x64xf32, #tpu.memory_space<vmem>>, vector<1x16xf32>,
      %swap3A_3406 = vector.shape_cast %swap3A_3405 : vector<1x16xf32> to vector<16xf32>
      %swap3A_3407 = vector.shape_cast %get3A_3402 : vector<16xf32> to vector<1x16xf32>
      tpu.vector_store %arg8[%swap3A_3403, %swap3A_3404], %swap3A_3407 {strides = array<i32>} : memref<512x64xf32, #tpu.memory_space<vmem>>, vector<1x16xf32>,
      %get3A_3408 = arith.constant 1 : i32
      %get3A_3409 = arith.constant 14 : i32
      %get3A_3410 = arith.index_cast %get3A_3408 : i32 to index
      %get3A_3411 = arith.index_cast %get3A_3409 : i32 to index
      %get3A_3412 = arith.index_cast %squeeze3A_3364 : i32 to index
      %get3A_3413 = arith.constant 48 : index
      %get3A_3414 = tpu.vector_load %arg9[%get3A_3410, %get3A_3411, %get3A_3412, %get3A_3413] {strides = array<i32>} : memref<2x16x8x64xf32, #tpu.memory_space<vmem>>, vector<1x1x1x16xf32>,
      %get3A_3415 = vector.shape_cast %get3A_3414 : vector<1x1x1x16xf32> to vector<16xf32>
      %swap3A_3416 = arith.index_cast %add3A_3368 : i32 to index
      %swap3A_3417 = arith.constant 48 : index
      %swap3A_3418 = tpu.vector_load %arg8[%swap3A_3416, %swap3A_3417] {strides = array<i32>} : memref<512x64xf32, #tpu.memory_space<vmem>>, vector<1x16xf32>,
      %swap3A_3419 = vector.shape_cast %swap3A_3418 : vector<1x16xf32> to vector<16xf32>
      %swap3A_3420 = vector.shape_cast %get3A_3415 : vector<16xf32> to vector<1x16xf32>
      tpu.vector_store %arg8[%swap3A_3416, %swap3A_3417], %swap3A_3420 {strides = array<i32>} : memref<512x64xf32, #tpu.memory_space<vmem>>, vector<1x16xf32>,
      %slice3A_3421 = vector.extract_strided_slice %get3A_2550 {offsets = [15], sizes = [1], strides = [1]} : vector<16xi32> to vector<1xi32>
      %squeeze3A_3422 = vector.extract %slice3A_3421[0] : i32 from vector<1xi32>
      %mul3A_3423 = arith.constant 16 : i32
      %mul3A_3424 = arith.muli %add3A_2545, %mul3A_3423 : i32
      %add3A_3425 = arith.constant 15 : i32
      %add3A_3426 = arith.addi %mul3A_3424, %add3A_3425 : i32
      %get3A_3427 = arith.constant 1 : i32
      %get3A_3428 = arith.constant 15 : i32
      %get3A_3429 = arith.index_cast %get3A_3427 : i32 to index
      %get3A_3430 = arith.index_cast %get3A_3428 : i32 to index
      %get3A_3431 = arith.index_cast %squeeze3A_3422 : i32 to index
      %get3A_3432 = arith.constant 0 : index
      %get3A_3433 = tpu.vector_load %arg9[%get3A_3429, %get3A_3430, %get3A_3431, %get3A_3432] {strides = array<i32>} : memref<2x16x8x64xf32, #tpu.memory_space<vmem>>, vector<1x1x1x16xf32>,
      %get3A_3434 = vector.shape_cast %get3A_3433 : vector<1x1x1x16xf32> to vector<16xf32>
      %swap3A_3435 = arith.index_cast %add3A_3426 : i32 to index
      %swap3A_3436 = arith.constant 0 : index
      %swap3A_3437 = tpu.vector_load %arg8[%swap3A_3435, %swap3A_3436] {strides = array<i32>} : memref<512x64xf32, #tpu.memory_space<vmem>>, vector<1x16xf32>,
      %swap3A_3438 = vector.shape_cast %swap3A_3437 : vector<1x16xf32> to vector<16xf32>
      %swap3A_3439 = vector.shape_cast %get3A_3434 : vector<16xf32> to vector<1x16xf32>
      tpu.vector_store %arg8[%swap3A_3435, %swap3A_3436], %swap3A_3439 {strides = array<i32>} : memref<512x64xf32, #tpu.memory_space<vmem>>, vector<1x16xf32>,
      %get3A_3440 = arith.constant 1 : i32
      %get3A_3441 = arith.constant 15 : i32
      %get3A_3442 = arith.index_cast %get3A_3440 : i32 to index
      %get3A_3443 = arith.index_cast %get3A_3441 : i32 to index
      %get3A_3444 = arith.index_cast %squeeze3A_3422 : i32 to index
      %get3A_3445 = arith.constant 16 : index
      %get3A_3446 = tpu.vector_load %arg9[%get3A_3442, %get3A_3443, %get3A_3444, %get3A_3445] {strides = array<i32>} : memref<2x16x8x64xf32, #tpu.memory_space<vmem>>, vector<1x1x1x16xf32>,
      %get3A_3447 = vector.shape_cast %get3A_3446 : vector<1x1x1x16xf32> to vector<16xf32>
      %swap3A_3448 = arith.index_cast %add3A_3426 : i32 to index
      %swap3A_3449 = arith.constant 16 : index
      %swap3A_3450 = tpu.vector_load %arg8[%swap3A_3448, %swap3A_3449] {strides = array<i32>} : memref<512x64xf32, #tpu.memory_space<vmem>>, vector<1x16xf32>,
      %swap3A_3451 = vector.shape_cast %swap3A_3450 : vector<1x16xf32> to vector<16xf32>
      %swap3A_3452 = vector.shape_cast %get3A_3447 : vector<16xf32> to vector<1x16xf32>
      tpu.vector_store %arg8[%swap3A_3448, %swap3A_3449], %swap3A_3452 {strides = array<i32>} : memref<512x64xf32, #tpu.memory_space<vmem>>, vector<1x16xf32>,
      %get3A_3453 = arith.constant 1 : i32
      %get3A_3454 = arith.constant 15 : i32
      %get3A_3455 = arith.index_cast %get3A_3453 : i32 to index
      %get3A_3456 = arith.index_cast %get3A_3454 : i32 to index
      %get3A_3457 = arith.index_cast %squeeze3A_3422 : i32 to index
      %get3A_3458 = arith.constant 32 : index
      %get3A_3459 = tpu.vector_load %arg9[%get3A_3455, %get3A_3456, %get3A_3457, %get3A_3458] {strides = array<i32>} : memref<2x16x8x64xf32, #tpu.memory_space<vmem>>, vector<1x1x1x16xf32>,
      %get3A_3460 = vector.shape_cast %get3A_3459 : vector<1x1x1x16xf32> to vector<16xf32>
      %swap3A_3461 = arith.index_cast %add3A_3426 : i32 to index
      %swap3A_3462 = arith.constant 32 : index
      %swap3A_3463 = tpu.vector_load %arg8[%swap3A_3461, %swap3A_3462] {strides = array<i32>} : memref<512x64xf32, #tpu.memory_space<vmem>>, vector<1x16xf32>,
      %swap3A_3464 = vector.shape_cast %swap3A_3463 : vector<1x16xf32> to vector<16xf32>
      %swap3A_3465 = vector.shape_cast %get3A_3460 : vector<16xf32> to vector<1x16xf32>
      tpu.vector_store %arg8[%swap3A_3461, %swap3A_3462], %swap3A_3465 {strides = array<i32>} : memref<512x64xf32, #tpu.memory_space<vmem>>, vector<1x16xf32>,
      %get3A_3466 = arith.constant 1 : i32
      %get3A_3467 = arith.constant 15 : i32
      %get3A_3468 = arith.index_cast %get3A_3466 : i32 to index
      %get3A_3469 = arith.index_cast %get3A_3467 : i32 to index
      %get3A_3470 = arith.index_cast %squeeze3A_3422 : i32 to index
      %get3A_3471 = arith.constant 48 : index
      %get3A_3472 = tpu.vector_load %arg9[%get3A_3468, %get3A_3469, %get3A_3470, %get3A_3471] {strides = array<i32>} : memref<2x16x8x64xf32, #tpu.memory_space<vmem>>, vector<1x1x1x16xf32>,
      %get3A_3473 = vector.shape_cast %get3A_3472 : vector<1x1x1x16xf32> to vector<16xf32>
      %swap3A_3474 = arith.index_cast %add3A_3426 : i32 to index
      %swap3A_3475 = arith.constant 48 : index
      %swap3A_3476 = tpu.vector_load %arg8[%swap3A_3474, %swap3A_3475] {strides = array<i32>} : memref<512x64xf32, #tpu.memory_space<vmem>>, vector<1x16xf32>,
      %swap3A_3477 = vector.shape_cast %swap3A_3476 : vector<1x16xf32> to vector<16xf32>
      %swap3A_3478 = vector.shape_cast %get3A_3473 : vector<16xf32> to vector<1x16xf32>
      tpu.vector_store %arg8[%swap3A_3474, %swap3A_3475], %swap3A_3478 {strides = array<i32>} : memref<512x64xf32, #tpu.memory_space<vmem>>, vector<1x16xf32>,
      %lt3A_3479 = arith.constant 15 : i32
      %lt3A_3480 = arith.cmpi slt, %scan3A_1095, %lt3A_3479 : i32
      %convert_element_type3A_3481 = arith.extui %lt3A_3480 : i1 to i32
      %cond3A_3482 = arith.constant 0 : i32
      %cond3A_3483 = arith.cmpi ne, %convert_element_type3A_3481, %cond3A_3482 : i32
      scf.if %cond3A_3483 {
        %add3A_3484 = arith.constant 3 : i32
        %add3A_3485 = arith.addi %mul3A_1097, %add3A_3484 : i32
        %mul3A_3486 = arith.constant 16 : i32
        %mul3A_3487 = arith.muli %add3A_3485, %mul3A_3486 : i32
        %get3A_3488 = arith.index_cast %mul3A_3487 : i32 to index
        %get3A_3489 = tpu.vector_load %arg6[%get3A_3488] {strides = array<i32>} : memref<512xi32, #tpu.memory_space<vmem>>, vector<16xi32>,
        %get3A_3490 = vector.shape_cast %get3A_3489 : vector<16xi32> to vector<16xi32>
        %slice3A_3491 = vector.extract_strided_slice %get3A_3490 {offsets = [0], sizes = [1], strides = [1]} : vector<16xi32> to vector<1xi32>
        %squeeze3A_3492 = vector.extract %slice3A_3491[0] : i32 from vector<1xi32>
        %multiple_of3A_3493 = tpu.assume_multiple %squeeze3A_3492, 8 : i32
        %dma_start3A_3494 = arith.constant 1 : i32
        %dma_start3A_3495 = arith.constant 0 : i32
        %dma_start3A_3496 = arith.constant 0 : i32
        %dma_start3A_3497 = arith.constant 0 : i32
        %dma_start3A_3498 = tpu.memref_slice %arg9[%dma_start3A_3494, %dma_start3A_3495, %dma_start3A_3496, %dma_start3A_3497] : memref<2x16x8x64xf32, #tpu.memory_space<vmem>> -> memref<1x1x8x64xf32, #tpu.memory_space<vmem>>
        %dma_start3A_3499 = tpu.memref_squeeze %dma_start3A_3498 : memref<1x1x8x64xf32, #tpu.memory_space<vmem>> -> memref<8x64xf32, #tpu.memory_space<vmem>>
        %dma_start3A_3500 = arith.constant 0 : i32
        %dma_start3A_3501 = tpu.memref_slice %arg3[%multiple_of3A_3493, %dma_start3A_3500] : memref<1000000x64xf32, #tpu.memory_space<hbm>> -> memref<8x64xf32, #tpu.memory_space<hbm>>
        %dma_start3A_3502 = arith.constant 0 : i32
        %dma_start3A_3503 = arith.constant 0 : i32
        %dma_start3A_3504 = tpu.memref_slice %arg9[%dma_start3A_3494, %dma_start3A_3495, %dma_start3A_3502, %dma_start3A_3503] : memref<2x16x8x64xf32, #tpu.memory_space<vmem>> -> memref<1x1x8x64xf32, #tpu.memory_space<vmem>>
        %dma_start3A_3505 = tpu.memref_squeeze %dma_start3A_3504 : memref<1x1x8x64xf32, #tpu.memory_space<vmem>> -> memref<8x64xf32, #tpu.memory_space<vmem>>
        %dma_start3A_3506 = arith.constant 0 : i32
        %dma_start3A_3507 = tpu.memref_slice %arg3[%multiple_of3A_3493, %dma_start3A_3506] : memref<1000000x64xf32, #tpu.memory_space<hbm>> -> memref<8x64xf32, #tpu.memory_space<hbm>>
        tpu.enqueue_dma source(%dma_start3A_3507 : memref<8x64xf32, #tpu.memory_space<hbm>>) target(%dma_start3A_3505 : memref<8x64xf32, #tpu.memory_space<vmem>>) target_semaphore(%arg11 : memref<!tpu.dma_semaphore, #tpu.memory_space<semaphore_mem>>)
        %slice3A_3508 = vector.extract_strided_slice %get3A_3490 {offsets = [1], sizes = [1], strides = [1]} : vector<16xi32> to vector<1xi32>
        %squeeze3A_3509 = vector.extract %slice3A_3508[0] : i32 from vector<1xi32>
        %multiple_of3A_3510 = tpu.assume_multiple %squeeze3A_3509, 8 : i32
        %dma_start3A_3511 = arith.constant 1 : i32
        %dma_start3A_3512 = arith.constant 1 : i32
        %dma_start3A_3513 = arith.constant 0 : i32
        %dma_start3A_3514 = arith.constant 0 : i32
        %dma_start3A_3515 = tpu.memref_slice %arg9[%dma_start3A_3511, %dma_start3A_3512, %dma_start3A_3513, %dma_start3A_3514] : memref<2x16x8x64xf32, #tpu.memory_space<vmem>> -> memref<1x1x8x64xf32, #tpu.memory_space<vmem>>
        %dma_start3A_3516 = tpu.memref_squeeze %dma_start3A_3515 : memref<1x1x8x64xf32, #tpu.memory_space<vmem>> -> memref<8x64xf32, #tpu.memory_space<vmem>>
        %dma_start3A_3517 = arith.constant 0 : i32
        %dma_start3A_3518 = tpu.memref_slice %arg3[%multiple_of3A_3510, %dma_start3A_3517] : memref<1000000x64xf32, #tpu.memory_space<hbm>> -> memref<8x64xf32, #tpu.memory_space<hbm>>
        %dma_start3A_3519 = arith.constant 0 : i32
        %dma_start3A_3520 = arith.constant 0 : i32
        %dma_start3A_3521 = tpu.memref_slice %arg9[%dma_start3A_3511, %dma_start3A_3512, %dma_start3A_3519, %dma_start3A_3520] : memref<2x16x8x64xf32, #tpu.memory_space<vmem>> -> memref<1x1x8x64xf32, #tpu.memory_space<vmem>>
        %dma_start3A_3522 = tpu.memref_squeeze %dma_start3A_3521 : memref<1x1x8x64xf32, #tpu.memory_space<vmem>> -> memref<8x64xf32, #tpu.memory_space<vmem>>
        %dma_start3A_3523 = arith.constant 0 : i32
        %dma_start3A_3524 = tpu.memref_slice %arg3[%multiple_of3A_3510, %dma_start3A_3523] : memref<1000000x64xf32, #tpu.memory_space<hbm>> -> memref<8x64xf32, #tpu.memory_space<hbm>>
        tpu.enqueue_dma source(%dma_start3A_3524 : memref<8x64xf32, #tpu.memory_space<hbm>>) target(%dma_start3A_3522 : memref<8x64xf32, #tpu.memory_space<vmem>>) target_semaphore(%arg11 : memref<!tpu.dma_semaphore, #tpu.memory_space<semaphore_mem>>)
        %slice3A_3525 = vector.extract_strided_slice %get3A_3490 {offsets = [2], sizes = [1], strides = [1]} : vector<16xi32> to vector<1xi32>
        %squeeze3A_3526 = vector.extract %slice3A_3525[0] : i32 from vector<1xi32>
        %multiple_of3A_3527 = tpu.assume_multiple %squeeze3A_3526, 8 : i32
        %dma_start3A_3528 = arith.constant 1 : i32
        %dma_start3A_3529 = arith.constant 2 : i32
        %dma_start3A_3530 = arith.constant 0 : i32
        %dma_start3A_3531 = arith.constant 0 : i32
        %dma_start3A_3532 = tpu.memref_slice %arg9[%dma_start3A_3528, %dma_start3A_3529, %dma_start3A_3530, %dma_start3A_3531] : memref<2x16x8x64xf32, #tpu.memory_space<vmem>> -> memref<1x1x8x64xf32, #tpu.memory_space<vmem>>
        %dma_start3A_3533 = tpu.memref_squeeze %dma_start3A_3532 : memref<1x1x8x64xf32, #tpu.memory_space<vmem>> -> memref<8x64xf32, #tpu.memory_space<vmem>>
        %dma_start3A_3534 = arith.constant 0 : i32
        %dma_start3A_3535 = tpu.memref_slice %arg3[%multiple_of3A_3527, %dma_start3A_3534] : memref<1000000x64xf32, #tpu.memory_space<hbm>> -> memref<8x64xf32, #tpu.memory_space<hbm>>
        %dma_start3A_3536 = arith.constant 0 : i32
        %dma_start3A_3537 = arith.constant 0 : i32
        %dma_start3A_3538 = tpu.memref_slice %arg9[%dma_start3A_3528, %dma_start3A_3529, %dma_start3A_3536, %dma_start3A_3537] : memref<2x16x8x64xf32, #tpu.memory_space<vmem>> -> memref<1x1x8x64xf32, #tpu.memory_space<vmem>>
        %dma_start3A_3539 = tpu.memref_squeeze %dma_start3A_3538 : memref<1x1x8x64xf32, #tpu.memory_space<vmem>> -> memref<8x64xf32, #tpu.memory_space<vmem>>
        %dma_start3A_3540 = arith.constant 0 : i32
        %dma_start3A_3541 = tpu.memref_slice %arg3[%multiple_of3A_3527, %dma_start3A_3540] : memref<1000000x64xf32, #tpu.memory_space<hbm>> -> memref<8x64xf32, #tpu.memory_space<hbm>>
        tpu.enqueue_dma source(%dma_start3A_3541 : memref<8x64xf32, #tpu.memory_space<hbm>>) target(%dma_start3A_3539 : memref<8x64xf32, #tpu.memory_space<vmem>>) target_semaphore(%arg11 : memref<!tpu.dma_semaphore, #tpu.memory_space<semaphore_mem>>)
        %slice3A_3542 = vector.extract_strided_slice %get3A_3490 {offsets = [3], sizes = [1], strides = [1]} : vector<16xi32> to vector<1xi32>
        %squeeze3A_3543 = vector.extract %slice3A_3542[0] : i32 from vector<1xi32>
        %multiple_of3A_3544 = tpu.assume_multiple %squeeze3A_3543, 8 : i32
        %dma_start3A_3545 = arith.constant 1 : i32
        %dma_start3A_3546 = arith.constant 3 : i32
        %dma_start3A_3547 = arith.constant 0 : i32
        %dma_start3A_3548 = arith.constant 0 : i32
        %dma_start3A_3549 = tpu.memref_slice %arg9[%dma_start3A_3545, %dma_start3A_3546, %dma_start3A_3547, %dma_start3A_3548] : memref<2x16x8x64xf32, #tpu.memory_space<vmem>> -> memref<1x1x8x64xf32, #tpu.memory_space<vmem>>
        %dma_start3A_3550 = tpu.memref_squeeze %dma_start3A_3549 : memref<1x1x8x64xf32, #tpu.memory_space<vmem>> -> memref<8x64xf32, #tpu.memory_space<vmem>>
        %dma_start3A_3551 = arith.constant 0 : i32
        %dma_start3A_3552 = tpu.memref_slice %arg3[%multiple_of3A_3544, %dma_start3A_3551] : memref<1000000x64xf32, #tpu.memory_space<hbm>> -> memref<8x64xf32, #tpu.memory_space<hbm>>
        %dma_start3A_3553 = arith.constant 0 : i32
        %dma_start3A_3554 = arith.constant 0 : i32
        %dma_start3A_3555 = tpu.memref_slice %arg9[%dma_start3A_3545, %dma_start3A_3546, %dma_start3A_3553, %dma_start3A_3554] : memref<2x16x8x64xf32, #tpu.memory_space<vmem>> -> memref<1x1x8x64xf32, #tpu.memory_space<vmem>>
        %dma_start3A_3556 = tpu.memref_squeeze %dma_start3A_3555 : memref<1x1x8x64xf32, #tpu.memory_space<vmem>> -> memref<8x64xf32, #tpu.memory_space<vmem>>
        %dma_start3A_3557 = arith.constant 0 : i32
        %dma_start3A_3558 = tpu.memref_slice %arg3[%multiple_of3A_3544, %dma_start3A_3557] : memref<1000000x64xf32, #tpu.memory_space<hbm>> -> memref<8x64xf32, #tpu.memory_space<hbm>>
        tpu.enqueue_dma source(%dma_start3A_3558 : memref<8x64xf32, #tpu.memory_space<hbm>>) target(%dma_start3A_3556 : memref<8x64xf32, #tpu.memory_space<vmem>>) target_semaphore(%arg11 : memref<!tpu.dma_semaphore, #tpu.memory_space<semaphore_mem>>)
        %slice3A_3559 = vector.extract_strided_slice %get3A_3490 {offsets = [4], sizes = [1], strides = [1]} : vector<16xi32> to vector<1xi32>
        %squeeze3A_3560 = vector.extract %slice3A_3559[0] : i32 from vector<1xi32>
        %multiple_of3A_3561 = tpu.assume_multiple %squeeze3A_3560, 8 : i32
        %dma_start3A_3562 = arith.constant 1 : i32
        %dma_start3A_3563 = arith.constant 4 : i32
        %dma_start3A_3564 = arith.constant 0 : i32
        %dma_start3A_3565 = arith.constant 0 : i32
        %dma_start3A_3566 = tpu.memref_slice %arg9[%dma_start3A_3562, %dma_start3A_3563, %dma_start3A_3564, %dma_start3A_3565] : memref<2x16x8x64xf32, #tpu.memory_space<vmem>> -> memref<1x1x8x64xf32, #tpu.memory_space<vmem>>
        %dma_start3A_3567 = tpu.memref_squeeze %dma_start3A_3566 : memref<1x1x8x64xf32, #tpu.memory_space<vmem>> -> memref<8x64xf32, #tpu.memory_space<vmem>>
        %dma_start3A_3568 = arith.constant 0 : i32
        %dma_start3A_3569 = tpu.memref_slice %arg3[%multiple_of3A_3561, %dma_start3A_3568] : memref<1000000x64xf32, #tpu.memory_space<hbm>> -> memref<8x64xf32, #tpu.memory_space<hbm>>
        %dma_start3A_3570 = arith.constant 0 : i32
        %dma_start3A_3571 = arith.constant 0 : i32
        %dma_start3A_3572 = tpu.memref_slice %arg9[%dma_start3A_3562, %dma_start3A_3563, %dma_start3A_3570, %dma_start3A_3571] : memref<2x16x8x64xf32, #tpu.memory_space<vmem>> -> memref<1x1x8x64xf32, #tpu.memory_space<vmem>>
        %dma_start3A_3573 = tpu.memref_squeeze %dma_start3A_3572 : memref<1x1x8x64xf32, #tpu.memory_space<vmem>> -> memref<8x64xf32, #tpu.memory_space<vmem>>
        %dma_start3A_3574 = arith.constant 0 : i32
        %dma_start3A_3575 = tpu.memref_slice %arg3[%multiple_of3A_3561, %dma_start3A_3574] : memref<1000000x64xf32, #tpu.memory_space<hbm>> -> memref<8x64xf32, #tpu.memory_space<hbm>>
        tpu.enqueue_dma source(%dma_start3A_3575 : memref<8x64xf32, #tpu.memory_space<hbm>>) target(%dma_start3A_3573 : memref<8x64xf32, #tpu.memory_space<vmem>>) target_semaphore(%arg11 : memref<!tpu.dma_semaphore, #tpu.memory_space<semaphore_mem>>)
        %slice3A_3576 = vector.extract_strided_slice %get3A_3490 {offsets = [5], sizes = [1], strides = [1]} : vector<16xi32> to vector<1xi32>
        %squeeze3A_3577 = vector.extract %slice3A_3576[0] : i32 from vector<1xi32>
        %multiple_of3A_3578 = tpu.assume_multiple %squeeze3A_3577, 8 : i32
        %dma_start3A_3579 = arith.constant 1 : i32
        %dma_start3A_3580 = arith.constant 5 : i32
        %dma_start3A_3581 = arith.constant 0 : i32
        %dma_start3A_3582 = arith.constant 0 : i32
        %dma_start3A_3583 = tpu.memref_slice %arg9[%dma_start3A_3579, %dma_start3A_3580, %dma_start3A_3581, %dma_start3A_3582] : memref<2x16x8x64xf32, #tpu.memory_space<vmem>> -> memref<1x1x8x64xf32, #tpu.memory_space<vmem>>
        %dma_start3A_3584 = tpu.memref_squeeze %dma_start3A_3583 : memref<1x1x8x64xf32, #tpu.memory_space<vmem>> -> memref<8x64xf32, #tpu.memory_space<vmem>>
        %dma_start3A_3585 = arith.constant 0 : i32
        %dma_start3A_3586 = tpu.memref_slice %arg3[%multiple_of3A_3578, %dma_start3A_3585] : memref<1000000x64xf32, #tpu.memory_space<hbm>> -> memref<8x64xf32, #tpu.memory_space<hbm>>
        %dma_start3A_3587 = arith.constant 0 : i32
        %dma_start3A_3588 = arith.constant 0 : i32
        %dma_start3A_3589 = tpu.memref_slice %arg9[%dma_start3A_3579, %dma_start3A_3580, %dma_start3A_3587, %dma_start3A_3588] : memref<2x16x8x64xf32, #tpu.memory_space<vmem>> -> memref<1x1x8x64xf32, #tpu.memory_space<vmem>>
        %dma_start3A_3590 = tpu.memref_squeeze %dma_start3A_3589 : memref<1x1x8x64xf32, #tpu.memory_space<vmem>> -> memref<8x64xf32, #tpu.memory_space<vmem>>
        %dma_start3A_3591 = arith.constant 0 : i32
        %dma_start3A_3592 = tpu.memref_slice %arg3[%multiple_of3A_3578, %dma_start3A_3591] : memref<1000000x64xf32, #tpu.memory_space<hbm>> -> memref<8x64xf32, #tpu.memory_space<hbm>>
        tpu.enqueue_dma source(%dma_start3A_3592 : memref<8x64xf32, #tpu.memory_space<hbm>>) target(%dma_start3A_3590 : memref<8x64xf32, #tpu.memory_space<vmem>>) target_semaphore(%arg11 : memref<!tpu.dma_semaphore, #tpu.memory_space<semaphore_mem>>)
        %slice3A_3593 = vector.extract_strided_slice %get3A_3490 {offsets = [6], sizes = [1], strides = [1]} : vector<16xi32> to vector<1xi32>
        %squeeze3A_3594 = vector.extract %slice3A_3593[0] : i32 from vector<1xi32>
        %multiple_of3A_3595 = tpu.assume_multiple %squeeze3A_3594, 8 : i32
        %dma_start3A_3596 = arith.constant 1 : i32
        %dma_start3A_3597 = arith.constant 6 : i32
        %dma_start3A_3598 = arith.constant 0 : i32
        %dma_start3A_3599 = arith.constant 0 : i32
        %dma_start3A_3600 = tpu.memref_slice %arg9[%dma_start3A_3596, %dma_start3A_3597, %dma_start3A_3598, %dma_start3A_3599] : memref<2x16x8x64xf32, #tpu.memory_space<vmem>> -> memref<1x1x8x64xf32, #tpu.memory_space<vmem>>
        %dma_start3A_3601 = tpu.memref_squeeze %dma_start3A_3600 : memref<1x1x8x64xf32, #tpu.memory_space<vmem>> -> memref<8x64xf32, #tpu.memory_space<vmem>>
        %dma_start3A_3602 = arith.constant 0 : i32
        %dma_start3A_3603 = tpu.memref_slice %arg3[%multiple_of3A_3595, %dma_start3A_3602] : memref<1000000x64xf32, #tpu.memory_space<hbm>> -> memref<8x64xf32, #tpu.memory_space<hbm>>
        %dma_start3A_3604 = arith.constant 0 : i32
        %dma_start3A_3605 = arith.constant 0 : i32
        %dma_start3A_3606 = tpu.memref_slice %arg9[%dma_start3A_3596, %dma_start3A_3597, %dma_start3A_3604, %dma_start3A_3605] : memref<2x16x8x64xf32, #tpu.memory_space<vmem>> -> memref<1x1x8x64xf32, #tpu.memory_space<vmem>>
        %dma_start3A_3607 = tpu.memref_squeeze %dma_start3A_3606 : memref<1x1x8x64xf32, #tpu.memory_space<vmem>> -> memref<8x64xf32, #tpu.memory_space<vmem>>
        %dma_start3A_3608 = arith.constant 0 : i32
        %dma_start3A_3609 = tpu.memref_slice %arg3[%multiple_of3A_3595, %dma_start3A_3608] : memref<1000000x64xf32, #tpu.memory_space<hbm>> -> memref<8x64xf32, #tpu.memory_space<hbm>>
        tpu.enqueue_dma source(%dma_start3A_3609 : memref<8x64xf32, #tpu.memory_space<hbm>>) target(%dma_start3A_3607 : memref<8x64xf32, #tpu.memory_space<vmem>>) target_semaphore(%arg11 : memref<!tpu.dma_semaphore, #tpu.memory_space<semaphore_mem>>)
        %slice3A_3610 = vector.extract_strided_slice %get3A_3490 {offsets = [7], sizes = [1], strides = [1]} : vector<16xi32> to vector<1xi32>
        %squeeze3A_3611 = vector.extract %slice3A_3610[0] : i32 from vector<1xi32>
        %multiple_of3A_3612 = tpu.assume_multiple %squeeze3A_3611, 8 : i32
        %dma_start3A_3613 = arith.constant 1 : i32
        %dma_start3A_3614 = arith.constant 7 : i32
        %dma_start3A_3615 = arith.constant 0 : i32
        %dma_start3A_3616 = arith.constant 0 : i32
        %dma_start3A_3617 = tpu.memref_slice %arg9[%dma_start3A_3613, %dma_start3A_3614, %dma_start3A_3615, %dma_start3A_3616] : memref<2x16x8x64xf32, #tpu.memory_space<vmem>> -> memref<1x1x8x64xf32, #tpu.memory_space<vmem>>
        %dma_start3A_3618 = tpu.memref_squeeze %dma_start3A_3617 : memref<1x1x8x64xf32, #tpu.memory_space<vmem>> -> memref<8x64xf32, #tpu.memory_space<vmem>>
        %dma_start3A_3619 = arith.constant 0 : i32
        %dma_start3A_3620 = tpu.memref_slice %arg3[%multiple_of3A_3612, %dma_start3A_3619] : memref<1000000x64xf32, #tpu.memory_space<hbm>> -> memref<8x64xf32, #tpu.memory_space<hbm>>
        %dma_start3A_3621 = arith.constant 0 : i32
        %dma_start3A_3622 = arith.constant 0 : i32
        %dma_start3A_3623 = tpu.memref_slice %arg9[%dma_start3A_3613, %dma_start3A_3614, %dma_start3A_3621, %dma_start3A_3622] : memref<2x16x8x64xf32, #tpu.memory_space<vmem>> -> memref<1x1x8x64xf32, #tpu.memory_space<vmem>>
        %dma_start3A_3624 = tpu.memref_squeeze %dma_start3A_3623 : memref<1x1x8x64xf32, #tpu.memory_space<vmem>> -> memref<8x64xf32, #tpu.memory_space<vmem>>
        %dma_start3A_3625 = arith.constant 0 : i32
        %dma_start3A_3626 = tpu.memref_slice %arg3[%multiple_of3A_3612, %dma_start3A_3625] : memref<1000000x64xf32, #tpu.memory_space<hbm>> -> memref<8x64xf32, #tpu.memory_space<hbm>>
        tpu.enqueue_dma source(%dma_start3A_3626 : memref<8x64xf32, #tpu.memory_space<hbm>>) target(%dma_start3A_3624 : memref<8x64xf32, #tpu.memory_space<vmem>>) target_semaphore(%arg11 : memref<!tpu.dma_semaphore, #tpu.memory_space<semaphore_mem>>)
        %slice3A_3627 = vector.extract_strided_slice %get3A_3490 {offsets = [8], sizes = [1], strides = [1]} : vector<16xi32> to vector<1xi32>
        %squeeze3A_3628 = vector.extract %slice3A_3627[0] : i32 from vector<1xi32>
        %multiple_of3A_3629 = tpu.assume_multiple %squeeze3A_3628, 8 : i32
        %dma_start3A_3630 = arith.constant 1 : i32
        %dma_start3A_3631 = arith.constant 8 : i32
        %dma_start3A_3632 = arith.constant 0 : i32
        %dma_start3A_3633 = arith.constant 0 : i32
        %dma_start3A_3634 = tpu.memref_slice %arg9[%dma_start3A_3630, %dma_start3A_3631, %dma_start3A_3632, %dma_start3A_3633] : memref<2x16x8x64xf32, #tpu.memory_space<vmem>> -> memref<1x1x8x64xf32, #tpu.memory_space<vmem>>
        %dma_start3A_3635 = tpu.memref_squeeze %dma_start3A_3634 : memref<1x1x8x64xf32, #tpu.memory_space<vmem>> -> memref<8x64xf32, #tpu.memory_space<vmem>>
        %dma_start3A_3636 = arith.constant 0 : i32
        %dma_start3A_3637 = tpu.memref_slice %arg3[%multiple_of3A_3629, %dma_start3A_3636] : memref<1000000x64xf32, #tpu.memory_space<hbm>> -> memref<8x64xf32, #tpu.memory_space<hbm>>
        %dma_start3A_3638 = arith.constant 0 : i32
        %dma_start3A_3639 = arith.constant 0 : i32
        %dma_start3A_3640 = tpu.memref_slice %arg9[%dma_start3A_3630, %dma_start3A_3631, %dma_start3A_3638, %dma_start3A_3639] : memref<2x16x8x64xf32, #tpu.memory_space<vmem>> -> memref<1x1x8x64xf32, #tpu.memory_space<vmem>>
        %dma_start3A_3641 = tpu.memref_squeeze %dma_start3A_3640 : memref<1x1x8x64xf32, #tpu.memory_space<vmem>> -> memref<8x64xf32, #tpu.memory_space<vmem>>
        %dma_start3A_3642 = arith.constant 0 : i32
        %dma_start3A_3643 = tpu.memref_slice %arg3[%multiple_of3A_3629, %dma_start3A_3642] : memref<1000000x64xf32, #tpu.memory_space<hbm>> -> memref<8x64xf32, #tpu.memory_space<hbm>>
        tpu.enqueue_dma source(%dma_start3A_3643 : memref<8x64xf32, #tpu.memory_space<hbm>>) target(%dma_start3A_3641 : memref<8x64xf32, #tpu.memory_space<vmem>>) target_semaphore(%arg11 : memref<!tpu.dma_semaphore, #tpu.memory_space<semaphore_mem>>)
        %slice3A_3644 = vector.extract_strided_slice %get3A_3490 {offsets = [9], sizes = [1], strides = [1]} : vector<16xi32> to vector<1xi32>
        %squeeze3A_3645 = vector.extract %slice3A_3644[0] : i32 from vector<1xi32>
        %multiple_of3A_3646 = tpu.assume_multiple %squeeze3A_3645, 8 : i32
        %dma_start3A_3647 = arith.constant 1 : i32
        %dma_start3A_3648 = arith.constant 9 : i32
        %dma_start3A_3649 = arith.constant 0 : i32
        %dma_start3A_3650 = arith.constant 0 : i32
        %dma_start3A_3651 = tpu.memref_slice %arg9[%dma_start3A_3647, %dma_start3A_3648, %dma_start3A_3649, %dma_start3A_3650] : memref<2x16x8x64xf32, #tpu.memory_space<vmem>> -> memref<1x1x8x64xf32, #tpu.memory_space<vmem>>
        %dma_start3A_3652 = tpu.memref_squeeze %dma_start3A_3651 : memref<1x1x8x64xf32, #tpu.memory_space<vmem>> -> memref<8x64xf32, #tpu.memory_space<vmem>>
        %dma_start3A_3653 = arith.constant 0 : i32
        %dma_start3A_3654 = tpu.memref_slice %arg3[%multiple_of3A_3646, %dma_start3A_3653] : memref<1000000x64xf32, #tpu.memory_space<hbm>> -> memref<8x64xf32, #tpu.memory_space<hbm>>
        %dma_start3A_3655 = arith.constant 0 : i32
        %dma_start3A_3656 = arith.constant 0 : i32
        %dma_start3A_3657 = tpu.memref_slice %arg9[%dma_start3A_3647, %dma_start3A_3648, %dma_start3A_3655, %dma_start3A_3656] : memref<2x16x8x64xf32, #tpu.memory_space<vmem>> -> memref<1x1x8x64xf32, #tpu.memory_space<vmem>>
        %dma_start3A_3658 = tpu.memref_squeeze %dma_start3A_3657 : memref<1x1x8x64xf32, #tpu.memory_space<vmem>> -> memref<8x64xf32, #tpu.memory_space<vmem>>
        %dma_start3A_3659 = arith.constant 0 : i32
        %dma_start3A_3660 = tpu.memref_slice %arg3[%multiple_of3A_3646, %dma_start3A_3659] : memref<1000000x64xf32, #tpu.memory_space<hbm>> -> memref<8x64xf32, #tpu.memory_space<hbm>>
        tpu.enqueue_dma source(%dma_start3A_3660 : memref<8x64xf32, #tpu.memory_space<hbm>>) target(%dma_start3A_3658 : memref<8x64xf32, #tpu.memory_space<vmem>>) target_semaphore(%arg11 : memref<!tpu.dma_semaphore, #tpu.memory_space<semaphore_mem>>)
        %slice3A_3661 = vector.extract_strided_slice %get3A_3490 {offsets = [10], sizes = [1], strides = [1]} : vector<16xi32> to vector<1xi32>
        %squeeze3A_3662 = vector.extract %slice3A_3661[0] : i32 from vector<1xi32>
        %multiple_of3A_3663 = tpu.assume_multiple %squeeze3A_3662, 8 : i32
        %dma_start3A_3664 = arith.constant 1 : i32
        %dma_start3A_3665 = arith.constant 10 : i32
        %dma_start3A_3666 = arith.constant 0 : i32
        %dma_start3A_3667 = arith.constant 0 : i32
        %dma_start3A_3668 = tpu.memref_slice %arg9[%dma_start3A_3664, %dma_start3A_3665, %dma_start3A_3666, %dma_start3A_3667] : memref<2x16x8x64xf32, #tpu.memory_space<vmem>> -> memref<1x1x8x64xf32, #tpu.memory_space<vmem>>
        %dma_start3A_3669 = tpu.memref_squeeze %dma_start3A_3668 : memref<1x1x8x64xf32, #tpu.memory_space<vmem>> -> memref<8x64xf32, #tpu.memory_space<vmem>>
        %dma_start3A_3670 = arith.constant 0 : i32
        %dma_start3A_3671 = tpu.memref_slice %arg3[%multiple_of3A_3663, %dma_start3A_3670] : memref<1000000x64xf32, #tpu.memory_space<hbm>> -> memref<8x64xf32, #tpu.memory_space<hbm>>
        %dma_start3A_3672 = arith.constant 0 : i32
        %dma_start3A_3673 = arith.constant 0 : i32
        %dma_start3A_3674 = tpu.memref_slice %arg9[%dma_start3A_3664, %dma_start3A_3665, %dma_start3A_3672, %dma_start3A_3673] : memref<2x16x8x64xf32, #tpu.memory_space<vmem>> -> memref<1x1x8x64xf32, #tpu.memory_space<vmem>>
        %dma_start3A_3675 = tpu.memref_squeeze %dma_start3A_3674 : memref<1x1x8x64xf32, #tpu.memory_space<vmem>> -> memref<8x64xf32, #tpu.memory_space<vmem>>
        %dma_start3A_3676 = arith.constant 0 : i32
        %dma_start3A_3677 = tpu.memref_slice %arg3[%multiple_of3A_3663, %dma_start3A_3676] : memref<1000000x64xf32, #tpu.memory_space<hbm>> -> memref<8x64xf32, #tpu.memory_space<hbm>>
        tpu.enqueue_dma source(%dma_start3A_3677 : memref<8x64xf32, #tpu.memory_space<hbm>>) target(%dma_start3A_3675 : memref<8x64xf32, #tpu.memory_space<vmem>>) target_semaphore(%arg11 : memref<!tpu.dma_semaphore, #tpu.memory_space<semaphore_mem>>)
        %slice3A_3678 = vector.extract_strided_slice %get3A_3490 {offsets = [11], sizes = [1], strides = [1]} : vector<16xi32> to vector<1xi32>
        %squeeze3A_3679 = vector.extract %slice3A_3678[0] : i32 from vector<1xi32>
        %multiple_of3A_3680 = tpu.assume_multiple %squeeze3A_3679, 8 : i32
        %dma_start3A_3681 = arith.constant 1 : i32
        %dma_start3A_3682 = arith.constant 11 : i32
        %dma_start3A_3683 = arith.constant 0 : i32
        %dma_start3A_3684 = arith.constant 0 : i32
        %dma_start3A_3685 = tpu.memref_slice %arg9[%dma_start3A_3681, %dma_start3A_3682, %dma_start3A_3683, %dma_start3A_3684] : memref<2x16x8x64xf32, #tpu.memory_space<vmem>> -> memref<1x1x8x64xf32, #tpu.memory_space<vmem>>
        %dma_start3A_3686 = tpu.memref_squeeze %dma_start3A_3685 : memref<1x1x8x64xf32, #tpu.memory_space<vmem>> -> memref<8x64xf32, #tpu.memory_space<vmem>>
        %dma_start3A_3687 = arith.constant 0 : i32
        %dma_start3A_3688 = tpu.memref_slice %arg3[%multiple_of3A_3680, %dma_start3A_3687] : memref<1000000x64xf32, #tpu.memory_space<hbm>> -> memref<8x64xf32, #tpu.memory_space<hbm>>
        %dma_start3A_3689 = arith.constant 0 : i32
        %dma_start3A_3690 = arith.constant 0 : i32
        %dma_start3A_3691 = tpu.memref_slice %arg9[%dma_start3A_3681, %dma_start3A_3682, %dma_start3A_3689, %dma_start3A_3690] : memref<2x16x8x64xf32, #tpu.memory_space<vmem>> -> memref<1x1x8x64xf32, #tpu.memory_space<vmem>>
        %dma_start3A_3692 = tpu.memref_squeeze %dma_start3A_3691 : memref<1x1x8x64xf32, #tpu.memory_space<vmem>> -> memref<8x64xf32, #tpu.memory_space<vmem>>
        %dma_start3A_3693 = arith.constant 0 : i32
        %dma_start3A_3694 = tpu.memref_slice %arg3[%multiple_of3A_3680, %dma_start3A_3693] : memref<1000000x64xf32, #tpu.memory_space<hbm>> -> memref<8x64xf32, #tpu.memory_space<hbm>>
        tpu.enqueue_dma source(%dma_start3A_3694 : memref<8x64xf32, #tpu.memory_space<hbm>>) target(%dma_start3A_3692 : memref<8x64xf32, #tpu.memory_space<vmem>>) target_semaphore(%arg11 : memref<!tpu.dma_semaphore, #tpu.memory_space<semaphore_mem>>)
        %slice3A_3695 = vector.extract_strided_slice %get3A_3490 {offsets = [12], sizes = [1], strides = [1]} : vector<16xi32> to vector<1xi32>
        %squeeze3A_3696 = vector.extract %slice3A_3695[0] : i32 from vector<1xi32>
        %multiple_of3A_3697 = tpu.assume_multiple %squeeze3A_3696, 8 : i32
        %dma_start3A_3698 = arith.constant 1 : i32
        %dma_start3A_3699 = arith.constant 12 : i32
        %dma_start3A_3700 = arith.constant 0 : i32
        %dma_start3A_3701 = arith.constant 0 : i32
        %dma_start3A_3702 = tpu.memref_slice %arg9[%dma_start3A_3698, %dma_start3A_3699, %dma_start3A_3700, %dma_start3A_3701] : memref<2x16x8x64xf32, #tpu.memory_space<vmem>> -> memref<1x1x8x64xf32, #tpu.memory_space<vmem>>
        %dma_start3A_3703 = tpu.memref_squeeze %dma_start3A_3702 : memref<1x1x8x64xf32, #tpu.memory_space<vmem>> -> memref<8x64xf32, #tpu.memory_space<vmem>>
        %dma_start3A_3704 = arith.constant 0 : i32
        %dma_start3A_3705 = tpu.memref_slice %arg3[%multiple_of3A_3697, %dma_start3A_3704] : memref<1000000x64xf32, #tpu.memory_space<hbm>> -> memref<8x64xf32, #tpu.memory_space<hbm>>
        %dma_start3A_3706 = arith.constant 0 : i32
        %dma_start3A_3707 = arith.constant 0 : i32
        %dma_start3A_3708 = tpu.memref_slice %arg9[%dma_start3A_3698, %dma_start3A_3699, %dma_start3A_3706, %dma_start3A_3707] : memref<2x16x8x64xf32, #tpu.memory_space<vmem>> -> memref<1x1x8x64xf32, #tpu.memory_space<vmem>>
        %dma_start3A_3709 = tpu.memref_squeeze %dma_start3A_3708 : memref<1x1x8x64xf32, #tpu.memory_space<vmem>> -> memref<8x64xf32, #tpu.memory_space<vmem>>
        %dma_start3A_3710 = arith.constant 0 : i32
        %dma_start3A_3711 = tpu.memref_slice %arg3[%multiple_of3A_3697, %dma_start3A_3710] : memref<1000000x64xf32, #tpu.memory_space<hbm>> -> memref<8x64xf32, #tpu.memory_space<hbm>>
        tpu.enqueue_dma source(%dma_start3A_3711 : memref<8x64xf32, #tpu.memory_space<hbm>>) target(%dma_start3A_3709 : memref<8x64xf32, #tpu.memory_space<vmem>>) target_semaphore(%arg11 : memref<!tpu.dma_semaphore, #tpu.memory_space<semaphore_mem>>)
        %slice3A_3712 = vector.extract_strided_slice %get3A_3490 {offsets = [13], sizes = [1], strides = [1]} : vector<16xi32> to vector<1xi32>
        %squeeze3A_3713 = vector.extract %slice3A_3712[0] : i32 from vector<1xi32>
        %multiple_of3A_3714 = tpu.assume_multiple %squeeze3A_3713, 8 : i32
        %dma_start3A_3715 = arith.constant 1 : i32
        %dma_start3A_3716 = arith.constant 13 : i32
        %dma_start3A_3717 = arith.constant 0 : i32
        %dma_start3A_3718 = arith.constant 0 : i32
        %dma_start3A_3719 = tpu.memref_slice %arg9[%dma_start3A_3715, %dma_start3A_3716, %dma_start3A_3717, %dma_start3A_3718] : memref<2x16x8x64xf32, #tpu.memory_space<vmem>> -> memref<1x1x8x64xf32, #tpu.memory_space<vmem>>
        %dma_start3A_3720 = tpu.memref_squeeze %dma_start3A_3719 : memref<1x1x8x64xf32, #tpu.memory_space<vmem>> -> memref<8x64xf32, #tpu.memory_space<vmem>>
        %dma_start3A_3721 = arith.constant 0 : i32
        %dma_start3A_3722 = tpu.memref_slice %arg3[%multiple_of3A_3714, %dma_start3A_3721] : memref<1000000x64xf32, #tpu.memory_space<hbm>> -> memref<8x64xf32, #tpu.memory_space<hbm>>
        %dma_start3A_3723 = arith.constant 0 : i32
        %dma_start3A_3724 = arith.constant 0 : i32
        %dma_start3A_3725 = tpu.memref_slice %arg9[%dma_start3A_3715, %dma_start3A_3716, %dma_start3A_3723, %dma_start3A_3724] : memref<2x16x8x64xf32, #tpu.memory_space<vmem>> -> memref<1x1x8x64xf32, #tpu.memory_space<vmem>>
        %dma_start3A_3726 = tpu.memref_squeeze %dma_start3A_3725 : memref<1x1x8x64xf32, #tpu.memory_space<vmem>> -> memref<8x64xf32, #tpu.memory_space<vmem>>
        %dma_start3A_3727 = arith.constant 0 : i32
        %dma_start3A_3728 = tpu.memref_slice %arg3[%multiple_of3A_3714, %dma_start3A_3727] : memref<1000000x64xf32, #tpu.memory_space<hbm>> -> memref<8x64xf32, #tpu.memory_space<hbm>>
        tpu.enqueue_dma source(%dma_start3A_3728 : memref<8x64xf32, #tpu.memory_space<hbm>>) target(%dma_start3A_3726 : memref<8x64xf32, #tpu.memory_space<vmem>>) target_semaphore(%arg11 : memref<!tpu.dma_semaphore, #tpu.memory_space<semaphore_mem>>)
        %slice3A_3729 = vector.extract_strided_slice %get3A_3490 {offsets = [14], sizes = [1], strides = [1]} : vector<16xi32> to vector<1xi32>
        %squeeze3A_3730 = vector.extract %slice3A_3729[0] : i32 from vector<1xi32>
        %multiple_of3A_3731 = tpu.assume_multiple %squeeze3A_3730, 8 : i32
        %dma_start3A_3732 = arith.constant 1 : i32
        %dma_start3A_3733 = arith.constant 14 : i32
        %dma_start3A_3734 = arith.constant 0 : i32
        %dma_start3A_3735 = arith.constant 0 : i32
        %dma_start3A_3736 = tpu.memref_slice %arg9[%dma_start3A_3732, %dma_start3A_3733, %dma_start3A_3734, %dma_start3A_3735] : memref<2x16x8x64xf32, #tpu.memory_space<vmem>> -> memref<1x1x8x64xf32, #tpu.memory_space<vmem>>
        %dma_start3A_3737 = tpu.memref_squeeze %dma_start3A_3736 : memref<1x1x8x64xf32, #tpu.memory_space<vmem>> -> memref<8x64xf32, #tpu.memory_space<vmem>>
        %dma_start3A_3738 = arith.constant 0 : i32
        %dma_start3A_3739 = tpu.memref_slice %arg3[%multiple_of3A_3731, %dma_start3A_3738] : memref<1000000x64xf32, #tpu.memory_space<hbm>> -> memref<8x64xf32, #tpu.memory_space<hbm>>
        %dma_start3A_3740 = arith.constant 0 : i32
        %dma_start3A_3741 = arith.constant 0 : i32
        %dma_start3A_3742 = tpu.memref_slice %arg9[%dma_start3A_3732, %dma_start3A_3733, %dma_start3A_3740, %dma_start3A_3741] : memref<2x16x8x64xf32, #tpu.memory_space<vmem>> -> memref<1x1x8x64xf32, #tpu.memory_space<vmem>>
        %dma_start3A_3743 = tpu.memref_squeeze %dma_start3A_3742 : memref<1x1x8x64xf32, #tpu.memory_space<vmem>> -> memref<8x64xf32, #tpu.memory_space<vmem>>
        %dma_start3A_3744 = arith.constant 0 : i32
        %dma_start3A_3745 = tpu.memref_slice %arg3[%multiple_of3A_3731, %dma_start3A_3744] : memref<1000000x64xf32, #tpu.memory_space<hbm>> -> memref<8x64xf32, #tpu.memory_space<hbm>>
        tpu.enqueue_dma source(%dma_start3A_3745 : memref<8x64xf32, #tpu.memory_space<hbm>>) target(%dma_start3A_3743 : memref<8x64xf32, #tpu.memory_space<vmem>>) target_semaphore(%arg11 : memref<!tpu.dma_semaphore, #tpu.memory_space<semaphore_mem>>)
        %slice3A_3746 = vector.extract_strided_slice %get3A_3490 {offsets = [15], sizes = [1], strides = [1]} : vector<16xi32> to vector<1xi32>
        %squeeze3A_3747 = vector.extract %slice3A_3746[0] : i32 from vector<1xi32>
        %multiple_of3A_3748 = tpu.assume_multiple %squeeze3A_3747, 8 : i32
        %dma_start3A_3749 = arith.constant 1 : i32
        %dma_start3A_3750 = arith.constant 15 : i32
        %dma_start3A_3751 = arith.constant 0 : i32
        %dma_start3A_3752 = arith.constant 0 : i32
        %dma_start3A_3753 = tpu.memref_slice %arg9[%dma_start3A_3749, %dma_start3A_3750, %dma_start3A_3751, %dma_start3A_3752] : memref<2x16x8x64xf32, #tpu.memory_space<vmem>> -> memref<1x1x8x64xf32, #tpu.memory_space<vmem>>
        %dma_start3A_3754 = tpu.memref_squeeze %dma_start3A_3753 : memref<1x1x8x64xf32, #tpu.memory_space<vmem>> -> memref<8x64xf32, #tpu.memory_space<vmem>>
        %dma_start3A_3755 = arith.constant 0 : i32
        %dma_start3A_3756 = tpu.memref_slice %arg3[%multiple_of3A_3748, %dma_start3A_3755] : memref<1000000x64xf32, #tpu.memory_space<hbm>> -> memref<8x64xf32, #tpu.memory_space<hbm>>
        %dma_start3A_3757 = arith.constant 0 : i32
        %dma_start3A_3758 = arith.constant 0 : i32
        %dma_start3A_3759 = tpu.memref_slice %arg9[%dma_start3A_3749, %dma_start3A_3750, %dma_start3A_3757, %dma_start3A_3758] : memref<2x16x8x64xf32, #tpu.memory_space<vmem>> -> memref<1x1x8x64xf32, #tpu.memory_space<vmem>>
        %dma_start3A_3760 = tpu.memref_squeeze %dma_start3A_3759 : memref<1x1x8x64xf32, #tpu.memory_space<vmem>> -> memref<8x64xf32, #tpu.memory_space<vmem>>
        %dma_start3A_3761 = arith.constant 0 : i32
        %dma_start3A_3762 = tpu.memref_slice %arg3[%multiple_of3A_3748, %dma_start3A_3761] : memref<1000000x64xf32, #tpu.memory_space<hbm>> -> memref<8x64xf32, #tpu.memory_space<hbm>>
        tpu.enqueue_dma source(%dma_start3A_3762 : memref<8x64xf32, #tpu.memory_space<hbm>>) target(%dma_start3A_3760 : memref<8x64xf32, #tpu.memory_space<vmem>>) target_semaphore(%arg11 : memref<!tpu.dma_semaphore, #tpu.memory_space<semaphore_mem>>)
      } else {
      }
    }
    %scan3A_1094 = arith.constant 16 : i32
    "tpu.region"() ({
      %run_scoped3A = tpu.sem_alloc : memref<!tpu.dma_semaphore, #tpu.memory_space<semaphore_mem>>
      %dma_start3A_1095 = arith.constant 0 : i32
      %dma_start3A_1096 = tpu.memref_slice %arg4[%mul3A_2, %dma_start3A_1095] : memref<16384x64xf32, #tpu.memory_space<hbm>> -> memref<512x64xf32, #tpu.memory_space<hbm>>
      %dma_start3A_1097 = arith.constant 0 : i32
      %dma_start3A_1098 = tpu.memref_slice %arg4[%mul3A_2, %dma_start3A_1097] : memref<16384x64xf32, #tpu.memory_space<hbm>> -> memref<512x64xf32, #tpu.memory_space<hbm>>
      tpu.enqueue_dma source(%arg8 : memref<512x64xf32, #tpu.memory_space<vmem>>) target(%dma_start3A_1098 : memref<512x64xf32, #tpu.memory_space<hbm>>) target_semaphore(%run_scoped3A : memref<!tpu.dma_semaphore, #tpu.memory_space<semaphore_mem>>)
      %dma_wait3A = arith.constant 0 : i32
      %dma_wait3A_1099 = tpu.memref_slice %arg4[%mul3A_2, %dma_wait3A] : memref<16384x64xf32, #tpu.memory_space<hbm>> -> memref<512x64xf32, #tpu.memory_space<hbm>>
      %dma_wait3A_1100 = arith.constant 0 : i32
      %dma_wait3A_1101 = tpu.memref_slice %arg4[%mul3A_2, %dma_wait3A_1100] : memref<16384x64xf32, #tpu.memory_space<hbm>> -> memref<512x64xf32, #tpu.memory_space<hbm>>
      tpu.wait_dma2 semaphore(%run_scoped3A : memref<!tpu.dma_semaphore, #tpu.memory_space<semaphore_mem>>) src(%arg8 : memref<512x64xf32, #tpu.memory_space<vmem>>) dst(%dma_wait3A_1101 : memref<512x64xf32, #tpu.memory_space<hbm>>)
      tpu.yield
    }) : () -> ()
    return
  }
}

</mosaic_0001>

<sc_bundles>
// kernel: kernel.3.cloned.1.call-start
scs
__scs_entry_jumppad:
0x0: {  	(pc) =	sbr.rel $0x88, $3  }
0x1: {  	(tag) =	ssettag $0x0;
	lr =	simm.s32 $0x1  }
0x2: {  	[smem:$0x3F9F] =	sst lr;
	_ =	strace $0xD0000000  }
0x3: {  	_ = 	snop  }
0x4: {  	_ = 	snop  }
0x5: {  	_ = 	snop  }
0x6: {  	_ = 	snop  }
0x7: {  	_ = 	snop  }
__scs_overlays_trampoline_lowered:
0x8: {  	[smem:$0x3FAE] =	sst s0  }
0x9: {  	[smem:$0x3FAF] =	sst s1  }
0xa: {  	[smem:$0x3FB0] =	sst s2  }
0xb: {  	[smem:$0x3FB1] =	sst s3  }
0xc: {  	[smem:$0x3FB2] =	sst s4  }
0xd: {  	[smem:$0x3FB3] =	sst s5  }
0xe: {  	[smem:$0x3FB4] =	sst s6  }
0xf: {  	[smem:$0x3FB5] =	sst s7  }
0x10: {  	[smem:$0x3FB6] =	sst s8  }
0x11: {  	[smem:$0x3FB7] =	sst s9;
	s0 =	simm.s32 @!p0 $0x0  }
0x12: {  	s1 =	sld [smem:$0x3F9D];
	s0 =	simm.s32 @p0 $0x1  }
0x13: {  	[smem:$0x3FB8] =	sst s0;
	s0 =	simm.s32 @!p1 $0x0  }
0x14: {  	s2 =	sld [smem:$0x3F9C];
	s0 =	simm.s32 @p1 $0x1  }
0x15: {  	[smem:$0x3FB9] =	sst s0;
	s0 =	simm.s32 @!p2 $0x0  }
0x16: {  	s3 =	sld [smem:$0x3FDB];
	s0 =	simm.s32 @p2 $0x1  }
0x17: {  	s4 =	simm.s32 $0x1BF5;
	[smem:$0x3FBB] =	sst s0  }
0x18: {  	s0 =	sld [smem:$0x3F9E];
	_ =	swait.ge [sflag:s4], $0x0  }
0x19: {  	s7 =	sld [smem:$0x3F9F]  }
0x1a: {  	s8 =	sadd.s32 $0xFFFFE003, lr  }
0x1b: {  	s9 =	sadd.s32 $0xFFFFFEF7, lr;
	s5 =	simm.s32 $0xFFFFFFFF;
	p2 =	slt.u32 s8, $0xFFFFF086  }
0x1c: {  	p1 =	slt.u32 s9, $0xF7A;
	s5 =	simm.s32 @!p2 $0x0  }
0x1d: {  	s5 =	simm.s32 @p1 $0x1;
	p0 =	seq.s32 s7, s2  }
0x1e: {  	s7 =	smul.u32 @!p0 $0xF7A, s2;
	p2 =	seq.s32 @!p0 s5, $0x0  }
0x1f: {  	s9 =	smul.u32 $0xF7A, s1;
	s8 =	simm.s32 @!p0 $0x1BF5;
	p2 =	por !p2, p0  }
0x20: {  	[sflag:s8] =	ssyncset.s32 @!p0 $0xFFFFF086;
	s6 =	sadd.s32 @!p0 s3, s7;
	s7 =	simm.s32 @!p0 $0x108  }
0x21: {  	s3 =	sadd.s32 s3, s9;
	s6 =	sadd.s32 @!p0 $0x88, s6;
	s7 =	simm.s32 @p2 $0x1082  }
0x22: {  	[simem:s7], [sflag:s8] =	dma.local @!p0 [hbm:s6], $0xF7A  }
0x23: {  	s9 =	sor.u32 $0xD0000000, s2;
	s6 =	simm.s32 $0x108;
	_ =	swait.ge @!p0 [sflag:s8], $0x0  }
0x24: {  	s3 =	sadd.s32 $0x88, s3;
	s6 =	simm.s32 @!p1 $0x1082;
	[sflag:s4] =	ssyncset.s32 $0xFFFFF086  }
0x25: {  	[simem:s6], [sflag:s4] =	dma.local [hbm:s3], $0xF7A  }
0x26: {  	[smem:$0x3F9F] =	sst s1;
	(tag) =	ssettag s2;
	_ =	strace s9  }
0x27: {  	s1 =	sld [smem:$0x3FAF]  }
0x28: {  	s2 =	sld [smem:$0x3FB0]  }
0x29: {  	s4 =	sld [smem:$0x3FB2]  }
0x2a: {  	p0 =	seq.s32 s5, $0x0;
	s5 =	sld [smem:$0x3FB3]  }
0x2b: {  	s6 =	sld [smem:$0x3FB4]  }
0x2c: {  	s7 =	sld [smem:$0x3FB5]  }
0x2d: {  	s3 =	simm.s32 $0x108;
	s8 =	sld [smem:$0x3FB6]  }
0x2e: {  	s3 =	simm.s32 @!p0 $0x1082;
	s9 =	sld [smem:$0x3FB7]  }
0x2f: {  	lr =	sadd.s32 s0, s3;
	s0 =	sld [smem:$0x3FAE]  }
0x30: {  	s3 =	sld [smem:$0x3FB1]  }
0x31: {  	[smem:$0x3FBA] =	sst s10  }
0x32: {  	s10 =	sld [smem:$0x3FB8];
	_ =	sdelay $0x3  }
0x33: {  	p0 =	seq.s32 s10, $0x1;
	s10 =	sld [smem:$0x3FBA];
	_ =	sdelay $0x3  }
0x34: {  	[smem:$0x3FBA] =	sst s10  }
0x35: {  	s10 =	sld [smem:$0x3FB9];
	_ =	sdelay $0x3  }
0x36: {  	p1 =	seq.s32 s10, $0x1;
	s10 =	sld [smem:$0x3FBA];
	_ =	sdelay $0x3  }
0x37: {  	[smem:$0x3FBA] =	sst s10  }
0x38: {  	s10 =	sld [smem:$0x3FBB]  }
0x39: {  	_ = 	snop;
	(pc) =	sbr.ind lr, $3  }
0x3a: {  	_ = 	snop  }
0x3b: {  	_ = 	snop  }
0x3c: {  	p2 =	seq.s32 s10, $0x1;
	s10 =	sld [smem:$0x3FBA]  }
0x3d: {  	_ =	shalt  }
0x3e: {  	_ =	shalt  }
0x3f: {  	_ =	shalt  }
0x40: {  	_ =	shalt  }
0x41: {  	_ =	shalt  }
0x42: {  	_ =	shalt  }
0x43: {  	_ =	shalt  }
0x44: {  	_ =	shalt  }
0x45: {  	_ =	shalt  }
0x46: {  	_ =	shalt  }
0x47: {  	_ =	shalt  }
0x48: {  	_ =	shalt  }
0x49: {  	_ =	shalt  }
0x4a: {  	_ =	shalt  }
0x4b: {  	_ =	shalt  }
0x4c: {  	_ =	shalt  }
0x4d: {  	_ =	shalt  }
0x4e: {  	_ =	shalt  }
0x4f: {  	_ =	shalt  }
0x50: {  	_ =	shalt  }
0x51: {  	_ =	shalt  }
0x52: {  	_ =	shalt  }
0x53: {  	_ =	shalt  }
0x54: {  	_ =	shalt  }
0x55: {  	_ =	shalt  }
0x56: {  	_ =	shalt  }
0x57: {  	_ =	shalt  }
0x58: {  	_ =	shalt  }
0x59: {  	_ =	shalt  }
0x5a: {  	_ =	shalt  }
0x5b: {  	_ =	shalt  }
0x5c: {  	_ =	shalt  }
0x5d: {  	_ =	shalt  }
0x5e: {  	_ =	shalt  }
0x5f: {  	_ =	shalt  }
0x60: {  	_ =	shalt  }
0x61: {  	_ =	shalt  }
0x62: {  	_ =	shalt  }
0x63: {  	_ =	shalt  }
0x64: {  	_ =	shalt  }
0x65: {  	_ =	shalt  }
0x66: {  	_ =	shalt  }
0x67: {  	_ =	shalt  }
0x68: {  	_ =	shalt  }
0x69: {  	_ =	shalt  }
0x6a: {  	_ =	shalt  }
0x6b: {  	_ =	shalt  }
0x6c: {  	_ =	shalt  }
0x6d: {  	_ =	shalt  }
0x6e: {  	_ =	shalt  }
0x6f: {  	_ =	shalt  }
0x70: {  	_ =	shalt  }
0x71: {  	_ =	shalt  }
0x72: {  	_ =	shalt  }
0x73: {  	_ =	shalt  }
0x74: {  	_ =	shalt  }
0x75: {  	_ =	shalt  }
0x76: {  	_ =	shalt  }
0x77: {  	_ =	shalt  }
0x78: {  	_ =	shalt  }
0x79: {  	_ =	shalt  }
0x7a: {  	_ =	shalt  }
0x7b: {  	_ =	shalt  }
0x7c: {  	_ =	shalt  }
0x7d: {  	_ =	shalt  }
0x7e: {  	_ =	shalt  }
0x7f: {  	_ =	shalt  }
0x80: {  	_ =	shalt  }
0x81: {  	_ =	shalt  }
0x82: {  	_ =	shalt  }
0x83: {  	_ =	shalt  }
0x84: {  	_ =	shalt  }
0x85: {  	_ =	shalt  }
0x86: {  	_ =	shalt  }
0x87: {  	_ =	shalt  }
.Lfunc_end0:
.L_simem_size_0:
called_computation_lowered:
.L_overlay_start_0:
0x88: {  	s2 =	sld [smem:$0x3FD9]  }
0x89: {  	s3 =	sld [smem:$0x3FFE];
	_ =	sdelay $0x1  }
0x8a: {  	s1 =	srdreg.scid  }
0x8b: {  	s0 =	sand.u32 $0x1, s1  }
0x8c: {  	s17 =	sshll.u32 s0, $0xA;
	s2 =	sadd.s32 s3, s2  }
0x8d: {  	s2 =	sadd.s32 s2, s17  }
0x8e: {  	[smem:$0x3FC6] =	sst s2  }
0x8f: {  	_ = 	snop  }
0x90: {  	s2 =	sld [smem:$0x3FC9];
	(tm) =	ssettm $0x1  }
0x91: {  	s18 =	sld [smem:$0x3FFB];
	_ =	sdelay $0x3  }
0x92: {  	_ =	strace s18  }
0x93: {  	s3 =	sld [smem:$0x3FFC];
	_ =	sdelay $0x3  }
0x94: {  	_ =	strace s3  }
0x95: {  	s3 =	sld [smem:$0x3FFD];
	_ =	sdelay $0x3  }
0x96: {  	_ =	strace s3  }
0x97: {  	_ =	strace $0x8FFFFFFF  }
0x98: {  	s19 =	sld [smem:$0x3FDB];
	_ =	sdelay $0x1  }
0x99: {  	s4 =	simm.s32 $_scs_section_size  }
0x9a: {  	s5 =	simm.s32 $_size__tile_overlayer_lowered;
	s6 =	simm.s32 $_tile_overlayer_lowered  }
0x9b: {  	s22 =	simm.s32 $0x1BFF;
	s21 =	sshll.u32 s6, $0x1;
	s3 =	sadd.s32 s4, s19  }
0x9c: {  	s7 =	simm.s32 $0x0;
	s20 =	sshll.u32 s5, $0x1;
	s5 =	sadd.s32 s21, s3  }
0x9d: {  	[timem:s7], [sflag:s22] =	dma.local [hbm:s5], s20  }
0x9e: {  	_ =	swait.ge [sflag:s22], s20  }
0x9f: {  	s4 =	ssub.s32 $0x0, s20;
	[sflag:s22] =	ssyncset.done $0x0  }
0xa0: {  	[sflag:s22] =	ssyncadd.s32 s4;
	_ =	sdelay $0x1  }
0xa1: {  	s23 =	simm.s32 $0x1B8B  }
0xa2: {  	_ =	swait.ge [sflag:s23], $0x1  }
0xa3: {  	[sflag:s23] =	ssyncset.done $0x0  }
0xa4: {  	s25 =	simm.s32 $0x1B8E;
	s24 =	sld [smem:$0x3FFE];
	[sflag:s23] =	ssyncadd.s32 $0xFFFFFFFF  }
0xa5: {  	s26 =	simm.s32 $execute0_lowered;
	[smem:$0x3FD2] =	sst s25  }
0xa6: {  	s5 =	sshll.u32 s26, $0x1;
	_ =	strace $0x80000046;
	[dreg:$0x1] =	wrdreg $0xFFFFFFFF  }
0xa7: {  	s28 =	simm.s32 $_size_execute0_lowered;
	s3 =	sadd.s32 s3, s5;
	[dreg:$0x0] =	wrdreg $0x0  }
0xa8: {  	s5 =	sshll.u32 s28, $0x1;
	[dreg:$0x2] =	wrdreg s3  }
0xa9: {  	[dreg:$0x3] =	wrdreg s5  }
0xaa: {  	[dreg:$0x4] =	wrdreg $0xC0  }
0xab: {  	_ =	task [dreg:s7], $0x5FFFF  }
0xac: {  	[dreg:$0x1] =	wrdreg $0xFFFFFFFF  }
0xad: {  	[dreg:$0x0] =	wrdreg $0x60  }
0xae: {  	[dreg:$0x2] =	wrdreg s2  }
0xaf: {  	[dreg:$0x3] =	wrdreg s24  }
0xb0: {  	[dreg:$0x4] =	wrdreg $0x9  }
0xb1: {  	_ =	task.clear_ibuf [dreg:s7], $0x5FFFF;
	_ =	strace $0x90000046  }
0xb2: {  	s29 =	simm.s32 $0x9;
	_ =	strace $0x80000048  }
0xb3: {  	_ =	swait.ge [sflag:s29], $0x1  }
0xb4: {  	[sflag:s29] =	ssyncadd.s32 $0xFFFFFFFF  }
0xb5: {  	_ =	strace $0x90000048  }
0xb6: {  	_ =	sfence  }
0xb7: {  	s30 =	sld [smem:$0x0];
	_ =	sdelay $0x2  }
0xb8: {  	s31 =	sshll.u32 s1, $0xD;
	s1 =	sshrl.u32 s1, $0x2  }
0xb9: {  	s3 =	sand.u32 $0x4000, s31;
	s1 =	sadd.s32 s1, s30  }
0xba: {  	s0 =	sor.u32 s3, s0;
	s1 =	sshll.u32 s1, $0x11  }
0xbb: {  	s0 =	sor.u32 s1, s0  }
0xbc: {  	s0 =	sadd.s32 $0x8F2B, s0  }
0xbd: {  	[sflag:s0] =	ssyncadd.remote.s32 $0x1  }
0xbe: {  	_ =	sfence.sel $0xFFFF  }
0xbf: {  	[dreg:$0x0] =	wrdreg $0xFFFFFFFF;
	(pc) =	sbr.abs _section_cstart, $3  }
0xc0: {  	[dreg:$0x1] =	wrdreg $0xFFFFFFFF  }
0xc1: {  	_ =	task.clear_ibuf [dreg:s7], $0x2FFFF;
	_ =	strace $0x9FFFFFFF  }
0xc2: {  	(tm) =	ssettm $0x7FFFFFFF  }
0xc3: {  	_ =	shalt  }
tec
execute0_lowered:
.L_overlay_start_1:
0x0: {  	(tag) =	ssettag $0x1  }
0x1: {  	s0 =	rddreg [dreg:$0x0]  }
0x2: {  	s1 =	rddreg [dreg:$0x1];
	s2 =	simm.s32 $0x0  }
0x3: {  	s3 =	srdreg.scid;
	s5 =	stileid.u32;
	s14 =	simm.s32 $0x3  }
0x4: {  	s18 =	simm.s32 $0x12E00;
	s19 =	simm.s32 $0x13200;
	s20 =	simm.s32 $0x13600  }
0x5: {  	s21 =	simm.s32 $0x13A00;
	s22 =	simm.s32 $0x13E00;
	s23 =	simm.s32 $0x14200  }
0x6: {  	s24 =	simm.s32 $0x14600;
	s28 =	simm.s32 $0x15200;
	s29 =	simm.s32 $0x15600  }
0x7: {  	s30 =	simm.s32 $0x15A00;
	s31 =	simm.s32 $0x15E00;
	s8 =	simm.s32 $0x17A00  }
0x8: {  	s9 =	simm.s32 $0x17E00;
	s10 =	simm.s32 $0x18200;
	s11 =	simm.s32 $0x1  }
0x9: {  	s12 =	simm.s32 $0x2;
	s15 =	simm.s32 $0x0;
	s4 =	sand.u32 $0x1, s3  }
0xa: {  	[smem:$0x7FF] =	sst s2;
	s5 =	sshll.u32 s5, $0xA;
	s6 =	sshll.u32 s4, $0x9  }
0xb: {  	s3 =	sadd.s32 $0x400, s1;
	s4 =	ssub.s32 $0x2, s4;
	s5 =	sor.u32 s6, s5  }
0xc: {  	_ =	strace $0x80000047;
	s7 =	sshrl.u32 s4, $0x1;
	s6 =	sshll.u32 s5, $0x4  }
0xd: {  	s5 =	sshrl.u32 s5, $0x3;
	s4 =	ssub.s32 s4, s7;
	s7 =	simm.s32 $0x17600  }
.Ltmp0:
0xe: {  	s1 =	sadd.s32 s6, s1;
	s0 =	sadd.s32 s0, s5;
	(pc) =	sbr.rel .LBB2_1-.Ltmp0, $4  }
0xf: {  	s26 =	smax.u32 s4, $0x1;
	s4 =	simm.s32 $0x16A00;
	s5 =	simm.s32 $0x16E00  }
0x10: {  	s6 =	simm.s32 $0x17200;
	[dreg:$0x3] =	wrdreg s0;
	s25 =	sadd.s32 $0xF42800, s1  }
0x11: {  	[dreg:$0x5] =	wrdreg s26;
	s26 =	simm.s32 $0x14E00;
	s0 =	simm.s32 $0x16200  }
0x12: {  	s1 =	simm.s32 $0x16600;
	[dreg:$0x4] =	wrdreg s25;
	s25 =	simm.s32 $0x14A00  }
.LBB2_6:
0x13: {  	s13 =	rddreg [dreg:$0x4];
	s14 =	simm.s32 $0x600  }
0x14: {  	[hbm4b:s13+s2] =	stream.linear.scatter [tilespmem:s14], [sflag:$0x3], $0x10000, $0x38;
	[tilespmem:$0x18600] =	vst v63  }
0x15: {  	s14 =	simm.s32 $0x3  }
0x16: {  	_ =	swait.ge [sflag:s14], $0x10000  }
0x17: {  	s15 =	rddreg [dreg:$0x6]  }
0x18: {  	s17 =	rddreg [dreg:$0x5];
	s15 =	sadd.s32 $0x1, s15  }
0x19: {  	p0 =	sne.s32 s15, s17  }
.Ltmp1:
0x1a: {  	_ = 	snop;
	(pc) =	sbr.rel @!p0 .LBB2_7-.Ltmp1, $3  }
0x1b: {  	_ =	sdelay $0x1  }
0x1c: {  	[sflag:s14] =	ssyncset.done $0x0  }
0x1d: {  	[sflag:s14] =	ssyncadd.s32 $0xFFFF0000  }
.LBB2_1:
0x1e: {  	[dreg:$0x6] =	wrdreg s15  }
0x1f: {  	s13 =	rddreg [dreg:$0x3]  }
0x20: {  	[tilespmem:s2], [sflag:$0x3] =	stream.linear.gather [hbm4b:s13+s2], $0x200, $0x38;
	[tilespmem:$0x18600] =	vst v63  }
0x21: {  	_ =	swait.ge [sflag:s14], $0x200  }
0x22: {  	[sflag:s14] =	ssyncset.done $0x0  }
0x23: {  	[sflag:s14] =	ssyncadd.s32 $0xFFFFFE00  }
0x24: {  	v0 =	vld [tilespmem:$0x0];
	_ =	sdelay $0x1  }
0x25: {  	v1 =	vld [tilespmem:$0x10];
	_ =	sdelay $0x1  }
0x26: {  	v2 =	vld [tilespmem:$0x20]  }
0x27: {  	v3 =	vand.u32 $0xFFFFFFF8, v0  }
0x28: {  	v30 =	vld [tilespmem:$0x30];
	v0 =	vand.u32 $0x7, v0;
	[tilespmem:$0x200] =	vst v3  }
0x29: {  	v31 =	vand.u32 $0xFFFFFFF8, v1;
	[tilespmem:$0x400] =	vst v0  }
0x2a: {  	v33 =	vld [tilespmem:$0x40];
	v32 =	vand.u32 $0x7, v1;
	[tilespmem:$0x210] =	vst v31  }
0x2b: {  	v34 =	vand.u32 $0xFFFFFFF8, v2;
	[tilespmem:$0x410] =	vst v32  }
0x2c: {  	v36 =	vld [tilespmem:$0x50];
	v35 =	vand.u32 $0x7, v2;
	[tilespmem:$0x220] =	vst v34  }
0x2d: {  	v37 =	vand.u32 $0xFFFFFFF8, v30;
	[tilespmem:$0x420] =	vst v35  }
0x2e: {  	v39 =	vld [tilespmem:$0x60];
	v38 =	vand.u32 $0x7, v30;
	[tilespmem:$0x230] =	vst v37  }
0x2f: {  	v40 =	vand.u32 $0xFFFFFFF8, v33;
	[tilespmem:$0x430] =	vst v38  }
0x30: {  	v42 =	vld [tilespmem:$0x70];
	v41 =	vand.u32 $0x7, v33;
	[tilespmem:$0x240] =	vst v40  }
0x31: {  	v43 =	vand.u32 $0xFFFFFFF8, v36;
	[tilespmem:$0x440] =	vst v41  }
0x32: {  	v45 =	vld [tilespmem:$0x80];
	v44 =	vand.u32 $0x7, v36;
	[tilespmem:$0x250] =	vst v43  }
0x33: {  	v46 =	vand.u32 $0xFFFFFFF8, v39;
	[tilespmem:$0x450] =	vst v44  }
0x34: {  	v48 =	vld [tilespmem:$0x90];
	v47 =	vand.u32 $0x7, v39;
	[tilespmem:$0x260] =	vst v46  }
0x35: {  	v49 =	vand.u32 $0xFFFFFFF8, v42;
	[tilespmem:$0x460] =	vst v47  }
0x36: {  	v51 =	vld [tilespmem:$0xA0];
	v50 =	vand.u32 $0x7, v42;
	[tilespmem:$0x270] =	vst v49  }
0x37: {  	v52 =	vand.u32 $0xFFFFFFF8, v45;
	[tilespmem:$0x470] =	vst v50  }
0x38: {  	v54 =	vld [tilespmem:$0xB0];
	v53 =	vand.u32 $0x7, v45;
	[tilespmem:$0x280] =	vst v52  }
0x39: {  	v55 =	vand.u32 $0xFFFFFFF8, v48;
	[tilespmem:$0x480] =	vst v53  }
0x3a: {  	v57 =	vld [tilespmem:$0xC0];
	v56 =	vand.u32 $0x7, v48;
	[tilespmem:$0x290] =	vst v55  }
0x3b: {  	v58 =	vand.u32 $0xFFFFFFF8, v51;
	[tilespmem:$0x490] =	vst v56  }
0x3c: {  	v60 =	vld [tilespmem:$0xD0];
	v59 =	vand.u32 $0x7, v51;
	[tilespmem:$0x2A0] =	vst v58  }
0x3d: {  	v61 =	vand.u32 $0xFFFFFFF8, v54;
	[tilespmem:$0x4A0] =	vst v59  }
0x3e: {  	v63 =	vld [tilespmem:$0xE0];
	v62 =	vand.u32 $0x7, v54;
	[tilespmem:$0x2B0] =	vst v61  }
0x3f: {  	v6 =	vand.u32 $0xFFFFFFF8, v57;
	[tilespmem:$0x4B0] =	vst v62  }
0x40: {  	v8 =	vld [tilespmem:$0xF0];
	v7 =	vand.u32 $0x7, v57;
	[tilespmem:$0x2C0] =	vst v6  }
0x41: {  	v9 =	vand.u32 $0xFFFFFFF8, v60;
	[tilespmem:$0x4C0] =	vst v7  }
0x42: {  	v11 =	vld [tilespmem:$0x100];
	v10 =	vand.u32 $0x7, v60;
	[tilespmem:$0x2D0] =	vst v9  }
0x43: {  	v12 =	vand.u32 $0xFFFFFFF8, v63;
	[tilespmem:$0x4D0] =	vst v10  }
0x44: {  	v14 =	vld [tilespmem:$0x110];
	v13 =	vand.u32 $0x7, v63;
	[tilespmem:$0x2E0] =	vst v12  }
0x45: {  	v15 =	vand.u32 $0xFFFFFFF8, v8;
	[tilespmem:$0x4E0] =	vst v13  }
0x46: {  	v17 =	vld [tilespmem:$0x120];
	v16 =	vand.u32 $0x7, v8;
	[tilespmem:$0x2F0] =	vst v15  }
0x47: {  	v18 =	vand.u32 $0xFFFFFFF8, v11;
	[tilespmem:$0x4F0] =	vst v16  }
0x48: {  	v20 =	vld [tilespmem:$0x130];
	v19 =	vand.u32 $0x7, v11;
	[tilespmem:$0x300] =	vst v18  }
0x49: {  	v23 =	vld [tilespmem:$0x140];
	v21 =	vand.u32 $0xFFFFFFF8, v14;
	[tilespmem:$0x500] =	vst v19  }
0x4a: {  	v26 =	vld [tilespmem:$0x150];
	v22 =	vand.u32 $0x7, v14;
	[tilespmem:$0x310] =	vst v21  }
0x4b: {  	v24 =	vand.u32 $0xFFFFFFF8, v17;
	[tilespmem:$0x510] =	vst v22;
	v32 =	vld [tilespmem:$0x200]  }
0x4c: {  	v29 =	vld [tilespmem:$0x160];
	v25 =	vand.u32 $0x7, v17;
	[tilespmem:$0x320] =	vst v24  }
0x4d: {  	v4 =	vld [tilespmem:$0x170];
	v27 =	vand.u32 $0xFFFFFFF8, v20;
	[tilespmem:$0x520] =	vst v25  }
0x4e: {  	v28 =	vand.u32 $0x7, v20;
	[tilespmem:$0x330] =	vst v27  }
0x4f: {  	v30 =	vand.u32 $0xFFFFFFF8, v23;
	[tilespmem:$0x530] =	vst v28  }
0x50: {  	v33 =	vand.u32 $0xFFFFFFF8, v26;
	[tilespmem:$0x340] =	vst v30;
	v2 =	vshll.u32 v32, $0x4  }
0x51: {  	v36 =	vand.u32 $0xFFFFFFF8, v29;
	[tilespmem:$0x350] =	vst v33;
	(v2sf) =	vpush v2, $0x0  }
0x52: {  	v39 =	vand.u32 $0xFFFFFFF8, v4;
	v35 =	vld [tilespmem:$0x180];
	[tilespmem:$0x360] =	vst v36  }
0x53: {  	v31 =	vand.u32 $0x7, v23;
	[tilespmem:$0x370] =	vst v39;
	(v2sf) =	vpush v2, $0x1  }
0x54: {  	v34 =	vand.u32 $0x7, v26;
	v38 =	vld [tilespmem:$0x190];
	[tilespmem:$0x540] =	vst v31  }
0x55: {  	v37 =	vand.u32 $0x7, v29;
	[tilespmem:$0x550] =	vst v34;
	(v2sf) =	vpush v2, $0x2  }
0x56: {  	v40 =	vand.u32 $0x7, v4;
	v41 =	vld [tilespmem:$0x1A0];
	[tilespmem:$0x560] =	vst v37  }
0x57: {  	[tilespmem:$0x570] =	vst v40;
	v42 =	vand.u32 $0xFFFFFFF8, v35  }
0x58: {  	v44 =	vld [tilespmem:$0x1B0];
	v43 =	vand.u32 $0x7, v35;
	[tilespmem:$0x380] =	vst v42  }
0x59: {  	v45 =	vand.u32 $0xFFFFFFF8, v38;
	[tilespmem:$0x580] =	vst v43  }
0x5a: {  	v47 =	vld [tilespmem:$0x1C0];
	v46 =	vand.u32 $0x7, v38;
	[tilespmem:$0x390] =	vst v45  }
0x5b: {  	v48 =	vand.u32 $0xFFFFFFF8, v41;
	[tilespmem:$0x590] =	vst v46  }
0x5c: {  	v50 =	vld [tilespmem:$0x1D0];
	v49 =	vand.u32 $0x7, v41;
	[tilespmem:$0x3A0] =	vst v48  }
0x5d: {  	v51 =	vand.u32 $0xFFFFFFF8, v44;
	[tilespmem:$0x5A0] =	vst v49  }
0x5e: {  	v53 =	vld [tilespmem:$0x1E0];
	v52 =	vand.u32 $0x7, v44;
	[tilespmem:$0x3B0] =	vst v51;
	(v2sf) =	vpush v2, $0x3  }
0x5f: {  	v54 =	vand.u32 $0xFFFFFFF8, v47;
	[tilespmem:$0x5B0] =	vst v52  }
0x60: {  	v56 =	vld [tilespmem:$0x1F0];
	v55 =	vand.u32 $0x7, v47;
	[tilespmem:$0x3C0] =	vst v54;
	s16 =	spop (v2sf);
	(v2sf) =	vpush v2, $0x4  }
0x61: {  	v57 =	vand.u32 $0xFFFFFFF8, v50;
	[tilespmem:$0x5C0] =	vst v55  }
0x62: {  	v58 =	vand.u32 $0x7, v50;
	[tilespmem:$0x3D0] =	vst v57;
	s14 =	spop (v2sf);
	(v2sf) =	vpush v2, $0x5  }
0x63: {  	v59 =	vand.u32 $0xFFFFFFF8, v53;
	[tilespmem:$0x5D0] =	vst v58  }
0x64: {  	v60 =	vand.u32 $0x7, v53;
	[tilespmem:$0x3E0] =	vst v59;
	s13 =	sand.u32 $0xFFFFF80, s16;
	s16 =	spop (v2sf);
	(v2sf) =	vpush v2, $0x6  }
0x65: {  	v61 =	vand.u32 $0xFFFFFFF8, v56;
	[tilespmem:$0x5E0] =	vst v60  }
0x66: {  	v62 =	vand.u32 $0x7, v56;
	[tilespmem:$0x3F0] =	vst v61  }
0x67: {  	s17 =	simm.s32 $0x10600;
	[tilespmem:$0x5F0] =	vst v62;
	s13 =	sadd.s32 s3, s13;
	(v2sf) =	vpush v2, $0x7  }
0x68: {  	[tilespmem:s17], [sflag:$0x1] =	stream.linear.gather [hbm4b:s13+s2], $0x400, $0x38;
	[tilespmem:$0x18600] =	vst v63  }
0x69: {  	s13 =	sand.u32 $0xFFFFF80, s14  }
0x6a: {  	s15 =	simm.s32 $0x10A00;
	s13 =	sadd.s32 s3, s13  }
0x6b: {  	[tilespmem:s15], [sflag:$0x1] =	stream.linear.gather [hbm4b:s13+s2], $0x400, $0x38;
	[tilespmem:$0x18600] =	vst v63  }
0x6c: {  	s13 =	sand.u32 $0xFFFFF80, s16  }
0x6d: {  	s17 =	simm.s32 $0x10E00;
	s14 =	spop (v2sf);
	s13 =	sadd.s32 s3, s13  }
0x6e: {  	[tilespmem:s17], [sflag:$0x1] =	stream.linear.gather [hbm4b:s13+s2], $0x400, $0x38;
	[tilespmem:$0x18600] =	vst v63  }
0x6f: {  	s16 =	spop (v2sf);
	(v2sf) =	vpush v2, $0x8  }
0x70: {  	s13 =	sand.u32 $0xFFFFF80, s14  }
0x71: {  	s15 =	simm.s32 $0x11200;
	s13 =	sadd.s32 s3, s13;
	s14 =	spop (v2sf);
	(v2sf) =	vpush v2, $0x9  }
0x72: {  	[tilespmem:s15], [sflag:$0x1] =	stream.linear.gather [hbm4b:s13+s2], $0x400, $0x38;
	[tilespmem:$0x18600] =	vst v63  }
0x73: {  	s13 =	sand.u32 $0xFFFFF80, s16;
	s16 =	spop (v2sf);
	(v2sf) =	vpush v2, $0xA  }
0x74: {  	s17 =	simm.s32 $0x11600;
	s13 =	sadd.s32 s3, s13  }
0x75: {  	[tilespmem:s17], [sflag:$0x1] =	stream.linear.gather [hbm4b:s13+s2], $0x400, $0x38;
	[tilespmem:$0x18600] =	vst v63  }
0x76: {  	s13 =	sand.u32 $0xFFFFF80, s14;
	s14 =	spop (v2sf);
	(v2sf) =	vpush v2, $0xB;
	_ =	sdelay $0x1  }
0x77: {  	s15 =	simm.s32 $0x11A00;
	s13 =	sadd.s32 s3, s13  }
0x78: {  	[tilespmem:s15], [sflag:$0x1] =	stream.linear.gather [hbm4b:s13+s2], $0x400, $0x38;
	[tilespmem:$0x18600] =	vst v63  }
0x79: {  	s13 =	sand.u32 $0xFFFFF80, s16  }
0x7a: {  	s17 =	simm.s32 $0x11E00;
	s13 =	sadd.s32 s3, s13  }
0x7b: {  	[tilespmem:s17], [sflag:$0x1] =	stream.linear.gather [hbm4b:s13+s2], $0x400, $0x38;
	[tilespmem:$0x18600] =	vst v63  }
0x7c: {  	s13 =	sand.u32 $0xFFFFF80, s14  }
0x7d: {  	s15 =	simm.s32 $0x12200;
	s13 =	sadd.s32 s3, s13;
	s16 =	spop (v2sf);
	(v2sf) =	vpush v2, $0xC  }
0x7e: {  	[tilespmem:s15], [sflag:$0x1] =	stream.linear.gather [hbm4b:s13+s2], $0x400, $0x38;
	[tilespmem:$0x18600] =	vst v63  }
0x7f: {  	s14 =	spop (v2sf);
	(v2sf) =	vpush v2, $0xD  }
0x80: {  	s13 =	sand.u32 $0xFFFFF80, s16  }
0x81: {  	s17 =	simm.s32 $0x12600;
	s13 =	sadd.s32 s3, s13;
	s16 =	spop (v2sf)  }
0x82: {  	(v2sf) =	vpush v2, $0xE;
	[tilespmem:s17], [sflag:$0x1] =	stream.linear.gather [hbm4b:s13+s2], $0x400, $0x38;
	[tilespmem:$0x18600] =	vst v63  }
0x83: {  	s13 =	sand.u32 $0xFFFFF80, s14  }
0x84: {  	s15 =	simm.s32 $0x12A00;
	s17 =	spop (v2sf);
	s13 =	sadd.s32 s3, s13  }
0x85: {  	(v2sf) =	vpush v2, $0xF;
	[tilespmem:s15], [sflag:$0x1] =	stream.linear.gather [hbm4b:s13+s2], $0x400, $0x38;
	[tilespmem:$0x18600] =	vst v63  }
0x86: {  	s13 =	sand.u32 $0xFFFFF80, s16  }
0x87: {  	s13 =	sadd.s32 s3, s13  }
0x88: {  	[tilespmem:s18], [sflag:$0x1] =	stream.linear.gather [hbm4b:s13+s2], $0x400, $0x38;
	[tilespmem:$0x18600] =	vst v63  }
0x89: {  	s13 =	sand.u32 $0xFFFFF80, s17  }
0x8a: {  	s13 =	sadd.s32 s3, s13  }
0x8b: {  	[tilespmem:s19], [sflag:$0x1] =	stream.linear.gather [hbm4b:s13+s2], $0x400, $0x38;
	[tilespmem:$0x18600] =	vst v63  }
0x8c: {  	s14 =	spop (v2sf)  }
0x8d: {  	s13 =	sand.u32 $0xFFFFF80, s14  }
0x8e: {  	s15 =	spop (v2sf);
	s13 =	sadd.s32 s3, s13  }
0x8f: {  	[tilespmem:s20], [sflag:$0x1] =	stream.linear.gather [hbm4b:s13+s2], $0x400, $0x38;
	[tilespmem:$0x18600] =	vst v63  }
0x90: {  	s13 =	sand.u32 $0xFFFFF80, s15  }
0x91: {  	s16 =	spop (v2sf);
	s13 =	sadd.s32 s3, s13  }
0x92: {  	[tilespmem:s21], [sflag:$0x1] =	stream.linear.gather [hbm4b:s13+s2], $0x400, $0x38;
	[tilespmem:$0x18600] =	vst v63  }
0x93: {  	s13 =	sand.u32 $0xFFFFF80, s16  }
0x94: {  	s17 =	spop (v2sf);
	s13 =	sadd.s32 s3, s13  }
0x95: {  	[tilespmem:s22], [sflag:$0x1] =	stream.linear.gather [hbm4b:s13+s2], $0x400, $0x38;
	[tilespmem:$0x18600] =	vst v63  }
0x96: {  	s13 =	sand.u32 $0xFFFFF80, s17  }
0x97: {  	s13 =	sadd.s32 s3, s13  }
0x98: {  	[tilespmem:s23], [sflag:$0x1] =	stream.linear.gather [hbm4b:s13+s2], $0x400, $0x38;
	[tilespmem:$0x18600] =	vst v63  }
0x99: {  	v63 =	vld [tilespmem:$0x210];
	_ =	sdelay $0x4  }
0x9a: {  	v0 =	vshll.u32 v63, $0x4  }
0x9b: {  	(v2sf) =	vpush v0, $0x0;
	_ =	sdelay $0x2  }
0x9c: {  	(v2sf) =	vpush v0, $0x1  }
0x9d: {  	(v2sf) =	vpush v0, $0x2;
	_ =	sdelay $0x2  }
0x9e: {  	(v2sf) =	vpush v0, $0x3;
	_ =	sdelay $0x1  }
0x9f: {  	(v2sf) =	vpush v0, $0x4;
	_ =	sdelay $0x5  }
0xa0: {  	s14 =	spop (v2sf);
	(v2sf) =	vpush v0, $0x5;
	_ =	sdelay $0x2  }
0xa1: {  	s13 =	sand.u32 $0xFFFFF80, s14;
	s15 =	spop (v2sf)  }
0xa2: {  	s13 =	sadd.s32 s3, s13;
	s16 =	spop (v2sf)  }
0xa3: {  	(v2sf) =	vpush v0, $0x6;
	[tilespmem:s24], [sflag:$0x2] =	stream.linear.gather [hbm4b:s13+s2], $0x400, $0x38;
	[tilespmem:$0x18600] =	vst v63  }
0xa4: {  	s13 =	sand.u32 $0xFFFFF80, s15  }
0xa5: {  	s17 =	spop (v2sf);
	(v2sf) =	vpush v0, $0x7;
	s13 =	sadd.s32 s3, s13  }
0xa6: {  	[tilespmem:s25], [sflag:$0x2] =	stream.linear.gather [hbm4b:s13+s2], $0x400, $0x38;
	[tilespmem:$0x18600] =	vst v63  }
0xa7: {  	s14 =	spop (v2sf);
	(v2sf) =	vpush v0, $0x8;
	s13 =	sand.u32 $0xFFFFF80, s16  }
0xa8: {  	s13 =	sadd.s32 s3, s13  }
0xa9: {  	[tilespmem:s26], [sflag:$0x2] =	stream.linear.gather [hbm4b:s13+s2], $0x400, $0x38;
	[tilespmem:$0x18600] =	vst v63  }
0xaa: {  	s13 =	sand.u32 $0xFFFFF80, s17  }
0xab: {  	s13 =	sadd.s32 s3, s13  }
0xac: {  	[tilespmem:s28], [sflag:$0x2] =	stream.linear.gather [hbm4b:s13+s2], $0x400, $0x38;
	[tilespmem:$0x18600] =	vst v63  }
0xad: {  	s15 =	spop (v2sf);
	(v2sf) =	vpush v0, $0x9  }
0xae: {  	s13 =	sand.u32 $0xFFFFF80, s14  }
0xaf: {  	s13 =	sadd.s32 s3, s13;
	(v2sf) =	vpush v0, $0xA  }
0xb0: {  	[tilespmem:s29], [sflag:$0x2] =	stream.linear.gather [hbm4b:s13+s2], $0x400, $0x38;
	[tilespmem:$0x18600] =	vst v63  }
0xb1: {  	s13 =	sand.u32 $0xFFFFF80, s15  }
0xb2: {  	s13 =	sadd.s32 s3, s13;
	s16 =	spop (v2sf)  }
0xb3: {  	(v2sf) =	vpush v0, $0xB;
	[tilespmem:s30], [sflag:$0x2] =	stream.linear.gather [hbm4b:s13+s2], $0x400, $0x38;
	[tilespmem:$0x18600] =	vst v63  }
0xb4: {  	s17 =	spop (v2sf);
	(v2sf) =	vpush v0, $0xC  }
0xb5: {  	s13 =	sand.u32 $0xFFFFF80, s16  }
0xb6: {  	s13 =	sadd.s32 s3, s13;
	s14 =	spop (v2sf);
	(v2sf) =	vpush v0, $0xD  }
0xb7: {  	[tilespmem:s31], [sflag:$0x2] =	stream.linear.gather [hbm4b:s13+s2], $0x400, $0x38;
	[tilespmem:$0x18600] =	vst v63  }
0xb8: {  	s13 =	sand.u32 $0xFFFFF80, s17  }
0xb9: {  	s13 =	sadd.s32 s3, s13  }
0xba: {  	[tilespmem:s0], [sflag:$0x2] =	stream.linear.gather [hbm4b:s13+s2], $0x400, $0x38;
	[tilespmem:$0x18600] =	vst v63  }
0xbb: {  	s13 =	sand.u32 $0xFFFFF80, s14  }
0xbc: {  	s13 =	sadd.s32 s3, s13;
	s15 =	spop (v2sf);
	(v2sf) =	vpush v0, $0xE  }
0xbd: {  	[tilespmem:s1], [sflag:$0x2] =	stream.linear.gather [hbm4b:s13+s2], $0x400, $0x38;
	[tilespmem:$0x18600] =	vst v63  }
0xbe: {  	s16 =	spop (v2sf);
	(v2sf) =	vpush v0, $0xF  }
0xbf: {  	s13 =	sand.u32 $0xFFFFF80, s15  }
0xc0: {  	s13 =	sadd.s32 s3, s13  }
0xc1: {  	[tilespmem:s4], [sflag:$0x2] =	stream.linear.gather [hbm4b:s13+s2], $0x400, $0x38;
	[tilespmem:$0x18600] =	vst v63  }
0xc2: {  	s17 =	spop (v2sf);
	s13 =	sand.u32 $0xFFFFF80, s16  }
0xc3: {  	s14 =	sand.u32 $0xFFFFF80, s17;
	s15 =	spop (v2sf);
	s13 =	sadd.s32 s3, s13  }
0xc4: {  	[tilespmem:s5], [sflag:$0x2] =	stream.linear.gather [hbm4b:s13+s2], $0x400, $0x38;
	[tilespmem:$0x18600] =	vst v63  }
0xc5: {  	s16 =	sand.u32 $0xFFFFF80, s15;
	s17 =	spop (v2sf);
	s13 =	sadd.s32 s3, s14  }
0xc6: {  	[tilespmem:s6], [sflag:$0x2] =	stream.linear.gather [hbm4b:s13+s2], $0x400, $0x38;
	[tilespmem:$0x18600] =	vst v63  }
0xc7: {  	s14 =	sand.u32 $0xFFFFF80, s17;
	s13 =	sadd.s32 s3, s16  }
0xc8: {  	[tilespmem:s7], [sflag:$0x2] =	stream.linear.gather [hbm4b:s13+s2], $0x400, $0x38;
	[tilespmem:$0x18600] =	vst v63  }
0xc9: {  	s13 =	sadd.s32 s3, s14  }
0xca: {  	[tilespmem:s8], [sflag:$0x2] =	stream.linear.gather [hbm4b:s13+s2], $0x400, $0x38;
	[tilespmem:$0x18600] =	vst v63  }
0xcb: {  	s15 =	spop (v2sf)  }
0xcc: {  	s16 =	sand.u32 $0xFFFFF80, s15  }
0xcd: {  	s17 =	spop (v2sf);
	s13 =	sadd.s32 s3, s16  }
0xce: {  	[tilespmem:s9], [sflag:$0x2] =	stream.linear.gather [hbm4b:s13+s2], $0x400, $0x38;
	[tilespmem:$0x18600] =	vst v63  }
0xcf: {  	s13 =	sand.u32 $0xFFFFF80, s17  }
0xd0: {  	s13 =	sadd.s32 s3, s13  }
0xd1: {  	[tilespmem:s10], [sflag:$0x2] =	stream.linear.gather [hbm4b:s13+s2], $0x400, $0x38;
	[tilespmem:$0x18600] =	vst v63  }
0xd2: {  	s14 =	simm.s32 $0x0;
	s13 =	simm.s32 $0xE00  }
.LBB2_2:
0xd3: {  	_ =	swait.ge [sflag:s11], $0x400  }
0xd4: {  	[sflag:s11] =	ssyncset.done $0x0  }
0xd5: {  	[sflag:s11] =	ssyncadd.s32 $0xFFFFFC00  }
0xd6: {  	_ =	swait.ge [sflag:s11], $0x400  }
0xd7: {  	[sflag:s11] =	ssyncset.done $0x0  }
0xd8: {  	[sflag:s11] =	ssyncadd.s32 $0xFFFFFC00  }
0xd9: {  	_ =	swait.ge [sflag:s11], $0x400  }
0xda: {  	[sflag:s11] =	ssyncset.done $0x0  }
0xdb: {  	[sflag:s11] =	ssyncadd.s32 $0xFFFFFC00  }
0xdc: {  	_ =	swait.ge [sflag:s11], $0x400  }
0xdd: {  	[sflag:s11] =	ssyncset.done $0x0  }
0xde: {  	[sflag:s11] =	ssyncadd.s32 $0xFFFFFC00  }
0xdf: {  	_ =	swait.ge [sflag:s11], $0x400  }
0xe0: {  	[sflag:s11] =	ssyncset.done $0x0  }
0xe1: {  	[sflag:s11] =	ssyncadd.s32 $0xFFFFFC00  }
0xe2: {  	_ =	swait.ge [sflag:s11], $0x400  }
0xe3: {  	[sflag:s11] =	ssyncset.done $0x0  }
0xe4: {  	[sflag:s11] =	ssyncadd.s32 $0xFFFFFC00  }
0xe5: {  	_ =	swait.ge [sflag:s11], $0x400  }
0xe6: {  	[sflag:s11] =	ssyncset.done $0x0  }
0xe7: {  	[sflag:s11] =	ssyncadd.s32 $0xFFFFFC00  }
0xe8: {  	_ =	swait.ge [sflag:s11], $0x400  }
0xe9: {  	[sflag:s11] =	ssyncset.done $0x0  }
0xea: {  	[sflag:s11] =	ssyncadd.s32 $0xFFFFFC00  }
0xeb: {  	_ =	swait.ge [sflag:s11], $0x400  }
0xec: {  	[sflag:s11] =	ssyncset.done $0x0  }
0xed: {  	[sflag:s11] =	ssyncadd.s32 $0xFFFFFC00  }
0xee: {  	_ =	swait.ge [sflag:s11], $0x400  }
0xef: {  	[sflag:s11] =	ssyncset.done $0x0  }
0xf0: {  	[sflag:s11] =	ssyncadd.s32 $0xFFFFFC00  }
0xf1: {  	_ =	swait.ge [sflag:s11], $0x400  }
0xf2: {  	[sflag:s11] =	ssyncset.done $0x0  }
0xf3: {  	[sflag:s11] =	ssyncadd.s32 $0xFFFFFC00  }
0xf4: {  	_ =	swait.ge [sflag:s11], $0x400  }
0xf5: {  	[sflag:s11] =	ssyncset.done $0x0  }
0xf6: {  	[sflag:s11] =	ssyncadd.s32 $0xFFFFFC00  }
0xf7: {  	_ =	swait.ge [sflag:s11], $0x400  }
0xf8: {  	[sflag:s11] =	ssyncset.done $0x0  }
0xf9: {  	[sflag:s11] =	ssyncadd.s32 $0xFFFFFC00  }
0xfa: {  	_ =	swait.ge [sflag:s11], $0x400  }
0xfb: {  	[sflag:s11] =	ssyncset.done $0x0  }
0xfc: {  	[sflag:s11] =	ssyncadd.s32 $0xFFFFFC00  }
0xfd: {  	_ =	swait.ge [sflag:s11], $0x400  }
0xfe: {  	[sflag:s11] =	ssyncset.done $0x0  }
0xff: {  	[sflag:s11] =	ssyncadd.s32 $0xFFFFFC00  }
0x100: {  	_ =	swait.ge [sflag:s11], $0x400  }
0x101: {  	[sflag:s11] =	ssyncset.done $0x0  }
0x102: {  	s15 =	sshra.s32 s14, $0x2;
	[sflag:s11] =	ssyncadd.s32 $0xFFFFFC00  }
0x103: {  	v0 =	vld [tilespmem:s15+$0x400];
	_ =	sdelay $0x4  }
0x104: {  	v0 =	vshll.u32 v0, $0x9  }
0x105: {  	v0 =	vshra.s32 v0, $0x2  }
0x106: {  	(v2sf) =	vpush v0, $0x0;
	_ =	sdelay $0xe  }
0x107: {  	s16 =	spop (v2sf)  }
0x108: {  	v1 =	vld [tilespmem:s16+$0x10600];
	_ =	sdelay $0x4  }
0x109: {  	[tilespmem:s13+$0xFFFFF800] =	vst v1  }
0x10a: {  	v1 =	vld [tilespmem:s16+$0x10610];
	_ =	sdelay $0x1  }
0x10b: {  	(v2sf) =	vpush v0, $0x1;
	_ =	sdelay $0x2  }
0x10c: {  	[tilespmem:s13+$0xFFFFF810] =	vst v1  }
0x10d: {  	v1 =	vld [tilespmem:s16+$0x10620];
	_ =	sdelay $0x4  }
0x10e: {  	[tilespmem:s13+$0xFFFFF820] =	vst v1  }
0x10f: {  	v1 =	vld [tilespmem:s16+$0x10630];
	_ =	sdelay $0x4  }
0x110: {  	s17 =	spop (v2sf);
	[tilespmem:s13+$0xFFFFF830] =	vst v1  }
0x111: {  	v1 =	vld [tilespmem:s17+$0x10A00];
	_ =	sdelay $0x4  }
0x112: {  	[tilespmem:s13+$0xFFFFF880] =	vst v1  }
0x113: {  	v1 =	vld [tilespmem:s17+$0x10A10];
	_ =	sdelay $0x1  }
0x114: {  	(v2sf) =	vpush v0, $0x2;
	_ =	sdelay $0x2  }
0x115: {  	[tilespmem:s13+$0xFFFFF890] =	vst v1  }
0x116: {  	v1 =	vld [tilespmem:s17+$0x10A20];
	_ =	sdelay $0x4  }
0x117: {  	[tilespmem:s13+$0xFFFFF8A0] =	vst v1  }
0x118: {  	v1 =	vld [tilespmem:s17+$0x10A30];
	_ =	sdelay $0x4  }
0x119: {  	s17 =	spop (v2sf);
	[tilespmem:s13+$0xFFFFF8B0] =	vst v1  }
0x11a: {  	v1 =	vld [tilespmem:s17+$0x10E00];
	_ =	sdelay $0x4  }
0x11b: {  	[tilespmem:s13+$0xFFFFF900] =	vst v1  }
0x11c: {  	v1 =	vld [tilespmem:s17+$0x10E10];
	_ =	sdelay $0x1  }
0x11d: {  	(v2sf) =	vpush v0, $0x3;
	_ =	sdelay $0x2  }
0x11e: {  	[tilespmem:s13+$0xFFFFF910] =	vst v1  }
0x11f: {  	v1 =	vld [tilespmem:s17+$0x10E20];
	_ =	sdelay $0x4  }
0x120: {  	[tilespmem:s13+$0xFFFFF920] =	vst v1  }
0x121: {  	v1 =	vld [tilespmem:s17+$0x10E30];
	_ =	sdelay $0x4  }
0x122: {  	s17 =	spop (v2sf);
	[tilespmem:s13+$0xFFFFF930] =	vst v1  }
0x123: {  	v1 =	vld [tilespmem:s17+$0x11200];
	_ =	sdelay $0x4  }
0x124: {  	[tilespmem:s13+$0xFFFFF980] =	vst v1  }
0x125: {  	v1 =	vld [tilespmem:s17+$0x11210];
	_ =	sdelay $0x1  }
0x126: {  	(v2sf) =	vpush v0, $0x4;
	_ =	sdelay $0x2  }
0x127: {  	[tilespmem:s13+$0xFFFFF990] =	vst v1  }
0x128: {  	v1 =	vld [tilespmem:s17+$0x11220];
	_ =	sdelay $0x4  }
0x129: {  	[tilespmem:s13+$0xFFFFF9A0] =	vst v1  }
0x12a: {  	v1 =	vld [tilespmem:s17+$0x11230];
	_ =	sdelay $0x4  }
0x12b: {  	s17 =	spop (v2sf);
	[tilespmem:s13+$0xFFFFF9B0] =	vst v1  }
0x12c: {  	v1 =	vld [tilespmem:s17+$0x11600];
	_ =	sdelay $0x4  }
0x12d: {  	[tilespmem:s13+$0xFFFFFA00] =	vst v1  }
0x12e: {  	v1 =	vld [tilespmem:s17+$0x11610];
	_ =	sdelay $0x1  }
0x12f: {  	(v2sf) =	vpush v0, $0x5;
	_ =	sdelay $0x2  }
0x130: {  	[tilespmem:s13+$0xFFFFFA10] =	vst v1  }
0x131: {  	v1 =	vld [tilespmem:s17+$0x11620];
	_ =	sdelay $0x4  }
0x132: {  	[tilespmem:s13+$0xFFFFFA20] =	vst v1  }
0x133: {  	v1 =	vld [tilespmem:s17+$0x11630];
	_ =	sdelay $0x4  }
0x134: {  	s17 =	spop (v2sf);
	[tilespmem:s13+$0xFFFFFA30] =	vst v1  }
0x135: {  	v1 =	vld [tilespmem:s17+$0x11A00];
	_ =	sdelay $0x4  }
0x136: {  	[tilespmem:s13+$0xFFFFFA80] =	vst v1  }
0x137: {  	v1 =	vld [tilespmem:s17+$0x11A10];
	_ =	sdelay $0x1  }
0x138: {  	(v2sf) =	vpush v0, $0x6;
	_ =	sdelay $0x2  }
0x139: {  	[tilespmem:s13+$0xFFFFFA90] =	vst v1  }
0x13a: {  	v1 =	vld [tilespmem:s17+$0x11A20];
	_ =	sdelay $0x4  }
0x13b: {  	[tilespmem:s13+$0xFFFFFAA0] =	vst v1  }
0x13c: {  	v1 =	vld [tilespmem:s17+$0x11A30];
	_ =	sdelay $0x4  }
0x13d: {  	s17 =	spop (v2sf);
	[tilespmem:s13+$0xFFFFFAB0] =	vst v1  }
0x13e: {  	v1 =	vld [tilespmem:s17+$0x11E00];
	_ =	sdelay $0x4  }
0x13f: {  	[tilespmem:s13+$0xFFFFFB00] =	vst v1  }
0x140: {  	v1 =	vld [tilespmem:s17+$0x11E10];
	_ =	sdelay $0x1  }
0x141: {  	(v2sf) =	vpush v0, $0x7;
	_ =	sdelay $0x2  }
0x142: {  	[tilespmem:s13+$0xFFFFFB10] =	vst v1  }
0x143: {  	v1 =	vld [tilespmem:s17+$0x11E20];
	_ =	sdelay $0x4  }
0x144: {  	[tilespmem:s13+$0xFFFFFB20] =	vst v1  }
0x145: {  	v1 =	vld [tilespmem:s17+$0x11E30];
	_ =	sdelay $0x4  }
0x146: {  	s17 =	spop (v2sf);
	[tilespmem:s13+$0xFFFFFB30] =	vst v1  }
0x147: {  	v1 =	vld [tilespmem:s17+$0x12200];
	_ =	sdelay $0x4  }
0x148: {  	[tilespmem:s13+$0xFFFFFB80] =	vst v1  }
0x149: {  	v1 =	vld [tilespmem:s17+$0x12210];
	_ =	sdelay $0x1  }
0x14a: {  	(v2sf) =	vpush v0, $0x8;
	_ =	sdelay $0x2  }
0x14b: {  	[tilespmem:s13+$0xFFFFFB90] =	vst v1  }
0x14c: {  	v1 =	vld [tilespmem:s17+$0x12220];
	_ =	sdelay $0x4  }
0x14d: {  	[tilespmem:s13+$0xFFFFFBA0] =	vst v1  }
0x14e: {  	v1 =	vld [tilespmem:s17+$0x12230];
	_ =	sdelay $0x4  }
0x14f: {  	s17 =	spop (v2sf);
	[tilespmem:s13+$0xFFFFFBB0] =	vst v1  }
0x150: {  	v1 =	vld [tilespmem:s17+$0x12600];
	_ =	sdelay $0x4  }
0x151: {  	[tilespmem:s13+$0xFFFFFC00] =	vst v1  }
0x152: {  	v1 =	vld [tilespmem:s17+$0x12610];
	_ =	sdelay $0x1  }
0x153: {  	(v2sf) =	vpush v0, $0x9;
	_ =	sdelay $0x2  }
0x154: {  	[tilespmem:s13+$0xFFFFFC10] =	vst v1  }
0x155: {  	v1 =	vld [tilespmem:s17+$0x12620];
	_ =	sdelay $0x4  }
0x156: {  	[tilespmem:s13+$0xFFFFFC20] =	vst v1  }
0x157: {  	v1 =	vld [tilespmem:s17+$0x12630];
	_ =	sdelay $0x4  }
0x158: {  	s17 =	spop (v2sf);
	[tilespmem:s13+$0xFFFFFC30] =	vst v1  }
0x159: {  	v1 =	vld [tilespmem:s17+$0x12A00];
	_ =	sdelay $0x4  }
0x15a: {  	[tilespmem:s13+$0xFFFFFC80] =	vst v1  }
0x15b: {  	v1 =	vld [tilespmem:s17+$0x12A10];
	_ =	sdelay $0x1  }
0x15c: {  	(v2sf) =	vpush v0, $0xA;
	_ =	sdelay $0x2  }
0x15d: {  	[tilespmem:s13+$0xFFFFFC90] =	vst v1  }
0x15e: {  	v1 =	vld [tilespmem:s17+$0x12A20];
	_ =	sdelay $0x4  }
0x15f: {  	[tilespmem:s13+$0xFFFFFCA0] =	vst v1  }
0x160: {  	v1 =	vld [tilespmem:s17+$0x12A30];
	_ =	sdelay $0x4  }
0x161: {  	s17 =	spop (v2sf);
	[tilespmem:s13+$0xFFFFFCB0] =	vst v1  }
0x162: {  	v1 =	vld [tilespmem:s17+$0x12E00];
	_ =	sdelay $0x4  }
0x163: {  	[tilespmem:s13+$0xFFFFFD00] =	vst v1  }
0x164: {  	v1 =	vld [tilespmem:s17+$0x12E10];
	_ =	sdelay $0x1  }
0x165: {  	(v2sf) =	vpush v0, $0xB;
	_ =	sdelay $0x2  }
0x166: {  	[tilespmem:s13+$0xFFFFFD10] =	vst v1  }
0x167: {  	v1 =	vld [tilespmem:s17+$0x12E20];
	_ =	sdelay $0x4  }
0x168: {  	[tilespmem:s13+$0xFFFFFD20] =	vst v1  }
0x169: {  	v1 =	vld [tilespmem:s17+$0x12E30];
	_ =	sdelay $0x4  }
0x16a: {  	s17 =	spop (v2sf);
	[tilespmem:s13+$0xFFFFFD30] =	vst v1  }
0x16b: {  	v1 =	vld [tilespmem:s17+$0x13200];
	_ =	sdelay $0x4  }
0x16c: {  	[tilespmem:s13+$0xFFFFFD80] =	vst v1  }
0x16d: {  	v1 =	vld [tilespmem:s17+$0x13210];
	_ =	sdelay $0x1  }
0x16e: {  	(v2sf) =	vpush v0, $0xC;
	_ =	sdelay $0x2  }
0x16f: {  	[tilespmem:s13+$0xFFFFFD90] =	vst v1  }
0x170: {  	v1 =	vld [tilespmem:s17+$0x13220];
	_ =	sdelay $0x4  }
0x171: {  	[tilespmem:s13+$0xFFFFFDA0] =	vst v1  }
0x172: {  	v1 =	vld [tilespmem:s17+$0x13230];
	_ =	sdelay $0x4  }
0x173: {  	s17 =	spop (v2sf);
	[tilespmem:s13+$0xFFFFFDB0] =	vst v1  }
0x174: {  	v1 =	vld [tilespmem:s17+$0x13600];
	_ =	sdelay $0x4  }
0x175: {  	[tilespmem:s13+$0xFFFFFE00] =	vst v1  }
0x176: {  	v1 =	vld [tilespmem:s17+$0x13610];
	_ =	sdelay $0x1  }
0x177: {  	(v2sf) =	vpush v0, $0xD;
	_ =	sdelay $0x2  }
0x178: {  	[tilespmem:s13+$0xFFFFFE10] =	vst v1  }
0x179: {  	v1 =	vld [tilespmem:s17+$0x13620];
	_ =	sdelay $0x4  }
0x17a: {  	[tilespmem:s13+$0xFFFFFE20] =	vst v1  }
0x17b: {  	v1 =	vld [tilespmem:s17+$0x13630];
	_ =	sdelay $0x4  }
0x17c: {  	s17 =	spop (v2sf);
	[tilespmem:s13+$0xFFFFFE30] =	vst v1  }
0x17d: {  	v1 =	vld [tilespmem:s17+$0x13A00];
	_ =	sdelay $0x4  }
0x17e: {  	[tilespmem:s13+$0xFFFFFE80] =	vst v1  }
0x17f: {  	v1 =	vld [tilespmem:s17+$0x13A10];
	_ =	sdelay $0x1  }
0x180: {  	(v2sf) =	vpush v0, $0xE;
	_ =	sdelay $0x2  }
0x181: {  	[tilespmem:s13+$0xFFFFFE90] =	vst v1  }
0x182: {  	v1 =	vld [tilespmem:s17+$0x13A20];
	_ =	sdelay $0x4  }
0x183: {  	[tilespmem:s13+$0xFFFFFEA0] =	vst v1  }
0x184: {  	v1 =	vld [tilespmem:s17+$0x13A30];
	_ =	sdelay $0x4  }
0x185: {  	s17 =	spop (v2sf);
	[tilespmem:s13+$0xFFFFFEB0] =	vst v1  }
0x186: {  	v1 =	vld [tilespmem:s17+$0x13E00];
	_ =	sdelay $0x4  }
0x187: {  	[tilespmem:s13+$0xFFFFFF00] =	vst v1  }
0x188: {  	v1 =	vld [tilespmem:s17+$0x13E10];
	_ =	sdelay $0x1  }
0x189: {  	(v2sf) =	vpush v0, $0xF;
	_ =	sdelay $0x2  }
0x18a: {  	[tilespmem:s13+$0xFFFFFF10] =	vst v1  }
0x18b: {  	v63 =	vld [tilespmem:s17+$0x13E20];
	_ =	sdelay $0x4  }
0x18c: {  	[tilespmem:s13+$0xFFFFFF20] =	vst v63  }
0x18d: {  	v0 =	vld [tilespmem:s17+$0x13E30];
	_ =	sdelay $0x4  }
0x18e: {  	s17 =	spop (v2sf);
	[tilespmem:s13+$0xFFFFFF30] =	vst v0  }
0x18f: {  	v0 =	vld [tilespmem:s17+$0x14200];
	_ =	sdelay $0x4  }
0x190: {  	[tilespmem:s13+$0xFFFFFF80] =	vst v0  }
0x191: {  	v0 =	vld [tilespmem:s17+$0x14210];
	_ =	sdelay $0x4  }
0x192: {  	[tilespmem:s13+$0xFFFFFF90] =	vst v0  }
0x193: {  	v0 =	vld [tilespmem:s17+$0x14220];
	_ =	sdelay $0x4  }
0x194: {  	[tilespmem:s13+$0xFFFFFFA0] =	vst v0  }
0x195: {  	p0 =	seq.s32 s14, $0x780;
	v0 =	vld [tilespmem:s17+$0x14230]  }
.Ltmp2:
0x196: {  	_ = 	snop;
	(pc) =	sbr.rel @p0 .LBB2_4-.Ltmp2, $2  }
0x197: {  	_ =	sdelay $0x2  }
0x198: {  	[tilespmem:s13+$0xFFFFFFB0] =	vst v0  }
0x199: {  	v0 =	vld [tilespmem:s15+$0x220];
	_ =	sdelay $0x4  }
0x19a: {  	v0 =	vshll.u32 v0, $0x4  }
0x19b: {  	(v2sf) =	vpush v0, $0x0;
	_ =	sdelay $0x3  }
0x19c: {  	(v2sf) =	vpush v0, $0x1;
	_ =	sdelay $0x3  }
0x19d: {  	(v2sf) =	vpush v0, $0x2;
	_ =	sdelay $0x3  }
0x19e: {  	(v2sf) =	vpush v0, $0x3;
	_ =	sdelay $0x2  }
0x19f: {  	s16 =	spop (v2sf)  }
0x1a0: {  	(v2sf) =	vpush v0, $0x4;
	s16 =	sand.u32 $0xFFFFF80, s16  }
0x1a1: {  	s17 =	simm.s32 $0x10600;
	s16 =	sadd.s32 s3, s16  }
0x1a2: {  	[tilespmem:s17], [sflag:$0x1] =	stream.linear.gather [hbm4b:s16+s2], $0x400, $0x38;
	[tilespmem:$0x18600] =	vst v63  }
0x1a3: {  	s17 =	spop (v2sf)  }
0x1a4: {  	(v2sf) =	vpush v0, $0x5;
	s16 =	sand.u32 $0xFFFFF80, s17  }
0x1a5: {  	s17 =	simm.s32 $0x10A00;
	s16 =	sadd.s32 s3, s16  }
0x1a6: {  	[tilespmem:s17], [sflag:$0x1] =	stream.linear.gather [hbm4b:s16+s2], $0x400, $0x38;
	[tilespmem:$0x18600] =	vst v63  }
0x1a7: {  	s17 =	spop (v2sf)  }
0x1a8: {  	(v2sf) =	vpush v0, $0x6;
	s16 =	sand.u32 $0xFFFFF80, s17  }
0x1a9: {  	s17 =	simm.s32 $0x10E00;
	s16 =	sadd.s32 s3, s16  }
0x1aa: {  	[tilespmem:s17], [sflag:$0x1] =	stream.linear.gather [hbm4b:s16+s2], $0x400, $0x38;
	[tilespmem:$0x18600] =	vst v63  }
0x1ab: {  	s17 =	spop (v2sf)  }
0x1ac: {  	(v2sf) =	vpush v0, $0x7;
	s16 =	sand.u32 $0xFFFFF80, s17  }
0x1ad: {  	s17 =	simm.s32 $0x11200;
	s16 =	sadd.s32 s3, s16  }
0x1ae: {  	[tilespmem:s17], [sflag:$0x1] =	stream.linear.gather [hbm4b:s16+s2], $0x400, $0x38;
	[tilespmem:$0x18600] =	vst v63  }
0x1af: {  	s17 =	spop (v2sf)  }
0x1b0: {  	(v2sf) =	vpush v0, $0x8;
	s16 =	sand.u32 $0xFFFFF80, s17  }
0x1b1: {  	s17 =	simm.s32 $0x11600;
	s16 =	sadd.s32 s3, s16  }
0x1b2: {  	[tilespmem:s17], [sflag:$0x1] =	stream.linear.gather [hbm4b:s16+s2], $0x400, $0x38;
	[tilespmem:$0x18600] =	vst v63  }
0x1b3: {  	s17 =	spop (v2sf)  }
0x1b4: {  	(v2sf) =	vpush v0, $0x9;
	s16 =	sand.u32 $0xFFFFF80, s17  }
0x1b5: {  	s17 =	simm.s32 $0x11A00;
	s16 =	sadd.s32 s3, s16  }
0x1b6: {  	[tilespmem:s17], [sflag:$0x1] =	stream.linear.gather [hbm4b:s16+s2], $0x400, $0x38;
	[tilespmem:$0x18600] =	vst v63  }
0x1b7: {  	s17 =	spop (v2sf)  }
0x1b8: {  	(v2sf) =	vpush v0, $0xA;
	s16 =	sand.u32 $0xFFFFF80, s17  }
0x1b9: {  	s17 =	simm.s32 $0x11E00;
	s16 =	sadd.s32 s3, s16  }
0x1ba: {  	[tilespmem:s17], [sflag:$0x1] =	stream.linear.gather [hbm4b:s16+s2], $0x400, $0x38;
	[tilespmem:$0x18600] =	vst v63  }
0x1bb: {  	s17 =	spop (v2sf)  }
0x1bc: {  	(v2sf) =	vpush v0, $0xB;
	s16 =	sand.u32 $0xFFFFF80, s17  }
0x1bd: {  	s17 =	simm.s32 $0x12200;
	s16 =	sadd.s32 s3, s16  }
0x1be: {  	[tilespmem:s17], [sflag:$0x1] =	stream.linear.gather [hbm4b:s16+s2], $0x400, $0x38;
	[tilespmem:$0x18600] =	vst v63  }
0x1bf: {  	s17 =	spop (v2sf)  }
0x1c0: {  	(v2sf) =	vpush v0, $0xC;
	s16 =	sand.u32 $0xFFFFF80, s17  }
0x1c1: {  	s17 =	simm.s32 $0x12600;
	s16 =	sadd.s32 s3, s16  }
0x1c2: {  	[tilespmem:s17], [sflag:$0x1] =	stream.linear.gather [hbm4b:s16+s2], $0x400, $0x38;
	[tilespmem:$0x18600] =	vst v63  }
0x1c3: {  	s17 =	spop (v2sf)  }
0x1c4: {  	(v2sf) =	vpush v0, $0xD;
	s16 =	sand.u32 $0xFFFFF80, s17  }
0x1c5: {  	s17 =	simm.s32 $0x12A00;
	s16 =	sadd.s32 s3, s16  }
0x1c6: {  	[tilespmem:s17], [sflag:$0x1] =	stream.linear.gather [hbm4b:s16+s2], $0x400, $0x38;
	[tilespmem:$0x18600] =	vst v63  }
0x1c7: {  	s17 =	spop (v2sf)  }
0x1c8: {  	(v2sf) =	vpush v0, $0xE;
	s16 =	sand.u32 $0xFFFFF80, s17  }
0x1c9: {  	s16 =	sadd.s32 s3, s16  }
0x1ca: {  	[tilespmem:s18], [sflag:$0x1] =	stream.linear.gather [hbm4b:s16+s2], $0x400, $0x38;
	[tilespmem:$0x18600] =	vst v63  }
0x1cb: {  	s17 =	spop (v2sf)  }
0x1cc: {  	(v2sf) =	vpush v0, $0xF;
	s16 =	sand.u32 $0xFFFFF80, s17  }
0x1cd: {  	s16 =	sadd.s32 s3, s16  }
0x1ce: {  	[tilespmem:s19], [sflag:$0x1] =	stream.linear.gather [hbm4b:s16+s2], $0x400, $0x38;
	[tilespmem:$0x18600] =	vst v63  }
0x1cf: {  	s17 =	spop (v2sf)  }
0x1d0: {  	s16 =	sand.u32 $0xFFFFF80, s17  }
0x1d1: {  	s16 =	sadd.s32 s3, s16  }
0x1d2: {  	[tilespmem:s20], [sflag:$0x1] =	stream.linear.gather [hbm4b:s16+s2], $0x400, $0x38;
	[tilespmem:$0x18600] =	vst v63  }
0x1d3: {  	s17 =	spop (v2sf)  }
0x1d4: {  	s16 =	sand.u32 $0xFFFFF80, s17  }
0x1d5: {  	s16 =	sadd.s32 s3, s16  }
0x1d6: {  	[tilespmem:s21], [sflag:$0x1] =	stream.linear.gather [hbm4b:s16+s2], $0x400, $0x38;
	[tilespmem:$0x18600] =	vst v63  }
0x1d7: {  	s17 =	spop (v2sf)  }
0x1d8: {  	s16 =	sand.u32 $0xFFFFF80, s17  }
0x1d9: {  	s16 =	sadd.s32 s3, s16  }
0x1da: {  	[tilespmem:s22], [sflag:$0x1] =	stream.linear.gather [hbm4b:s16+s2], $0x400, $0x38;
	[tilespmem:$0x18600] =	vst v63  }
0x1db: {  	s17 =	spop (v2sf)  }
0x1dc: {  	s16 =	sand.u32 $0xFFFFF80, s17  }
0x1dd: {  	s16 =	sadd.s32 s3, s16  }
0x1de: {  	[tilespmem:s23], [sflag:$0x1] =	stream.linear.gather [hbm4b:s16+s2], $0x400, $0x38;
	[tilespmem:$0x18600] =	vst v63  }
.LBB2_4:
0x1df: {  	_ =	swait.ge [sflag:s12], $0x400  }
0x1e0: {  	[sflag:s12] =	ssyncset.done $0x0  }
0x1e1: {  	[sflag:s12] =	ssyncadd.s32 $0xFFFFFC00  }
0x1e2: {  	_ =	swait.ge [sflag:s12], $0x400  }
0x1e3: {  	[sflag:s12] =	ssyncset.done $0x0  }
0x1e4: {  	[sflag:s12] =	ssyncadd.s32 $0xFFFFFC00  }
0x1e5: {  	_ =	swait.ge [sflag:s12], $0x400  }
0x1e6: {  	[sflag:s12] =	ssyncset.done $0x0  }
0x1e7: {  	[sflag:s12] =	ssyncadd.s32 $0xFFFFFC00  }
0x1e8: {  	_ =	swait.ge [sflag:s12], $0x400  }
0x1e9: {  	[sflag:s12] =	ssyncset.done $0x0  }
0x1ea: {  	[sflag:s12] =	ssyncadd.s32 $0xFFFFFC00  }
0x1eb: {  	_ =	swait.ge [sflag:s12], $0x400  }
0x1ec: {  	[sflag:s12] =	ssyncset.done $0x0  }
0x1ed: {  	[sflag:s12] =	ssyncadd.s32 $0xFFFFFC00  }
0x1ee: {  	_ =	swait.ge [sflag:s12], $0x400  }
0x1ef: {  	[sflag:s12] =	ssyncset.done $0x0  }
0x1f0: {  	[sflag:s12] =	ssyncadd.s32 $0xFFFFFC00  }
0x1f1: {  	_ =	swait.ge [sflag:s12], $0x400  }
0x1f2: {  	[sflag:s12] =	ssyncset.done $0x0  }
0x1f3: {  	[sflag:s12] =	ssyncadd.s32 $0xFFFFFC00  }
0x1f4: {  	_ =	swait.ge [sflag:s12], $0x400  }
0x1f5: {  	[sflag:s12] =	ssyncset.done $0x0  }
0x1f6: {  	[sflag:s12] =	ssyncadd.s32 $0xFFFFFC00  }
0x1f7: {  	_ =	swait.ge [sflag:s12], $0x400  }
0x1f8: {  	[sflag:s12] =	ssyncset.done $0x0  }
0x1f9: {  	[sflag:s12] =	ssyncadd.s32 $0xFFFFFC00  }
0x1fa: {  	_ =	swait.ge [sflag:s12], $0x400  }
0x1fb: {  	[sflag:s12] =	ssyncset.done $0x0  }
0x1fc: {  	[sflag:s12] =	ssyncadd.s32 $0xFFFFFC00  }
0x1fd: {  	_ =	swait.ge [sflag:s12], $0x400  }
0x1fe: {  	[sflag:s12] =	ssyncset.done $0x0  }
0x1ff: {  	[sflag:s12] =	ssyncadd.s32 $0xFFFFFC00  }
0x200: {  	_ =	swait.ge [sflag:s12], $0x400  }
0x201: {  	[sflag:s12] =	ssyncset.done $0x0  }
0x202: {  	[sflag:s12] =	ssyncadd.s32 $0xFFFFFC00  }
0x203: {  	_ =	swait.ge [sflag:s12], $0x400  }
0x204: {  	[sflag:s12] =	ssyncset.done $0x0  }
0x205: {  	[sflag:s12] =	ssyncadd.s32 $0xFFFFFC00  }
0x206: {  	_ =	swait.ge [sflag:s12], $0x400  }
0x207: {  	[sflag:s12] =	ssyncset.done $0x0  }
0x208: {  	[sflag:s12] =	ssyncadd.s32 $0xFFFFFC00  }
0x209: {  	_ =	swait.ge [sflag:s12], $0x400  }
0x20a: {  	[sflag:s12] =	ssyncset.done $0x0  }
0x20b: {  	[sflag:s12] =	ssyncadd.s32 $0xFFFFFC00  }
0x20c: {  	_ =	swait.ge [sflag:s12], $0x400  }
0x20d: {  	[sflag:s12] =	ssyncset.done $0x0  }
0x20e: {  	[sflag:s12] =	ssyncadd.s32 $0xFFFFFC00  }
0x20f: {  	v0 =	vld [tilespmem:s15+$0x410];
	_ =	sdelay $0x4  }
0x210: {  	v0 =	vshll.u32 v0, $0x9  }
0x211: {  	v0 =	vshra.s32 v0, $0x2  }
0x212: {  	(v2sf) =	vpush v0, $0x0;
	_ =	sdelay $0xe  }
0x213: {  	s16 =	spop (v2sf)  }
0x214: {  	v1 =	vld [tilespmem:s16+$0x14600];
	_ =	sdelay $0x4  }
0x215: {  	[tilespmem:s13+$0x0] =	vst v1  }
0x216: {  	v1 =	vld [tilespmem:s16+$0x14610];
	_ =	sdelay $0x1  }
0x217: {  	(v2sf) =	vpush v0, $0x1;
	_ =	sdelay $0x2  }
0x218: {  	[tilespmem:s13+$0x10] =	vst v1  }
0x219: {  	v1 =	vld [tilespmem:s16+$0x14620];
	_ =	sdelay $0x4  }
0x21a: {  	[tilespmem:s13+$0x20] =	vst v1  }
0x21b: {  	v1 =	vld [tilespmem:s16+$0x14630];
	_ =	sdelay $0x4  }
0x21c: {  	s17 =	spop (v2sf);
	[tilespmem:s13+$0x30] =	vst v1  }
0x21d: {  	v1 =	vld [tilespmem:s17+$0x14A00];
	_ =	sdelay $0x4  }
0x21e: {  	[tilespmem:s13+$0x80] =	vst v1  }
0x21f: {  	v1 =	vld [tilespmem:s17+$0x14A10];
	_ =	sdelay $0x1  }
0x220: {  	(v2sf) =	vpush v0, $0x2;
	_ =	sdelay $0x2  }
0x221: {  	[tilespmem:s13+$0x90] =	vst v1  }
0x222: {  	v1 =	vld [tilespmem:s17+$0x14A20];
	_ =	sdelay $0x4  }
0x223: {  	[tilespmem:s13+$0xA0] =	vst v1  }
0x224: {  	v1 =	vld [tilespmem:s17+$0x14A30];
	_ =	sdelay $0x4  }
0x225: {  	s17 =	spop (v2sf);
	[tilespmem:s13+$0xB0] =	vst v1  }
0x226: {  	v1 =	vld [tilespmem:s17+$0x14E00];
	_ =	sdelay $0x4  }
0x227: {  	[tilespmem:s13+$0x100] =	vst v1  }
0x228: {  	v1 =	vld [tilespmem:s17+$0x14E10];
	_ =	sdelay $0x1  }
0x229: {  	(v2sf) =	vpush v0, $0x3;
	_ =	sdelay $0x2  }
0x22a: {  	[tilespmem:s13+$0x110] =	vst v1  }
0x22b: {  	v1 =	vld [tilespmem:s17+$0x14E20];
	_ =	sdelay $0x4  }
0x22c: {  	[tilespmem:s13+$0x120] =	vst v1  }
0x22d: {  	v1 =	vld [tilespmem:s17+$0x14E30];
	_ =	sdelay $0x4  }
0x22e: {  	s17 =	spop (v2sf);
	[tilespmem:s13+$0x130] =	vst v1  }
0x22f: {  	v1 =	vld [tilespmem:s17+$0x15200];
	_ =	sdelay $0x4  }
0x230: {  	[tilespmem:s13+$0x180] =	vst v1  }
0x231: {  	v1 =	vld [tilespmem:s17+$0x15210];
	_ =	sdelay $0x1  }
0x232: {  	(v2sf) =	vpush v0, $0x4;
	_ =	sdelay $0x2  }
0x233: {  	[tilespmem:s13+$0x190] =	vst v1  }
0x234: {  	v1 =	vld [tilespmem:s17+$0x15220];
	_ =	sdelay $0x4  }
0x235: {  	[tilespmem:s13+$0x1A0] =	vst v1  }
0x236: {  	v1 =	vld [tilespmem:s17+$0x15230];
	_ =	sdelay $0x4  }
0x237: {  	s17 =	spop (v2sf);
	[tilespmem:s13+$0x1B0] =	vst v1  }
0x238: {  	v1 =	vld [tilespmem:s17+$0x15600];
	_ =	sdelay $0x4  }
0x239: {  	[tilespmem:s13+$0x200] =	vst v1  }
0x23a: {  	v1 =	vld [tilespmem:s17+$0x15610];
	_ =	sdelay $0x1  }
0x23b: {  	(v2sf) =	vpush v0, $0x5;
	_ =	sdelay $0x2  }
0x23c: {  	[tilespmem:s13+$0x210] =	vst v1  }
0x23d: {  	v1 =	vld [tilespmem:s17+$0x15620];
	_ =	sdelay $0x4  }
0x23e: {  	[tilespmem:s13+$0x220] =	vst v1  }
0x23f: {  	v1 =	vld [tilespmem:s17+$0x15630];
	_ =	sdelay $0x4  }
0x240: {  	s17 =	spop (v2sf);
	[tilespmem:s13+$0x230] =	vst v1  }
0x241: {  	v1 =	vld [tilespmem:s17+$0x15A00];
	_ =	sdelay $0x4  }
0x242: {  	[tilespmem:s13+$0x280] =	vst v1  }
0x243: {  	v1 =	vld [tilespmem:s17+$0x15A10];
	_ =	sdelay $0x1  }
0x244: {  	(v2sf) =	vpush v0, $0x6;
	_ =	sdelay $0x2  }
0x245: {  	[tilespmem:s13+$0x290] =	vst v1  }
0x246: {  	v1 =	vld [tilespmem:s17+$0x15A20];
	_ =	sdelay $0x4  }
0x247: {  	[tilespmem:s13+$0x2A0] =	vst v1  }
0x248: {  	v1 =	vld [tilespmem:s17+$0x15A30];
	_ =	sdelay $0x4  }
0x249: {  	s17 =	spop (v2sf);
	[tilespmem:s13+$0x2B0] =	vst v1  }
0x24a: {  	v1 =	vld [tilespmem:s17+$0x15E00];
	_ =	sdelay $0x4  }
0x24b: {  	[tilespmem:s13+$0x300] =	vst v1  }
0x24c: {  	v1 =	vld [tilespmem:s17+$0x15E10];
	_ =	sdelay $0x1  }
0x24d: {  	(v2sf) =	vpush v0, $0x7;
	_ =	sdelay $0x2  }
0x24e: {  	[tilespmem:s13+$0x310] =	vst v1  }
0x24f: {  	v1 =	vld [tilespmem:s17+$0x15E20];
	_ =	sdelay $0x4  }
0x250: {  	[tilespmem:s13+$0x320] =	vst v1  }
0x251: {  	v1 =	vld [tilespmem:s17+$0x15E30];
	_ =	sdelay $0x4  }
0x252: {  	s17 =	spop (v2sf);
	[tilespmem:s13+$0x330] =	vst v1  }
0x253: {  	v1 =	vld [tilespmem:s17+$0x16200];
	_ =	sdelay $0x4  }
0x254: {  	[tilespmem:s13+$0x380] =	vst v1  }
0x255: {  	v1 =	vld [tilespmem:s17+$0x16210];
	_ =	sdelay $0x1  }
0x256: {  	(v2sf) =	vpush v0, $0x8;
	_ =	sdelay $0x2  }
0x257: {  	[tilespmem:s13+$0x390] =	vst v1  }
0x258: {  	v1 =	vld [tilespmem:s17+$0x16220];
	_ =	sdelay $0x4  }
0x259: {  	[tilespmem:s13+$0x3A0] =	vst v1  }
0x25a: {  	v1 =	vld [tilespmem:s17+$0x16230];
	_ =	sdelay $0x4  }
0x25b: {  	s17 =	spop (v2sf);
	[tilespmem:s13+$0x3B0] =	vst v1  }
0x25c: {  	v1 =	vld [tilespmem:s17+$0x16600];
	_ =	sdelay $0x4  }
0x25d: {  	[tilespmem:s13+$0x400] =	vst v1  }
0x25e: {  	v1 =	vld [tilespmem:s17+$0x16610];
	_ =	sdelay $0x1  }
0x25f: {  	(v2sf) =	vpush v0, $0x9;
	_ =	sdelay $0x2  }
0x260: {  	[tilespmem:s13+$0x410] =	vst v1  }
0x261: {  	v1 =	vld [tilespmem:s17+$0x16620];
	_ =	sdelay $0x4  }
0x262: {  	[tilespmem:s13+$0x420] =	vst v1  }
0x263: {  	v1 =	vld [tilespmem:s17+$0x16630];
	_ =	sdelay $0x4  }
0x264: {  	s17 =	spop (v2sf);
	[tilespmem:s13+$0x430] =	vst v1  }
0x265: {  	v1 =	vld [tilespmem:s17+$0x16A00];
	_ =	sdelay $0x4  }
0x266: {  	[tilespmem:s13+$0x480] =	vst v1  }
0x267: {  	v1 =	vld [tilespmem:s17+$0x16A10];
	_ =	sdelay $0x1  }
0x268: {  	(v2sf) =	vpush v0, $0xA;
	_ =	sdelay $0x2  }
0x269: {  	[tilespmem:s13+$0x490] =	vst v1  }
0x26a: {  	v1 =	vld [tilespmem:s17+$0x16A20];
	_ =	sdelay $0x4  }
0x26b: {  	[tilespmem:s13+$0x4A0] =	vst v1  }
0x26c: {  	v1 =	vld [tilespmem:s17+$0x16A30];
	_ =	sdelay $0x4  }
0x26d: {  	s17 =	spop (v2sf);
	[tilespmem:s13+$0x4B0] =	vst v1  }
0x26e: {  	v1 =	vld [tilespmem:s17+$0x16E00];
	_ =	sdelay $0x4  }
0x26f: {  	[tilespmem:s13+$0x500] =	vst v1  }
0x270: {  	v1 =	vld [tilespmem:s17+$0x16E10];
	_ =	sdelay $0x1  }
0x271: {  	(v2sf) =	vpush v0, $0xB;
	_ =	sdelay $0x2  }
0x272: {  	[tilespmem:s13+$0x510] =	vst v1  }
0x273: {  	v1 =	vld [tilespmem:s17+$0x16E20];
	_ =	sdelay $0x4  }
0x274: {  	[tilespmem:s13+$0x520] =	vst v1  }
0x275: {  	v1 =	vld [tilespmem:s17+$0x16E30];
	_ =	sdelay $0x4  }
0x276: {  	s17 =	spop (v2sf);
	[tilespmem:s13+$0x530] =	vst v1  }
0x277: {  	v1 =	vld [tilespmem:s17+$0x17200];
	_ =	sdelay $0x4  }
0x278: {  	[tilespmem:s13+$0x580] =	vst v1  }
0x279: {  	v1 =	vld [tilespmem:s17+$0x17210];
	_ =	sdelay $0x1  }
0x27a: {  	(v2sf) =	vpush v0, $0xC;
	_ =	sdelay $0x2  }
0x27b: {  	[tilespmem:s13+$0x590] =	vst v1  }
0x27c: {  	v1 =	vld [tilespmem:s17+$0x17220];
	_ =	sdelay $0x4  }
0x27d: {  	[tilespmem:s13+$0x5A0] =	vst v1  }
0x27e: {  	v1 =	vld [tilespmem:s17+$0x17230];
	_ =	sdelay $0x4  }
0x27f: {  	s17 =	spop (v2sf);
	[tilespmem:s13+$0x5B0] =	vst v1  }
0x280: {  	v1 =	vld [tilespmem:s17+$0x17600];
	_ =	sdelay $0x4  }
0x281: {  	[tilespmem:s13+$0x600] =	vst v1  }
0x282: {  	v1 =	vld [tilespmem:s17+$0x17610];
	_ =	sdelay $0x1  }
0x283: {  	(v2sf) =	vpush v0, $0xD;
	_ =	sdelay $0x2  }
0x284: {  	[tilespmem:s13+$0x610] =	vst v1  }
0x285: {  	v1 =	vld [tilespmem:s17+$0x17620];
	_ =	sdelay $0x4  }
0x286: {  	[tilespmem:s13+$0x620] =	vst v1  }
0x287: {  	v1 =	vld [tilespmem:s17+$0x17630];
	_ =	sdelay $0x4  }
0x288: {  	s17 =	spop (v2sf);
	[tilespmem:s13+$0x630] =	vst v1  }
0x289: {  	v1 =	vld [tilespmem:s17+$0x17A00];
	_ =	sdelay $0x4  }
0x28a: {  	[tilespmem:s13+$0x680] =	vst v1  }
0x28b: {  	v1 =	vld [tilespmem:s17+$0x17A10];
	_ =	sdelay $0x1  }
0x28c: {  	(v2sf) =	vpush v0, $0xE;
	_ =	sdelay $0x2  }
0x28d: {  	[tilespmem:s13+$0x690] =	vst v1  }
0x28e: {  	v1 =	vld [tilespmem:s17+$0x17A20];
	_ =	sdelay $0x4  }
0x28f: {  	[tilespmem:s13+$0x6A0] =	vst v1  }
0x290: {  	v1 =	vld [tilespmem:s17+$0x17A30];
	_ =	sdelay $0x4  }
0x291: {  	s17 =	spop (v2sf);
	[tilespmem:s13+$0x6B0] =	vst v1  }
0x292: {  	v1 =	vld [tilespmem:s17+$0x17E00];
	_ =	sdelay $0x4  }
0x293: {  	[tilespmem:s13+$0x700] =	vst v1  }
0x294: {  	v1 =	vld [tilespmem:s17+$0x17E10];
	_ =	sdelay $0x1  }
0x295: {  	(v2sf) =	vpush v0, $0xF;
	_ =	sdelay $0x2  }
0x296: {  	[tilespmem:s13+$0x710] =	vst v1  }
0x297: {  	v63 =	vld [tilespmem:s17+$0x17E20];
	_ =	sdelay $0x4  }
0x298: {  	[tilespmem:s13+$0x720] =	vst v63  }
0x299: {  	v0 =	vld [tilespmem:s17+$0x17E30];
	_ =	sdelay $0x4  }
0x29a: {  	s17 =	spop (v2sf);
	[tilespmem:s13+$0x730] =	vst v0  }
0x29b: {  	v0 =	vld [tilespmem:s17+$0x18200];
	_ =	sdelay $0x4  }
0x29c: {  	[tilespmem:s13+$0x780] =	vst v0  }
0x29d: {  	v0 =	vld [tilespmem:s17+$0x18210];
	_ =	sdelay $0x4  }
0x29e: {  	[tilespmem:s13+$0x790] =	vst v0  }
0x29f: {  	v0 =	vld [tilespmem:s17+$0x18220];
	_ =	sdelay $0x4  }
0x2a0: {  	[tilespmem:s13+$0x7A0] =	vst v0  }
0x2a1: {  	v0 =	vld [tilespmem:s17+$0x18230]  }
.Ltmp3:
0x2a2: {  	_ = 	snop;
	(pc) =	sbr.rel @p0 .LBB2_6-.Ltmp3, $2  }
0x2a3: {  	_ =	sdelay $0x2  }
0x2a4: {  	[tilespmem:s13+$0x7B0] =	vst v0  }
0x2a5: {  	v0 =	vld [tilespmem:s15+$0x230];
	_ =	sdelay $0x4  }
0x2a6: {  	v0 =	vshll.u32 v0, $0x4  }
0x2a7: {  	(v2sf) =	vpush v0, $0x0;
	_ =	sdelay $0x1  }
0x2a8: {  	(v2sf) =	vpush v0, $0x1;
	_ =	sdelay $0x1  }
0x2a9: {  	(v2sf) =	vpush v0, $0x2;
	_ =	sdelay $0x2  }
0x2aa: {  	(v2sf) =	vpush v0, $0x3;
	_ =	sdelay $0x7  }
0x2ab: {  	s16 =	spop (v2sf);
	(v2sf) =	vpush v0, $0x4;
	_ =	sdelay $0x1  }
0x2ac: {  	s17 =	spop (v2sf);
	(v2sf) =	vpush v0, $0x5;
	_ =	sdelay $0x1  }
0x2ad: {  	s15 =	sand.u32 $0xFFFFF80, s16;
	s16 =	spop (v2sf);
	(v2sf) =	vpush v0, $0x6  }
0x2ae: {  	s15 =	sadd.s32 s3, s15  }
0x2af: {  	[tilespmem:s24], [sflag:$0x2] =	stream.linear.gather [hbm4b:s15+s2], $0x400, $0x38;
	[tilespmem:$0x18600] =	vst v63  }
0x2b0: {  	s15 =	sand.u32 $0xFFFFF80, s17;
	s17 =	spop (v2sf);
	(v2sf) =	vpush v0, $0x7;
	_ =	sdelay $0x2  }
0x2b1: {  	s15 =	sadd.s32 s3, s15  }
0x2b2: {  	[tilespmem:s25], [sflag:$0x2] =	stream.linear.gather [hbm4b:s15+s2], $0x400, $0x38;
	[tilespmem:$0x18600] =	vst v63  }
0x2b3: {  	s15 =	sand.u32 $0xFFFFF80, s16  }
0x2b4: {  	s15 =	sadd.s32 s3, s15  }
0x2b5: {  	[tilespmem:s26], [sflag:$0x2] =	stream.linear.gather [hbm4b:s15+s2], $0x400, $0x38;
	[tilespmem:$0x18600] =	vst v63  }
0x2b6: {  	s16 =	spop (v2sf);
	(v2sf) =	vpush v0, $0x8  }
0x2b7: {  	s15 =	sand.u32 $0xFFFFF80, s17  }
0x2b8: {  	s15 =	sadd.s32 s3, s15;
	s17 =	spop (v2sf);
	(v2sf) =	vpush v0, $0x9  }
0x2b9: {  	[tilespmem:s28], [sflag:$0x2] =	stream.linear.gather [hbm4b:s15+s2], $0x400, $0x38;
	[tilespmem:$0x18600] =	vst v63  }
0x2ba: {  	s15 =	sand.u32 $0xFFFFF80, s16;
	s16 =	spop (v2sf);
	(v2sf) =	vpush v0, $0xA  }
0x2bb: {  	s15 =	sadd.s32 s3, s15  }
0x2bc: {  	[tilespmem:s29], [sflag:$0x2] =	stream.linear.gather [hbm4b:s15+s2], $0x400, $0x38;
	[tilespmem:$0x18600] =	vst v63  }
0x2bd: {  	s15 =	sand.u32 $0xFFFFF80, s17;
	s17 =	spop (v2sf);
	(v2sf) =	vpush v0, $0xB;
	_ =	sdelay $0x1  }
0x2be: {  	s15 =	sadd.s32 s3, s15  }
0x2bf: {  	[tilespmem:s30], [sflag:$0x2] =	stream.linear.gather [hbm4b:s15+s2], $0x400, $0x38;
	[tilespmem:$0x18600] =	vst v63  }
0x2c0: {  	s15 =	sand.u32 $0xFFFFF80, s16  }
0x2c1: {  	s15 =	sadd.s32 s3, s15  }
0x2c2: {  	[tilespmem:s31], [sflag:$0x2] =	stream.linear.gather [hbm4b:s15+s2], $0x400, $0x38;
	[tilespmem:$0x18600] =	vst v63  }
0x2c3: {  	s15 =	sand.u32 $0xFFFFF80, s17  }
0x2c4: {  	s15 =	sadd.s32 s3, s15;
	s16 =	spop (v2sf);
	(v2sf) =	vpush v0, $0xC  }
0x2c5: {  	[tilespmem:s0], [sflag:$0x2] =	stream.linear.gather [hbm4b:s15+s2], $0x400, $0x38;
	[tilespmem:$0x18600] =	vst v63  }
0x2c6: {  	s17 =	spop (v2sf);
	(v2sf) =	vpush v0, $0xD  }
0x2c7: {  	s15 =	sand.u32 $0xFFFFF80, s16  }
0x2c8: {  	s15 =	sadd.s32 s3, s15;
	s16 =	spop (v2sf)  }
0x2c9: {  	(v2sf) =	vpush v0, $0xE;
	[tilespmem:s1], [sflag:$0x2] =	stream.linear.gather [hbm4b:s15+s2], $0x400, $0x38;
	[tilespmem:$0x18600] =	vst v63  }
0x2ca: {  	s15 =	sand.u32 $0xFFFFF80, s17  }
0x2cb: {  	s17 =	spop (v2sf);
	s15 =	sadd.s32 s3, s15  }
0x2cc: {  	(v2sf) =	vpush v0, $0xF;
	[tilespmem:s4], [sflag:$0x2] =	stream.linear.gather [hbm4b:s15+s2], $0x400, $0x38;
	[tilespmem:$0x18600] =	vst v63  }
0x2cd: {  	s15 =	sand.u32 $0xFFFFF80, s16  }
0x2ce: {  	s15 =	sadd.s32 s3, s15  }
0x2cf: {  	[tilespmem:s5], [sflag:$0x2] =	stream.linear.gather [hbm4b:s15+s2], $0x400, $0x38;
	[tilespmem:$0x18600] =	vst v63  }
0x2d0: {  	s15 =	sand.u32 $0xFFFFF80, s17  }
0x2d1: {  	s15 =	sadd.s32 s3, s15  }
0x2d2: {  	[tilespmem:s6], [sflag:$0x2] =	stream.linear.gather [hbm4b:s15+s2], $0x400, $0x38;
	[tilespmem:$0x18600] =	vst v63  }
0x2d3: {  	s16 =	spop (v2sf)  }
0x2d4: {  	s15 =	sand.u32 $0xFFFFF80, s16  }
0x2d5: {  	s17 =	spop (v2sf);
	s15 =	sadd.s32 s3, s15  }
0x2d6: {  	[tilespmem:s7], [sflag:$0x2] =	stream.linear.gather [hbm4b:s15+s2], $0x400, $0x38;
	[tilespmem:$0x18600] =	vst v63  }
0x2d7: {  	s15 =	sand.u32 $0xFFFFF80, s17  }
0x2d8: {  	s16 =	spop (v2sf);
	s15 =	sadd.s32 s3, s15  }
0x2d9: {  	[tilespmem:s8], [sflag:$0x2] =	stream.linear.gather [hbm4b:s15+s2], $0x400, $0x38;
	[tilespmem:$0x18600] =	vst v63  }
0x2da: {  	s15 =	sand.u32 $0xFFFFF80, s16  }
.Ltmp4:
0x2db: {  	s17 =	spop (v2sf);
	s15 =	sadd.s32 s3, s15;
	(pc) =	sbr.rel .LBB2_2-.Ltmp4, $4  }
0x2dc: {  	[tilespmem:s9], [sflag:$0x2] =	stream.linear.gather [hbm4b:s15+s2], $0x400, $0x38;
	[tilespmem:$0x18600] =	vst v63  }
0x2dd: {  	s15 =	sand.u32 $0xFFFFF80, s17  }
0x2de: {  	s13 =	sadd.s32 $0x1000, s13;
	s14 =	sadd.s32 $0x80, s14;
	s15 =	sadd.s32 s3, s15  }
0x2df: {  	[tilespmem:s10], [sflag:$0x2] =	stream.linear.gather [hbm4b:s15+s2], $0x400, $0x38;
	[tilespmem:$0x18600] =	vst v63  }
.LBB2_7:
0x2e0: {  	_ =	sfence.sel $0x180000  }
0x2e1: {  	[bflag:$0x0] =	sbarrier.arrive $0xFFFF  }
0x2e2: {  	_ =	strace $0x90000047  }
0x2e3: {  	s0 =	stileid.u32;
	[bflag:$0x2] =	sbarrier.arrive $0xFFFF  }
0x2e4: {  	p0 =	sne.s32 s0, $0x0;
	s0 =	rddreg [dreg:$0x2]  }
0x2e5: {  	s0 =	sadd.s32 @!p0 $0x100000, s0  }
0x2e6: {  	[sflag:s0] =	ssyncadd.tile.s32 @!p0 $0x1;
	_ =	shalt  }
.Lfunc_end2:
_tile_overlayer_lowered:
.L_overlay_start_2:
0x2e7: {  	(tag) =	ssettag $0x2  }
0x2e8: {  	s0 =	rddreg [dreg:$0x0];
	s2 =	stileid.u32  }
0x2e9: {  	s1 =	rddreg [dreg:$0x1];
	p0 =	sne.s32 s2, $0x0  }
0x2ea: {  	s3 =	rddreg [dreg:$0x2];
	[bflag:$0x3] =	sbarrier.arrive $0xFFFF;
	s2 =	simm.s32 @!p0 $0x1C03  }
0x2eb: {  	[timem:s3], [sflag:s2] =	dma.local @!p0 [hbm:s0], s1  }
0x2ec: {  	s0 =	simm.s32 @!p0 $0x3  }
0x2ed: {  	_ =	swait.ge @!p0 [sflag:s0], s1  }
0x2ee: {  	s1 =	ssub.s32 @!p0 $0x0, s1;
	[sflag:s0] =	ssyncset.done @!p0 $0x0  }
0x2ef: {  	[sflag:s0] =	ssyncadd.s32 @!p0 s1  }
0x2f0: {  	[bflag:$0x3] =	sbarrier.arrive $0xFFFF  }
0x2f1: {  	_ =	shalt  }

</sc_bundles>
